<compile_context>
chip_gen: v7x
topology: tpu7x:2x2x1
jax: 0.10.2.dev20260603
libtpu: 0.0.44.dev20260713+nightly
codegen_flags: <defaults>
</compile_context>

<pallas_src>
import functools
import math

import jax
import jax.numpy as jnp
from jax import lax
from jax.experimental import pallas as pl
from jax.experimental.pallas import tpu as pltpu
from jax.experimental.pallas import tpu_sc as plsc

_NC, _NS, _L = 2, 16, 16
_NW = _NC * _NS
_B, _T, _DIM = 4096, 200, 64
_ROWS = _B * _T
_RPW = _ROWS // _NW
_CHUNK = 256
_NIDX = 128
_NCHUNK = _RPW // _CHUNK
_OUTD = _DIM + 22
_NFRAMES = 2048


def _body(t_hbm, tab_hbm, lut_hbm, out_hbm, t_all, idx0, idx1, out0, out1,
          tabs, skew, lut_v, gsem0, gsem1, osem0, osem1):
    wid = lax.axis_index("s") * _NC + lax.axis_index("c")
    wbase = wid * _RPW

    @pl.when(lax.axis_index("s") == 0)
    def _():
        pltpu.sync_copy(tab_hbm, tabs)
    plsc.subcore_barrier()

    pltpu.sync_copy(t_hbm.at[pl.ds(wbase, _RPW)], t_all)
    pltpu.sync_copy(lut_hbm, lut_v)

    def gathers(idx_b, out_b, gsem):
        return [pltpu.make_async_copy(
            tabs.at[idx_b.at[pl.ds(j * _NIDX, _NIDX)]],
            out_b.at[pl.ds(j * _NIDX, _NIDX)],
            gsem) for j in range(_CHUNK // _NIDX)]

    def stage_a(ci, idx_b, out_b, gsem):
        def idx_group(g, carry):
            tf = t_all[pl.ds(ci * _CHUNK + g * _L, _L)] * 2048.0
            f = tf + 0.5
            i = f.astype(jnp.int32)
            tie = (f == i.astype(jnp.float32)) & ((i & 1) == 1)
            idx_b[pl.ds(g * _L, _L)] = jnp.where(tie, i - 1, i)
            return carry
        lax.fori_loop(0, _CHUNK // _L, idx_group, 0)
        for cp in gathers(idx_b, out_b, gsem):
            cp.start()

    def stage_b(ci, idx_b, out_b, gsem, osem):
        for cp in gathers(idx_b, out_b, gsem):
            cp.wait()
        def four_group(g, carry):
            tf = t_all[pl.ds(ci * _CHUNK + g * _L, _L)] * 2048.0
            k16 = idx_b[pl.ds(g * _L, _L)]
            b = (tf - k16.astype(jnp.float32)) * (math.pi / 2048.0)
            a2 = k16 + k16
            st = plsc.load_gather(lut_v, [a2])
            ct = plsc.load_gather(lut_v, [a2 + 1])
            cb = 1.0 - 0.5 * (b * b)
            s = st * cb + ct * b
            c = ct * cb - st * b
            for j in range(11):
                skew[pl.ds(j * 17, _L)] = s
                skew[pl.ds((11 + j) * 17, _L)] = c
                sc = s * c
                s2 = s * s
                s = sc + sc
                c = 1.0 - (s2 + s2)
            iota17 = lax.iota(jnp.int32, _L) * 17
            for r in range(_L):
                v1 = plsc.load_gather(skew, [iota17 + r])
                v2 = plsc.load_gather(skew, [iota17 + (16 * 17 + r)])
                rr = g * _L + r
                out_b[rr, pl.ds(_DIM, _L)] = v1
                out_b[rr, pl.ds(_DIM + _L, _L)] = v2
            return carry
        lax.fori_loop(0, _CHUNK // _L, four_group, 0)
        pltpu.make_async_copy(
            out_b, out_hbm.at[pl.ds(wbase + ci * _CHUNK, _CHUNK)], osem
        ).start()

    def wait_out(out_b, osem):
        pltpu.make_async_copy(
            out_b, out_hbm.at[pl.ds(wbase, _CHUNK)], osem).wait()

    stage_a(0, idx0, out0, gsem0)
    stage_a(1, idx1, out1, gsem1)
    stage_b(0, idx0, out0, gsem0, osem0)

    def steady(k, carry):
        c = 2 * k
        wait_out(out0, osem0)
        stage_a(c + 2, idx0, out0, gsem0)
        stage_b(c + 1, idx1, out1, gsem1, osem1)
        wait_out(out1, osem1)
        stage_a(c + 3, idx1, out1, gsem1)
        stage_b(c + 2, idx0, out0, gsem0, osem0)
        return carry

    lax.fori_loop(0, (_NCHUNK - 2) // 2, steady, 0)
    stage_b(_NCHUNK - 1, idx1, out1, gsem1, osem1)
    wait_out(out0, osem0)
    wait_out(out1, osem1)


@functools.partial(jax.jit, static_argnames=())
def kernel(t, const_embed):
    tflat = t.reshape(_ROWS)
    tab128 = jnp.pad(const_embed, ((0, 0), (0, 128 - _DIM)))
    ang = jnp.arange(_NFRAMES, dtype=jnp.float32) * (math.pi / 2048.0)
    lut = jnp.stack([jnp.sin(ang), jnp.cos(ang)], axis=-1).reshape(-1)
    run = pl.kernel(
        _body,
        out_type=jax.ShapeDtypeStruct((_ROWS, 128), jnp.float32),
        mesh=plsc.VectorSubcoreMesh(core_axis_name="c", subcore_axis_name="s"),
        scratch_types=[
            pltpu.VMEM((_RPW,), jnp.float32),
            pltpu.VMEM((_CHUNK,), jnp.int32),
            pltpu.VMEM((_CHUNK,), jnp.int32),
            pltpu.VMEM((_CHUNK, 128), jnp.float32),
            pltpu.VMEM((_CHUNK, 128), jnp.float32),
            pltpu.VMEM_SHARED((_NFRAMES, 128), jnp.float32),
            pltpu.VMEM((544,), jnp.float32),
            pltpu.VMEM((2 * _NFRAMES,), jnp.float32),
            pltpu.SemaphoreType.DMA,
            pltpu.SemaphoreType.DMA,
            pltpu.SemaphoreType.DMA,
            pltpu.SemaphoreType.DMA,
        ],
        compiler_params=pltpu.CompilerParams(needs_layout_passes=False),
    )
    out = run(tflat, tab128, lut)
    return out[:, :_OUTD].reshape(_B, _T, _OUTD)

# --- scband reference (transcript-rebuilt; emitter-appended) ---
"""Pipeline reference for scband-fourier-and-const-pe-69947837383082 (READ-ONLY COPY).

The authoritative reference and input builder live on the scoring server;
editing this copy changes nothing except your own understanding.
"""

import jax, jax.numpy as jnp
import numpy as np

MAX_NUM_FRAMES = 2048
DIM = 64
B, T = 4096, 200


def _fourier_coefs():
    time_resolution = 2 ** np.ceil(np.log2(MAX_NUM_FRAMES))
    num_fourier_feats = int(np.ceil(np.log2(time_resolution)))
    powers = 2.0 ** np.arange(num_fourier_feats)
    coefs = powers[None, :].astype(np.float32) * np.pi / time_resolution
    return jnp.asarray(coefs, dtype=jnp.float32)


def setup_inputs(seed: int = 0) -> dict:
    key = jax.random.key(seed)
    k1, k2 = jax.random.split(key)
    # t in [0, 1); scale slightly below 1 so round(t * 2048) stays < 2048 (valid embedding index)
    t = jax.random.uniform(k1, (B, T, 1), dtype=jnp.float32) * 0.99951
    const_embed = jax.random.normal(k2, (MAX_NUM_FRAMES, DIM), dtype=jnp.float32)
    return {"t": t, "const_embed": const_embed}


def reference(t, const_embed):
    assert t.ndim == 3 and t.shape[-1] == 1
    ts = t * MAX_NUM_FRAMES
    b, tt, _ = ts.shape
    tvec = ts.squeeze(-1).reshape(-1)
    idx = jnp.round(tvec).astype(jnp.int32)
    const_embs = jnp.take(const_embed, idx, axis=0)
    const_embs = const_embs.reshape(b, tt, -1)
    # FourierEncoder
    coefs = _fourier_coefs()  # [1, 11]
    tf = tvec.astype(jnp.float32)
    fourier_raw = coefs * tf[:, None]  # [(b*t), 11]
    fourier_embs = jnp.concatenate([jnp.sin(fourier_raw), jnp.cos(fourier_raw)], axis=1)
    fourier_embs = fourier_embs.reshape(b, tt, -1)
    return jnp.concatenate([const_embs, fourier_embs], axis=-1)

if __name__ == "__main__":
    import jax
    _d = setup_inputs()
    print(jax.jit(kernel)(*tuple(_d.values())))

</pallas_src>

<mosaic_0001>
#map = affine_map<(d0, d1) -> (0)>
#map1 = affine_map<(d0, d1) -> (0, 0)>
module attributes {stable_mosaic.version = 14 : i64} {
  func.func @_body(%arg0: i32, %arg1: i32, %arg2: memref<819200xf32, #tpu.memory_space<hbm>>, %arg3: memref<2048x128xf32, #tpu.memory_space<hbm>>, %arg4: memref<4096xf32, #tpu.memory_space<hbm>>, %arg5: memref<819200x128xf32, #tpu.memory_space<hbm>>, %arg6: memref<25600xf32, #tpu.memory_space<vmem>>, %arg7: memref<256xi32, #tpu.memory_space<vmem>>, %arg8: memref<256xi32, #tpu.memory_space<vmem>>, %arg9: memref<256x128xf32, #tpu.memory_space<vmem>>, %arg10: memref<256x128xf32, #tpu.memory_space<vmem>>, %arg11: memref<2048x128xf32, #tpu.memory_space<vmem_shared>>, %arg12: memref<544xf32, #tpu.memory_space<vmem>>, %arg13: memref<4096xf32, #tpu.memory_space<vmem>>, %arg14: memref<!tpu.dma_semaphore, #tpu.memory_space<semaphore_mem>>, %arg15: memref<!tpu.dma_semaphore, #tpu.memory_space<semaphore_mem>>, %arg16: memref<!tpu.dma_semaphore, #tpu.memory_space<semaphore_mem>>, %arg17: memref<!tpu.dma_semaphore, #tpu.memory_space<semaphore_mem>>) attributes {dimension_semantics = [#tpu.dimension_semantics<core_parallel>, #tpu.dimension_semantics<subcore_parallel>], iteration_bounds = array<i64: 2, 16>, scalar_prefetch = 0 : i64, scratch_operands = 12 : i64, tpu.core_type = #tpu.core_type<sc_vector_subcore>, window_params = [{transform_indices = #map}, {transform_indices = #map1}, {transform_indices = #map}, {transform_indices = #map1}]} {
    %mul3A = arith.constant 2 : i32
    %mul3A_0 = arith.muli %arg1, %mul3A : i32
    %add3A = arith.addi %mul3A_0, %arg0 : i32
    %mul3A_1 = arith.constant 25600 : i32
    %mul3A_2 = arith.muli %add3A, %mul3A_1 : i32
    %eq3A = arith.constant 0 : i32
    %eq3A_3 = arith.cmpi eq, %arg1, %eq3A : i32
    %convert_element_type3A = arith.extui %eq3A_3 : i1 to i32
    %cond3A = arith.constant 0 : i32
    %cond3A_4 = arith.cmpi ne, %convert_element_type3A, %cond3A : i32
    scf.if %cond3A_4 {
      "tpu.region"() ({
        %run_scoped3A = tpu.sem_alloc : memref<!tpu.dma_semaphore, #tpu.memory_space<semaphore_mem>>
        tpu.enqueue_dma source(%arg3 : memref<2048x128xf32, #tpu.memory_space<hbm>>) target(%arg11 : memref<2048x128xf32, #tpu.memory_space<vmem_shared>>) target_semaphore(%run_scoped3A : memref<!tpu.dma_semaphore, #tpu.memory_space<semaphore_mem>>)
        tpu.wait_dma2 semaphore(%run_scoped3A : memref<!tpu.dma_semaphore, #tpu.memory_space<semaphore_mem>>) src(%arg3 : memref<2048x128xf32, #tpu.memory_space<hbm>>) dst(%arg11 : memref<2048x128xf32, #tpu.memory_space<vmem_shared>>)
        tpu.yield
      }) : () -> ()
    } else {
    }
    %barrier3A = arith.constant 0 : index
    tpu.barrier barrier_id(%barrier3A)
    "tpu.region"() ({
      %run_scoped3A = tpu.sem_alloc : memref<!tpu.dma_semaphore, #tpu.memory_space<semaphore_mem>>
      %dma_start3A_116 = tpu.memref_slice %arg2[%mul3A_2] : memref<819200xf32, #tpu.memory_space<hbm>> -> memref<25600xf32, #tpu.memory_space<hbm>>
      %dma_start3A_117 = tpu.memref_slice %arg2[%mul3A_2] : memref<819200xf32, #tpu.memory_space<hbm>> -> memref<25600xf32, #tpu.memory_space<hbm>>
      tpu.enqueue_dma source(%dma_start3A_117 : memref<25600xf32, #tpu.memory_space<hbm>>) target(%arg6 : memref<25600xf32, #tpu.memory_space<vmem>>) target_semaphore(%run_scoped3A : memref<!tpu.dma_semaphore, #tpu.memory_space<semaphore_mem>>)
      %dma_wait3A_118 = tpu.memref_slice %arg2[%mul3A_2] : memref<819200xf32, #tpu.memory_space<hbm>> -> memref<25600xf32, #tpu.memory_space<hbm>>
      %dma_wait3A_119 = tpu.memref_slice %arg2[%mul3A_2] : memref<819200xf32, #tpu.memory_space<hbm>> -> memref<25600xf32, #tpu.memory_space<hbm>>
      tpu.wait_dma2 semaphore(%run_scoped3A : memref<!tpu.dma_semaphore, #tpu.memory_space<semaphore_mem>>) src(%dma_wait3A_119 : memref<25600xf32, #tpu.memory_space<hbm>>) dst(%arg6 : memref<25600xf32, #tpu.memory_space<vmem>>)
      tpu.yield
    }) : () -> ()
    "tpu.region"() ({
      %run_scoped3A = tpu.sem_alloc : memref<!tpu.dma_semaphore, #tpu.memory_space<semaphore_mem>>
      tpu.enqueue_dma source(%arg4 : memref<4096xf32, #tpu.memory_space<hbm>>) target(%arg13 : memref<4096xf32, #tpu.memory_space<vmem>>) target_semaphore(%run_scoped3A : memref<!tpu.dma_semaphore, #tpu.memory_space<semaphore_mem>>)
      tpu.wait_dma2 semaphore(%run_scoped3A : memref<!tpu.dma_semaphore, #tpu.memory_space<semaphore_mem>>) src(%arg4 : memref<4096xf32, #tpu.memory_space<hbm>>) dst(%arg13 : memref<4096xf32, #tpu.memory_space<vmem>>)
      tpu.yield
    }) : () -> ()
    %scan3A = arith.constant 0 : i32
    %scan3A_5 = arith.constant 0 : i32
    %scan3A_6 = arith.constant 16 : i32
    %scan3A_7 = arith.addi %scan3A_5, %scan3A_6 : i32
    %scan3A_8 = arith.constant 1 : i32
    scf.for %scan3A_116 = %scan3A_5 to %scan3A_7 step %scan3A_8  : i32 {
      %mul3A_117 = arith.constant 16 : i32
      %mul3A_118 = arith.muli %scan3A_116, %mul3A_117 : i32
      %add3A_119 = arith.constant 0 : i32
      %add3A_120 = arith.addi %add3A_119, %mul3A_118 : i32
      %get3A = arith.index_cast %add3A_120 : i32 to index
      %get3A_121 = tpu.vector_load %arg6[%get3A] {strides = array<i32>} : memref<25600xf32, #tpu.memory_space<vmem>>, vector<16xf32>,
      %mul3A_122 = arith.constant 2.048000e+03 : f32
      %mul3A_123 = vector.broadcast %mul3A_122 : f32 to vector<16xf32>
      %mul3A_124 = arith.mulf %get3A_121, %mul3A_123 : vector<16xf32>
      %add3A_125 = arith.constant 5.000000e-01 : f32
      %add3A_126 = vector.broadcast %add3A_125 : f32 to vector<16xf32>
      %add3A_127 = arith.addf %mul3A_124, %add3A_126 : vector<16xf32>
      %convert_element_type3A_128 = arith.fptosi %add3A_127 : vector<16xf32> to vector<16xi32>
      %convert_element_type3A_129 = arith.sitofp %convert_element_type3A_128 : vector<16xi32> to vector<16xf32>
      %eq3A_130 = arith.cmpf oeq, %add3A_127, %convert_element_type3A_129 : vector<16xf32>
      %and3A = arith.constant 1 : i32
      %and3A_131 = vector.broadcast %and3A : i32 to vector<16xi32>
      %and3A_132 = arith.andi %convert_element_type3A_128, %and3A_131 : vector<16xi32>
      %eq3A_133 = arith.constant 1 : i32
      %eq3A_134 = vector.broadcast %eq3A_133 : i32 to vector<16xi32>
      %eq3A_135 = arith.cmpi eq, %and3A_132, %eq3A_134 : vector<16xi32>
      %and3A_136 = arith.andi %eq3A_130, %eq3A_135 : vector<16xi1>
      %sub3A = arith.constant 1 : i32
      %sub3A_137 = vector.broadcast %sub3A : i32 to vector<16xi32>
      %sub3A_138 = arith.subi %convert_element_type3A_128, %sub3A_137 : vector<16xi32>
      %select_n3A = arith.select %and3A_136, %sub3A_138, %convert_element_type3A_128 : vector<16xi1>, vector<16xi32>
      %mul3A_139 = arith.constant 16 : i32
      %mul3A_140 = arith.muli %scan3A_116, %mul3A_139 : i32
      %swap3A = arith.index_cast %mul3A_140 : i32 to index
      %swap3A_141 = tpu.vector_load %arg7[%swap3A] {strides = array<i32>} : memref<256xi32, #tpu.memory_space<vmem>>, vector<16xi32>,
      tpu.vector_store %arg7[%swap3A], %select_n3A {strides = array<i32>} : memref<256xi32, #tpu.memory_space<vmem>>, vector<16xi32>,
    }
    %scan3A_9 = arith.constant 16 : i32
    %dma_start3A = arith.constant 0 : i32
    %dma_start3A_10 = arith.constant 0 : i32
    %dma_start3A_11 = tpu.memref_slice %arg9[%dma_start3A, %dma_start3A_10] : memref<256x128xf32, #tpu.memory_space<vmem>> -> memref<128x128xf32, #tpu.memory_space<vmem>>
    %dma_start3A_12 = arith.constant 0 : i32
    %dma_start3A_13 = tpu.memref_slice %arg7[%dma_start3A_12] : memref<256xi32, #tpu.memory_space<vmem>> -> memref<128xi32, #tpu.memory_space<vmem>>
    %dma_start3A_14 = arith.constant 0 : i32
    %dma_start3A_15 = arith.constant 0 : i32
    %dma_start3A_16 = tpu.memref_slice %arg11[%dma_start3A_14, %dma_start3A_15] : memref<2048x128xf32, #tpu.memory_space<vmem_shared>> -> memref<2048x128xf32, #tpu.memory_space<vmem_shared>>
    tpu.enqueue_indirect_dma source(%dma_start3A_16 : memref<2048x128xf32, #tpu.memory_space<vmem_shared>>) target(%dma_start3A_11 : memref<128x128xf32, #tpu.memory_space<vmem>>) offsets(%dma_start3A_13 : memref<128xi32, #tpu.memory_space<vmem>>) semaphore(%arg14 : memref<!tpu.dma_semaphore, #tpu.memory_space<semaphore_mem>>)
    %dma_start3A_17 = arith.constant 128 : i32
    %dma_start3A_18 = arith.constant 0 : i32
    %dma_start3A_19 = tpu.memref_slice %arg9[%dma_start3A_17, %dma_start3A_18] : memref<256x128xf32, #tpu.memory_space<vmem>> -> memref<128x128xf32, #tpu.memory_space<vmem>>
    %dma_start3A_20 = arith.constant 128 : i32
    %dma_start3A_21 = tpu.memref_slice %arg7[%dma_start3A_20] : memref<256xi32, #tpu.memory_space<vmem>> -> memref<128xi32, #tpu.memory_space<vmem>>
    %dma_start3A_22 = arith.constant 0 : i32
    %dma_start3A_23 = arith.constant 0 : i32
    %dma_start3A_24 = tpu.memref_slice %arg11[%dma_start3A_22, %dma_start3A_23] : memref<2048x128xf32, #tpu.memory_space<vmem_shared>> -> memref<2048x128xf32, #tpu.memory_space<vmem_shared>>
    tpu.enqueue_indirect_dma source(%dma_start3A_24 : memref<2048x128xf32, #tpu.memory_space<vmem_shared>>) target(%dma_start3A_19 : memref<128x128xf32, #tpu.memory_space<vmem>>) offsets(%dma_start3A_21 : memref<128xi32, #tpu.memory_space<vmem>>) semaphore(%arg14 : memref<!tpu.dma_semaphore, #tpu.memory_space<semaphore_mem>>)
    %scan3A_25 = arith.constant 0 : i32
    %scan3A_26 = arith.constant 0 : i32
    %scan3A_27 = arith.constant 16 : i32
    %scan3A_28 = arith.addi %scan3A_26, %scan3A_27 : i32
    %scan3A_29 = arith.constant 1 : i32
    scf.for %scan3A_116 = %scan3A_26 to %scan3A_28 step %scan3A_29  : i32 {
      %mul3A_117 = arith.constant 16 : i32
      %mul3A_118 = arith.muli %scan3A_116, %mul3A_117 : i32
      %add3A_119 = arith.constant 256 : i32
      %add3A_120 = arith.addi %add3A_119, %mul3A_118 : i32
      %get3A = arith.index_cast %add3A_120 : i32 to index
      %get3A_121 = tpu.vector_load %arg6[%get3A] {strides = array<i32>} : memref<25600xf32, #tpu.memory_space<vmem>>, vector<16xf32>,
      %mul3A_122 = arith.constant 2.048000e+03 : f32
      %mul3A_123 = vector.broadcast %mul3A_122 : f32 to vector<16xf32>
      %mul3A_124 = arith.mulf %get3A_121, %mul3A_123 : vector<16xf32>
      %add3A_125 = arith.constant 5.000000e-01 : f32
      %add3A_126 = vector.broadcast %add3A_125 : f32 to vector<16xf32>
      %add3A_127 = arith.addf %mul3A_124, %add3A_126 : vector<16xf32>
      %convert_element_type3A_128 = arith.fptosi %add3A_127 : vector<16xf32> to vector<16xi32>
      %convert_element_type3A_129 = arith.sitofp %convert_element_type3A_128 : vector<16xi32> to vector<16xf32>
      %eq3A_130 = arith.cmpf oeq, %add3A_127, %convert_element_type3A_129 : vector<16xf32>
      %and3A = arith.constant 1 : i32
      %and3A_131 = vector.broadcast %and3A : i32 to vector<16xi32>
      %and3A_132 = arith.andi %convert_element_type3A_128, %and3A_131 : vector<16xi32>
      %eq3A_133 = arith.constant 1 : i32
      %eq3A_134 = vector.broadcast %eq3A_133 : i32 to vector<16xi32>
      %eq3A_135 = arith.cmpi eq, %and3A_132, %eq3A_134 : vector<16xi32>
      %and3A_136 = arith.andi %eq3A_130, %eq3A_135 : vector<16xi1>
      %sub3A = arith.constant 1 : i32
      %sub3A_137 = vector.broadcast %sub3A : i32 to vector<16xi32>
      %sub3A_138 = arith.subi %convert_element_type3A_128, %sub3A_137 : vector<16xi32>
      %select_n3A = arith.select %and3A_136, %sub3A_138, %convert_element_type3A_128 : vector<16xi1>, vector<16xi32>
      %mul3A_139 = arith.constant 16 : i32
      %mul3A_140 = arith.muli %scan3A_116, %mul3A_139 : i32
      %swap3A = arith.index_cast %mul3A_140 : i32 to index
      %swap3A_141 = tpu.vector_load %arg8[%swap3A] {strides = array<i32>} : memref<256xi32, #tpu.memory_space<vmem>>, vector<16xi32>,
      tpu.vector_store %arg8[%swap3A], %select_n3A {strides = array<i32>} : memref<256xi32, #tpu.memory_space<vmem>>, vector<16xi32>,
    }
    %scan3A_30 = arith.constant 16 : i32
    %dma_start3A_31 = arith.constant 0 : i32
    %dma_start3A_32 = arith.constant 0 : i32
    %dma_start3A_33 = tpu.memref_slice %arg10[%dma_start3A_31, %dma_start3A_32] : memref<256x128xf32, #tpu.memory_space<vmem>> -> memref<128x128xf32, #tpu.memory_space<vmem>>
    %dma_start3A_34 = arith.constant 0 : i32
    %dma_start3A_35 = tpu.memref_slice %arg8[%dma_start3A_34] : memref<256xi32, #tpu.memory_space<vmem>> -> memref<128xi32, #tpu.memory_space<vmem>>
    %dma_start3A_36 = arith.constant 0 : i32
    %dma_start3A_37 = arith.constant 0 : i32
    %dma_start3A_38 = tpu.memref_slice %arg11[%dma_start3A_36, %dma_start3A_37] : memref<2048x128xf32, #tpu.memory_space<vmem_shared>> -> memref<2048x128xf32, #tpu.memory_space<vmem_shared>>
    tpu.enqueue_indirect_dma source(%dma_start3A_38 : memref<2048x128xf32, #tpu.memory_space<vmem_shared>>) target(%dma_start3A_33 : memref<128x128xf32, #tpu.memory_space<vmem>>) offsets(%dma_start3A_35 : memref<128xi32, #tpu.memory_space<vmem>>) semaphore(%arg15 : memref<!tpu.dma_semaphore, #tpu.memory_space<semaphore_mem>>)
    %dma_start3A_39 = arith.constant 128 : i32
    %dma_start3A_40 = arith.constant 0 : i32
    %dma_start3A_41 = tpu.memref_slice %arg10[%dma_start3A_39, %dma_start3A_40] : memref<256x128xf32, #tpu.memory_space<vmem>> -> memref<128x128xf32, #tpu.memory_space<vmem>>
    %dma_start3A_42 = arith.constant 128 : i32
    %dma_start3A_43 = tpu.memref_slice %arg8[%dma_start3A_42] : memref<256xi32, #tpu.memory_space<vmem>> -> memref<128xi32, #tpu.memory_space<vmem>>
    %dma_start3A_44 = arith.constant 0 : i32
    %dma_start3A_45 = arith.constant 0 : i32
    %dma_start3A_46 = tpu.memref_slice %arg11[%dma_start3A_44, %dma_start3A_45] : memref<2048x128xf32, #tpu.memory_space<vmem_shared>> -> memref<2048x128xf32, #tpu.memory_space<vmem_shared>>
    tpu.enqueue_indirect_dma source(%dma_start3A_46 : memref<2048x128xf32, #tpu.memory_space<vmem_shared>>) target(%dma_start3A_41 : memref<128x128xf32, #tpu.memory_space<vmem>>) offsets(%dma_start3A_43 : memref<128xi32, #tpu.memory_space<vmem>>) semaphore(%arg15 : memref<!tpu.dma_semaphore, #tpu.memory_space<semaphore_mem>>)
    %dma_wait3A = arith.constant 0 : i32
    %dma_wait3A_47 = arith.constant 0 : i32
    %dma_wait3A_48 = tpu.memref_slice %arg9[%dma_wait3A, %dma_wait3A_47] : memref<256x128xf32, #tpu.memory_space<vmem>> -> memref<128x128xf32, #tpu.memory_space<vmem>>
    %dma_wait3A_49 = arith.constant 0 : i32
    %dma_wait3A_50 = tpu.memref_slice %arg7[%dma_wait3A_49] : memref<256xi32, #tpu.memory_space<vmem>> -> memref<128xi32, #tpu.memory_space<vmem>>
    %dma_wait3A_51 = arith.constant 0 : i32
    %dma_wait3A_52 = arith.constant 0 : i32
    %dma_wait3A_53 = tpu.memref_slice %arg11[%dma_wait3A_51, %dma_wait3A_52] : memref<2048x128xf32, #tpu.memory_space<vmem_shared>> -> memref<2048x128xf32, #tpu.memory_space<vmem_shared>>
    tpu.wait_indirect_dma semaphore(%arg14 : memref<!tpu.dma_semaphore, #tpu.memory_space<semaphore_mem>>) src(%dma_wait3A_53 : memref<2048x128xf32, #tpu.memory_space<vmem_shared>>) dst(%dma_wait3A_48 : memref<128x128xf32, #tpu.memory_space<vmem>>)
    %dma_wait3A_54 = arith.constant 128 : i32
    %dma_wait3A_55 = arith.constant 0 : i32
    %dma_wait3A_56 = tpu.memref_slice %arg9[%dma_wait3A_54, %dma_wait3A_55] : memref<256x128xf32, #tpu.memory_space<vmem>> -> memref<128x128xf32, #tpu.memory_space<vmem>>
    %dma_wait3A_57 = arith.constant 128 : i32
    %dma_wait3A_58 = tpu.memref_slice %arg7[%dma_wait3A_57] : memref<256xi32, #tpu.memory_space<vmem>> -> memref<128xi32, #tpu.memory_space<vmem>>
    %dma_wait3A_59 = arith.constant 0 : i32
    %dma_wait3A_60 = arith.constant 0 : i32
    %dma_wait3A_61 = tpu.memref_slice %arg11[%dma_wait3A_59, %dma_wait3A_60] : memref<2048x128xf32, #tpu.memory_space<vmem_shared>> -> memref<2048x128xf32, #tpu.memory_space<vmem_shared>>
    tpu.wait_indirect_dma semaphore(%arg14 : memref<!tpu.dma_semaphore, #tpu.memory_space<semaphore_mem>>) src(%dma_wait3A_61 : memref<2048x128xf32, #tpu.memory_space<vmem_shared>>) dst(%dma_wait3A_56 : memref<128x128xf32, #tpu.memory_space<vmem>>)
    %scan3A_62 = arith.constant 0 : i32
    %scan3A_63 = arith.constant 0 : i32
    %scan3A_64 = arith.constant 16 : i32
    %scan3A_65 = arith.addi %scan3A_63, %scan3A_64 : i32
    %scan3A_66 = arith.constant 1 : i32
    scf.for %scan3A_116 = %scan3A_63 to %scan3A_65 step %scan3A_66  : i32 {
      %mul3A_117 = arith.constant 16 : i32
      %mul3A_118 = arith.muli %scan3A_116, %mul3A_117 : i32
      %add3A_119 = arith.constant 0 : i32
      %add3A_120 = arith.addi %add3A_119, %mul3A_118 : i32
      %get3A = arith.index_cast %add3A_120 : i32 to index
      %get3A_121 = tpu.vector_load %arg6[%get3A] {strides = array<i32>} : memref<25600xf32, #tpu.memory_space<vmem>>, vector<16xf32>,
      %mul3A_122 = arith.constant 2.048000e+03 : f32
      %mul3A_123 = vector.broadcast %mul3A_122 : f32 to vector<16xf32>
      %mul3A_124 = arith.mulf %get3A_121, %mul3A_123 : vector<16xf32>
      %mul3A_125 = arith.constant 16 : i32
      %mul3A_126 = arith.muli %scan3A_116, %mul3A_125 : i32
      %get3A_127 = arith.index_cast %mul3A_126 : i32 to index
      %get3A_128 = tpu.vector_load %arg7[%get3A_127] {strides = array<i32>} : memref<256xi32, #tpu.memory_space<vmem>>, vector<16xi32>,
      %convert_element_type3A_129 = arith.sitofp %get3A_128 : vector<16xi32> to vector<16xf32>
      %sub3A = arith.subf %mul3A_124, %convert_element_type3A_129 : vector<16xf32>
      %mul3A_130 = arith.constant 0.00153398083 : f32
      %mul3A_131 = vector.broadcast %mul3A_130 : f32 to vector<16xf32>
      %mul3A_132 = arith.mulf %sub3A, %mul3A_131 : vector<16xf32>
      %add3A_133 = arith.addi %get3A_128, %get3A_128 : vector<16xi32>
      %gather3A = tpu.vector_load_idx %arg13[%add3A_133] : memref<4096xf32, #tpu.memory_space<vmem>>[vector<16xi32>], vector<16xf32>,
      %add3A_134 = arith.constant 1 : i32
      %add3A_135 = vector.broadcast %add3A_134 : i32 to vector<16xi32>
      %add3A_136 = arith.addi %add3A_133, %add3A_135 : vector<16xi32>
      %gather3A_137 = tpu.vector_load_idx %arg13[%add3A_136] : memref<4096xf32, #tpu.memory_space<vmem>>[vector<16xi32>], vector<16xf32>,
      %mul3A_138 = arith.mulf %mul3A_132, %mul3A_132 : vector<16xf32>
      %mul3A_139 = arith.constant 5.000000e-01 : f32
      %mul3A_140 = vector.broadcast %mul3A_139 : f32 to vector<16xf32>
      %mul3A_141 = arith.mulf %mul3A_140, %mul3A_138 : vector<16xf32>
      %sub3A_142 = arith.constant 1.000000e+00 : f32
      %sub3A_143 = vector.broadcast %sub3A_142 : f32 to vector<16xf32>
      %sub3A_144 = arith.subf %sub3A_143, %mul3A_141 : vector<16xf32>
      %mul3A_145 = arith.mulf %gather3A, %sub3A_144 : vector<16xf32>
      %mul3A_146 = arith.mulf %gather3A_137, %mul3A_132 : vector<16xf32>
      %add3A_147 = arith.addf %mul3A_145, %mul3A_146 : vector<16xf32>
      %mul3A_148 = arith.mulf %gather3A_137, %sub3A_144 : vector<16xf32>
      %mul3A_149 = arith.mulf %gather3A, %mul3A_132 : vector<16xf32>
      %sub3A_150 = arith.subf %mul3A_148, %mul3A_149 : vector<16xf32>
      %swap3A = arith.constant 0 : index
      %swap3A_151 = tpu.vector_load %arg12[%swap3A] {strides = array<i32>} : memref<544xf32, #tpu.memory_space<vmem>>, vector<16xf32>,
      tpu.vector_store %arg12[%swap3A], %add3A_147 {strides = array<i32>} : memref<544xf32, #tpu.memory_space<vmem>>, vector<16xf32>,
      %swap3A_152 = arith.constant 187 : index
      %swap3A_153 = tpu.vector_load %arg12[%swap3A_152] {strides = array<i32>} : memref<544xf32, #tpu.memory_space<vmem>>, vector<16xf32>,
      tpu.vector_store %arg12[%swap3A_152], %sub3A_150 {strides = array<i32>} : memref<544xf32, #tpu.memory_space<vmem>>, vector<16xf32>,
      %mul3A_154 = arith.mulf %add3A_147, %sub3A_150 : vector<16xf32>
      %mul3A_155 = arith.mulf %add3A_147, %add3A_147 : vector<16xf32>
      %add3A_156 = arith.addf %mul3A_154, %mul3A_154 : vector<16xf32>
      %add3A_157 = arith.addf %mul3A_155, %mul3A_155 : vector<16xf32>
      %sub3A_158 = arith.constant 1.000000e+00 : f32
      %sub3A_159 = vector.broadcast %sub3A_158 : f32 to vector<16xf32>
      %sub3A_160 = arith.subf %sub3A_159, %add3A_157 : vector<16xf32>
      %swap3A_161 = arith.constant 17 : index
      %swap3A_162 = tpu.vector_load %arg12[%swap3A_161] {strides = array<i32>} : memref<544xf32, #tpu.memory_space<vmem>>, vector<16xf32>,
      tpu.vector_store %arg12[%swap3A_161], %add3A_156 {strides = array<i32>} : memref<544xf32, #tpu.memory_space<vmem>>, vector<16xf32>,
      %swap3A_163 = arith.constant 204 : index
      %swap3A_164 = tpu.vector_load %arg12[%swap3A_163] {strides = array<i32>} : memref<544xf32, #tpu.memory_space<vmem>>, vector<16xf32>,
      tpu.vector_store %arg12[%swap3A_163], %sub3A_160 {strides = array<i32>} : memref<544xf32, #tpu.memory_space<vmem>>, vector<16xf32>,
      %mul3A_165 = arith.mulf %add3A_156, %sub3A_160 : vector<16xf32>
      %mul3A_166 = arith.mulf %add3A_156, %add3A_156 : vector<16xf32>
      %add3A_167 = arith.addf %mul3A_165, %mul3A_165 : vector<16xf32>
      %add3A_168 = arith.addf %mul3A_166, %mul3A_166 : vector<16xf32>
      %sub3A_169 = arith.constant 1.000000e+00 : f32
      %sub3A_170 = vector.broadcast %sub3A_169 : f32 to vector<16xf32>
      %sub3A_171 = arith.subf %sub3A_170, %add3A_168 : vector<16xf32>
      %swap3A_172 = arith.constant 34 : index
      %swap3A_173 = tpu.vector_load %arg12[%swap3A_172] {strides = array<i32>} : memref<544xf32, #tpu.memory_space<vmem>>, vector<16xf32>,
      tpu.vector_store %arg12[%swap3A_172], %add3A_167 {strides = array<i32>} : memref<544xf32, #tpu.memory_space<vmem>>, vector<16xf32>,
      %swap3A_174 = arith.constant 221 : index
      %swap3A_175 = tpu.vector_load %arg12[%swap3A_174] {strides = array<i32>} : memref<544xf32, #tpu.memory_space<vmem>>, vector<16xf32>,
      tpu.vector_store %arg12[%swap3A_174], %sub3A_171 {strides = array<i32>} : memref<544xf32, #tpu.memory_space<vmem>>, vector<16xf32>,
      %mul3A_176 = arith.mulf %add3A_167, %sub3A_171 : vector<16xf32>
      %mul3A_177 = arith.mulf %add3A_167, %add3A_167 : vector<16xf32>
      %add3A_178 = arith.addf %mul3A_176, %mul3A_176 : vector<16xf32>
      %add3A_179 = arith.addf %mul3A_177, %mul3A_177 : vector<16xf32>
      %sub3A_180 = arith.constant 1.000000e+00 : f32
      %sub3A_181 = vector.broadcast %sub3A_180 : f32 to vector<16xf32>
      %sub3A_182 = arith.subf %sub3A_181, %add3A_179 : vector<16xf32>
      %swap3A_183 = arith.constant 51 : index
      %swap3A_184 = tpu.vector_load %arg12[%swap3A_183] {strides = array<i32>} : memref<544xf32, #tpu.memory_space<vmem>>, vector<16xf32>,
      tpu.vector_store %arg12[%swap3A_183], %add3A_178 {strides = array<i32>} : memref<544xf32, #tpu.memory_space<vmem>>, vector<16xf32>,
      %swap3A_185 = arith.constant 238 : index
      %swap3A_186 = tpu.vector_load %arg12[%swap3A_185] {strides = array<i32>} : memref<544xf32, #tpu.memory_space<vmem>>, vector<16xf32>,
      tpu.vector_store %arg12[%swap3A_185], %sub3A_182 {strides = array<i32>} : memref<544xf32, #tpu.memory_space<vmem>>, vector<16xf32>,
      %mul3A_187 = arith.mulf %add3A_178, %sub3A_182 : vector<16xf32>
      %mul3A_188 = arith.mulf %add3A_178, %add3A_178 : vector<16xf32>
      %add3A_189 = arith.addf %mul3A_187, %mul3A_187 : vector<16xf32>
      %add3A_190 = arith.addf %mul3A_188, %mul3A_188 : vector<16xf32>
      %sub3A_191 = arith.constant 1.000000e+00 : f32
      %sub3A_192 = vector.broadcast %sub3A_191 : f32 to vector<16xf32>
      %sub3A_193 = arith.subf %sub3A_192, %add3A_190 : vector<16xf32>
      %swap3A_194 = arith.constant 68 : index
      %swap3A_195 = tpu.vector_load %arg12[%swap3A_194] {strides = array<i32>} : memref<544xf32, #tpu.memory_space<vmem>>, vector<16xf32>,
      tpu.vector_store %arg12[%swap3A_194], %add3A_189 {strides = array<i32>} : memref<544xf32, #tpu.memory_space<vmem>>, vector<16xf32>,
      %swap3A_196 = arith.constant 255 : index
      %swap3A_197 = tpu.vector_load %arg12[%swap3A_196] {strides = array<i32>} : memref<544xf32, #tpu.memory_space<vmem>>, vector<16xf32>,
      tpu.vector_store %arg12[%swap3A_196], %sub3A_193 {strides = array<i32>} : memref<544xf32, #tpu.memory_space<vmem>>, vector<16xf32>,
      %mul3A_198 = arith.mulf %add3A_189, %sub3A_193 : vector<16xf32>
      %mul3A_199 = arith.mulf %add3A_189, %add3A_189 : vector<16xf32>
      %add3A_200 = arith.addf %mul3A_198, %mul3A_198 : vector<16xf32>
      %add3A_201 = arith.addf %mul3A_199, %mul3A_199 : vector<16xf32>
      %sub3A_202 = arith.constant 1.000000e+00 : f32
      %sub3A_203 = vector.broadcast %sub3A_202 : f32 to vector<16xf32>
      %sub3A_204 = arith.subf %sub3A_203, %add3A_201 : vector<16xf32>
      %swap3A_205 = arith.constant 85 : index
      %swap3A_206 = tpu.vector_load %arg12[%swap3A_205] {strides = array<i32>} : memref<544xf32, #tpu.memory_space<vmem>>, vector<16xf32>,
      tpu.vector_store %arg12[%swap3A_205], %add3A_200 {strides = array<i32>} : memref<544xf32, #tpu.memory_space<vmem>>, vector<16xf32>,
      %swap3A_207 = arith.constant 272 : index
      %swap3A_208 = tpu.vector_load %arg12[%swap3A_207] {strides = array<i32>} : memref<544xf32, #tpu.memory_space<vmem>>, vector<16xf32>,
      tpu.vector_store %arg12[%swap3A_207], %sub3A_204 {strides = array<i32>} : memref<544xf32, #tpu.memory_space<vmem>>, vector<16xf32>,
      %mul3A_209 = arith.mulf %add3A_200, %sub3A_204 : vector<16xf32>
      %mul3A_210 = arith.mulf %add3A_200, %add3A_200 : vector<16xf32>
      %add3A_211 = arith.addf %mul3A_209, %mul3A_209 : vector<16xf32>
      %add3A_212 = arith.addf %mul3A_210, %mul3A_210 : vector<16xf32>
      %sub3A_213 = arith.constant 1.000000e+00 : f32
      %sub3A_214 = vector.broadcast %sub3A_213 : f32 to vector<16xf32>
      %sub3A_215 = arith.subf %sub3A_214, %add3A_212 : vector<16xf32>
      %swap3A_216 = arith.constant 102 : index
      %swap3A_217 = tpu.vector_load %arg12[%swap3A_216] {strides = array<i32>} : memref<544xf32, #tpu.memory_space<vmem>>, vector<16xf32>,
      tpu.vector_store %arg12[%swap3A_216], %add3A_211 {strides = array<i32>} : memref<544xf32, #tpu.memory_space<vmem>>, vector<16xf32>,
      %swap3A_218 = arith.constant 289 : index
      %swap3A_219 = tpu.vector_load %arg12[%swap3A_218] {strides = array<i32>} : memref<544xf32, #tpu.memory_space<vmem>>, vector<16xf32>,
      tpu.vector_store %arg12[%swap3A_218], %sub3A_215 {strides = array<i32>} : memref<544xf32, #tpu.memory_space<vmem>>, vector<16xf32>,
      %mul3A_220 = arith.mulf %add3A_211, %sub3A_215 : vector<16xf32>
      %mul3A_221 = arith.mulf %add3A_211, %add3A_211 : vector<16xf32>
      %add3A_222 = arith.addf %mul3A_220, %mul3A_220 : vector<16xf32>
      %add3A_223 = arith.addf %mul3A_221, %mul3A_221 : vector<16xf32>
      %sub3A_224 = arith.constant 1.000000e+00 : f32
      %sub3A_225 = vector.broadcast %sub3A_224 : f32 to vector<16xf32>
      %sub3A_226 = arith.subf %sub3A_225, %add3A_223 : vector<16xf32>
      %swap3A_227 = arith.constant 119 : index
      %swap3A_228 = tpu.vector_load %arg12[%swap3A_227] {strides = array<i32>} : memref<544xf32, #tpu.memory_space<vmem>>, vector<16xf32>,
      tpu.vector_store %arg12[%swap3A_227], %add3A_222 {strides = array<i32>} : memref<544xf32, #tpu.memory_space<vmem>>, vector<16xf32>,
      %swap3A_229 = arith.constant 306 : index
      %swap3A_230 = tpu.vector_load %arg12[%swap3A_229] {strides = array<i32>} : memref<544xf32, #tpu.memory_space<vmem>>, vector<16xf32>,
      tpu.vector_store %arg12[%swap3A_229], %sub3A_226 {strides = array<i32>} : memref<544xf32, #tpu.memory_space<vmem>>, vector<16xf32>,
      %mul3A_231 = arith.mulf %add3A_222, %sub3A_226 : vector<16xf32>
      %mul3A_232 = arith.mulf %add3A_222, %add3A_222 : vector<16xf32>
      %add3A_233 = arith.addf %mul3A_231, %mul3A_231 : vector<16xf32>
      %add3A_234 = arith.addf %mul3A_232, %mul3A_232 : vector<16xf32>
      %sub3A_235 = arith.constant 1.000000e+00 : f32
      %sub3A_236 = vector.broadcast %sub3A_235 : f32 to vector<16xf32>
      %sub3A_237 = arith.subf %sub3A_236, %add3A_234 : vector<16xf32>
      %swap3A_238 = arith.constant 136 : index
      %swap3A_239 = tpu.vector_load %arg12[%swap3A_238] {strides = array<i32>} : memref<544xf32, #tpu.memory_space<vmem>>, vector<16xf32>,
      tpu.vector_store %arg12[%swap3A_238], %add3A_233 {strides = array<i32>} : memref<544xf32, #tpu.memory_space<vmem>>, vector<16xf32>,
      %swap3A_240 = arith.constant 323 : index
      %swap3A_241 = tpu.vector_load %arg12[%swap3A_240] {strides = array<i32>} : memref<544xf32, #tpu.memory_space<vmem>>, vector<16xf32>,
      tpu.vector_store %arg12[%swap3A_240], %sub3A_237 {strides = array<i32>} : memref<544xf32, #tpu.memory_space<vmem>>, vector<16xf32>,
      %mul3A_242 = arith.mulf %add3A_233, %sub3A_237 : vector<16xf32>
      %mul3A_243 = arith.mulf %add3A_233, %add3A_233 : vector<16xf32>
      %add3A_244 = arith.addf %mul3A_242, %mul3A_242 : vector<16xf32>
      %add3A_245 = arith.addf %mul3A_243, %mul3A_243 : vector<16xf32>
      %sub3A_246 = arith.constant 1.000000e+00 : f32
      %sub3A_247 = vector.broadcast %sub3A_246 : f32 to vector<16xf32>
      %sub3A_248 = arith.subf %sub3A_247, %add3A_245 : vector<16xf32>
      %swap3A_249 = arith.constant 153 : index
      %swap3A_250 = tpu.vector_load %arg12[%swap3A_249] {strides = array<i32>} : memref<544xf32, #tpu.memory_space<vmem>>, vector<16xf32>,
      tpu.vector_store %arg12[%swap3A_249], %add3A_244 {strides = array<i32>} : memref<544xf32, #tpu.memory_space<vmem>>, vector<16xf32>,
      %swap3A_251 = arith.constant 340 : index
      %swap3A_252 = tpu.vector_load %arg12[%swap3A_251] {strides = array<i32>} : memref<544xf32, #tpu.memory_space<vmem>>, vector<16xf32>,
      tpu.vector_store %arg12[%swap3A_251], %sub3A_248 {strides = array<i32>} : memref<544xf32, #tpu.memory_space<vmem>>, vector<16xf32>,
      %mul3A_253 = arith.mulf %add3A_244, %sub3A_248 : vector<16xf32>
      %mul3A_254 = arith.mulf %add3A_244, %add3A_244 : vector<16xf32>
      %add3A_255 = arith.addf %mul3A_253, %mul3A_253 : vector<16xf32>
      %add3A_256 = arith.addf %mul3A_254, %mul3A_254 : vector<16xf32>
      %sub3A_257 = arith.constant 1.000000e+00 : f32
      %sub3A_258 = vector.broadcast %sub3A_257 : f32 to vector<16xf32>
      %sub3A_259 = arith.subf %sub3A_258, %add3A_256 : vector<16xf32>
      %swap3A_260 = arith.constant 170 : index
      %swap3A_261 = tpu.vector_load %arg12[%swap3A_260] {strides = array<i32>} : memref<544xf32, #tpu.memory_space<vmem>>, vector<16xf32>,
      tpu.vector_store %arg12[%swap3A_260], %add3A_255 {strides = array<i32>} : memref<544xf32, #tpu.memory_space<vmem>>, vector<16xf32>,
      %swap3A_262 = arith.constant 357 : index
      %swap3A_263 = tpu.vector_load %arg12[%swap3A_262] {strides = array<i32>} : memref<544xf32, #tpu.memory_space<vmem>>, vector<16xf32>,
      tpu.vector_store %arg12[%swap3A_262], %sub3A_259 {strides = array<i32>} : memref<544xf32, #tpu.memory_space<vmem>>, vector<16xf32>,
      %mul3A_264 = arith.mulf %add3A_255, %sub3A_259 : vector<16xf32>
      %mul3A_265 = arith.mulf %add3A_255, %add3A_255 : vector<16xf32>
      %add3A_266 = arith.addf %mul3A_264, %mul3A_264 : vector<16xf32>
      %add3A_267 = arith.addf %mul3A_265, %mul3A_265 : vector<16xf32>
      %sub3A_268 = arith.constant 1.000000e+00 : f32
      %sub3A_269 = vector.broadcast %sub3A_268 : f32 to vector<16xf32>
      %sub3A_270 = arith.subf %sub3A_269, %add3A_267 : vector<16xf32>
      %iota3A = tpu.iota {dimensions = array<i32: 0>} : vector<16xi32>
      %mul3A_271 = arith.constant 17 : i32
      %mul3A_272 = vector.broadcast %mul3A_271 : i32 to vector<16xi32>
      %mul3A_273 = arith.muli %iota3A, %mul3A_272 : vector<16xi32>
      %add3A_274 = arith.constant 0 : i32
      %add3A_275 = vector.broadcast %add3A_274 : i32 to vector<16xi32>
      %add3A_276 = arith.addi %mul3A_273, %add3A_275 : vector<16xi32>
      %gather3A_277 = tpu.vector_load_idx %arg12[%add3A_276] : memref<544xf32, #tpu.memory_space<vmem>>[vector<16xi32>], vector<16xf32>,
      %add3A_278 = arith.constant 272 : i32
      %add3A_279 = vector.broadcast %add3A_278 : i32 to vector<16xi32>
      %add3A_280 = arith.addi %mul3A_273, %add3A_279 : vector<16xi32>
      %gather3A_281 = tpu.vector_load_idx %arg12[%add3A_280] : memref<544xf32, #tpu.memory_space<vmem>>[vector<16xi32>], vector<16xf32>,
      %mul3A_282 = arith.constant 16 : i32
      %mul3A_283 = arith.muli %scan3A_116, %mul3A_282 : i32
      %add3A_284 = arith.constant 0 : i32
      %add3A_285 = arith.addi %mul3A_283, %add3A_284 : i32
      %swap3A_286 = arith.index_cast %add3A_285 : i32 to index
      %swap3A_287 = arith.constant 64 : index
      %swap3A_288 = tpu.vector_load %arg9[%swap3A_286, %swap3A_287] {strides = array<i32>} : memref<256x128xf32, #tpu.memory_space<vmem>>, vector<16xf32>,
      tpu.vector_store %arg9[%swap3A_286, %swap3A_287], %gather3A_277 {strides = array<i32>} : memref<256x128xf32, #tpu.memory_space<vmem>>, vector<16xf32>,
      %swap3A_289 = arith.index_cast %add3A_285 : i32 to index
      %swap3A_290 = arith.constant 80 : index
      %swap3A_291 = tpu.vector_load %arg9[%swap3A_289, %swap3A_290] {strides = array<i32>} : memref<256x128xf32, #tpu.memory_space<vmem>>, vector<16xf32>,
      tpu.vector_store %arg9[%swap3A_289, %swap3A_290], %gather3A_281 {strides = array<i32>} : memref<256x128xf32, #tpu.memory_space<vmem>>, vector<16xf32>,
      %add3A_292 = arith.constant 1 : i32
      %add3A_293 = vector.broadcast %add3A_292 : i32 to vector<16xi32>
      %add3A_294 = arith.addi %mul3A_273, %add3A_293 : vector<16xi32>
      %gather3A_295 = tpu.vector_load_idx %arg12[%add3A_294] : memref<544xf32, #tpu.memory_space<vmem>>[vector<16xi32>], vector<16xf32>,
      %add3A_296 = arith.constant 273 : i32
      %add3A_297 = vector.broadcast %add3A_296 : i32 to vector<16xi32>
      %add3A_298 = arith.addi %mul3A_273, %add3A_297 : vector<16xi32>
      %gather3A_299 = tpu.vector_load_idx %arg12[%add3A_298] : memref<544xf32, #tpu.memory_space<vmem>>[vector<16xi32>], vector<16xf32>,
      %mul3A_300 = arith.constant 16 : i32
      %mul3A_301 = arith.muli %scan3A_116, %mul3A_300 : i32
      %add3A_302 = arith.constant 1 : i32
      %add3A_303 = arith.addi %mul3A_301, %add3A_302 : i32
      %swap3A_304 = arith.index_cast %add3A_303 : i32 to index
      %swap3A_305 = arith.constant 64 : index
      %swap3A_306 = tpu.vector_load %arg9[%swap3A_304, %swap3A_305] {strides = array<i32>} : memref<256x128xf32, #tpu.memory_space<vmem>>, vector<16xf32>,
      tpu.vector_store %arg9[%swap3A_304, %swap3A_305], %gather3A_295 {strides = array<i32>} : memref<256x128xf32, #tpu.memory_space<vmem>>, vector<16xf32>,
      %swap3A_307 = arith.index_cast %add3A_303 : i32 to index
      %swap3A_308 = arith.constant 80 : index
      %swap3A_309 = tpu.vector_load %arg9[%swap3A_307, %swap3A_308] {strides = array<i32>} : memref<256x128xf32, #tpu.memory_space<vmem>>, vector<16xf32>,
      tpu.vector_store %arg9[%swap3A_307, %swap3A_308], %gather3A_299 {strides = array<i32>} : memref<256x128xf32, #tpu.memory_space<vmem>>, vector<16xf32>,
      %add3A_310 = arith.constant 2 : i32
      %add3A_311 = vector.broadcast %add3A_310 : i32 to vector<16xi32>
      %add3A_312 = arith.addi %mul3A_273, %add3A_311 : vector<16xi32>
      %gather3A_313 = tpu.vector_load_idx %arg12[%add3A_312] : memref<544xf32, #tpu.memory_space<vmem>>[vector<16xi32>], vector<16xf32>,
      %add3A_314 = arith.constant 274 : i32
      %add3A_315 = vector.broadcast %add3A_314 : i32 to vector<16xi32>
      %add3A_316 = arith.addi %mul3A_273, %add3A_315 : vector<16xi32>
      %gather3A_317 = tpu.vector_load_idx %arg12[%add3A_316] : memref<544xf32, #tpu.memory_space<vmem>>[vector<16xi32>], vector<16xf32>,
      %mul3A_318 = arith.constant 16 : i32
      %mul3A_319 = arith.muli %scan3A_116, %mul3A_318 : i32
      %add3A_320 = arith.constant 2 : i32
      %add3A_321 = arith.addi %mul3A_319, %add3A_320 : i32
      %swap3A_322 = arith.index_cast %add3A_321 : i32 to index
      %swap3A_323 = arith.constant 64 : index
      %swap3A_324 = tpu.vector_load %arg9[%swap3A_322, %swap3A_323] {strides = array<i32>} : memref<256x128xf32, #tpu.memory_space<vmem>>, vector<16xf32>,
      tpu.vector_store %arg9[%swap3A_322, %swap3A_323], %gather3A_313 {strides = array<i32>} : memref<256x128xf32, #tpu.memory_space<vmem>>, vector<16xf32>,
      %swap3A_325 = arith.index_cast %add3A_321 : i32 to index
      %swap3A_326 = arith.constant 80 : index
      %swap3A_327 = tpu.vector_load %arg9[%swap3A_325, %swap3A_326] {strides = array<i32>} : memref<256x128xf32, #tpu.memory_space<vmem>>, vector<16xf32>,
      tpu.vector_store %arg9[%swap3A_325, %swap3A_326], %gather3A_317 {strides = array<i32>} : memref<256x128xf32, #tpu.memory_space<vmem>>, vector<16xf32>,
      %add3A_328 = arith.constant 3 : i32
      %add3A_329 = vector.broadcast %add3A_328 : i32 to vector<16xi32>
      %add3A_330 = arith.addi %mul3A_273, %add3A_329 : vector<16xi32>
      %gather3A_331 = tpu.vector_load_idx %arg12[%add3A_330] : memref<544xf32, #tpu.memory_space<vmem>>[vector<16xi32>], vector<16xf32>,
      %add3A_332 = arith.constant 275 : i32
      %add3A_333 = vector.broadcast %add3A_332 : i32 to vector<16xi32>
      %add3A_334 = arith.addi %mul3A_273, %add3A_333 : vector<16xi32>
      %gather3A_335 = tpu.vector_load_idx %arg12[%add3A_334] : memref<544xf32, #tpu.memory_space<vmem>>[vector<16xi32>], vector<16xf32>,
      %mul3A_336 = arith.constant 16 : i32
      %mul3A_337 = arith.muli %scan3A_116, %mul3A_336 : i32
      %add3A_338 = arith.constant 3 : i32
      %add3A_339 = arith.addi %mul3A_337, %add3A_338 : i32
      %swap3A_340 = arith.index_cast %add3A_339 : i32 to index
      %swap3A_341 = arith.constant 64 : index
      %swap3A_342 = tpu.vector_load %arg9[%swap3A_340, %swap3A_341] {strides = array<i32>} : memref<256x128xf32, #tpu.memory_space<vmem>>, vector<16xf32>,
      tpu.vector_store %arg9[%swap3A_340, %swap3A_341], %gather3A_331 {strides = array<i32>} : memref<256x128xf32, #tpu.memory_space<vmem>>, vector<16xf32>,
      %swap3A_343 = arith.index_cast %add3A_339 : i32 to index
      %swap3A_344 = arith.constant 80 : index
      %swap3A_345 = tpu.vector_load %arg9[%swap3A_343, %swap3A_344] {strides = array<i32>} : memref<256x128xf32, #tpu.memory_space<vmem>>, vector<16xf32>,
      tpu.vector_store %arg9[%swap3A_343, %swap3A_344], %gather3A_335 {strides = array<i32>} : memref<256x128xf32, #tpu.memory_space<vmem>>, vector<16xf32>,
      %add3A_346 = arith.constant 4 : i32
      %add3A_347 = vector.broadcast %add3A_346 : i32 to vector<16xi32>
      %add3A_348 = arith.addi %mul3A_273, %add3A_347 : vector<16xi32>
      %gather3A_349 = tpu.vector_load_idx %arg12[%add3A_348] : memref<544xf32, #tpu.memory_space<vmem>>[vector<16xi32>], vector<16xf32>,
      %add3A_350 = arith.constant 276 : i32
      %add3A_351 = vector.broadcast %add3A_350 : i32 to vector<16xi32>
      %add3A_352 = arith.addi %mul3A_273, %add3A_351 : vector<16xi32>
      %gather3A_353 = tpu.vector_load_idx %arg12[%add3A_352] : memref<544xf32, #tpu.memory_space<vmem>>[vector<16xi32>], vector<16xf32>,
      %mul3A_354 = arith.constant 16 : i32
      %mul3A_355 = arith.muli %scan3A_116, %mul3A_354 : i32
      %add3A_356 = arith.constant 4 : i32
      %add3A_357 = arith.addi %mul3A_355, %add3A_356 : i32
      %swap3A_358 = arith.index_cast %add3A_357 : i32 to index
      %swap3A_359 = arith.constant 64 : index
      %swap3A_360 = tpu.vector_load %arg9[%swap3A_358, %swap3A_359] {strides = array<i32>} : memref<256x128xf32, #tpu.memory_space<vmem>>, vector<16xf32>,
      tpu.vector_store %arg9[%swap3A_358, %swap3A_359], %gather3A_349 {strides = array<i32>} : memref<256x128xf32, #tpu.memory_space<vmem>>, vector<16xf32>,
      %swap3A_361 = arith.index_cast %add3A_357 : i32 to index
      %swap3A_362 = arith.constant 80 : index
      %swap3A_363 = tpu.vector_load %arg9[%swap3A_361, %swap3A_362] {strides = array<i32>} : memref<256x128xf32, #tpu.memory_space<vmem>>, vector<16xf32>,
      tpu.vector_store %arg9[%swap3A_361, %swap3A_362], %gather3A_353 {strides = array<i32>} : memref<256x128xf32, #tpu.memory_space<vmem>>, vector<16xf32>,
      %add3A_364 = arith.constant 5 : i32
      %add3A_365 = vector.broadcast %add3A_364 : i32 to vector<16xi32>
      %add3A_366 = arith.addi %mul3A_273, %add3A_365 : vector<16xi32>
      %gather3A_367 = tpu.vector_load_idx %arg12[%add3A_366] : memref<544xf32, #tpu.memory_space<vmem>>[vector<16xi32>], vector<16xf32>,
      %add3A_368 = arith.constant 277 : i32
      %add3A_369 = vector.broadcast %add3A_368 : i32 to vector<16xi32>
      %add3A_370 = arith.addi %mul3A_273, %add3A_369 : vector<16xi32>
      %gather3A_371 = tpu.vector_load_idx %arg12[%add3A_370] : memref<544xf32, #tpu.memory_space<vmem>>[vector<16xi32>], vector<16xf32>,
      %mul3A_372 = arith.constant 16 : i32
      %mul3A_373 = arith.muli %scan3A_116, %mul3A_372 : i32
      %add3A_374 = arith.constant 5 : i32
      %add3A_375 = arith.addi %mul3A_373, %add3A_374 : i32
      %swap3A_376 = arith.index_cast %add3A_375 : i32 to index
      %swap3A_377 = arith.constant 64 : index
      %swap3A_378 = tpu.vector_load %arg9[%swap3A_376, %swap3A_377] {strides = array<i32>} : memref<256x128xf32, #tpu.memory_space<vmem>>, vector<16xf32>,
      tpu.vector_store %arg9[%swap3A_376, %swap3A_377], %gather3A_367 {strides = array<i32>} : memref<256x128xf32, #tpu.memory_space<vmem>>, vector<16xf32>,
      %swap3A_379 = arith.index_cast %add3A_375 : i32 to index
      %swap3A_380 = arith.constant 80 : index
      %swap3A_381 = tpu.vector_load %arg9[%swap3A_379, %swap3A_380] {strides = array<i32>} : memref<256x128xf32, #tpu.memory_space<vmem>>, vector<16xf32>,
      tpu.vector_store %arg9[%swap3A_379, %swap3A_380], %gather3A_371 {strides = array<i32>} : memref<256x128xf32, #tpu.memory_space<vmem>>, vector<16xf32>,
      %add3A_382 = arith.constant 6 : i32
      %add3A_383 = vector.broadcast %add3A_382 : i32 to vector<16xi32>
      %add3A_384 = arith.addi %mul3A_273, %add3A_383 : vector<16xi32>
      %gather3A_385 = tpu.vector_load_idx %arg12[%add3A_384] : memref<544xf32, #tpu.memory_space<vmem>>[vector<16xi32>], vector<16xf32>,
      %add3A_386 = arith.constant 278 : i32
      %add3A_387 = vector.broadcast %add3A_386 : i32 to vector<16xi32>
      %add3A_388 = arith.addi %mul3A_273, %add3A_387 : vector<16xi32>
      %gather3A_389 = tpu.vector_load_idx %arg12[%add3A_388] : memref<544xf32, #tpu.memory_space<vmem>>[vector<16xi32>], vector<16xf32>,
      %mul3A_390 = arith.constant 16 : i32
      %mul3A_391 = arith.muli %scan3A_116, %mul3A_390 : i32
      %add3A_392 = arith.constant 6 : i32
      %add3A_393 = arith.addi %mul3A_391, %add3A_392 : i32
      %swap3A_394 = arith.index_cast %add3A_393 : i32 to index
      %swap3A_395 = arith.constant 64 : index
      %swap3A_396 = tpu.vector_load %arg9[%swap3A_394, %swap3A_395] {strides = array<i32>} : memref<256x128xf32, #tpu.memory_space<vmem>>, vector<16xf32>,
      tpu.vector_store %arg9[%swap3A_394, %swap3A_395], %gather3A_385 {strides = array<i32>} : memref<256x128xf32, #tpu.memory_space<vmem>>, vector<16xf32>,
      %swap3A_397 = arith.index_cast %add3A_393 : i32 to index
      %swap3A_398 = arith.constant 80 : index
      %swap3A_399 = tpu.vector_load %arg9[%swap3A_397, %swap3A_398] {strides = array<i32>} : memref<256x128xf32, #tpu.memory_space<vmem>>, vector<16xf32>,
      tpu.vector_store %arg9[%swap3A_397, %swap3A_398], %gather3A_389 {strides = array<i32>} : memref<256x128xf32, #tpu.memory_space<vmem>>, vector<16xf32>,
      %add3A_400 = arith.constant 7 : i32
      %add3A_401 = vector.broadcast %add3A_400 : i32 to vector<16xi32>
      %add3A_402 = arith.addi %mul3A_273, %add3A_401 : vector<16xi32>
      %gather3A_403 = tpu.vector_load_idx %arg12[%add3A_402] : memref<544xf32, #tpu.memory_space<vmem>>[vector<16xi32>], vector<16xf32>,
      %add3A_404 = arith.constant 279 : i32
      %add3A_405 = vector.broadcast %add3A_404 : i32 to vector<16xi32>
      %add3A_406 = arith.addi %mul3A_273, %add3A_405 : vector<16xi32>
      %gather3A_407 = tpu.vector_load_idx %arg12[%add3A_406] : memref<544xf32, #tpu.memory_space<vmem>>[vector<16xi32>], vector<16xf32>,
      %mul3A_408 = arith.constant 16 : i32
      %mul3A_409 = arith.muli %scan3A_116, %mul3A_408 : i32
      %add3A_410 = arith.constant 7 : i32
      %add3A_411 = arith.addi %mul3A_409, %add3A_410 : i32
      %swap3A_412 = arith.index_cast %add3A_411 : i32 to index
      %swap3A_413 = arith.constant 64 : index
      %swap3A_414 = tpu.vector_load %arg9[%swap3A_412, %swap3A_413] {strides = array<i32>} : memref<256x128xf32, #tpu.memory_space<vmem>>, vector<16xf32>,
      tpu.vector_store %arg9[%swap3A_412, %swap3A_413], %gather3A_403 {strides = array<i32>} : memref<256x128xf32, #tpu.memory_space<vmem>>, vector<16xf32>,
      %swap3A_415 = arith.index_cast %add3A_411 : i32 to index
      %swap3A_416 = arith.constant 80 : index
      %swap3A_417 = tpu.vector_load %arg9[%swap3A_415, %swap3A_416] {strides = array<i32>} : memref<256x128xf32, #tpu.memory_space<vmem>>, vector<16xf32>,
      tpu.vector_store %arg9[%swap3A_415, %swap3A_416], %gather3A_407 {strides = array<i32>} : memref<256x128xf32, #tpu.memory_space<vmem>>, vector<16xf32>,
      %add3A_418 = arith.constant 8 : i32
      %add3A_419 = vector.broadcast %add3A_418 : i32 to vector<16xi32>
      %add3A_420 = arith.addi %mul3A_273, %add3A_419 : vector<16xi32>
      %gather3A_421 = tpu.vector_load_idx %arg12[%add3A_420] : memref<544xf32, #tpu.memory_space<vmem>>[vector<16xi32>], vector<16xf32>,
      %add3A_422 = arith.constant 280 : i32
      %add3A_423 = vector.broadcast %add3A_422 : i32 to vector<16xi32>
      %add3A_424 = arith.addi %mul3A_273, %add3A_423 : vector<16xi32>
      %gather3A_425 = tpu.vector_load_idx %arg12[%add3A_424] : memref<544xf32, #tpu.memory_space<vmem>>[vector<16xi32>], vector<16xf32>,
      %mul3A_426 = arith.constant 16 : i32
      %mul3A_427 = arith.muli %scan3A_116, %mul3A_426 : i32
      %add3A_428 = arith.constant 8 : i32
      %add3A_429 = arith.addi %mul3A_427, %add3A_428 : i32
      %swap3A_430 = arith.index_cast %add3A_429 : i32 to index
      %swap3A_431 = arith.constant 64 : index
      %swap3A_432 = tpu.vector_load %arg9[%swap3A_430, %swap3A_431] {strides = array<i32>} : memref<256x128xf32, #tpu.memory_space<vmem>>, vector<16xf32>,
      tpu.vector_store %arg9[%swap3A_430, %swap3A_431], %gather3A_421 {strides = array<i32>} : memref<256x128xf32, #tpu.memory_space<vmem>>, vector<16xf32>,
      %swap3A_433 = arith.index_cast %add3A_429 : i32 to index
      %swap3A_434 = arith.constant 80 : index
      %swap3A_435 = tpu.vector_load %arg9[%swap3A_433, %swap3A_434] {strides = array<i32>} : memref<256x128xf32, #tpu.memory_space<vmem>>, vector<16xf32>,
      tpu.vector_store %arg9[%swap3A_433, %swap3A_434], %gather3A_425 {strides = array<i32>} : memref<256x128xf32, #tpu.memory_space<vmem>>, vector<16xf32>,
      %add3A_436 = arith.constant 9 : i32
      %add3A_437 = vector.broadcast %add3A_436 : i32 to vector<16xi32>
      %add3A_438 = arith.addi %mul3A_273, %add3A_437 : vector<16xi32>
      %gather3A_439 = tpu.vector_load_idx %arg12[%add3A_438] : memref<544xf32, #tpu.memory_space<vmem>>[vector<16xi32>], vector<16xf32>,
      %add3A_440 = arith.constant 281 : i32
      %add3A_441 = vector.broadcast %add3A_440 : i32 to vector<16xi32>
      %add3A_442 = arith.addi %mul3A_273, %add3A_441 : vector<16xi32>
      %gather3A_443 = tpu.vector_load_idx %arg12[%add3A_442] : memref<544xf32, #tpu.memory_space<vmem>>[vector<16xi32>], vector<16xf32>,
      %mul3A_444 = arith.constant 16 : i32
      %mul3A_445 = arith.muli %scan3A_116, %mul3A_444 : i32
      %add3A_446 = arith.constant 9 : i32
      %add3A_447 = arith.addi %mul3A_445, %add3A_446 : i32
      %swap3A_448 = arith.index_cast %add3A_447 : i32 to index
      %swap3A_449 = arith.constant 64 : index
      %swap3A_450 = tpu.vector_load %arg9[%swap3A_448, %swap3A_449] {strides = array<i32>} : memref<256x128xf32, #tpu.memory_space<vmem>>, vector<16xf32>,
      tpu.vector_store %arg9[%swap3A_448, %swap3A_449], %gather3A_439 {strides = array<i32>} : memref<256x128xf32, #tpu.memory_space<vmem>>, vector<16xf32>,
      %swap3A_451 = arith.index_cast %add3A_447 : i32 to index
      %swap3A_452 = arith.constant 80 : index
      %swap3A_453 = tpu.vector_load %arg9[%swap3A_451, %swap3A_452] {strides = array<i32>} : memref<256x128xf32, #tpu.memory_space<vmem>>, vector<16xf32>,
      tpu.vector_store %arg9[%swap3A_451, %swap3A_452], %gather3A_443 {strides = array<i32>} : memref<256x128xf32, #tpu.memory_space<vmem>>, vector<16xf32>,
      %add3A_454 = arith.constant 10 : i32
      %add3A_455 = vector.broadcast %add3A_454 : i32 to vector<16xi32>
      %add3A_456 = arith.addi %mul3A_273, %add3A_455 : vector<16xi32>
      %gather3A_457 = tpu.vector_load_idx %arg12[%add3A_456] : memref<544xf32, #tpu.memory_space<vmem>>[vector<16xi32>], vector<16xf32>,
      %add3A_458 = arith.constant 282 : i32
      %add3A_459 = vector.broadcast %add3A_458 : i32 to vector<16xi32>
      %add3A_460 = arith.addi %mul3A_273, %add3A_459 : vector<16xi32>
      %gather3A_461 = tpu.vector_load_idx %arg12[%add3A_460] : memref<544xf32, #tpu.memory_space<vmem>>[vector<16xi32>], vector<16xf32>,
      %mul3A_462 = arith.constant 16 : i32
      %mul3A_463 = arith.muli %scan3A_116, %mul3A_462 : i32
      %add3A_464 = arith.constant 10 : i32
      %add3A_465 = arith.addi %mul3A_463, %add3A_464 : i32
      %swap3A_466 = arith.index_cast %add3A_465 : i32 to index
      %swap3A_467 = arith.constant 64 : index
      %swap3A_468 = tpu.vector_load %arg9[%swap3A_466, %swap3A_467] {strides = array<i32>} : memref<256x128xf32, #tpu.memory_space<vmem>>, vector<16xf32>,
      tpu.vector_store %arg9[%swap3A_466, %swap3A_467], %gather3A_457 {strides = array<i32>} : memref<256x128xf32, #tpu.memory_space<vmem>>, vector<16xf32>,
      %swap3A_469 = arith.index_cast %add3A_465 : i32 to index
      %swap3A_470 = arith.constant 80 : index
      %swap3A_471 = tpu.vector_load %arg9[%swap3A_469, %swap3A_470] {strides = array<i32>} : memref<256x128xf32, #tpu.memory_space<vmem>>, vector<16xf32>,
      tpu.vector_store %arg9[%swap3A_469, %swap3A_470], %gather3A_461 {strides = array<i32>} : memref<256x128xf32, #tpu.memory_space<vmem>>, vector<16xf32>,
      %add3A_472 = arith.constant 11 : i32
      %add3A_473 = vector.broadcast %add3A_472 : i32 to vector<16xi32>
      %add3A_474 = arith.addi %mul3A_273, %add3A_473 : vector<16xi32>
      %gather3A_475 = tpu.vector_load_idx %arg12[%add3A_474] : memref<544xf32, #tpu.memory_space<vmem>>[vector<16xi32>], vector<16xf32>,
      %add3A_476 = arith.constant 283 : i32
      %add3A_477 = vector.broadcast %add3A_476 : i32 to vector<16xi32>
      %add3A_478 = arith.addi %mul3A_273, %add3A_477 : vector<16xi32>
      %gather3A_479 = tpu.vector_load_idx %arg12[%add3A_478] : memref<544xf32, #tpu.memory_space<vmem>>[vector<16xi32>], vector<16xf32>,
      %mul3A_480 = arith.constant 16 : i32
      %mul3A_481 = arith.muli %scan3A_116, %mul3A_480 : i32
      %add3A_482 = arith.constant 11 : i32
      %add3A_483 = arith.addi %mul3A_481, %add3A_482 : i32
      %swap3A_484 = arith.index_cast %add3A_483 : i32 to index
      %swap3A_485 = arith.constant 64 : index
      %swap3A_486 = tpu.vector_load %arg9[%swap3A_484, %swap3A_485] {strides = array<i32>} : memref<256x128xf32, #tpu.memory_space<vmem>>, vector<16xf32>,
      tpu.vector_store %arg9[%swap3A_484, %swap3A_485], %gather3A_475 {strides = array<i32>} : memref<256x128xf32, #tpu.memory_space<vmem>>, vector<16xf32>,
      %swap3A_487 = arith.index_cast %add3A_483 : i32 to index
      %swap3A_488 = arith.constant 80 : index
      %swap3A_489 = tpu.vector_load %arg9[%swap3A_487, %swap3A_488] {strides = array<i32>} : memref<256x128xf32, #tpu.memory_space<vmem>>, vector<16xf32>,
      tpu.vector_store %arg9[%swap3A_487, %swap3A_488], %gather3A_479 {strides = array<i32>} : memref<256x128xf32, #tpu.memory_space<vmem>>, vector<16xf32>,
      %add3A_490 = arith.constant 12 : i32
      %add3A_491 = vector.broadcast %add3A_490 : i32 to vector<16xi32>
      %add3A_492 = arith.addi %mul3A_273, %add3A_491 : vector<16xi32>
      %gather3A_493 = tpu.vector_load_idx %arg12[%add3A_492] : memref<544xf32, #tpu.memory_space<vmem>>[vector<16xi32>], vector<16xf32>,
      %add3A_494 = arith.constant 284 : i32
      %add3A_495 = vector.broadcast %add3A_494 : i32 to vector<16xi32>
      %add3A_496 = arith.addi %mul3A_273, %add3A_495 : vector<16xi32>
      %gather3A_497 = tpu.vector_load_idx %arg12[%add3A_496] : memref<544xf32, #tpu.memory_space<vmem>>[vector<16xi32>], vector<16xf32>,
      %mul3A_498 = arith.constant 16 : i32
      %mul3A_499 = arith.muli %scan3A_116, %mul3A_498 : i32
      %add3A_500 = arith.constant 12 : i32
      %add3A_501 = arith.addi %mul3A_499, %add3A_500 : i32
      %swap3A_502 = arith.index_cast %add3A_501 : i32 to index
      %swap3A_503 = arith.constant 64 : index
      %swap3A_504 = tpu.vector_load %arg9[%swap3A_502, %swap3A_503] {strides = array<i32>} : memref<256x128xf32, #tpu.memory_space<vmem>>, vector<16xf32>,
      tpu.vector_store %arg9[%swap3A_502, %swap3A_503], %gather3A_493 {strides = array<i32>} : memref<256x128xf32, #tpu.memory_space<vmem>>, vector<16xf32>,
      %swap3A_505 = arith.index_cast %add3A_501 : i32 to index
      %swap3A_506 = arith.constant 80 : index
      %swap3A_507 = tpu.vector_load %arg9[%swap3A_505, %swap3A_506] {strides = array<i32>} : memref<256x128xf32, #tpu.memory_space<vmem>>, vector<16xf32>,
      tpu.vector_store %arg9[%swap3A_505, %swap3A_506], %gather3A_497 {strides = array<i32>} : memref<256x128xf32, #tpu.memory_space<vmem>>, vector<16xf32>,
      %add3A_508 = arith.constant 13 : i32
      %add3A_509 = vector.broadcast %add3A_508 : i32 to vector<16xi32>
      %add3A_510 = arith.addi %mul3A_273, %add3A_509 : vector<16xi32>
      %gather3A_511 = tpu.vector_load_idx %arg12[%add3A_510] : memref<544xf32, #tpu.memory_space<vmem>>[vector<16xi32>], vector<16xf32>,
      %add3A_512 = arith.constant 285 : i32
      %add3A_513 = vector.broadcast %add3A_512 : i32 to vector<16xi32>
      %add3A_514 = arith.addi %mul3A_273, %add3A_513 : vector<16xi32>
      %gather3A_515 = tpu.vector_load_idx %arg12[%add3A_514] : memref<544xf32, #tpu.memory_space<vmem>>[vector<16xi32>], vector<16xf32>,
      %mul3A_516 = arith.constant 16 : i32
      %mul3A_517 = arith.muli %scan3A_116, %mul3A_516 : i32
      %add3A_518 = arith.constant 13 : i32
      %add3A_519 = arith.addi %mul3A_517, %add3A_518 : i32
      %swap3A_520 = arith.index_cast %add3A_519 : i32 to index
      %swap3A_521 = arith.constant 64 : index
      %swap3A_522 = tpu.vector_load %arg9[%swap3A_520, %swap3A_521] {strides = array<i32>} : memref<256x128xf32, #tpu.memory_space<vmem>>, vector<16xf32>,
      tpu.vector_store %arg9[%swap3A_520, %swap3A_521], %gather3A_511 {strides = array<i32>} : memref<256x128xf32, #tpu.memory_space<vmem>>, vector<16xf32>,
      %swap3A_523 = arith.index_cast %add3A_519 : i32 to index
      %swap3A_524 = arith.constant 80 : index
      %swap3A_525 = tpu.vector_load %arg9[%swap3A_523, %swap3A_524] {strides = array<i32>} : memref<256x128xf32, #tpu.memory_space<vmem>>, vector<16xf32>,
      tpu.vector_store %arg9[%swap3A_523, %swap3A_524], %gather3A_515 {strides = array<i32>} : memref<256x128xf32, #tpu.memory_space<vmem>>, vector<16xf32>,
      %add3A_526 = arith.constant 14 : i32
      %add3A_527 = vector.broadcast %add3A_526 : i32 to vector<16xi32>
      %add3A_528 = arith.addi %mul3A_273, %add3A_527 : vector<16xi32>
      %gather3A_529 = tpu.vector_load_idx %arg12[%add3A_528] : memref<544xf32, #tpu.memory_space<vmem>>[vector<16xi32>], vector<16xf32>,
      %add3A_530 = arith.constant 286 : i32
      %add3A_531 = vector.broadcast %add3A_530 : i32 to vector<16xi32>
      %add3A_532 = arith.addi %mul3A_273, %add3A_531 : vector<16xi32>
      %gather3A_533 = tpu.vector_load_idx %arg12[%add3A_532] : memref<544xf32, #tpu.memory_space<vmem>>[vector<16xi32>], vector<16xf32>,
      %mul3A_534 = arith.constant 16 : i32
      %mul3A_535 = arith.muli %scan3A_116, %mul3A_534 : i32
      %add3A_536 = arith.constant 14 : i32
      %add3A_537 = arith.addi %mul3A_535, %add3A_536 : i32
      %swap3A_538 = arith.index_cast %add3A_537 : i32 to index
      %swap3A_539 = arith.constant 64 : index
      %swap3A_540 = tpu.vector_load %arg9[%swap3A_538, %swap3A_539] {strides = array<i32>} : memref<256x128xf32, #tpu.memory_space<vmem>>, vector<16xf32>,
      tpu.vector_store %arg9[%swap3A_538, %swap3A_539], %gather3A_529 {strides = array<i32>} : memref<256x128xf32, #tpu.memory_space<vmem>>, vector<16xf32>,
      %swap3A_541 = arith.index_cast %add3A_537 : i32 to index
      %swap3A_542 = arith.constant 80 : index
      %swap3A_543 = tpu.vector_load %arg9[%swap3A_541, %swap3A_542] {strides = array<i32>} : memref<256x128xf32, #tpu.memory_space<vmem>>, vector<16xf32>,
      tpu.vector_store %arg9[%swap3A_541, %swap3A_542], %gather3A_533 {strides = array<i32>} : memref<256x128xf32, #tpu.memory_space<vmem>>, vector<16xf32>,
      %add3A_544 = arith.constant 15 : i32
      %add3A_545 = vector.broadcast %add3A_544 : i32 to vector<16xi32>
      %add3A_546 = arith.addi %mul3A_273, %add3A_545 : vector<16xi32>
      %gather3A_547 = tpu.vector_load_idx %arg12[%add3A_546] : memref<544xf32, #tpu.memory_space<vmem>>[vector<16xi32>], vector<16xf32>,
      %add3A_548 = arith.constant 287 : i32
      %add3A_549 = vector.broadcast %add3A_548 : i32 to vector<16xi32>
      %add3A_550 = arith.addi %mul3A_273, %add3A_549 : vector<16xi32>
      %gather3A_551 = tpu.vector_load_idx %arg12[%add3A_550] : memref<544xf32, #tpu.memory_space<vmem>>[vector<16xi32>], vector<16xf32>,
      %mul3A_552 = arith.constant 16 : i32
      %mul3A_553 = arith.muli %scan3A_116, %mul3A_552 : i32
      %add3A_554 = arith.constant 15 : i32
      %add3A_555 = arith.addi %mul3A_553, %add3A_554 : i32
      %swap3A_556 = arith.index_cast %add3A_555 : i32 to index
      %swap3A_557 = arith.constant 64 : index
      %swap3A_558 = tpu.vector_load %arg9[%swap3A_556, %swap3A_557] {strides = array<i32>} : memref<256x128xf32, #tpu.memory_space<vmem>>, vector<16xf32>,
      tpu.vector_store %arg9[%swap3A_556, %swap3A_557], %gather3A_547 {strides = array<i32>} : memref<256x128xf32, #tpu.memory_space<vmem>>, vector<16xf32>,
      %swap3A_559 = arith.index_cast %add3A_555 : i32 to index
      %swap3A_560 = arith.constant 80 : index
      %swap3A_561 = tpu.vector_load %arg9[%swap3A_559, %swap3A_560] {strides = array<i32>} : memref<256x128xf32, #tpu.memory_space<vmem>>, vector<16xf32>,
      tpu.vector_store %arg9[%swap3A_559, %swap3A_560], %gather3A_551 {strides = array<i32>} : memref<256x128xf32, #tpu.memory_space<vmem>>, vector<16xf32>,
    }
    %scan3A_67 = arith.constant 16 : i32
    %add3A_68 = arith.constant 0 : i32
    %add3A_69 = arith.addi %mul3A_2, %add3A_68 : i32
    %dma_start3A_70 = arith.constant 0 : i32
    %dma_start3A_71 = tpu.memref_slice %arg5[%add3A_69, %dma_start3A_70] : memref<819200x128xf32, #tpu.memory_space<hbm>> -> memref<256x128xf32, #tpu.memory_space<hbm>>
    %dma_start3A_72 = arith.constant 0 : i32
    %dma_start3A_73 = tpu.memref_slice %arg5[%add3A_69, %dma_start3A_72] : memref<819200x128xf32, #tpu.memory_space<hbm>> -> memref<256x128xf32, #tpu.memory_space<hbm>>
    tpu.enqueue_dma source(%arg9 : memref<256x128xf32, #tpu.memory_space<vmem>>) target(%dma_start3A_73 : memref<256x128xf32, #tpu.memory_space<hbm>>) target_semaphore(%arg16 : memref<!tpu.dma_semaphore, #tpu.memory_space<semaphore_mem>>)
    %scan3A_74 = arith.constant 0 : i32
    %scan3A_75 = arith.constant 0 : i32
    %scan3A_76 = arith.constant 49 : i32
    %scan3A_77 = arith.addi %scan3A_75, %scan3A_76 : i32
    %scan3A_78 = arith.constant 1 : i32
    scf.for %scan3A_116 = %scan3A_75 to %scan3A_77 step %scan3A_78  : i32 {
      %mul3A_117 = arith.constant 2 : i32
      %mul3A_118 = arith.muli %mul3A_117, %scan3A_116 : i32
      %dma_wait3A_119 = arith.constant 0 : i32
      %dma_wait3A_120 = tpu.memref_slice %arg5[%mul3A_2, %dma_wait3A_119] : memref<819200x128xf32, #tpu.memory_space<hbm>> -> memref<256x128xf32, #tpu.memory_space<hbm>>
      %dma_wait3A_121 = arith.constant 0 : i32
      %dma_wait3A_122 = tpu.memref_slice %arg5[%mul3A_2, %dma_wait3A_121] : memref<819200x128xf32, #tpu.memory_space<hbm>> -> memref<256x128xf32, #tpu.memory_space<hbm>>
      tpu.wait_dma2 semaphore(%arg16 : memref<!tpu.dma_semaphore, #tpu.memory_space<semaphore_mem>>) src(%arg9 : memref<256x128xf32, #tpu.memory_space<vmem>>) dst(%dma_wait3A_122 : memref<256x128xf32, #tpu.memory_space<hbm>>)
      %add3A_123 = arith.constant 2 : i32
      %add3A_124 = arith.addi %mul3A_118, %add3A_123 : i32
      %scan3A_125 = arith.constant 0 : i32
      %scan3A_126 = arith.constant 0 : i32
      %scan3A_127 = arith.constant 16 : i32
      %scan3A_128 = arith.addi %scan3A_126, %scan3A_127 : i32
      %scan3A_129 = arith.constant 1 : i32
      scf.for %scan3A_237 = %scan3A_126 to %scan3A_128 step %scan3A_129  : i32 {
        %mul3A_238 = arith.constant 256 : i32
        %mul3A_239 = arith.muli %add3A_124, %mul3A_238 : i32
        %mul3A_240 = arith.constant 16 : i32
        %mul3A_241 = arith.muli %scan3A_237, %mul3A_240 : i32
        %add3A_242 = arith.addi %mul3A_239, %mul3A_241 : i32
        %get3A = arith.index_cast %add3A_242 : i32 to index
        %get3A_243 = tpu.vector_load %arg6[%get3A] {strides = array<i32>} : memref<25600xf32, #tpu.memory_space<vmem>>, vector<16xf32>,
        %mul3A_244 = arith.constant 2.048000e+03 : f32
        %mul3A_245 = vector.broadcast %mul3A_244 : f32 to vector<16xf32>
        %mul3A_246 = arith.mulf %get3A_243, %mul3A_245 : vector<16xf32>
        %add3A_247 = arith.constant 5.000000e-01 : f32
        %add3A_248 = vector.broadcast %add3A_247 : f32 to vector<16xf32>
        %add3A_249 = arith.addf %mul3A_246, %add3A_248 : vector<16xf32>
        %convert_element_type3A_250 = arith.fptosi %add3A_249 : vector<16xf32> to vector<16xi32>
        %convert_element_type3A_251 = arith.sitofp %convert_element_type3A_250 : vector<16xi32> to vector<16xf32>
        %eq3A_252 = arith.cmpf oeq, %add3A_249, %convert_element_type3A_251 : vector<16xf32>
        %and3A = arith.constant 1 : i32
        %and3A_253 = vector.broadcast %and3A : i32 to vector<16xi32>
        %and3A_254 = arith.andi %convert_element_type3A_250, %and3A_253 : vector<16xi32>
        %eq3A_255 = arith.constant 1 : i32
        %eq3A_256 = vector.broadcast %eq3A_255 : i32 to vector<16xi32>
        %eq3A_257 = arith.cmpi eq, %and3A_254, %eq3A_256 : vector<16xi32>
        %and3A_258 = arith.andi %eq3A_252, %eq3A_257 : vector<16xi1>
        %sub3A = arith.constant 1 : i32
        %sub3A_259 = vector.broadcast %sub3A : i32 to vector<16xi32>
        %sub3A_260 = arith.subi %convert_element_type3A_250, %sub3A_259 : vector<16xi32>
        %select_n3A = arith.select %and3A_258, %sub3A_260, %convert_element_type3A_250 : vector<16xi1>, vector<16xi32>
        %mul3A_261 = arith.constant 16 : i32
        %mul3A_262 = arith.muli %scan3A_237, %mul3A_261 : i32
        %swap3A = arith.index_cast %mul3A_262 : i32 to index
        %swap3A_263 = tpu.vector_load %arg7[%swap3A] {strides = array<i32>} : memref<256xi32, #tpu.memory_space<vmem>>, vector<16xi32>,
        tpu.vector_store %arg7[%swap3A], %select_n3A {strides = array<i32>} : memref<256xi32, #tpu.memory_space<vmem>>, vector<16xi32>,
      }
      %scan3A_130 = arith.constant 16 : i32
      %dma_start3A_131 = arith.constant 0 : i32
      %dma_start3A_132 = arith.constant 0 : i32
      %dma_start3A_133 = tpu.memref_slice %arg9[%dma_start3A_131, %dma_start3A_132] : memref<256x128xf32, #tpu.memory_space<vmem>> -> memref<128x128xf32, #tpu.memory_space<vmem>>
      %dma_start3A_134 = arith.constant 0 : i32
      %dma_start3A_135 = tpu.memref_slice %arg7[%dma_start3A_134] : memref<256xi32, #tpu.memory_space<vmem>> -> memref<128xi32, #tpu.memory_space<vmem>>
      %dma_start3A_136 = arith.constant 0 : i32
      %dma_start3A_137 = arith.constant 0 : i32
      %dma_start3A_138 = tpu.memref_slice %arg11[%dma_start3A_136, %dma_start3A_137] : memref<2048x128xf32, #tpu.memory_space<vmem_shared>> -> memref<2048x128xf32, #tpu.memory_space<vmem_shared>>
      tpu.enqueue_indirect_dma source(%dma_start3A_138 : memref<2048x128xf32, #tpu.memory_space<vmem_shared>>) target(%dma_start3A_133 : memref<128x128xf32, #tpu.memory_space<vmem>>) offsets(%dma_start3A_135 : memref<128xi32, #tpu.memory_space<vmem>>) semaphore(%arg14 : memref<!tpu.dma_semaphore, #tpu.memory_space<semaphore_mem>>)
      %dma_start3A_139 = arith.constant 128 : i32
      %dma_start3A_140 = arith.constant 0 : i32
      %dma_start3A_141 = tpu.memref_slice %arg9[%dma_start3A_139, %dma_start3A_140] : memref<256x128xf32, #tpu.memory_space<vmem>> -> memref<128x128xf32, #tpu.memory_space<vmem>>
      %dma_start3A_142 = arith.constant 128 : i32
      %dma_start3A_143 = tpu.memref_slice %arg7[%dma_start3A_142] : memref<256xi32, #tpu.memory_space<vmem>> -> memref<128xi32, #tpu.memory_space<vmem>>
      %dma_start3A_144 = arith.constant 0 : i32
      %dma_start3A_145 = arith.constant 0 : i32
      %dma_start3A_146 = tpu.memref_slice %arg11[%dma_start3A_144, %dma_start3A_145] : memref<2048x128xf32, #tpu.memory_space<vmem_shared>> -> memref<2048x128xf32, #tpu.memory_space<vmem_shared>>
      tpu.enqueue_indirect_dma source(%dma_start3A_146 : memref<2048x128xf32, #tpu.memory_space<vmem_shared>>) target(%dma_start3A_141 : memref<128x128xf32, #tpu.memory_space<vmem>>) offsets(%dma_start3A_143 : memref<128xi32, #tpu.memory_space<vmem>>) semaphore(%arg14 : memref<!tpu.dma_semaphore, #tpu.memory_space<semaphore_mem>>)
      %add3A_147 = arith.constant 1 : i32
      %add3A_148 = arith.addi %mul3A_118, %add3A_147 : i32
      %dma_wait3A_149 = arith.constant 0 : i32
      %dma_wait3A_150 = arith.constant 0 : i32
      %dma_wait3A_151 = tpu.memref_slice %arg10[%dma_wait3A_149, %dma_wait3A_150] : memref<256x128xf32, #tpu.memory_space<vmem>> -> memref<128x128xf32, #tpu.memory_space<vmem>>
      %dma_wait3A_152 = arith.constant 0 : i32
      %dma_wait3A_153 = tpu.memref_slice %arg8[%dma_wait3A_152] : memref<256xi32, #tpu.memory_space<vmem>> -> memref<128xi32, #tpu.memory_space<vmem>>
      %dma_wait3A_154 = arith.constant 0 : i32
      %dma_wait3A_155 = arith.constant 0 : i32
      %dma_wait3A_156 = tpu.memref_slice %arg11[%dma_wait3A_154, %dma_wait3A_155] : memref<2048x128xf32, #tpu.memory_space<vmem_shared>> -> memref<2048x128xf32, #tpu.memory_space<vmem_shared>>
      tpu.wait_indirect_dma semaphore(%arg15 : memref<!tpu.dma_semaphore, #tpu.memory_space<semaphore_mem>>) src(%dma_wait3A_156 : memref<2048x128xf32, #tpu.memory_space<vmem_shared>>) dst(%dma_wait3A_151 : memref<128x128xf32, #tpu.memory_space<vmem>>)
      %dma_wait3A_157 = arith.constant 128 : i32
      %dma_wait3A_158 = arith.constant 0 : i32
      %dma_wait3A_159 = tpu.memref_slice %arg10[%dma_wait3A_157, %dma_wait3A_158] : memref<256x128xf32, #tpu.memory_space<vmem>> -> memref<128x128xf32, #tpu.memory_space<vmem>>
      %dma_wait3A_160 = arith.constant 128 : i32
      %dma_wait3A_161 = tpu.memref_slice %arg8[%dma_wait3A_160] : memref<256xi32, #tpu.memory_space<vmem>> -> memref<128xi32, #tpu.memory_space<vmem>>
      %dma_wait3A_162 = arith.constant 0 : i32
      %dma_wait3A_163 = arith.constant 0 : i32
      %dma_wait3A_164 = tpu.memref_slice %arg11[%dma_wait3A_162, %dma_wait3A_163] : memref<2048x128xf32, #tpu.memory_space<vmem_shared>> -> memref<2048x128xf32, #tpu.memory_space<vmem_shared>>
      tpu.wait_indirect_dma semaphore(%arg15 : memref<!tpu.dma_semaphore, #tpu.memory_space<semaphore_mem>>) src(%dma_wait3A_164 : memref<2048x128xf32, #tpu.memory_space<vmem_shared>>) dst(%dma_wait3A_159 : memref<128x128xf32, #tpu.memory_space<vmem>>)
      %scan3A_165 = arith.constant 0 : i32
      %scan3A_166 = arith.constant 0 : i32
      %scan3A_167 = arith.constant 16 : i32
      %scan3A_168 = arith.addi %scan3A_166, %scan3A_167 : i32
      %scan3A_169 = arith.constant 1 : i32
      scf.for %scan3A_237 = %scan3A_166 to %scan3A_168 step %scan3A_169  : i32 {
        %mul3A_238 = arith.constant 256 : i32
        %mul3A_239 = arith.muli %add3A_148, %mul3A_238 : i32
        %mul3A_240 = arith.constant 16 : i32
        %mul3A_241 = arith.muli %scan3A_237, %mul3A_240 : i32
        %add3A_242 = arith.addi %mul3A_239, %mul3A_241 : i32
        %get3A = arith.index_cast %add3A_242 : i32 to index
        %get3A_243 = tpu.vector_load %arg6[%get3A] {strides = array<i32>} : memref<25600xf32, #tpu.memory_space<vmem>>, vector<16xf32>,
        %mul3A_244 = arith.constant 2.048000e+03 : f32
        %mul3A_245 = vector.broadcast %mul3A_244 : f32 to vector<16xf32>
        %mul3A_246 = arith.mulf %get3A_243, %mul3A_245 : vector<16xf32>
        %mul3A_247 = arith.constant 16 : i32
        %mul3A_248 = arith.muli %scan3A_237, %mul3A_247 : i32
        %get3A_249 = arith.index_cast %mul3A_248 : i32 to index
        %get3A_250 = tpu.vector_load %arg8[%get3A_249] {strides = array<i32>} : memref<256xi32, #tpu.memory_space<vmem>>, vector<16xi32>,
        %convert_element_type3A_251 = arith.sitofp %get3A_250 : vector<16xi32> to vector<16xf32>
        %sub3A = arith.subf %mul3A_246, %convert_element_type3A_251 : vector<16xf32>
        %mul3A_252 = arith.constant 0.00153398083 : f32
        %mul3A_253 = vector.broadcast %mul3A_252 : f32 to vector<16xf32>
        %mul3A_254 = arith.mulf %sub3A, %mul3A_253 : vector<16xf32>
        %add3A_255 = arith.addi %get3A_250, %get3A_250 : vector<16xi32>
        %gather3A = tpu.vector_load_idx %arg13[%add3A_255] : memref<4096xf32, #tpu.memory_space<vmem>>[vector<16xi32>], vector<16xf32>,
        %add3A_256 = arith.constant 1 : i32
        %add3A_257 = vector.broadcast %add3A_256 : i32 to vector<16xi32>
        %add3A_258 = arith.addi %add3A_255, %add3A_257 : vector<16xi32>
        %gather3A_259 = tpu.vector_load_idx %arg13[%add3A_258] : memref<4096xf32, #tpu.memory_space<vmem>>[vector<16xi32>], vector<16xf32>,
        %mul3A_260 = arith.mulf %mul3A_254, %mul3A_254 : vector<16xf32>
        %mul3A_261 = arith.constant 5.000000e-01 : f32
        %mul3A_262 = vector.broadcast %mul3A_261 : f32 to vector<16xf32>
        %mul3A_263 = arith.mulf %mul3A_262, %mul3A_260 : vector<16xf32>
        %sub3A_264 = arith.constant 1.000000e+00 : f32
        %sub3A_265 = vector.broadcast %sub3A_264 : f32 to vector<16xf32>
        %sub3A_266 = arith.subf %sub3A_265, %mul3A_263 : vector<16xf32>
        %mul3A_267 = arith.mulf %gather3A, %sub3A_266 : vector<16xf32>
        %mul3A_268 = arith.mulf %gather3A_259, %mul3A_254 : vector<16xf32>
        %add3A_269 = arith.addf %mul3A_267, %mul3A_268 : vector<16xf32>
        %mul3A_270 = arith.mulf %gather3A_259, %sub3A_266 : vector<16xf32>
        %mul3A_271 = arith.mulf %gather3A, %mul3A_254 : vector<16xf32>
        %sub3A_272 = arith.subf %mul3A_270, %mul3A_271 : vector<16xf32>
        %swap3A = arith.constant 0 : index
        %swap3A_273 = tpu.vector_load %arg12[%swap3A] {strides = array<i32>} : memref<544xf32, #tpu.memory_space<vmem>>, vector<16xf32>,
        tpu.vector_store %arg12[%swap3A], %add3A_269 {strides = array<i32>} : memref<544xf32, #tpu.memory_space<vmem>>, vector<16xf32>,
        %swap3A_274 = arith.constant 187 : index
        %swap3A_275 = tpu.vector_load %arg12[%swap3A_274] {strides = array<i32>} : memref<544xf32, #tpu.memory_space<vmem>>, vector<16xf32>,
        tpu.vector_store %arg12[%swap3A_274], %sub3A_272 {strides = array<i32>} : memref<544xf32, #tpu.memory_space<vmem>>, vector<16xf32>,
        %mul3A_276 = arith.mulf %add3A_269, %sub3A_272 : vector<16xf32>
        %mul3A_277 = arith.mulf %add3A_269, %add3A_269 : vector<16xf32>
        %add3A_278 = arith.addf %mul3A_276, %mul3A_276 : vector<16xf32>
        %add3A_279 = arith.addf %mul3A_277, %mul3A_277 : vector<16xf32>
        %sub3A_280 = arith.constant 1.000000e+00 : f32
        %sub3A_281 = vector.broadcast %sub3A_280 : f32 to vector<16xf32>
        %sub3A_282 = arith.subf %sub3A_281, %add3A_279 : vector<16xf32>
        %swap3A_283 = arith.constant 17 : index
        %swap3A_284 = tpu.vector_load %arg12[%swap3A_283] {strides = array<i32>} : memref<544xf32, #tpu.memory_space<vmem>>, vector<16xf32>,
        tpu.vector_store %arg12[%swap3A_283], %add3A_278 {strides = array<i32>} : memref<544xf32, #tpu.memory_space<vmem>>, vector<16xf32>,
        %swap3A_285 = arith.constant 204 : index
        %swap3A_286 = tpu.vector_load %arg12[%swap3A_285] {strides = array<i32>} : memref<544xf32, #tpu.memory_space<vmem>>, vector<16xf32>,
        tpu.vector_store %arg12[%swap3A_285], %sub3A_282 {strides = array<i32>} : memref<544xf32, #tpu.memory_space<vmem>>, vector<16xf32>,
        %mul3A_287 = arith.mulf %add3A_278, %sub3A_282 : vector<16xf32>
        %mul3A_288 = arith.mulf %add3A_278, %add3A_278 : vector<16xf32>
        %add3A_289 = arith.addf %mul3A_287, %mul3A_287 : vector<16xf32>
        %add3A_290 = arith.addf %mul3A_288, %mul3A_288 : vector<16xf32>
        %sub3A_291 = arith.constant 1.000000e+00 : f32
        %sub3A_292 = vector.broadcast %sub3A_291 : f32 to vector<16xf32>
        %sub3A_293 = arith.subf %sub3A_292, %add3A_290 : vector<16xf32>
        %swap3A_294 = arith.constant 34 : index
        %swap3A_295 = tpu.vector_load %arg12[%swap3A_294] {strides = array<i32>} : memref<544xf32, #tpu.memory_space<vmem>>, vector<16xf32>,
        tpu.vector_store %arg12[%swap3A_294], %add3A_289 {strides = array<i32>} : memref<544xf32, #tpu.memory_space<vmem>>, vector<16xf32>,
        %swap3A_296 = arith.constant 221 : index
        %swap3A_297 = tpu.vector_load %arg12[%swap3A_296] {strides = array<i32>} : memref<544xf32, #tpu.memory_space<vmem>>, vector<16xf32>,
        tpu.vector_store %arg12[%swap3A_296], %sub3A_293 {strides = array<i32>} : memref<544xf32, #tpu.memory_space<vmem>>, vector<16xf32>,
        %mul3A_298 = arith.mulf %add3A_289, %sub3A_293 : vector<16xf32>
        %mul3A_299 = arith.mulf %add3A_289, %add3A_289 : vector<16xf32>
        %add3A_300 = arith.addf %mul3A_298, %mul3A_298 : vector<16xf32>
        %add3A_301 = arith.addf %mul3A_299, %mul3A_299 : vector<16xf32>
        %sub3A_302 = arith.constant 1.000000e+00 : f32
        %sub3A_303 = vector.broadcast %sub3A_302 : f32 to vector<16xf32>
        %sub3A_304 = arith.subf %sub3A_303, %add3A_301 : vector<16xf32>
        %swap3A_305 = arith.constant 51 : index
        %swap3A_306 = tpu.vector_load %arg12[%swap3A_305] {strides = array<i32>} : memref<544xf32, #tpu.memory_space<vmem>>, vector<16xf32>,
        tpu.vector_store %arg12[%swap3A_305], %add3A_300 {strides = array<i32>} : memref<544xf32, #tpu.memory_space<vmem>>, vector<16xf32>,
        %swap3A_307 = arith.constant 238 : index
        %swap3A_308 = tpu.vector_load %arg12[%swap3A_307] {strides = array<i32>} : memref<544xf32, #tpu.memory_space<vmem>>, vector<16xf32>,
        tpu.vector_store %arg12[%swap3A_307], %sub3A_304 {strides = array<i32>} : memref<544xf32, #tpu.memory_space<vmem>>, vector<16xf32>,
        %mul3A_309 = arith.mulf %add3A_300, %sub3A_304 : vector<16xf32>
        %mul3A_310 = arith.mulf %add3A_300, %add3A_300 : vector<16xf32>
        %add3A_311 = arith.addf %mul3A_309, %mul3A_309 : vector<16xf32>
        %add3A_312 = arith.addf %mul3A_310, %mul3A_310 : vector<16xf32>
        %sub3A_313 = arith.constant 1.000000e+00 : f32
        %sub3A_314 = vector.broadcast %sub3A_313 : f32 to vector<16xf32>
        %sub3A_315 = arith.subf %sub3A_314, %add3A_312 : vector<16xf32>
        %swap3A_316 = arith.constant 68 : index
        %swap3A_317 = tpu.vector_load %arg12[%swap3A_316] {strides = array<i32>} : memref<544xf32, #tpu.memory_space<vmem>>, vector<16xf32>,
        tpu.vector_store %arg12[%swap3A_316], %add3A_311 {strides = array<i32>} : memref<544xf32, #tpu.memory_space<vmem>>, vector<16xf32>,
        %swap3A_318 = arith.constant 255 : index
        %swap3A_319 = tpu.vector_load %arg12[%swap3A_318] {strides = array<i32>} : memref<544xf32, #tpu.memory_space<vmem>>, vector<16xf32>,
        tpu.vector_store %arg12[%swap3A_318], %sub3A_315 {strides = array<i32>} : memref<544xf32, #tpu.memory_space<vmem>>, vector<16xf32>,
        %mul3A_320 = arith.mulf %add3A_311, %sub3A_315 : vector<16xf32>
        %mul3A_321 = arith.mulf %add3A_311, %add3A_311 : vector<16xf32>
        %add3A_322 = arith.addf %mul3A_320, %mul3A_320 : vector<16xf32>
        %add3A_323 = arith.addf %mul3A_321, %mul3A_321 : vector<16xf32>
        %sub3A_324 = arith.constant 1.000000e+00 : f32
        %sub3A_325 = vector.broadcast %sub3A_324 : f32 to vector<16xf32>
        %sub3A_326 = arith.subf %sub3A_325, %add3A_323 : vector<16xf32>
        %swap3A_327 = arith.constant 85 : index
        %swap3A_328 = tpu.vector_load %arg12[%swap3A_327] {strides = array<i32>} : memref<544xf32, #tpu.memory_space<vmem>>, vector<16xf32>,
        tpu.vector_store %arg12[%swap3A_327], %add3A_322 {strides = array<i32>} : memref<544xf32, #tpu.memory_space<vmem>>, vector<16xf32>,
        %swap3A_329 = arith.constant 272 : index
        %swap3A_330 = tpu.vector_load %arg12[%swap3A_329] {strides = array<i32>} : memref<544xf32, #tpu.memory_space<vmem>>, vector<16xf32>,
        tpu.vector_store %arg12[%swap3A_329], %sub3A_326 {strides = array<i32>} : memref<544xf32, #tpu.memory_space<vmem>>, vector<16xf32>,
        %mul3A_331 = arith.mulf %add3A_322, %sub3A_326 : vector<16xf32>
        %mul3A_332 = arith.mulf %add3A_322, %add3A_322 : vector<16xf32>
        %add3A_333 = arith.addf %mul3A_331, %mul3A_331 : vector<16xf32>
        %add3A_334 = arith.addf %mul3A_332, %mul3A_332 : vector<16xf32>
        %sub3A_335 = arith.constant 1.000000e+00 : f32
        %sub3A_336 = vector.broadcast %sub3A_335 : f32 to vector<16xf32>
        %sub3A_337 = arith.subf %sub3A_336, %add3A_334 : vector<16xf32>
        %swap3A_338 = arith.constant 102 : index
        %swap3A_339 = tpu.vector_load %arg12[%swap3A_338] {strides = array<i32>} : memref<544xf32, #tpu.memory_space<vmem>>, vector<16xf32>,
        tpu.vector_store %arg12[%swap3A_338], %add3A_333 {strides = array<i32>} : memref<544xf32, #tpu.memory_space<vmem>>, vector<16xf32>,
        %swap3A_340 = arith.constant 289 : index
        %swap3A_341 = tpu.vector_load %arg12[%swap3A_340] {strides = array<i32>} : memref<544xf32, #tpu.memory_space<vmem>>, vector<16xf32>,
        tpu.vector_store %arg12[%swap3A_340], %sub3A_337 {strides = array<i32>} : memref<544xf32, #tpu.memory_space<vmem>>, vector<16xf32>,
        %mul3A_342 = arith.mulf %add3A_333, %sub3A_337 : vector<16xf32>
        %mul3A_343 = arith.mulf %add3A_333, %add3A_333 : vector<16xf32>
        %add3A_344 = arith.addf %mul3A_342, %mul3A_342 : vector<16xf32>
        %add3A_345 = arith.addf %mul3A_343, %mul3A_343 : vector<16xf32>
        %sub3A_346 = arith.constant 1.000000e+00 : f32
        %sub3A_347 = vector.broadcast %sub3A_346 : f32 to vector<16xf32>
        %sub3A_348 = arith.subf %sub3A_347, %add3A_345 : vector<16xf32>
        %swap3A_349 = arith.constant 119 : index
        %swap3A_350 = tpu.vector_load %arg12[%swap3A_349] {strides = array<i32>} : memref<544xf32, #tpu.memory_space<vmem>>, vector<16xf32>,
        tpu.vector_store %arg12[%swap3A_349], %add3A_344 {strides = array<i32>} : memref<544xf32, #tpu.memory_space<vmem>>, vector<16xf32>,
        %swap3A_351 = arith.constant 306 : index
        %swap3A_352 = tpu.vector_load %arg12[%swap3A_351] {strides = array<i32>} : memref<544xf32, #tpu.memory_space<vmem>>, vector<16xf32>,
        tpu.vector_store %arg12[%swap3A_351], %sub3A_348 {strides = array<i32>} : memref<544xf32, #tpu.memory_space<vmem>>, vector<16xf32>,
        %mul3A_353 = arith.mulf %add3A_344, %sub3A_348 : vector<16xf32>
        %mul3A_354 = arith.mulf %add3A_344, %add3A_344 : vector<16xf32>
        %add3A_355 = arith.addf %mul3A_353, %mul3A_353 : vector<16xf32>
        %add3A_356 = arith.addf %mul3A_354, %mul3A_354 : vector<16xf32>
        %sub3A_357 = arith.constant 1.000000e+00 : f32
        %sub3A_358 = vector.broadcast %sub3A_357 : f32 to vector<16xf32>
        %sub3A_359 = arith.subf %sub3A_358, %add3A_356 : vector<16xf32>
        %swap3A_360 = arith.constant 136 : index
        %swap3A_361 = tpu.vector_load %arg12[%swap3A_360] {strides = array<i32>} : memref<544xf32, #tpu.memory_space<vmem>>, vector<16xf32>,
        tpu.vector_store %arg12[%swap3A_360], %add3A_355 {strides = array<i32>} : memref<544xf32, #tpu.memory_space<vmem>>, vector<16xf32>,
        %swap3A_362 = arith.constant 323 : index
        %swap3A_363 = tpu.vector_load %arg12[%swap3A_362] {strides = array<i32>} : memref<544xf32, #tpu.memory_space<vmem>>, vector<16xf32>,
        tpu.vector_store %arg12[%swap3A_362], %sub3A_359 {strides = array<i32>} : memref<544xf32, #tpu.memory_space<vmem>>, vector<16xf32>,
        %mul3A_364 = arith.mulf %add3A_355, %sub3A_359 : vector<16xf32>
        %mul3A_365 = arith.mulf %add3A_355, %add3A_355 : vector<16xf32>
        %add3A_366 = arith.addf %mul3A_364, %mul3A_364 : vector<16xf32>
        %add3A_367 = arith.addf %mul3A_365, %mul3A_365 : vector<16xf32>
        %sub3A_368 = arith.constant 1.000000e+00 : f32
        %sub3A_369 = vector.broadcast %sub3A_368 : f32 to vector<16xf32>
        %sub3A_370 = arith.subf %sub3A_369, %add3A_367 : vector<16xf32>
        %swap3A_371 = arith.constant 153 : index
        %swap3A_372 = tpu.vector_load %arg12[%swap3A_371] {strides = array<i32>} : memref<544xf32, #tpu.memory_space<vmem>>, vector<16xf32>,
        tpu.vector_store %arg12[%swap3A_371], %add3A_366 {strides = array<i32>} : memref<544xf32, #tpu.memory_space<vmem>>, vector<16xf32>,
        %swap3A_373 = arith.constant 340 : index
        %swap3A_374 = tpu.vector_load %arg12[%swap3A_373] {strides = array<i32>} : memref<544xf32, #tpu.memory_space<vmem>>, vector<16xf32>,
        tpu.vector_store %arg12[%swap3A_373], %sub3A_370 {strides = array<i32>} : memref<544xf32, #tpu.memory_space<vmem>>, vector<16xf32>,
        %mul3A_375 = arith.mulf %add3A_366, %sub3A_370 : vector<16xf32>
        %mul3A_376 = arith.mulf %add3A_366, %add3A_366 : vector<16xf32>
        %add3A_377 = arith.addf %mul3A_375, %mul3A_375 : vector<16xf32>
        %add3A_378 = arith.addf %mul3A_376, %mul3A_376 : vector<16xf32>
        %sub3A_379 = arith.constant 1.000000e+00 : f32
        %sub3A_380 = vector.broadcast %sub3A_379 : f32 to vector<16xf32>
        %sub3A_381 = arith.subf %sub3A_380, %add3A_378 : vector<16xf32>
        %swap3A_382 = arith.constant 170 : index
        %swap3A_383 = tpu.vector_load %arg12[%swap3A_382] {strides = array<i32>} : memref<544xf32, #tpu.memory_space<vmem>>, vector<16xf32>,
        tpu.vector_store %arg12[%swap3A_382], %add3A_377 {strides = array<i32>} : memref<544xf32, #tpu.memory_space<vmem>>, vector<16xf32>,
        %swap3A_384 = arith.constant 357 : index
        %swap3A_385 = tpu.vector_load %arg12[%swap3A_384] {strides = array<i32>} : memref<544xf32, #tpu.memory_space<vmem>>, vector<16xf32>,
        tpu.vector_store %arg12[%swap3A_384], %sub3A_381 {strides = array<i32>} : memref<544xf32, #tpu.memory_space<vmem>>, vector<16xf32>,
        %mul3A_386 = arith.mulf %add3A_377, %sub3A_381 : vector<16xf32>
        %mul3A_387 = arith.mulf %add3A_377, %add3A_377 : vector<16xf32>
        %add3A_388 = arith.addf %mul3A_386, %mul3A_386 : vector<16xf32>
        %add3A_389 = arith.addf %mul3A_387, %mul3A_387 : vector<16xf32>
        %sub3A_390 = arith.constant 1.000000e+00 : f32
        %sub3A_391 = vector.broadcast %sub3A_390 : f32 to vector<16xf32>
        %sub3A_392 = arith.subf %sub3A_391, %add3A_389 : vector<16xf32>
        %iota3A = tpu.iota {dimensions = array<i32: 0>} : vector<16xi32>
        %mul3A_393 = arith.constant 17 : i32
        %mul3A_394 = vector.broadcast %mul3A_393 : i32 to vector<16xi32>
        %mul3A_395 = arith.muli %iota3A, %mul3A_394 : vector<16xi32>
        %add3A_396 = arith.constant 0 : i32
        %add3A_397 = vector.broadcast %add3A_396 : i32 to vector<16xi32>
        %add3A_398 = arith.addi %mul3A_395, %add3A_397 : vector<16xi32>
        %gather3A_399 = tpu.vector_load_idx %arg12[%add3A_398] : memref<544xf32, #tpu.memory_space<vmem>>[vector<16xi32>], vector<16xf32>,
        %add3A_400 = arith.constant 272 : i32
        %add3A_401 = vector.broadcast %add3A_400 : i32 to vector<16xi32>
        %add3A_402 = arith.addi %mul3A_395, %add3A_401 : vector<16xi32>
        %gather3A_403 = tpu.vector_load_idx %arg12[%add3A_402] : memref<544xf32, #tpu.memory_space<vmem>>[vector<16xi32>], vector<16xf32>,
        %mul3A_404 = arith.constant 16 : i32
        %mul3A_405 = arith.muli %scan3A_237, %mul3A_404 : i32
        %add3A_406 = arith.constant 0 : i32
        %add3A_407 = arith.addi %mul3A_405, %add3A_406 : i32
        %swap3A_408 = arith.index_cast %add3A_407 : i32 to index
        %swap3A_409 = arith.constant 64 : index
        %swap3A_410 = tpu.vector_load %arg10[%swap3A_408, %swap3A_409] {strides = array<i32>} : memref<256x128xf32, #tpu.memory_space<vmem>>, vector<16xf32>,
        tpu.vector_store %arg10[%swap3A_408, %swap3A_409], %gather3A_399 {strides = array<i32>} : memref<256x128xf32, #tpu.memory_space<vmem>>, vector<16xf32>,
        %swap3A_411 = arith.index_cast %add3A_407 : i32 to index
        %swap3A_412 = arith.constant 80 : index
        %swap3A_413 = tpu.vector_load %arg10[%swap3A_411, %swap3A_412] {strides = array<i32>} : memref<256x128xf32, #tpu.memory_space<vmem>>, vector<16xf32>,
        tpu.vector_store %arg10[%swap3A_411, %swap3A_412], %gather3A_403 {strides = array<i32>} : memref<256x128xf32, #tpu.memory_space<vmem>>, vector<16xf32>,
        %add3A_414 = arith.constant 1 : i32
        %add3A_415 = vector.broadcast %add3A_414 : i32 to vector<16xi32>
        %add3A_416 = arith.addi %mul3A_395, %add3A_415 : vector<16xi32>
        %gather3A_417 = tpu.vector_load_idx %arg12[%add3A_416] : memref<544xf32, #tpu.memory_space<vmem>>[vector<16xi32>], vector<16xf32>,
        %add3A_418 = arith.constant 273 : i32
        %add3A_419 = vector.broadcast %add3A_418 : i32 to vector<16xi32>
        %add3A_420 = arith.addi %mul3A_395, %add3A_419 : vector<16xi32>
        %gather3A_421 = tpu.vector_load_idx %arg12[%add3A_420] : memref<544xf32, #tpu.memory_space<vmem>>[vector<16xi32>], vector<16xf32>,
        %mul3A_422 = arith.constant 16 : i32
        %mul3A_423 = arith.muli %scan3A_237, %mul3A_422 : i32
        %add3A_424 = arith.constant 1 : i32
        %add3A_425 = arith.addi %mul3A_423, %add3A_424 : i32
        %swap3A_426 = arith.index_cast %add3A_425 : i32 to index
        %swap3A_427 = arith.constant 64 : index
        %swap3A_428 = tpu.vector_load %arg10[%swap3A_426, %swap3A_427] {strides = array<i32>} : memref<256x128xf32, #tpu.memory_space<vmem>>, vector<16xf32>,
        tpu.vector_store %arg10[%swap3A_426, %swap3A_427], %gather3A_417 {strides = array<i32>} : memref<256x128xf32, #tpu.memory_space<vmem>>, vector<16xf32>,
        %swap3A_429 = arith.index_cast %add3A_425 : i32 to index
        %swap3A_430 = arith.constant 80 : index
        %swap3A_431 = tpu.vector_load %arg10[%swap3A_429, %swap3A_430] {strides = array<i32>} : memref<256x128xf32, #tpu.memory_space<vmem>>, vector<16xf32>,
        tpu.vector_store %arg10[%swap3A_429, %swap3A_430], %gather3A_421 {strides = array<i32>} : memref<256x128xf32, #tpu.memory_space<vmem>>, vector<16xf32>,
        %add3A_432 = arith.constant 2 : i32
        %add3A_433 = vector.broadcast %add3A_432 : i32 to vector<16xi32>
        %add3A_434 = arith.addi %mul3A_395, %add3A_433 : vector<16xi32>
        %gather3A_435 = tpu.vector_load_idx %arg12[%add3A_434] : memref<544xf32, #tpu.memory_space<vmem>>[vector<16xi32>], vector<16xf32>,
        %add3A_436 = arith.constant 274 : i32
        %add3A_437 = vector.broadcast %add3A_436 : i32 to vector<16xi32>
        %add3A_438 = arith.addi %mul3A_395, %add3A_437 : vector<16xi32>
        %gather3A_439 = tpu.vector_load_idx %arg12[%add3A_438] : memref<544xf32, #tpu.memory_space<vmem>>[vector<16xi32>], vector<16xf32>,
        %mul3A_440 = arith.constant 16 : i32
        %mul3A_441 = arith.muli %scan3A_237, %mul3A_440 : i32
        %add3A_442 = arith.constant 2 : i32
        %add3A_443 = arith.addi %mul3A_441, %add3A_442 : i32
        %swap3A_444 = arith.index_cast %add3A_443 : i32 to index
        %swap3A_445 = arith.constant 64 : index
        %swap3A_446 = tpu.vector_load %arg10[%swap3A_444, %swap3A_445] {strides = array<i32>} : memref<256x128xf32, #tpu.memory_space<vmem>>, vector<16xf32>,
        tpu.vector_store %arg10[%swap3A_444, %swap3A_445], %gather3A_435 {strides = array<i32>} : memref<256x128xf32, #tpu.memory_space<vmem>>, vector<16xf32>,
        %swap3A_447 = arith.index_cast %add3A_443 : i32 to index
        %swap3A_448 = arith.constant 80 : index
        %swap3A_449 = tpu.vector_load %arg10[%swap3A_447, %swap3A_448] {strides = array<i32>} : memref<256x128xf32, #tpu.memory_space<vmem>>, vector<16xf32>,
        tpu.vector_store %arg10[%swap3A_447, %swap3A_448], %gather3A_439 {strides = array<i32>} : memref<256x128xf32, #tpu.memory_space<vmem>>, vector<16xf32>,
        %add3A_450 = arith.constant 3 : i32
        %add3A_451 = vector.broadcast %add3A_450 : i32 to vector<16xi32>
        %add3A_452 = arith.addi %mul3A_395, %add3A_451 : vector<16xi32>
        %gather3A_453 = tpu.vector_load_idx %arg12[%add3A_452] : memref<544xf32, #tpu.memory_space<vmem>>[vector<16xi32>], vector<16xf32>,
        %add3A_454 = arith.constant 275 : i32
        %add3A_455 = vector.broadcast %add3A_454 : i32 to vector<16xi32>
        %add3A_456 = arith.addi %mul3A_395, %add3A_455 : vector<16xi32>
        %gather3A_457 = tpu.vector_load_idx %arg12[%add3A_456] : memref<544xf32, #tpu.memory_space<vmem>>[vector<16xi32>], vector<16xf32>,
        %mul3A_458 = arith.constant 16 : i32
        %mul3A_459 = arith.muli %scan3A_237, %mul3A_458 : i32
        %add3A_460 = arith.constant 3 : i32
        %add3A_461 = arith.addi %mul3A_459, %add3A_460 : i32
        %swap3A_462 = arith.index_cast %add3A_461 : i32 to index
        %swap3A_463 = arith.constant 64 : index
        %swap3A_464 = tpu.vector_load %arg10[%swap3A_462, %swap3A_463] {strides = array<i32>} : memref<256x128xf32, #tpu.memory_space<vmem>>, vector<16xf32>,
        tpu.vector_store %arg10[%swap3A_462, %swap3A_463], %gather3A_453 {strides = array<i32>} : memref<256x128xf32, #tpu.memory_space<vmem>>, vector<16xf32>,
        %swap3A_465 = arith.index_cast %add3A_461 : i32 to index
        %swap3A_466 = arith.constant 80 : index
        %swap3A_467 = tpu.vector_load %arg10[%swap3A_465, %swap3A_466] {strides = array<i32>} : memref<256x128xf32, #tpu.memory_space<vmem>>, vector<16xf32>,
        tpu.vector_store %arg10[%swap3A_465, %swap3A_466], %gather3A_457 {strides = array<i32>} : memref<256x128xf32, #tpu.memory_space<vmem>>, vector<16xf32>,
        %add3A_468 = arith.constant 4 : i32
        %add3A_469 = vector.broadcast %add3A_468 : i32 to vector<16xi32>
        %add3A_470 = arith.addi %mul3A_395, %add3A_469 : vector<16xi32>
        %gather3A_471 = tpu.vector_load_idx %arg12[%add3A_470] : memref<544xf32, #tpu.memory_space<vmem>>[vector<16xi32>], vector<16xf32>,
        %add3A_472 = arith.constant 276 : i32
        %add3A_473 = vector.broadcast %add3A_472 : i32 to vector<16xi32>
        %add3A_474 = arith.addi %mul3A_395, %add3A_473 : vector<16xi32>
        %gather3A_475 = tpu.vector_load_idx %arg12[%add3A_474] : memref<544xf32, #tpu.memory_space<vmem>>[vector<16xi32>], vector<16xf32>,
        %mul3A_476 = arith.constant 16 : i32
        %mul3A_477 = arith.muli %scan3A_237, %mul3A_476 : i32
        %add3A_478 = arith.constant 4 : i32
        %add3A_479 = arith.addi %mul3A_477, %add3A_478 : i32
        %swap3A_480 = arith.index_cast %add3A_479 : i32 to index
        %swap3A_481 = arith.constant 64 : index
        %swap3A_482 = tpu.vector_load %arg10[%swap3A_480, %swap3A_481] {strides = array<i32>} : memref<256x128xf32, #tpu.memory_space<vmem>>, vector<16xf32>,
        tpu.vector_store %arg10[%swap3A_480, %swap3A_481], %gather3A_471 {strides = array<i32>} : memref<256x128xf32, #tpu.memory_space<vmem>>, vector<16xf32>,
        %swap3A_483 = arith.index_cast %add3A_479 : i32 to index
        %swap3A_484 = arith.constant 80 : index
        %swap3A_485 = tpu.vector_load %arg10[%swap3A_483, %swap3A_484] {strides = array<i32>} : memref<256x128xf32, #tpu.memory_space<vmem>>, vector<16xf32>,
        tpu.vector_store %arg10[%swap3A_483, %swap3A_484], %gather3A_475 {strides = array<i32>} : memref<256x128xf32, #tpu.memory_space<vmem>>, vector<16xf32>,
        %add3A_486 = arith.constant 5 : i32
        %add3A_487 = vector.broadcast %add3A_486 : i32 to vector<16xi32>
        %add3A_488 = arith.addi %mul3A_395, %add3A_487 : vector<16xi32>
        %gather3A_489 = tpu.vector_load_idx %arg12[%add3A_488] : memref<544xf32, #tpu.memory_space<vmem>>[vector<16xi32>], vector<16xf32>,
        %add3A_490 = arith.constant 277 : i32
        %add3A_491 = vector.broadcast %add3A_490 : i32 to vector<16xi32>
        %add3A_492 = arith.addi %mul3A_395, %add3A_491 : vector<16xi32>
        %gather3A_493 = tpu.vector_load_idx %arg12[%add3A_492] : memref<544xf32, #tpu.memory_space<vmem>>[vector<16xi32>], vector<16xf32>,
        %mul3A_494 = arith.constant 16 : i32
        %mul3A_495 = arith.muli %scan3A_237, %mul3A_494 : i32
        %add3A_496 = arith.constant 5 : i32
        %add3A_497 = arith.addi %mul3A_495, %add3A_496 : i32
        %swap3A_498 = arith.index_cast %add3A_497 : i32 to index
        %swap3A_499 = arith.constant 64 : index
        %swap3A_500 = tpu.vector_load %arg10[%swap3A_498, %swap3A_499] {strides = array<i32>} : memref<256x128xf32, #tpu.memory_space<vmem>>, vector<16xf32>,
        tpu.vector_store %arg10[%swap3A_498, %swap3A_499], %gather3A_489 {strides = array<i32>} : memref<256x128xf32, #tpu.memory_space<vmem>>, vector<16xf32>,
        %swap3A_501 = arith.index_cast %add3A_497 : i32 to index
        %swap3A_502 = arith.constant 80 : index
        %swap3A_503 = tpu.vector_load %arg10[%swap3A_501, %swap3A_502] {strides = array<i32>} : memref<256x128xf32, #tpu.memory_space<vmem>>, vector<16xf32>,
        tpu.vector_store %arg10[%swap3A_501, %swap3A_502], %gather3A_493 {strides = array<i32>} : memref<256x128xf32, #tpu.memory_space<vmem>>, vector<16xf32>,
        %add3A_504 = arith.constant 6 : i32
        %add3A_505 = vector.broadcast %add3A_504 : i32 to vector<16xi32>
        %add3A_506 = arith.addi %mul3A_395, %add3A_505 : vector<16xi32>
        %gather3A_507 = tpu.vector_load_idx %arg12[%add3A_506] : memref<544xf32, #tpu.memory_space<vmem>>[vector<16xi32>], vector<16xf32>,
        %add3A_508 = arith.constant 278 : i32
        %add3A_509 = vector.broadcast %add3A_508 : i32 to vector<16xi32>
        %add3A_510 = arith.addi %mul3A_395, %add3A_509 : vector<16xi32>
        %gather3A_511 = tpu.vector_load_idx %arg12[%add3A_510] : memref<544xf32, #tpu.memory_space<vmem>>[vector<16xi32>], vector<16xf32>,
        %mul3A_512 = arith.constant 16 : i32
        %mul3A_513 = arith.muli %scan3A_237, %mul3A_512 : i32
        %add3A_514 = arith.constant 6 : i32
        %add3A_515 = arith.addi %mul3A_513, %add3A_514 : i32
        %swap3A_516 = arith.index_cast %add3A_515 : i32 to index
        %swap3A_517 = arith.constant 64 : index
        %swap3A_518 = tpu.vector_load %arg10[%swap3A_516, %swap3A_517] {strides = array<i32>} : memref<256x128xf32, #tpu.memory_space<vmem>>, vector<16xf32>,
        tpu.vector_store %arg10[%swap3A_516, %swap3A_517], %gather3A_507 {strides = array<i32>} : memref<256x128xf32, #tpu.memory_space<vmem>>, vector<16xf32>,
        %swap3A_519 = arith.index_cast %add3A_515 : i32 to index
        %swap3A_520 = arith.constant 80 : index
        %swap3A_521 = tpu.vector_load %arg10[%swap3A_519, %swap3A_520] {strides = array<i32>} : memref<256x128xf32, #tpu.memory_space<vmem>>, vector<16xf32>,
        tpu.vector_store %arg10[%swap3A_519, %swap3A_520], %gather3A_511 {strides = array<i32>} : memref<256x128xf32, #tpu.memory_space<vmem>>, vector<16xf32>,
        %add3A_522 = arith.constant 7 : i32
        %add3A_523 = vector.broadcast %add3A_522 : i32 to vector<16xi32>
        %add3A_524 = arith.addi %mul3A_395, %add3A_523 : vector<16xi32>
        %gather3A_525 = tpu.vector_load_idx %arg12[%add3A_524] : memref<544xf32, #tpu.memory_space<vmem>>[vector<16xi32>], vector<16xf32>,
        %add3A_526 = arith.constant 279 : i32
        %add3A_527 = vector.broadcast %add3A_526 : i32 to vector<16xi32>
        %add3A_528 = arith.addi %mul3A_395, %add3A_527 : vector<16xi32>
        %gather3A_529 = tpu.vector_load_idx %arg12[%add3A_528] : memref<544xf32, #tpu.memory_space<vmem>>[vector<16xi32>], vector<16xf32>,
        %mul3A_530 = arith.constant 16 : i32
        %mul3A_531 = arith.muli %scan3A_237, %mul3A_530 : i32
        %add3A_532 = arith.constant 7 : i32
        %add3A_533 = arith.addi %mul3A_531, %add3A_532 : i32
        %swap3A_534 = arith.index_cast %add3A_533 : i32 to index
        %swap3A_535 = arith.constant 64 : index
        %swap3A_536 = tpu.vector_load %arg10[%swap3A_534, %swap3A_535] {strides = array<i32>} : memref<256x128xf32, #tpu.memory_space<vmem>>, vector<16xf32>,
        tpu.vector_store %arg10[%swap3A_534, %swap3A_535], %gather3A_525 {strides = array<i32>} : memref<256x128xf32, #tpu.memory_space<vmem>>, vector<16xf32>,
        %swap3A_537 = arith.index_cast %add3A_533 : i32 to index
        %swap3A_538 = arith.constant 80 : index
        %swap3A_539 = tpu.vector_load %arg10[%swap3A_537, %swap3A_538] {strides = array<i32>} : memref<256x128xf32, #tpu.memory_space<vmem>>, vector<16xf32>,
        tpu.vector_store %arg10[%swap3A_537, %swap3A_538], %gather3A_529 {strides = array<i32>} : memref<256x128xf32, #tpu.memory_space<vmem>>, vector<16xf32>,
        %add3A_540 = arith.constant 8 : i32
        %add3A_541 = vector.broadcast %add3A_540 : i32 to vector<16xi32>
        %add3A_542 = arith.addi %mul3A_395, %add3A_541 : vector<16xi32>
        %gather3A_543 = tpu.vector_load_idx %arg12[%add3A_542] : memref<544xf32, #tpu.memory_space<vmem>>[vector<16xi32>], vector<16xf32>,
        %add3A_544 = arith.constant 280 : i32
        %add3A_545 = vector.broadcast %add3A_544 : i32 to vector<16xi32>
        %add3A_546 = arith.addi %mul3A_395, %add3A_545 : vector<16xi32>
        %gather3A_547 = tpu.vector_load_idx %arg12[%add3A_546] : memref<544xf32, #tpu.memory_space<vmem>>[vector<16xi32>], vector<16xf32>,
        %mul3A_548 = arith.constant 16 : i32
        %mul3A_549 = arith.muli %scan3A_237, %mul3A_548 : i32
        %add3A_550 = arith.constant 8 : i32
        %add3A_551 = arith.addi %mul3A_549, %add3A_550 : i32
        %swap3A_552 = arith.index_cast %add3A_551 : i32 to index
        %swap3A_553 = arith.constant 64 : index
        %swap3A_554 = tpu.vector_load %arg10[%swap3A_552, %swap3A_553] {strides = array<i32>} : memref<256x128xf32, #tpu.memory_space<vmem>>, vector<16xf32>,
        tpu.vector_store %arg10[%swap3A_552, %swap3A_553], %gather3A_543 {strides = array<i32>} : memref<256x128xf32, #tpu.memory_space<vmem>>, vector<16xf32>,
        %swap3A_555 = arith.index_cast %add3A_551 : i32 to index
        %swap3A_556 = arith.constant 80 : index
        %swap3A_557 = tpu.vector_load %arg10[%swap3A_555, %swap3A_556] {strides = array<i32>} : memref<256x128xf32, #tpu.memory_space<vmem>>, vector<16xf32>,
        tpu.vector_store %arg10[%swap3A_555, %swap3A_556], %gather3A_547 {strides = array<i32>} : memref<256x128xf32, #tpu.memory_space<vmem>>, vector<16xf32>,
        %add3A_558 = arith.constant 9 : i32
        %add3A_559 = vector.broadcast %add3A_558 : i32 to vector<16xi32>
        %add3A_560 = arith.addi %mul3A_395, %add3A_559 : vector<16xi32>
        %gather3A_561 = tpu.vector_load_idx %arg12[%add3A_560] : memref<544xf32, #tpu.memory_space<vmem>>[vector<16xi32>], vector<16xf32>,
        %add3A_562 = arith.constant 281 : i32
        %add3A_563 = vector.broadcast %add3A_562 : i32 to vector<16xi32>
        %add3A_564 = arith.addi %mul3A_395, %add3A_563 : vector<16xi32>
        %gather3A_565 = tpu.vector_load_idx %arg12[%add3A_564] : memref<544xf32, #tpu.memory_space<vmem>>[vector<16xi32>], vector<16xf32>,
        %mul3A_566 = arith.constant 16 : i32
        %mul3A_567 = arith.muli %scan3A_237, %mul3A_566 : i32
        %add3A_568 = arith.constant 9 : i32
        %add3A_569 = arith.addi %mul3A_567, %add3A_568 : i32
        %swap3A_570 = arith.index_cast %add3A_569 : i32 to index
        %swap3A_571 = arith.constant 64 : index
        %swap3A_572 = tpu.vector_load %arg10[%swap3A_570, %swap3A_571] {strides = array<i32>} : memref<256x128xf32, #tpu.memory_space<vmem>>, vector<16xf32>,
        tpu.vector_store %arg10[%swap3A_570, %swap3A_571], %gather3A_561 {strides = array<i32>} : memref<256x128xf32, #tpu.memory_space<vmem>>, vector<16xf32>,
        %swap3A_573 = arith.index_cast %add3A_569 : i32 to index
        %swap3A_574 = arith.constant 80 : index
        %swap3A_575 = tpu.vector_load %arg10[%swap3A_573, %swap3A_574] {strides = array<i32>} : memref<256x128xf32, #tpu.memory_space<vmem>>, vector<16xf32>,
        tpu.vector_store %arg10[%swap3A_573, %swap3A_574], %gather3A_565 {strides = array<i32>} : memref<256x128xf32, #tpu.memory_space<vmem>>, vector<16xf32>,
        %add3A_576 = arith.constant 10 : i32
        %add3A_577 = vector.broadcast %add3A_576 : i32 to vector<16xi32>
        %add3A_578 = arith.addi %mul3A_395, %add3A_577 : vector<16xi32>
        %gather3A_579 = tpu.vector_load_idx %arg12[%add3A_578] : memref<544xf32, #tpu.memory_space<vmem>>[vector<16xi32>], vector<16xf32>,
        %add3A_580 = arith.constant 282 : i32
        %add3A_581 = vector.broadcast %add3A_580 : i32 to vector<16xi32>
        %add3A_582 = arith.addi %mul3A_395, %add3A_581 : vector<16xi32>
        %gather3A_583 = tpu.vector_load_idx %arg12[%add3A_582] : memref<544xf32, #tpu.memory_space<vmem>>[vector<16xi32>], vector<16xf32>,
        %mul3A_584 = arith.constant 16 : i32
        %mul3A_585 = arith.muli %scan3A_237, %mul3A_584 : i32
        %add3A_586 = arith.constant 10 : i32
        %add3A_587 = arith.addi %mul3A_585, %add3A_586 : i32
        %swap3A_588 = arith.index_cast %add3A_587 : i32 to index
        %swap3A_589 = arith.constant 64 : index
        %swap3A_590 = tpu.vector_load %arg10[%swap3A_588, %swap3A_589] {strides = array<i32>} : memref<256x128xf32, #tpu.memory_space<vmem>>, vector<16xf32>,
        tpu.vector_store %arg10[%swap3A_588, %swap3A_589], %gather3A_579 {strides = array<i32>} : memref<256x128xf32, #tpu.memory_space<vmem>>, vector<16xf32>,
        %swap3A_591 = arith.index_cast %add3A_587 : i32 to index
        %swap3A_592 = arith.constant 80 : index
        %swap3A_593 = tpu.vector_load %arg10[%swap3A_591, %swap3A_592] {strides = array<i32>} : memref<256x128xf32, #tpu.memory_space<vmem>>, vector<16xf32>,
        tpu.vector_store %arg10[%swap3A_591, %swap3A_592], %gather3A_583 {strides = array<i32>} : memref<256x128xf32, #tpu.memory_space<vmem>>, vector<16xf32>,
        %add3A_594 = arith.constant 11 : i32
        %add3A_595 = vector.broadcast %add3A_594 : i32 to vector<16xi32>
        %add3A_596 = arith.addi %mul3A_395, %add3A_595 : vector<16xi32>
        %gather3A_597 = tpu.vector_load_idx %arg12[%add3A_596] : memref<544xf32, #tpu.memory_space<vmem>>[vector<16xi32>], vector<16xf32>,
        %add3A_598 = arith.constant 283 : i32
        %add3A_599 = vector.broadcast %add3A_598 : i32 to vector<16xi32>
        %add3A_600 = arith.addi %mul3A_395, %add3A_599 : vector<16xi32>
        %gather3A_601 = tpu.vector_load_idx %arg12[%add3A_600] : memref<544xf32, #tpu.memory_space<vmem>>[vector<16xi32>], vector<16xf32>,
        %mul3A_602 = arith.constant 16 : i32
        %mul3A_603 = arith.muli %scan3A_237, %mul3A_602 : i32
        %add3A_604 = arith.constant 11 : i32
        %add3A_605 = arith.addi %mul3A_603, %add3A_604 : i32
        %swap3A_606 = arith.index_cast %add3A_605 : i32 to index
        %swap3A_607 = arith.constant 64 : index
        %swap3A_608 = tpu.vector_load %arg10[%swap3A_606, %swap3A_607] {strides = array<i32>} : memref<256x128xf32, #tpu.memory_space<vmem>>, vector<16xf32>,
        tpu.vector_store %arg10[%swap3A_606, %swap3A_607], %gather3A_597 {strides = array<i32>} : memref<256x128xf32, #tpu.memory_space<vmem>>, vector<16xf32>,
        %swap3A_609 = arith.index_cast %add3A_605 : i32 to index
        %swap3A_610 = arith.constant 80 : index
        %swap3A_611 = tpu.vector_load %arg10[%swap3A_609, %swap3A_610] {strides = array<i32>} : memref<256x128xf32, #tpu.memory_space<vmem>>, vector<16xf32>,
        tpu.vector_store %arg10[%swap3A_609, %swap3A_610], %gather3A_601 {strides = array<i32>} : memref<256x128xf32, #tpu.memory_space<vmem>>, vector<16xf32>,
        %add3A_612 = arith.constant 12 : i32
        %add3A_613 = vector.broadcast %add3A_612 : i32 to vector<16xi32>
        %add3A_614 = arith.addi %mul3A_395, %add3A_613 : vector<16xi32>
        %gather3A_615 = tpu.vector_load_idx %arg12[%add3A_614] : memref<544xf32, #tpu.memory_space<vmem>>[vector<16xi32>], vector<16xf32>,
        %add3A_616 = arith.constant 284 : i32
        %add3A_617 = vector.broadcast %add3A_616 : i32 to vector<16xi32>
        %add3A_618 = arith.addi %mul3A_395, %add3A_617 : vector<16xi32>
        %gather3A_619 = tpu.vector_load_idx %arg12[%add3A_618] : memref<544xf32, #tpu.memory_space<vmem>>[vector<16xi32>], vector<16xf32>,
        %mul3A_620 = arith.constant 16 : i32
        %mul3A_621 = arith.muli %scan3A_237, %mul3A_620 : i32
        %add3A_622 = arith.constant 12 : i32
        %add3A_623 = arith.addi %mul3A_621, %add3A_622 : i32
        %swap3A_624 = arith.index_cast %add3A_623 : i32 to index
        %swap3A_625 = arith.constant 64 : index
        %swap3A_626 = tpu.vector_load %arg10[%swap3A_624, %swap3A_625] {strides = array<i32>} : memref<256x128xf32, #tpu.memory_space<vmem>>, vector<16xf32>,
        tpu.vector_store %arg10[%swap3A_624, %swap3A_625], %gather3A_615 {strides = array<i32>} : memref<256x128xf32, #tpu.memory_space<vmem>>, vector<16xf32>,
        %swap3A_627 = arith.index_cast %add3A_623 : i32 to index
        %swap3A_628 = arith.constant 80 : index
        %swap3A_629 = tpu.vector_load %arg10[%swap3A_627, %swap3A_628] {strides = array<i32>} : memref<256x128xf32, #tpu.memory_space<vmem>>, vector<16xf32>,
        tpu.vector_store %arg10[%swap3A_627, %swap3A_628], %gather3A_619 {strides = array<i32>} : memref<256x128xf32, #tpu.memory_space<vmem>>, vector<16xf32>,
        %add3A_630 = arith.constant 13 : i32
        %add3A_631 = vector.broadcast %add3A_630 : i32 to vector<16xi32>
        %add3A_632 = arith.addi %mul3A_395, %add3A_631 : vector<16xi32>
        %gather3A_633 = tpu.vector_load_idx %arg12[%add3A_632] : memref<544xf32, #tpu.memory_space<vmem>>[vector<16xi32>], vector<16xf32>,
        %add3A_634 = arith.constant 285 : i32
        %add3A_635 = vector.broadcast %add3A_634 : i32 to vector<16xi32>
        %add3A_636 = arith.addi %mul3A_395, %add3A_635 : vector<16xi32>
        %gather3A_637 = tpu.vector_load_idx %arg12[%add3A_636] : memref<544xf32, #tpu.memory_space<vmem>>[vector<16xi32>], vector<16xf32>,
        %mul3A_638 = arith.constant 16 : i32
        %mul3A_639 = arith.muli %scan3A_237, %mul3A_638 : i32
        %add3A_640 = arith.constant 13 : i32
        %add3A_641 = arith.addi %mul3A_639, %add3A_640 : i32
        %swap3A_642 = arith.index_cast %add3A_641 : i32 to index
        %swap3A_643 = arith.constant 64 : index
        %swap3A_644 = tpu.vector_load %arg10[%swap3A_642, %swap3A_643] {strides = array<i32>} : memref<256x128xf32, #tpu.memory_space<vmem>>, vector<16xf32>,
        tpu.vector_store %arg10[%swap3A_642, %swap3A_643], %gather3A_633 {strides = array<i32>} : memref<256x128xf32, #tpu.memory_space<vmem>>, vector<16xf32>,
        %swap3A_645 = arith.index_cast %add3A_641 : i32 to index
        %swap3A_646 = arith.constant 80 : index
        %swap3A_647 = tpu.vector_load %arg10[%swap3A_645, %swap3A_646] {strides = array<i32>} : memref<256x128xf32, #tpu.memory_space<vmem>>, vector<16xf32>,
        tpu.vector_store %arg10[%swap3A_645, %swap3A_646], %gather3A_637 {strides = array<i32>} : memref<256x128xf32, #tpu.memory_space<vmem>>, vector<16xf32>,
        %add3A_648 = arith.constant 14 : i32
        %add3A_649 = vector.broadcast %add3A_648 : i32 to vector<16xi32>
        %add3A_650 = arith.addi %mul3A_395, %add3A_649 : vector<16xi32>
        %gather3A_651 = tpu.vector_load_idx %arg12[%add3A_650] : memref<544xf32, #tpu.memory_space<vmem>>[vector<16xi32>], vector<16xf32>,
        %add3A_652 = arith.constant 286 : i32
        %add3A_653 = vector.broadcast %add3A_652 : i32 to vector<16xi32>
        %add3A_654 = arith.addi %mul3A_395, %add3A_653 : vector<16xi32>
        %gather3A_655 = tpu.vector_load_idx %arg12[%add3A_654] : memref<544xf32, #tpu.memory_space<vmem>>[vector<16xi32>], vector<16xf32>,
        %mul3A_656 = arith.constant 16 : i32
        %mul3A_657 = arith.muli %scan3A_237, %mul3A_656 : i32
        %add3A_658 = arith.constant 14 : i32
        %add3A_659 = arith.addi %mul3A_657, %add3A_658 : i32
        %swap3A_660 = arith.index_cast %add3A_659 : i32 to index
        %swap3A_661 = arith.constant 64 : index
        %swap3A_662 = tpu.vector_load %arg10[%swap3A_660, %swap3A_661] {strides = array<i32>} : memref<256x128xf32, #tpu.memory_space<vmem>>, vector<16xf32>,
        tpu.vector_store %arg10[%swap3A_660, %swap3A_661], %gather3A_651 {strides = array<i32>} : memref<256x128xf32, #tpu.memory_space<vmem>>, vector<16xf32>,
        %swap3A_663 = arith.index_cast %add3A_659 : i32 to index
        %swap3A_664 = arith.constant 80 : index
        %swap3A_665 = tpu.vector_load %arg10[%swap3A_663, %swap3A_664] {strides = array<i32>} : memref<256x128xf32, #tpu.memory_space<vmem>>, vector<16xf32>,
        tpu.vector_store %arg10[%swap3A_663, %swap3A_664], %gather3A_655 {strides = array<i32>} : memref<256x128xf32, #tpu.memory_space<vmem>>, vector<16xf32>,
        %add3A_666 = arith.constant 15 : i32
        %add3A_667 = vector.broadcast %add3A_666 : i32 to vector<16xi32>
        %add3A_668 = arith.addi %mul3A_395, %add3A_667 : vector<16xi32>
        %gather3A_669 = tpu.vector_load_idx %arg12[%add3A_668] : memref<544xf32, #tpu.memory_space<vmem>>[vector<16xi32>], vector<16xf32>,
        %add3A_670 = arith.constant 287 : i32
        %add3A_671 = vector.broadcast %add3A_670 : i32 to vector<16xi32>
        %add3A_672 = arith.addi %mul3A_395, %add3A_671 : vector<16xi32>
        %gather3A_673 = tpu.vector_load_idx %arg12[%add3A_672] : memref<544xf32, #tpu.memory_space<vmem>>[vector<16xi32>], vector<16xf32>,
        %mul3A_674 = arith.constant 16 : i32
        %mul3A_675 = arith.muli %scan3A_237, %mul3A_674 : i32
        %add3A_676 = arith.constant 15 : i32
        %add3A_677 = arith.addi %mul3A_675, %add3A_676 : i32
        %swap3A_678 = arith.index_cast %add3A_677 : i32 to index
        %swap3A_679 = arith.constant 64 : index
        %swap3A_680 = tpu.vector_load %arg10[%swap3A_678, %swap3A_679] {strides = array<i32>} : memref<256x128xf32, #tpu.memory_space<vmem>>, vector<16xf32>,
        tpu.vector_store %arg10[%swap3A_678, %swap3A_679], %gather3A_669 {strides = array<i32>} : memref<256x128xf32, #tpu.memory_space<vmem>>, vector<16xf32>,
        %swap3A_681 = arith.index_cast %add3A_677 : i32 to index
        %swap3A_682 = arith.constant 80 : index
        %swap3A_683 = tpu.vector_load %arg10[%swap3A_681, %swap3A_682] {strides = array<i32>} : memref<256x128xf32, #tpu.memory_space<vmem>>, vector<16xf32>,
        tpu.vector_store %arg10[%swap3A_681, %swap3A_682], %gather3A_673 {strides = array<i32>} : memref<256x128xf32, #tpu.memory_space<vmem>>, vector<16xf32>,
      }
      %scan3A_170 = arith.constant 16 : i32
      %mul3A_171 = arith.constant 256 : i32
      %mul3A_172 = arith.muli %add3A_148, %mul3A_171 : i32
      %add3A_173 = arith.addi %mul3A_2, %mul3A_172 : i32
      %dma_start3A_174 = arith.constant 0 : i32
      %dma_start3A_175 = tpu.memref_slice %arg5[%add3A_173, %dma_start3A_174] : memref<819200x128xf32, #tpu.memory_space<hbm>> -> memref<256x128xf32, #tpu.memory_space<hbm>>
      %dma_start3A_176 = arith.constant 0 : i32
      %dma_start3A_177 = tpu.memref_slice %arg5[%add3A_173, %dma_start3A_176] : memref<819200x128xf32, #tpu.memory_space<hbm>> -> memref<256x128xf32, #tpu.memory_space<hbm>>
      tpu.enqueue_dma source(%arg10 : memref<256x128xf32, #tpu.memory_space<vmem>>) target(%dma_start3A_177 : memref<256x128xf32, #tpu.memory_space<hbm>>) target_semaphore(%arg17 : memref<!tpu.dma_semaphore, #tpu.memory_space<semaphore_mem>>)
      %dma_wait3A_178 = arith.constant 0 : i32
      %dma_wait3A_179 = tpu.memref_slice %arg5[%mul3A_2, %dma_wait3A_178] : memref<819200x128xf32, #tpu.memory_space<hbm>> -> memref<256x128xf32, #tpu.memory_space<hbm>>
      %dma_wait3A_180 = arith.constant 0 : i32
      %dma_wait3A_181 = tpu.memref_slice %arg5[%mul3A_2, %dma_wait3A_180] : memref<819200x128xf32, #tpu.memory_space<hbm>> -> memref<256x128xf32, #tpu.memory_space<hbm>>
      tpu.wait_dma2 semaphore(%arg17 : memref<!tpu.dma_semaphore, #tpu.memory_space<semaphore_mem>>) src(%arg10 : memref<256x128xf32, #tpu.memory_space<vmem>>) dst(%dma_wait3A_181 : memref<256x128xf32, #tpu.memory_space<hbm>>)
      %add3A_182 = arith.constant 3 : i32
      %add3A_183 = arith.addi %mul3A_118, %add3A_182 : i32
      %scan3A_184 = arith.constant 0 : i32
      %scan3A_185 = arith.constant 0 : i32
      %scan3A_186 = arith.constant 16 : i32
      %scan3A_187 = arith.addi %scan3A_185, %scan3A_186 : i32
      %scan3A_188 = arith.constant 1 : i32
      scf.for %scan3A_237 = %scan3A_185 to %scan3A_187 step %scan3A_188  : i32 {
        %mul3A_238 = arith.constant 256 : i32
        %mul3A_239 = arith.muli %add3A_183, %mul3A_238 : i32
        %mul3A_240 = arith.constant 16 : i32
        %mul3A_241 = arith.muli %scan3A_237, %mul3A_240 : i32
        %add3A_242 = arith.addi %mul3A_239, %mul3A_241 : i32
        %get3A = arith.index_cast %add3A_242 : i32 to index
        %get3A_243 = tpu.vector_load %arg6[%get3A] {strides = array<i32>} : memref<25600xf32, #tpu.memory_space<vmem>>, vector<16xf32>,
        %mul3A_244 = arith.constant 2.048000e+03 : f32
        %mul3A_245 = vector.broadcast %mul3A_244 : f32 to vector<16xf32>
        %mul3A_246 = arith.mulf %get3A_243, %mul3A_245 : vector<16xf32>
        %add3A_247 = arith.constant 5.000000e-01 : f32
        %add3A_248 = vector.broadcast %add3A_247 : f32 to vector<16xf32>
        %add3A_249 = arith.addf %mul3A_246, %add3A_248 : vector<16xf32>
        %convert_element_type3A_250 = arith.fptosi %add3A_249 : vector<16xf32> to vector<16xi32>
        %convert_element_type3A_251 = arith.sitofp %convert_element_type3A_250 : vector<16xi32> to vector<16xf32>
        %eq3A_252 = arith.cmpf oeq, %add3A_249, %convert_element_type3A_251 : vector<16xf32>
        %and3A = arith.constant 1 : i32
        %and3A_253 = vector.broadcast %and3A : i32 to vector<16xi32>
        %and3A_254 = arith.andi %convert_element_type3A_250, %and3A_253 : vector<16xi32>
        %eq3A_255 = arith.constant 1 : i32
        %eq3A_256 = vector.broadcast %eq3A_255 : i32 to vector<16xi32>
        %eq3A_257 = arith.cmpi eq, %and3A_254, %eq3A_256 : vector<16xi32>
        %and3A_258 = arith.andi %eq3A_252, %eq3A_257 : vector<16xi1>
        %sub3A = arith.constant 1 : i32
        %sub3A_259 = vector.broadcast %sub3A : i32 to vector<16xi32>
        %sub3A_260 = arith.subi %convert_element_type3A_250, %sub3A_259 : vector<16xi32>
        %select_n3A = arith.select %and3A_258, %sub3A_260, %convert_element_type3A_250 : vector<16xi1>, vector<16xi32>
        %mul3A_261 = arith.constant 16 : i32
        %mul3A_262 = arith.muli %scan3A_237, %mul3A_261 : i32
        %swap3A = arith.index_cast %mul3A_262 : i32 to index
        %swap3A_263 = tpu.vector_load %arg8[%swap3A] {strides = array<i32>} : memref<256xi32, #tpu.memory_space<vmem>>, vector<16xi32>,
        tpu.vector_store %arg8[%swap3A], %select_n3A {strides = array<i32>} : memref<256xi32, #tpu.memory_space<vmem>>, vector<16xi32>,
      }
      %scan3A_189 = arith.constant 16 : i32
      %dma_start3A_190 = arith.constant 0 : i32
      %dma_start3A_191 = arith.constant 0 : i32
      %dma_start3A_192 = tpu.memref_slice %arg10[%dma_start3A_190, %dma_start3A_191] : memref<256x128xf32, #tpu.memory_space<vmem>> -> memref<128x128xf32, #tpu.memory_space<vmem>>
      %dma_start3A_193 = arith.constant 0 : i32
      %dma_start3A_194 = tpu.memref_slice %arg8[%dma_start3A_193] : memref<256xi32, #tpu.memory_space<vmem>> -> memref<128xi32, #tpu.memory_space<vmem>>
      %dma_start3A_195 = arith.constant 0 : i32
      %dma_start3A_196 = arith.constant 0 : i32
      %dma_start3A_197 = tpu.memref_slice %arg11[%dma_start3A_195, %dma_start3A_196] : memref<2048x128xf32, #tpu.memory_space<vmem_shared>> -> memref<2048x128xf32, #tpu.memory_space<vmem_shared>>
      tpu.enqueue_indirect_dma source(%dma_start3A_197 : memref<2048x128xf32, #tpu.memory_space<vmem_shared>>) target(%dma_start3A_192 : memref<128x128xf32, #tpu.memory_space<vmem>>) offsets(%dma_start3A_194 : memref<128xi32, #tpu.memory_space<vmem>>) semaphore(%arg15 : memref<!tpu.dma_semaphore, #tpu.memory_space<semaphore_mem>>)
      %dma_start3A_198 = arith.constant 128 : i32
      %dma_start3A_199 = arith.constant 0 : i32
      %dma_start3A_200 = tpu.memref_slice %arg10[%dma_start3A_198, %dma_start3A_199] : memref<256x128xf32, #tpu.memory_space<vmem>> -> memref<128x128xf32, #tpu.memory_space<vmem>>
      %dma_start3A_201 = arith.constant 128 : i32
      %dma_start3A_202 = tpu.memref_slice %arg8[%dma_start3A_201] : memref<256xi32, #tpu.memory_space<vmem>> -> memref<128xi32, #tpu.memory_space<vmem>>
      %dma_start3A_203 = arith.constant 0 : i32
      %dma_start3A_204 = arith.constant 0 : i32
      %dma_start3A_205 = tpu.memref_slice %arg11[%dma_start3A_203, %dma_start3A_204] : memref<2048x128xf32, #tpu.memory_space<vmem_shared>> -> memref<2048x128xf32, #tpu.memory_space<vmem_shared>>
      tpu.enqueue_indirect_dma source(%dma_start3A_205 : memref<2048x128xf32, #tpu.memory_space<vmem_shared>>) target(%dma_start3A_200 : memref<128x128xf32, #tpu.memory_space<vmem>>) offsets(%dma_start3A_202 : memref<128xi32, #tpu.memory_space<vmem>>) semaphore(%arg15 : memref<!tpu.dma_semaphore, #tpu.memory_space<semaphore_mem>>)
      %add3A_206 = arith.constant 2 : i32
      %add3A_207 = arith.addi %mul3A_118, %add3A_206 : i32
      %dma_wait3A_208 = arith.constant 0 : i32
      %dma_wait3A_209 = arith.constant 0 : i32
      %dma_wait3A_210 = tpu.memref_slice %arg9[%dma_wait3A_208, %dma_wait3A_209] : memref<256x128xf32, #tpu.memory_space<vmem>> -> memref<128x128xf32, #tpu.memory_space<vmem>>
      %dma_wait3A_211 = arith.constant 0 : i32
      %dma_wait3A_212 = tpu.memref_slice %arg7[%dma_wait3A_211] : memref<256xi32, #tpu.memory_space<vmem>> -> memref<128xi32, #tpu.memory_space<vmem>>
      %dma_wait3A_213 = arith.constant 0 : i32
      %dma_wait3A_214 = arith.constant 0 : i32
      %dma_wait3A_215 = tpu.memref_slice %arg11[%dma_wait3A_213, %dma_wait3A_214] : memref<2048x128xf32, #tpu.memory_space<vmem_shared>> -> memref<2048x128xf32, #tpu.memory_space<vmem_shared>>
      tpu.wait_indirect_dma semaphore(%arg14 : memref<!tpu.dma_semaphore, #tpu.memory_space<semaphore_mem>>) src(%dma_wait3A_215 : memref<2048x128xf32, #tpu.memory_space<vmem_shared>>) dst(%dma_wait3A_210 : memref<128x128xf32, #tpu.memory_space<vmem>>)
      %dma_wait3A_216 = arith.constant 128 : i32
      %dma_wait3A_217 = arith.constant 0 : i32
      %dma_wait3A_218 = tpu.memref_slice %arg9[%dma_wait3A_216, %dma_wait3A_217] : memref<256x128xf32, #tpu.memory_space<vmem>> -> memref<128x128xf32, #tpu.memory_space<vmem>>
      %dma_wait3A_219 = arith.constant 128 : i32
      %dma_wait3A_220 = tpu.memref_slice %arg7[%dma_wait3A_219] : memref<256xi32, #tpu.memory_space<vmem>> -> memref<128xi32, #tpu.memory_space<vmem>>
      %dma_wait3A_221 = arith.constant 0 : i32
      %dma_wait3A_222 = arith.constant 0 : i32
      %dma_wait3A_223 = tpu.memref_slice %arg11[%dma_wait3A_221, %dma_wait3A_222] : memref<2048x128xf32, #tpu.memory_space<vmem_shared>> -> memref<2048x128xf32, #tpu.memory_space<vmem_shared>>
      tpu.wait_indirect_dma semaphore(%arg14 : memref<!tpu.dma_semaphore, #tpu.memory_space<semaphore_mem>>) src(%dma_wait3A_223 : memref<2048x128xf32, #tpu.memory_space<vmem_shared>>) dst(%dma_wait3A_218 : memref<128x128xf32, #tpu.memory_space<vmem>>)
      %scan3A_224 = arith.constant 0 : i32
      %scan3A_225 = arith.constant 0 : i32
      %scan3A_226 = arith.constant 16 : i32
      %scan3A_227 = arith.addi %scan3A_225, %scan3A_226 : i32
      %scan3A_228 = arith.constant 1 : i32
      scf.for %scan3A_237 = %scan3A_225 to %scan3A_227 step %scan3A_228  : i32 {
        %mul3A_238 = arith.constant 256 : i32
        %mul3A_239 = arith.muli %add3A_207, %mul3A_238 : i32
        %mul3A_240 = arith.constant 16 : i32
        %mul3A_241 = arith.muli %scan3A_237, %mul3A_240 : i32
        %add3A_242 = arith.addi %mul3A_239, %mul3A_241 : i32
        %get3A = arith.index_cast %add3A_242 : i32 to index
        %get3A_243 = tpu.vector_load %arg6[%get3A] {strides = array<i32>} : memref<25600xf32, #tpu.memory_space<vmem>>, vector<16xf32>,
        %mul3A_244 = arith.constant 2.048000e+03 : f32
        %mul3A_245 = vector.broadcast %mul3A_244 : f32 to vector<16xf32>
        %mul3A_246 = arith.mulf %get3A_243, %mul3A_245 : vector<16xf32>
        %mul3A_247 = arith.constant 16 : i32
        %mul3A_248 = arith.muli %scan3A_237, %mul3A_247 : i32
        %get3A_249 = arith.index_cast %mul3A_248 : i32 to index
        %get3A_250 = tpu.vector_load %arg7[%get3A_249] {strides = array<i32>} : memref<256xi32, #tpu.memory_space<vmem>>, vector<16xi32>,
        %convert_element_type3A_251 = arith.sitofp %get3A_250 : vector<16xi32> to vector<16xf32>
        %sub3A = arith.subf %mul3A_246, %convert_element_type3A_251 : vector<16xf32>
        %mul3A_252 = arith.constant 0.00153398083 : f32
        %mul3A_253 = vector.broadcast %mul3A_252 : f32 to vector<16xf32>
        %mul3A_254 = arith.mulf %sub3A, %mul3A_253 : vector<16xf32>
        %add3A_255 = arith.addi %get3A_250, %get3A_250 : vector<16xi32>
        %gather3A = tpu.vector_load_idx %arg13[%add3A_255] : memref<4096xf32, #tpu.memory_space<vmem>>[vector<16xi32>], vector<16xf32>,
        %add3A_256 = arith.constant 1 : i32
        %add3A_257 = vector.broadcast %add3A_256 : i32 to vector<16xi32>
        %add3A_258 = arith.addi %add3A_255, %add3A_257 : vector<16xi32>
        %gather3A_259 = tpu.vector_load_idx %arg13[%add3A_258] : memref<4096xf32, #tpu.memory_space<vmem>>[vector<16xi32>], vector<16xf32>,
        %mul3A_260 = arith.mulf %mul3A_254, %mul3A_254 : vector<16xf32>
        %mul3A_261 = arith.constant 5.000000e-01 : f32
        %mul3A_262 = vector.broadcast %mul3A_261 : f32 to vector<16xf32>
        %mul3A_263 = arith.mulf %mul3A_262, %mul3A_260 : vector<16xf32>
        %sub3A_264 = arith.constant 1.000000e+00 : f32
        %sub3A_265 = vector.broadcast %sub3A_264 : f32 to vector<16xf32>
        %sub3A_266 = arith.subf %sub3A_265, %mul3A_263 : vector<16xf32>
        %mul3A_267 = arith.mulf %gather3A, %sub3A_266 : vector<16xf32>
        %mul3A_268 = arith.mulf %gather3A_259, %mul3A_254 : vector<16xf32>
        %add3A_269 = arith.addf %mul3A_267, %mul3A_268 : vector<16xf32>
        %mul3A_270 = arith.mulf %gather3A_259, %sub3A_266 : vector<16xf32>
        %mul3A_271 = arith.mulf %gather3A, %mul3A_254 : vector<16xf32>
        %sub3A_272 = arith.subf %mul3A_270, %mul3A_271 : vector<16xf32>
        %swap3A = arith.constant 0 : index
        %swap3A_273 = tpu.vector_load %arg12[%swap3A] {strides = array<i32>} : memref<544xf32, #tpu.memory_space<vmem>>, vector<16xf32>,
        tpu.vector_store %arg12[%swap3A], %add3A_269 {strides = array<i32>} : memref<544xf32, #tpu.memory_space<vmem>>, vector<16xf32>,
        %swap3A_274 = arith.constant 187 : index
        %swap3A_275 = tpu.vector_load %arg12[%swap3A_274] {strides = array<i32>} : memref<544xf32, #tpu.memory_space<vmem>>, vector<16xf32>,
        tpu.vector_store %arg12[%swap3A_274], %sub3A_272 {strides = array<i32>} : memref<544xf32, #tpu.memory_space<vmem>>, vector<16xf32>,
        %mul3A_276 = arith.mulf %add3A_269, %sub3A_272 : vector<16xf32>
        %mul3A_277 = arith.mulf %add3A_269, %add3A_269 : vector<16xf32>
        %add3A_278 = arith.addf %mul3A_276, %mul3A_276 : vector<16xf32>
        %add3A_279 = arith.addf %mul3A_277, %mul3A_277 : vector<16xf32>
        %sub3A_280 = arith.constant 1.000000e+00 : f32
        %sub3A_281 = vector.broadcast %sub3A_280 : f32 to vector<16xf32>
        %sub3A_282 = arith.subf %sub3A_281, %add3A_279 : vector<16xf32>
        %swap3A_283 = arith.constant 17 : index
        %swap3A_284 = tpu.vector_load %arg12[%swap3A_283] {strides = array<i32>} : memref<544xf32, #tpu.memory_space<vmem>>, vector<16xf32>,
        tpu.vector_store %arg12[%swap3A_283], %add3A_278 {strides = array<i32>} : memref<544xf32, #tpu.memory_space<vmem>>, vector<16xf32>,
        %swap3A_285 = arith.constant 204 : index
        %swap3A_286 = tpu.vector_load %arg12[%swap3A_285] {strides = array<i32>} : memref<544xf32, #tpu.memory_space<vmem>>, vector<16xf32>,
        tpu.vector_store %arg12[%swap3A_285], %sub3A_282 {strides = array<i32>} : memref<544xf32, #tpu.memory_space<vmem>>, vector<16xf32>,
        %mul3A_287 = arith.mulf %add3A_278, %sub3A_282 : vector<16xf32>
        %mul3A_288 = arith.mulf %add3A_278, %add3A_278 : vector<16xf32>
        %add3A_289 = arith.addf %mul3A_287, %mul3A_287 : vector<16xf32>
        %add3A_290 = arith.addf %mul3A_288, %mul3A_288 : vector<16xf32>
        %sub3A_291 = arith.constant 1.000000e+00 : f32
        %sub3A_292 = vector.broadcast %sub3A_291 : f32 to vector<16xf32>
        %sub3A_293 = arith.subf %sub3A_292, %add3A_290 : vector<16xf32>
        %swap3A_294 = arith.constant 34 : index
        %swap3A_295 = tpu.vector_load %arg12[%swap3A_294] {strides = array<i32>} : memref<544xf32, #tpu.memory_space<vmem>>, vector<16xf32>,
        tpu.vector_store %arg12[%swap3A_294], %add3A_289 {strides = array<i32>} : memref<544xf32, #tpu.memory_space<vmem>>, vector<16xf32>,
        %swap3A_296 = arith.constant 221 : index
        %swap3A_297 = tpu.vector_load %arg12[%swap3A_296] {strides = array<i32>} : memref<544xf32, #tpu.memory_space<vmem>>, vector<16xf32>,
        tpu.vector_store %arg12[%swap3A_296], %sub3A_293 {strides = array<i32>} : memref<544xf32, #tpu.memory_space<vmem>>, vector<16xf32>,
        %mul3A_298 = arith.mulf %add3A_289, %sub3A_293 : vector<16xf32>
        %mul3A_299 = arith.mulf %add3A_289, %add3A_289 : vector<16xf32>
        %add3A_300 = arith.addf %mul3A_298, %mul3A_298 : vector<16xf32>
        %add3A_301 = arith.addf %mul3A_299, %mul3A_299 : vector<16xf32>
        %sub3A_302 = arith.constant 1.000000e+00 : f32
        %sub3A_303 = vector.broadcast %sub3A_302 : f32 to vector<16xf32>
        %sub3A_304 = arith.subf %sub3A_303, %add3A_301 : vector<16xf32>
        %swap3A_305 = arith.constant 51 : index
        %swap3A_306 = tpu.vector_load %arg12[%swap3A_305] {strides = array<i32>} : memref<544xf32, #tpu.memory_space<vmem>>, vector<16xf32>,
        tpu.vector_store %arg12[%swap3A_305], %add3A_300 {strides = array<i32>} : memref<544xf32, #tpu.memory_space<vmem>>, vector<16xf32>,
        %swap3A_307 = arith.constant 238 : index
        %swap3A_308 = tpu.vector_load %arg12[%swap3A_307] {strides = array<i32>} : memref<544xf32, #tpu.memory_space<vmem>>, vector<16xf32>,
        tpu.vector_store %arg12[%swap3A_307], %sub3A_304 {strides = array<i32>} : memref<544xf32, #tpu.memory_space<vmem>>, vector<16xf32>,
        %mul3A_309 = arith.mulf %add3A_300, %sub3A_304 : vector<16xf32>
        %mul3A_310 = arith.mulf %add3A_300, %add3A_300 : vector<16xf32>
        %add3A_311 = arith.addf %mul3A_309, %mul3A_309 : vector<16xf32>
        %add3A_312 = arith.addf %mul3A_310, %mul3A_310 : vector<16xf32>
        %sub3A_313 = arith.constant 1.000000e+00 : f32
        %sub3A_314 = vector.broadcast %sub3A_313 : f32 to vector<16xf32>
        %sub3A_315 = arith.subf %sub3A_314, %add3A_312 : vector<16xf32>
        %swap3A_316 = arith.constant 68 : index
        %swap3A_317 = tpu.vector_load %arg12[%swap3A_316] {strides = array<i32>} : memref<544xf32, #tpu.memory_space<vmem>>, vector<16xf32>,
        tpu.vector_store %arg12[%swap3A_316], %add3A_311 {strides = array<i32>} : memref<544xf32, #tpu.memory_space<vmem>>, vector<16xf32>,
        %swap3A_318 = arith.constant 255 : index
        %swap3A_319 = tpu.vector_load %arg12[%swap3A_318] {strides = array<i32>} : memref<544xf32, #tpu.memory_space<vmem>>, vector<16xf32>,
        tpu.vector_store %arg12[%swap3A_318], %sub3A_315 {strides = array<i32>} : memref<544xf32, #tpu.memory_space<vmem>>, vector<16xf32>,
        %mul3A_320 = arith.mulf %add3A_311, %sub3A_315 : vector<16xf32>
        %mul3A_321 = arith.mulf %add3A_311, %add3A_311 : vector<16xf32>
        %add3A_322 = arith.addf %mul3A_320, %mul3A_320 : vector<16xf32>
        %add3A_323 = arith.addf %mul3A_321, %mul3A_321 : vector<16xf32>
        %sub3A_324 = arith.constant 1.000000e+00 : f32
        %sub3A_325 = vector.broadcast %sub3A_324 : f32 to vector<16xf32>
        %sub3A_326 = arith.subf %sub3A_325, %add3A_323 : vector<16xf32>
        %swap3A_327 = arith.constant 85 : index
        %swap3A_328 = tpu.vector_load %arg12[%swap3A_327] {strides = array<i32>} : memref<544xf32, #tpu.memory_space<vmem>>, vector<16xf32>,
        tpu.vector_store %arg12[%swap3A_327], %add3A_322 {strides = array<i32>} : memref<544xf32, #tpu.memory_space<vmem>>, vector<16xf32>,
        %swap3A_329 = arith.constant 272 : index
        %swap3A_330 = tpu.vector_load %arg12[%swap3A_329] {strides = array<i32>} : memref<544xf32, #tpu.memory_space<vmem>>, vector<16xf32>,
        tpu.vector_store %arg12[%swap3A_329], %sub3A_326 {strides = array<i32>} : memref<544xf32, #tpu.memory_space<vmem>>, vector<16xf32>,
        %mul3A_331 = arith.mulf %add3A_322, %sub3A_326 : vector<16xf32>
        %mul3A_332 = arith.mulf %add3A_322, %add3A_322 : vector<16xf32>
        %add3A_333 = arith.addf %mul3A_331, %mul3A_331 : vector<16xf32>
        %add3A_334 = arith.addf %mul3A_332, %mul3A_332 : vector<16xf32>
        %sub3A_335 = arith.constant 1.000000e+00 : f32
        %sub3A_336 = vector.broadcast %sub3A_335 : f32 to vector<16xf32>
        %sub3A_337 = arith.subf %sub3A_336, %add3A_334 : vector<16xf32>
        %swap3A_338 = arith.constant 102 : index
        %swap3A_339 = tpu.vector_load %arg12[%swap3A_338] {strides = array<i32>} : memref<544xf32, #tpu.memory_space<vmem>>, vector<16xf32>,
        tpu.vector_store %arg12[%swap3A_338], %add3A_333 {strides = array<i32>} : memref<544xf32, #tpu.memory_space<vmem>>, vector<16xf32>,
        %swap3A_340 = arith.constant 289 : index
        %swap3A_341 = tpu.vector_load %arg12[%swap3A_340] {strides = array<i32>} : memref<544xf32, #tpu.memory_space<vmem>>, vector<16xf32>,
        tpu.vector_store %arg12[%swap3A_340], %sub3A_337 {strides = array<i32>} : memref<544xf32, #tpu.memory_space<vmem>>, vector<16xf32>,
        %mul3A_342 = arith.mulf %add3A_333, %sub3A_337 : vector<16xf32>
        %mul3A_343 = arith.mulf %add3A_333, %add3A_333 : vector<16xf32>
        %add3A_344 = arith.addf %mul3A_342, %mul3A_342 : vector<16xf32>
        %add3A_345 = arith.addf %mul3A_343, %mul3A_343 : vector<16xf32>
        %sub3A_346 = arith.constant 1.000000e+00 : f32
        %sub3A_347 = vector.broadcast %sub3A_346 : f32 to vector<16xf32>
        %sub3A_348 = arith.subf %sub3A_347, %add3A_345 : vector<16xf32>
        %swap3A_349 = arith.constant 119 : index
        %swap3A_350 = tpu.vector_load %arg12[%swap3A_349] {strides = array<i32>} : memref<544xf32, #tpu.memory_space<vmem>>, vector<16xf32>,
        tpu.vector_store %arg12[%swap3A_349], %add3A_344 {strides = array<i32>} : memref<544xf32, #tpu.memory_space<vmem>>, vector<16xf32>,
        %swap3A_351 = arith.constant 306 : index
        %swap3A_352 = tpu.vector_load %arg12[%swap3A_351] {strides = array<i32>} : memref<544xf32, #tpu.memory_space<vmem>>, vector<16xf32>,
        tpu.vector_store %arg12[%swap3A_351], %sub3A_348 {strides = array<i32>} : memref<544xf32, #tpu.memory_space<vmem>>, vector<16xf32>,
        %mul3A_353 = arith.mulf %add3A_344, %sub3A_348 : vector<16xf32>
        %mul3A_354 = arith.mulf %add3A_344, %add3A_344 : vector<16xf32>
        %add3A_355 = arith.addf %mul3A_353, %mul3A_353 : vector<16xf32>
        %add3A_356 = arith.addf %mul3A_354, %mul3A_354 : vector<16xf32>
        %sub3A_357 = arith.constant 1.000000e+00 : f32
        %sub3A_358 = vector.broadcast %sub3A_357 : f32 to vector<16xf32>
        %sub3A_359 = arith.subf %sub3A_358, %add3A_356 : vector<16xf32>
        %swap3A_360 = arith.constant 136 : index
        %swap3A_361 = tpu.vector_load %arg12[%swap3A_360] {strides = array<i32>} : memref<544xf32, #tpu.memory_space<vmem>>, vector<16xf32>,
        tpu.vector_store %arg12[%swap3A_360], %add3A_355 {strides = array<i32>} : memref<544xf32, #tpu.memory_space<vmem>>, vector<16xf32>,
        %swap3A_362 = arith.constant 323 : index
        %swap3A_363 = tpu.vector_load %arg12[%swap3A_362] {strides = array<i32>} : memref<544xf32, #tpu.memory_space<vmem>>, vector<16xf32>,
        tpu.vector_store %arg12[%swap3A_362], %sub3A_359 {strides = array<i32>} : memref<544xf32, #tpu.memory_space<vmem>>, vector<16xf32>,
        %mul3A_364 = arith.mulf %add3A_355, %sub3A_359 : vector<16xf32>
        %mul3A_365 = arith.mulf %add3A_355, %add3A_355 : vector<16xf32>
        %add3A_366 = arith.addf %mul3A_364, %mul3A_364 : vector<16xf32>
        %add3A_367 = arith.addf %mul3A_365, %mul3A_365 : vector<16xf32>
        %sub3A_368 = arith.constant 1.000000e+00 : f32
        %sub3A_369 = vector.broadcast %sub3A_368 : f32 to vector<16xf32>
        %sub3A_370 = arith.subf %sub3A_369, %add3A_367 : vector<16xf32>
        %swap3A_371 = arith.constant 153 : index
        %swap3A_372 = tpu.vector_load %arg12[%swap3A_371] {strides = array<i32>} : memref<544xf32, #tpu.memory_space<vmem>>, vector<16xf32>,
        tpu.vector_store %arg12[%swap3A_371], %add3A_366 {strides = array<i32>} : memref<544xf32, #tpu.memory_space<vmem>>, vector<16xf32>,
        %swap3A_373 = arith.constant 340 : index
        %swap3A_374 = tpu.vector_load %arg12[%swap3A_373] {strides = array<i32>} : memref<544xf32, #tpu.memory_space<vmem>>, vector<16xf32>,
        tpu.vector_store %arg12[%swap3A_373], %sub3A_370 {strides = array<i32>} : memref<544xf32, #tpu.memory_space<vmem>>, vector<16xf32>,
        %mul3A_375 = arith.mulf %add3A_366, %sub3A_370 : vector<16xf32>
        %mul3A_376 = arith.mulf %add3A_366, %add3A_366 : vector<16xf32>
        %add3A_377 = arith.addf %mul3A_375, %mul3A_375 : vector<16xf32>
        %add3A_378 = arith.addf %mul3A_376, %mul3A_376 : vector<16xf32>
        %sub3A_379 = arith.constant 1.000000e+00 : f32
        %sub3A_380 = vector.broadcast %sub3A_379 : f32 to vector<16xf32>
        %sub3A_381 = arith.subf %sub3A_380, %add3A_378 : vector<16xf32>
        %swap3A_382 = arith.constant 170 : index
        %swap3A_383 = tpu.vector_load %arg12[%swap3A_382] {strides = array<i32>} : memref<544xf32, #tpu.memory_space<vmem>>, vector<16xf32>,
        tpu.vector_store %arg12[%swap3A_382], %add3A_377 {strides = array<i32>} : memref<544xf32, #tpu.memory_space<vmem>>, vector<16xf32>,
        %swap3A_384 = arith.constant 357 : index
        %swap3A_385 = tpu.vector_load %arg12[%swap3A_384] {strides = array<i32>} : memref<544xf32, #tpu.memory_space<vmem>>, vector<16xf32>,
        tpu.vector_store %arg12[%swap3A_384], %sub3A_381 {strides = array<i32>} : memref<544xf32, #tpu.memory_space<vmem>>, vector<16xf32>,
        %mul3A_386 = arith.mulf %add3A_377, %sub3A_381 : vector<16xf32>
        %mul3A_387 = arith.mulf %add3A_377, %add3A_377 : vector<16xf32>
        %add3A_388 = arith.addf %mul3A_386, %mul3A_386 : vector<16xf32>
        %add3A_389 = arith.addf %mul3A_387, %mul3A_387 : vector<16xf32>
        %sub3A_390 = arith.constant 1.000000e+00 : f32
        %sub3A_391 = vector.broadcast %sub3A_390 : f32 to vector<16xf32>
        %sub3A_392 = arith.subf %sub3A_391, %add3A_389 : vector<16xf32>
        %iota3A = tpu.iota {dimensions = array<i32: 0>} : vector<16xi32>
        %mul3A_393 = arith.constant 17 : i32
        %mul3A_394 = vector.broadcast %mul3A_393 : i32 to vector<16xi32>
        %mul3A_395 = arith.muli %iota3A, %mul3A_394 : vector<16xi32>
        %add3A_396 = arith.constant 0 : i32
        %add3A_397 = vector.broadcast %add3A_396 : i32 to vector<16xi32>
        %add3A_398 = arith.addi %mul3A_395, %add3A_397 : vector<16xi32>
        %gather3A_399 = tpu.vector_load_idx %arg12[%add3A_398] : memref<544xf32, #tpu.memory_space<vmem>>[vector<16xi32>], vector<16xf32>,
        %add3A_400 = arith.constant 272 : i32
        %add3A_401 = vector.broadcast %add3A_400 : i32 to vector<16xi32>
        %add3A_402 = arith.addi %mul3A_395, %add3A_401 : vector<16xi32>
        %gather3A_403 = tpu.vector_load_idx %arg12[%add3A_402] : memref<544xf32, #tpu.memory_space<vmem>>[vector<16xi32>], vector<16xf32>,
        %mul3A_404 = arith.constant 16 : i32
        %mul3A_405 = arith.muli %scan3A_237, %mul3A_404 : i32
        %add3A_406 = arith.constant 0 : i32
        %add3A_407 = arith.addi %mul3A_405, %add3A_406 : i32
        %swap3A_408 = arith.index_cast %add3A_407 : i32 to index
        %swap3A_409 = arith.constant 64 : index
        %swap3A_410 = tpu.vector_load %arg9[%swap3A_408, %swap3A_409] {strides = array<i32>} : memref<256x128xf32, #tpu.memory_space<vmem>>, vector<16xf32>,
        tpu.vector_store %arg9[%swap3A_408, %swap3A_409], %gather3A_399 {strides = array<i32>} : memref<256x128xf32, #tpu.memory_space<vmem>>, vector<16xf32>,
        %swap3A_411 = arith.index_cast %add3A_407 : i32 to index
        %swap3A_412 = arith.constant 80 : index
        %swap3A_413 = tpu.vector_load %arg9[%swap3A_411, %swap3A_412] {strides = array<i32>} : memref<256x128xf32, #tpu.memory_space<vmem>>, vector<16xf32>,
        tpu.vector_store %arg9[%swap3A_411, %swap3A_412], %gather3A_403 {strides = array<i32>} : memref<256x128xf32, #tpu.memory_space<vmem>>, vector<16xf32>,
        %add3A_414 = arith.constant 1 : i32
        %add3A_415 = vector.broadcast %add3A_414 : i32 to vector<16xi32>
        %add3A_416 = arith.addi %mul3A_395, %add3A_415 : vector<16xi32>
        %gather3A_417 = tpu.vector_load_idx %arg12[%add3A_416] : memref<544xf32, #tpu.memory_space<vmem>>[vector<16xi32>], vector<16xf32>,
        %add3A_418 = arith.constant 273 : i32
        %add3A_419 = vector.broadcast %add3A_418 : i32 to vector<16xi32>
        %add3A_420 = arith.addi %mul3A_395, %add3A_419 : vector<16xi32>
        %gather3A_421 = tpu.vector_load_idx %arg12[%add3A_420] : memref<544xf32, #tpu.memory_space<vmem>>[vector<16xi32>], vector<16xf32>,
        %mul3A_422 = arith.constant 16 : i32
        %mul3A_423 = arith.muli %scan3A_237, %mul3A_422 : i32
        %add3A_424 = arith.constant 1 : i32
        %add3A_425 = arith.addi %mul3A_423, %add3A_424 : i32
        %swap3A_426 = arith.index_cast %add3A_425 : i32 to index
        %swap3A_427 = arith.constant 64 : index
        %swap3A_428 = tpu.vector_load %arg9[%swap3A_426, %swap3A_427] {strides = array<i32>} : memref<256x128xf32, #tpu.memory_space<vmem>>, vector<16xf32>,
        tpu.vector_store %arg9[%swap3A_426, %swap3A_427], %gather3A_417 {strides = array<i32>} : memref<256x128xf32, #tpu.memory_space<vmem>>, vector<16xf32>,
        %swap3A_429 = arith.index_cast %add3A_425 : i32 to index
        %swap3A_430 = arith.constant 80 : index
        %swap3A_431 = tpu.vector_load %arg9[%swap3A_429, %swap3A_430] {strides = array<i32>} : memref<256x128xf32, #tpu.memory_space<vmem>>, vector<16xf32>,
        tpu.vector_store %arg9[%swap3A_429, %swap3A_430], %gather3A_421 {strides = array<i32>} : memref<256x128xf32, #tpu.memory_space<vmem>>, vector<16xf32>,
        %add3A_432 = arith.constant 2 : i32
        %add3A_433 = vector.broadcast %add3A_432 : i32 to vector<16xi32>
        %add3A_434 = arith.addi %mul3A_395, %add3A_433 : vector<16xi32>
        %gather3A_435 = tpu.vector_load_idx %arg12[%add3A_434] : memref<544xf32, #tpu.memory_space<vmem>>[vector<16xi32>], vector<16xf32>,
        %add3A_436 = arith.constant 274 : i32
        %add3A_437 = vector.broadcast %add3A_436 : i32 to vector<16xi32>
        %add3A_438 = arith.addi %mul3A_395, %add3A_437 : vector<16xi32>
        %gather3A_439 = tpu.vector_load_idx %arg12[%add3A_438] : memref<544xf32, #tpu.memory_space<vmem>>[vector<16xi32>], vector<16xf32>,
        %mul3A_440 = arith.constant 16 : i32
        %mul3A_441 = arith.muli %scan3A_237, %mul3A_440 : i32
        %add3A_442 = arith.constant 2 : i32
        %add3A_443 = arith.addi %mul3A_441, %add3A_442 : i32
        %swap3A_444 = arith.index_cast %add3A_443 : i32 to index
        %swap3A_445 = arith.constant 64 : index
        %swap3A_446 = tpu.vector_load %arg9[%swap3A_444, %swap3A_445] {strides = array<i32>} : memref<256x128xf32, #tpu.memory_space<vmem>>, vector<16xf32>,
        tpu.vector_store %arg9[%swap3A_444, %swap3A_445], %gather3A_435 {strides = array<i32>} : memref<256x128xf32, #tpu.memory_space<vmem>>, vector<16xf32>,
        %swap3A_447 = arith.index_cast %add3A_443 : i32 to index
        %swap3A_448 = arith.constant 80 : index
        %swap3A_449 = tpu.vector_load %arg9[%swap3A_447, %swap3A_448] {strides = array<i32>} : memref<256x128xf32, #tpu.memory_space<vmem>>, vector<16xf32>,
        tpu.vector_store %arg9[%swap3A_447, %swap3A_448], %gather3A_439 {strides = array<i32>} : memref<256x128xf32, #tpu.memory_space<vmem>>, vector<16xf32>,
        %add3A_450 = arith.constant 3 : i32
        %add3A_451 = vector.broadcast %add3A_450 : i32 to vector<16xi32>
        %add3A_452 = arith.addi %mul3A_395, %add3A_451 : vector<16xi32>
        %gather3A_453 = tpu.vector_load_idx %arg12[%add3A_452] : memref<544xf32, #tpu.memory_space<vmem>>[vector<16xi32>], vector<16xf32>,
        %add3A_454 = arith.constant 275 : i32
        %add3A_455 = vector.broadcast %add3A_454 : i32 to vector<16xi32>
        %add3A_456 = arith.addi %mul3A_395, %add3A_455 : vector<16xi32>
        %gather3A_457 = tpu.vector_load_idx %arg12[%add3A_456] : memref<544xf32, #tpu.memory_space<vmem>>[vector<16xi32>], vector<16xf32>,
        %mul3A_458 = arith.constant 16 : i32
        %mul3A_459 = arith.muli %scan3A_237, %mul3A_458 : i32
        %add3A_460 = arith.constant 3 : i32
        %add3A_461 = arith.addi %mul3A_459, %add3A_460 : i32
        %swap3A_462 = arith.index_cast %add3A_461 : i32 to index
        %swap3A_463 = arith.constant 64 : index
        %swap3A_464 = tpu.vector_load %arg9[%swap3A_462, %swap3A_463] {strides = array<i32>} : memref<256x128xf32, #tpu.memory_space<vmem>>, vector<16xf32>,
        tpu.vector_store %arg9[%swap3A_462, %swap3A_463], %gather3A_453 {strides = array<i32>} : memref<256x128xf32, #tpu.memory_space<vmem>>, vector<16xf32>,
        %swap3A_465 = arith.index_cast %add3A_461 : i32 to index
        %swap3A_466 = arith.constant 80 : index
        %swap3A_467 = tpu.vector_load %arg9[%swap3A_465, %swap3A_466] {strides = array<i32>} : memref<256x128xf32, #tpu.memory_space<vmem>>, vector<16xf32>,
        tpu.vector_store %arg9[%swap3A_465, %swap3A_466], %gather3A_457 {strides = array<i32>} : memref<256x128xf32, #tpu.memory_space<vmem>>, vector<16xf32>,
        %add3A_468 = arith.constant 4 : i32
        %add3A_469 = vector.broadcast %add3A_468 : i32 to vector<16xi32>
        %add3A_470 = arith.addi %mul3A_395, %add3A_469 : vector<16xi32>
        %gather3A_471 = tpu.vector_load_idx %arg12[%add3A_470] : memref<544xf32, #tpu.memory_space<vmem>>[vector<16xi32>], vector<16xf32>,
        %add3A_472 = arith.constant 276 : i32
        %add3A_473 = vector.broadcast %add3A_472 : i32 to vector<16xi32>
        %add3A_474 = arith.addi %mul3A_395, %add3A_473 : vector<16xi32>
        %gather3A_475 = tpu.vector_load_idx %arg12[%add3A_474] : memref<544xf32, #tpu.memory_space<vmem>>[vector<16xi32>], vector<16xf32>,
        %mul3A_476 = arith.constant 16 : i32
        %mul3A_477 = arith.muli %scan3A_237, %mul3A_476 : i32
        %add3A_478 = arith.constant 4 : i32
        %add3A_479 = arith.addi %mul3A_477, %add3A_478 : i32
        %swap3A_480 = arith.index_cast %add3A_479 : i32 to index
        %swap3A_481 = arith.constant 64 : index
        %swap3A_482 = tpu.vector_load %arg9[%swap3A_480, %swap3A_481] {strides = array<i32>} : memref<256x128xf32, #tpu.memory_space<vmem>>, vector<16xf32>,
        tpu.vector_store %arg9[%swap3A_480, %swap3A_481], %gather3A_471 {strides = array<i32>} : memref<256x128xf32, #tpu.memory_space<vmem>>, vector<16xf32>,
        %swap3A_483 = arith.index_cast %add3A_479 : i32 to index
        %swap3A_484 = arith.constant 80 : index
        %swap3A_485 = tpu.vector_load %arg9[%swap3A_483, %swap3A_484] {strides = array<i32>} : memref<256x128xf32, #tpu.memory_space<vmem>>, vector<16xf32>,
        tpu.vector_store %arg9[%swap3A_483, %swap3A_484], %gather3A_475 {strides = array<i32>} : memref<256x128xf32, #tpu.memory_space<vmem>>, vector<16xf32>,
        %add3A_486 = arith.constant 5 : i32
        %add3A_487 = vector.broadcast %add3A_486 : i32 to vector<16xi32>
        %add3A_488 = arith.addi %mul3A_395, %add3A_487 : vector<16xi32>
        %gather3A_489 = tpu.vector_load_idx %arg12[%add3A_488] : memref<544xf32, #tpu.memory_space<vmem>>[vector<16xi32>], vector<16xf32>,
        %add3A_490 = arith.constant 277 : i32
        %add3A_491 = vector.broadcast %add3A_490 : i32 to vector<16xi32>
        %add3A_492 = arith.addi %mul3A_395, %add3A_491 : vector<16xi32>
        %gather3A_493 = tpu.vector_load_idx %arg12[%add3A_492] : memref<544xf32, #tpu.memory_space<vmem>>[vector<16xi32>], vector<16xf32>,
        %mul3A_494 = arith.constant 16 : i32
        %mul3A_495 = arith.muli %scan3A_237, %mul3A_494 : i32
        %add3A_496 = arith.constant 5 : i32
        %add3A_497 = arith.addi %mul3A_495, %add3A_496 : i32
        %swap3A_498 = arith.index_cast %add3A_497 : i32 to index
        %swap3A_499 = arith.constant 64 : index
        %swap3A_500 = tpu.vector_load %arg9[%swap3A_498, %swap3A_499] {strides = array<i32>} : memref<256x128xf32, #tpu.memory_space<vmem>>, vector<16xf32>,
        tpu.vector_store %arg9[%swap3A_498, %swap3A_499], %gather3A_489 {strides = array<i32>} : memref<256x128xf32, #tpu.memory_space<vmem>>, vector<16xf32>,
        %swap3A_501 = arith.index_cast %add3A_497 : i32 to index
        %swap3A_502 = arith.constant 80 : index
        %swap3A_503 = tpu.vector_load %arg9[%swap3A_501, %swap3A_502] {strides = array<i32>} : memref<256x128xf32, #tpu.memory_space<vmem>>, vector<16xf32>,
        tpu.vector_store %arg9[%swap3A_501, %swap3A_502], %gather3A_493 {strides = array<i32>} : memref<256x128xf32, #tpu.memory_space<vmem>>, vector<16xf32>,
        %add3A_504 = arith.constant 6 : i32
        %add3A_505 = vector.broadcast %add3A_504 : i32 to vector<16xi32>
        %add3A_506 = arith.addi %mul3A_395, %add3A_505 : vector<16xi32>
        %gather3A_507 = tpu.vector_load_idx %arg12[%add3A_506] : memref<544xf32, #tpu.memory_space<vmem>>[vector<16xi32>], vector<16xf32>,
        %add3A_508 = arith.constant 278 : i32
        %add3A_509 = vector.broadcast %add3A_508 : i32 to vector<16xi32>
        %add3A_510 = arith.addi %mul3A_395, %add3A_509 : vector<16xi32>
        %gather3A_511 = tpu.vector_load_idx %arg12[%add3A_510] : memref<544xf32, #tpu.memory_space<vmem>>[vector<16xi32>], vector<16xf32>,
        %mul3A_512 = arith.constant 16 : i32
        %mul3A_513 = arith.muli %scan3A_237, %mul3A_512 : i32
        %add3A_514 = arith.constant 6 : i32
        %add3A_515 = arith.addi %mul3A_513, %add3A_514 : i32
        %swap3A_516 = arith.index_cast %add3A_515 : i32 to index
        %swap3A_517 = arith.constant 64 : index
        %swap3A_518 = tpu.vector_load %arg9[%swap3A_516, %swap3A_517] {strides = array<i32>} : memref<256x128xf32, #tpu.memory_space<vmem>>, vector<16xf32>,
        tpu.vector_store %arg9[%swap3A_516, %swap3A_517], %gather3A_507 {strides = array<i32>} : memref<256x128xf32, #tpu.memory_space<vmem>>, vector<16xf32>,
        %swap3A_519 = arith.index_cast %add3A_515 : i32 to index
        %swap3A_520 = arith.constant 80 : index
        %swap3A_521 = tpu.vector_load %arg9[%swap3A_519, %swap3A_520] {strides = array<i32>} : memref<256x128xf32, #tpu.memory_space<vmem>>, vector<16xf32>,
        tpu.vector_store %arg9[%swap3A_519, %swap3A_520], %gather3A_511 {strides = array<i32>} : memref<256x128xf32, #tpu.memory_space<vmem>>, vector<16xf32>,
        %add3A_522 = arith.constant 7 : i32
        %add3A_523 = vector.broadcast %add3A_522 : i32 to vector<16xi32>
        %add3A_524 = arith.addi %mul3A_395, %add3A_523 : vector<16xi32>
        %gather3A_525 = tpu.vector_load_idx %arg12[%add3A_524] : memref<544xf32, #tpu.memory_space<vmem>>[vector<16xi32>], vector<16xf32>,
        %add3A_526 = arith.constant 279 : i32
        %add3A_527 = vector.broadcast %add3A_526 : i32 to vector<16xi32>
        %add3A_528 = arith.addi %mul3A_395, %add3A_527 : vector<16xi32>
        %gather3A_529 = tpu.vector_load_idx %arg12[%add3A_528] : memref<544xf32, #tpu.memory_space<vmem>>[vector<16xi32>], vector<16xf32>,
        %mul3A_530 = arith.constant 16 : i32
        %mul3A_531 = arith.muli %scan3A_237, %mul3A_530 : i32
        %add3A_532 = arith.constant 7 : i32
        %add3A_533 = arith.addi %mul3A_531, %add3A_532 : i32
        %swap3A_534 = arith.index_cast %add3A_533 : i32 to index
        %swap3A_535 = arith.constant 64 : index
        %swap3A_536 = tpu.vector_load %arg9[%swap3A_534, %swap3A_535] {strides = array<i32>} : memref<256x128xf32, #tpu.memory_space<vmem>>, vector<16xf32>,
        tpu.vector_store %arg9[%swap3A_534, %swap3A_535], %gather3A_525 {strides = array<i32>} : memref<256x128xf32, #tpu.memory_space<vmem>>, vector<16xf32>,
        %swap3A_537 = arith.index_cast %add3A_533 : i32 to index
        %swap3A_538 = arith.constant 80 : index
        %swap3A_539 = tpu.vector_load %arg9[%swap3A_537, %swap3A_538] {strides = array<i32>} : memref<256x128xf32, #tpu.memory_space<vmem>>, vector<16xf32>,
        tpu.vector_store %arg9[%swap3A_537, %swap3A_538], %gather3A_529 {strides = array<i32>} : memref<256x128xf32, #tpu.memory_space<vmem>>, vector<16xf32>,
        %add3A_540 = arith.constant 8 : i32
        %add3A_541 = vector.broadcast %add3A_540 : i32 to vector<16xi32>
        %add3A_542 = arith.addi %mul3A_395, %add3A_541 : vector<16xi32>
        %gather3A_543 = tpu.vector_load_idx %arg12[%add3A_542] : memref<544xf32, #tpu.memory_space<vmem>>[vector<16xi32>], vector<16xf32>,
        %add3A_544 = arith.constant 280 : i32
        %add3A_545 = vector.broadcast %add3A_544 : i32 to vector<16xi32>
        %add3A_546 = arith.addi %mul3A_395, %add3A_545 : vector<16xi32>
        %gather3A_547 = tpu.vector_load_idx %arg12[%add3A_546] : memref<544xf32, #tpu.memory_space<vmem>>[vector<16xi32>], vector<16xf32>,
        %mul3A_548 = arith.constant 16 : i32
        %mul3A_549 = arith.muli %scan3A_237, %mul3A_548 : i32
        %add3A_550 = arith.constant 8 : i32
        %add3A_551 = arith.addi %mul3A_549, %add3A_550 : i32
        %swap3A_552 = arith.index_cast %add3A_551 : i32 to index
        %swap3A_553 = arith.constant 64 : index
        %swap3A_554 = tpu.vector_load %arg9[%swap3A_552, %swap3A_553] {strides = array<i32>} : memref<256x128xf32, #tpu.memory_space<vmem>>, vector<16xf32>,
        tpu.vector_store %arg9[%swap3A_552, %swap3A_553], %gather3A_543 {strides = array<i32>} : memref<256x128xf32, #tpu.memory_space<vmem>>, vector<16xf32>,
        %swap3A_555 = arith.index_cast %add3A_551 : i32 to index
        %swap3A_556 = arith.constant 80 : index
        %swap3A_557 = tpu.vector_load %arg9[%swap3A_555, %swap3A_556] {strides = array<i32>} : memref<256x128xf32, #tpu.memory_space<vmem>>, vector<16xf32>,
        tpu.vector_store %arg9[%swap3A_555, %swap3A_556], %gather3A_547 {strides = array<i32>} : memref<256x128xf32, #tpu.memory_space<vmem>>, vector<16xf32>,
        %add3A_558 = arith.constant 9 : i32
        %add3A_559 = vector.broadcast %add3A_558 : i32 to vector<16xi32>
        %add3A_560 = arith.addi %mul3A_395, %add3A_559 : vector<16xi32>
        %gather3A_561 = tpu.vector_load_idx %arg12[%add3A_560] : memref<544xf32, #tpu.memory_space<vmem>>[vector<16xi32>], vector<16xf32>,
        %add3A_562 = arith.constant 281 : i32
        %add3A_563 = vector.broadcast %add3A_562 : i32 to vector<16xi32>
        %add3A_564 = arith.addi %mul3A_395, %add3A_563 : vector<16xi32>
        %gather3A_565 = tpu.vector_load_idx %arg12[%add3A_564] : memref<544xf32, #tpu.memory_space<vmem>>[vector<16xi32>], vector<16xf32>,
        %mul3A_566 = arith.constant 16 : i32
        %mul3A_567 = arith.muli %scan3A_237, %mul3A_566 : i32
        %add3A_568 = arith.constant 9 : i32
        %add3A_569 = arith.addi %mul3A_567, %add3A_568 : i32
        %swap3A_570 = arith.index_cast %add3A_569 : i32 to index
        %swap3A_571 = arith.constant 64 : index
        %swap3A_572 = tpu.vector_load %arg9[%swap3A_570, %swap3A_571] {strides = array<i32>} : memref<256x128xf32, #tpu.memory_space<vmem>>, vector<16xf32>,
        tpu.vector_store %arg9[%swap3A_570, %swap3A_571], %gather3A_561 {strides = array<i32>} : memref<256x128xf32, #tpu.memory_space<vmem>>, vector<16xf32>,
        %swap3A_573 = arith.index_cast %add3A_569 : i32 to index
        %swap3A_574 = arith.constant 80 : index
        %swap3A_575 = tpu.vector_load %arg9[%swap3A_573, %swap3A_574] {strides = array<i32>} : memref<256x128xf32, #tpu.memory_space<vmem>>, vector<16xf32>,
        tpu.vector_store %arg9[%swap3A_573, %swap3A_574], %gather3A_565 {strides = array<i32>} : memref<256x128xf32, #tpu.memory_space<vmem>>, vector<16xf32>,
        %add3A_576 = arith.constant 10 : i32
        %add3A_577 = vector.broadcast %add3A_576 : i32 to vector<16xi32>
        %add3A_578 = arith.addi %mul3A_395, %add3A_577 : vector<16xi32>
        %gather3A_579 = tpu.vector_load_idx %arg12[%add3A_578] : memref<544xf32, #tpu.memory_space<vmem>>[vector<16xi32>], vector<16xf32>,
        %add3A_580 = arith.constant 282 : i32
        %add3A_581 = vector.broadcast %add3A_580 : i32 to vector<16xi32>
        %add3A_582 = arith.addi %mul3A_395, %add3A_581 : vector<16xi32>
        %gather3A_583 = tpu.vector_load_idx %arg12[%add3A_582] : memref<544xf32, #tpu.memory_space<vmem>>[vector<16xi32>], vector<16xf32>,
        %mul3A_584 = arith.constant 16 : i32
        %mul3A_585 = arith.muli %scan3A_237, %mul3A_584 : i32
        %add3A_586 = arith.constant 10 : i32
        %add3A_587 = arith.addi %mul3A_585, %add3A_586 : i32
        %swap3A_588 = arith.index_cast %add3A_587 : i32 to index
        %swap3A_589 = arith.constant 64 : index
        %swap3A_590 = tpu.vector_load %arg9[%swap3A_588, %swap3A_589] {strides = array<i32>} : memref<256x128xf32, #tpu.memory_space<vmem>>, vector<16xf32>,
        tpu.vector_store %arg9[%swap3A_588, %swap3A_589], %gather3A_579 {strides = array<i32>} : memref<256x128xf32, #tpu.memory_space<vmem>>, vector<16xf32>,
        %swap3A_591 = arith.index_cast %add3A_587 : i32 to index
        %swap3A_592 = arith.constant 80 : index
        %swap3A_593 = tpu.vector_load %arg9[%swap3A_591, %swap3A_592] {strides = array<i32>} : memref<256x128xf32, #tpu.memory_space<vmem>>, vector<16xf32>,
        tpu.vector_store %arg9[%swap3A_591, %swap3A_592], %gather3A_583 {strides = array<i32>} : memref<256x128xf32, #tpu.memory_space<vmem>>, vector<16xf32>,
        %add3A_594 = arith.constant 11 : i32
        %add3A_595 = vector.broadcast %add3A_594 : i32 to vector<16xi32>
        %add3A_596 = arith.addi %mul3A_395, %add3A_595 : vector<16xi32>
        %gather3A_597 = tpu.vector_load_idx %arg12[%add3A_596] : memref<544xf32, #tpu.memory_space<vmem>>[vector<16xi32>], vector<16xf32>,
        %add3A_598 = arith.constant 283 : i32
        %add3A_599 = vector.broadcast %add3A_598 : i32 to vector<16xi32>
        %add3A_600 = arith.addi %mul3A_395, %add3A_599 : vector<16xi32>
        %gather3A_601 = tpu.vector_load_idx %arg12[%add3A_600] : memref<544xf32, #tpu.memory_space<vmem>>[vector<16xi32>], vector<16xf32>,
        %mul3A_602 = arith.constant 16 : i32
        %mul3A_603 = arith.muli %scan3A_237, %mul3A_602 : i32
        %add3A_604 = arith.constant 11 : i32
        %add3A_605 = arith.addi %mul3A_603, %add3A_604 : i32
        %swap3A_606 = arith.index_cast %add3A_605 : i32 to index
        %swap3A_607 = arith.constant 64 : index
        %swap3A_608 = tpu.vector_load %arg9[%swap3A_606, %swap3A_607] {strides = array<i32>} : memref<256x128xf32, #tpu.memory_space<vmem>>, vector<16xf32>,
        tpu.vector_store %arg9[%swap3A_606, %swap3A_607], %gather3A_597 {strides = array<i32>} : memref<256x128xf32, #tpu.memory_space<vmem>>, vector<16xf32>,
        %swap3A_609 = arith.index_cast %add3A_605 : i32 to index
        %swap3A_610 = arith.constant 80 : index
        %swap3A_611 = tpu.vector_load %arg9[%swap3A_609, %swap3A_610] {strides = array<i32>} : memref<256x128xf32, #tpu.memory_space<vmem>>, vector<16xf32>,
        tpu.vector_store %arg9[%swap3A_609, %swap3A_610], %gather3A_601 {strides = array<i32>} : memref<256x128xf32, #tpu.memory_space<vmem>>, vector<16xf32>,
        %add3A_612 = arith.constant 12 : i32
        %add3A_613 = vector.broadcast %add3A_612 : i32 to vector<16xi32>
        %add3A_614 = arith.addi %mul3A_395, %add3A_613 : vector<16xi32>
        %gather3A_615 = tpu.vector_load_idx %arg12[%add3A_614] : memref<544xf32, #tpu.memory_space<vmem>>[vector<16xi32>], vector<16xf32>,
        %add3A_616 = arith.constant 284 : i32
        %add3A_617 = vector.broadcast %add3A_616 : i32 to vector<16xi32>
        %add3A_618 = arith.addi %mul3A_395, %add3A_617 : vector<16xi32>
        %gather3A_619 = tpu.vector_load_idx %arg12[%add3A_618] : memref<544xf32, #tpu.memory_space<vmem>>[vector<16xi32>], vector<16xf32>,
        %mul3A_620 = arith.constant 16 : i32
        %mul3A_621 = arith.muli %scan3A_237, %mul3A_620 : i32
        %add3A_622 = arith.constant 12 : i32
        %add3A_623 = arith.addi %mul3A_621, %add3A_622 : i32
        %swap3A_624 = arith.index_cast %add3A_623 : i32 to index
        %swap3A_625 = arith.constant 64 : index
        %swap3A_626 = tpu.vector_load %arg9[%swap3A_624, %swap3A_625] {strides = array<i32>} : memref<256x128xf32, #tpu.memory_space<vmem>>, vector<16xf32>,
        tpu.vector_store %arg9[%swap3A_624, %swap3A_625], %gather3A_615 {strides = array<i32>} : memref<256x128xf32, #tpu.memory_space<vmem>>, vector<16xf32>,
        %swap3A_627 = arith.index_cast %add3A_623 : i32 to index
        %swap3A_628 = arith.constant 80 : index
        %swap3A_629 = tpu.vector_load %arg9[%swap3A_627, %swap3A_628] {strides = array<i32>} : memref<256x128xf32, #tpu.memory_space<vmem>>, vector<16xf32>,
        tpu.vector_store %arg9[%swap3A_627, %swap3A_628], %gather3A_619 {strides = array<i32>} : memref<256x128xf32, #tpu.memory_space<vmem>>, vector<16xf32>,
        %add3A_630 = arith.constant 13 : i32
        %add3A_631 = vector.broadcast %add3A_630 : i32 to vector<16xi32>
        %add3A_632 = arith.addi %mul3A_395, %add3A_631 : vector<16xi32>
        %gather3A_633 = tpu.vector_load_idx %arg12[%add3A_632] : memref<544xf32, #tpu.memory_space<vmem>>[vector<16xi32>], vector<16xf32>,
        %add3A_634 = arith.constant 285 : i32
        %add3A_635 = vector.broadcast %add3A_634 : i32 to vector<16xi32>
        %add3A_636 = arith.addi %mul3A_395, %add3A_635 : vector<16xi32>
        %gather3A_637 = tpu.vector_load_idx %arg12[%add3A_636] : memref<544xf32, #tpu.memory_space<vmem>>[vector<16xi32>], vector<16xf32>,
        %mul3A_638 = arith.constant 16 : i32
        %mul3A_639 = arith.muli %scan3A_237, %mul3A_638 : i32
        %add3A_640 = arith.constant 13 : i32
        %add3A_641 = arith.addi %mul3A_639, %add3A_640 : i32
        %swap3A_642 = arith.index_cast %add3A_641 : i32 to index
        %swap3A_643 = arith.constant 64 : index
        %swap3A_644 = tpu.vector_load %arg9[%swap3A_642, %swap3A_643] {strides = array<i32>} : memref<256x128xf32, #tpu.memory_space<vmem>>, vector<16xf32>,
        tpu.vector_store %arg9[%swap3A_642, %swap3A_643], %gather3A_633 {strides = array<i32>} : memref<256x128xf32, #tpu.memory_space<vmem>>, vector<16xf32>,
        %swap3A_645 = arith.index_cast %add3A_641 : i32 to index
        %swap3A_646 = arith.constant 80 : index
        %swap3A_647 = tpu.vector_load %arg9[%swap3A_645, %swap3A_646] {strides = array<i32>} : memref<256x128xf32, #tpu.memory_space<vmem>>, vector<16xf32>,
        tpu.vector_store %arg9[%swap3A_645, %swap3A_646], %gather3A_637 {strides = array<i32>} : memref<256x128xf32, #tpu.memory_space<vmem>>, vector<16xf32>,
        %add3A_648 = arith.constant 14 : i32
        %add3A_649 = vector.broadcast %add3A_648 : i32 to vector<16xi32>
        %add3A_650 = arith.addi %mul3A_395, %add3A_649 : vector<16xi32>
        %gather3A_651 = tpu.vector_load_idx %arg12[%add3A_650] : memref<544xf32, #tpu.memory_space<vmem>>[vector<16xi32>], vector<16xf32>,
        %add3A_652 = arith.constant 286 : i32
        %add3A_653 = vector.broadcast %add3A_652 : i32 to vector<16xi32>
        %add3A_654 = arith.addi %mul3A_395, %add3A_653 : vector<16xi32>
        %gather3A_655 = tpu.vector_load_idx %arg12[%add3A_654] : memref<544xf32, #tpu.memory_space<vmem>>[vector<16xi32>], vector<16xf32>,
        %mul3A_656 = arith.constant 16 : i32
        %mul3A_657 = arith.muli %scan3A_237, %mul3A_656 : i32
        %add3A_658 = arith.constant 14 : i32
        %add3A_659 = arith.addi %mul3A_657, %add3A_658 : i32
        %swap3A_660 = arith.index_cast %add3A_659 : i32 to index
        %swap3A_661 = arith.constant 64 : index
        %swap3A_662 = tpu.vector_load %arg9[%swap3A_660, %swap3A_661] {strides = array<i32>} : memref<256x128xf32, #tpu.memory_space<vmem>>, vector<16xf32>,
        tpu.vector_store %arg9[%swap3A_660, %swap3A_661], %gather3A_651 {strides = array<i32>} : memref<256x128xf32, #tpu.memory_space<vmem>>, vector<16xf32>,
        %swap3A_663 = arith.index_cast %add3A_659 : i32 to index
        %swap3A_664 = arith.constant 80 : index
        %swap3A_665 = tpu.vector_load %arg9[%swap3A_663, %swap3A_664] {strides = array<i32>} : memref<256x128xf32, #tpu.memory_space<vmem>>, vector<16xf32>,
        tpu.vector_store %arg9[%swap3A_663, %swap3A_664], %gather3A_655 {strides = array<i32>} : memref<256x128xf32, #tpu.memory_space<vmem>>, vector<16xf32>,
        %add3A_666 = arith.constant 15 : i32
        %add3A_667 = vector.broadcast %add3A_666 : i32 to vector<16xi32>
        %add3A_668 = arith.addi %mul3A_395, %add3A_667 : vector<16xi32>
        %gather3A_669 = tpu.vector_load_idx %arg12[%add3A_668] : memref<544xf32, #tpu.memory_space<vmem>>[vector<16xi32>], vector<16xf32>,
        %add3A_670 = arith.constant 287 : i32
        %add3A_671 = vector.broadcast %add3A_670 : i32 to vector<16xi32>
        %add3A_672 = arith.addi %mul3A_395, %add3A_671 : vector<16xi32>
        %gather3A_673 = tpu.vector_load_idx %arg12[%add3A_672] : memref<544xf32, #tpu.memory_space<vmem>>[vector<16xi32>], vector<16xf32>,
        %mul3A_674 = arith.constant 16 : i32
        %mul3A_675 = arith.muli %scan3A_237, %mul3A_674 : i32
        %add3A_676 = arith.constant 15 : i32
        %add3A_677 = arith.addi %mul3A_675, %add3A_676 : i32
        %swap3A_678 = arith.index_cast %add3A_677 : i32 to index
        %swap3A_679 = arith.constant 64 : index
        %swap3A_680 = tpu.vector_load %arg9[%swap3A_678, %swap3A_679] {strides = array<i32>} : memref<256x128xf32, #tpu.memory_space<vmem>>, vector<16xf32>,
        tpu.vector_store %arg9[%swap3A_678, %swap3A_679], %gather3A_669 {strides = array<i32>} : memref<256x128xf32, #tpu.memory_space<vmem>>, vector<16xf32>,
        %swap3A_681 = arith.index_cast %add3A_677 : i32 to index
        %swap3A_682 = arith.constant 80 : index
        %swap3A_683 = tpu.vector_load %arg9[%swap3A_681, %swap3A_682] {strides = array<i32>} : memref<256x128xf32, #tpu.memory_space<vmem>>, vector<16xf32>,
        tpu.vector_store %arg9[%swap3A_681, %swap3A_682], %gather3A_673 {strides = array<i32>} : memref<256x128xf32, #tpu.memory_space<vmem>>, vector<16xf32>,
      }
      %scan3A_229 = arith.constant 16 : i32
      %mul3A_230 = arith.constant 256 : i32
      %mul3A_231 = arith.muli %add3A_207, %mul3A_230 : i32
      %add3A_232 = arith.addi %mul3A_2, %mul3A_231 : i32
      %dma_start3A_233 = arith.constant 0 : i32
      %dma_start3A_234 = tpu.memref_slice %arg5[%add3A_232, %dma_start3A_233] : memref<819200x128xf32, #tpu.memory_space<hbm>> -> memref<256x128xf32, #tpu.memory_space<hbm>>
      %dma_start3A_235 = arith.constant 0 : i32
      %dma_start3A_236 = tpu.memref_slice %arg5[%add3A_232, %dma_start3A_235] : memref<819200x128xf32, #tpu.memory_space<hbm>> -> memref<256x128xf32, #tpu.memory_space<hbm>>
      tpu.enqueue_dma source(%arg9 : memref<256x128xf32, #tpu.memory_space<vmem>>) target(%dma_start3A_236 : memref<256x128xf32, #tpu.memory_space<hbm>>) target_semaphore(%arg16 : memref<!tpu.dma_semaphore, #tpu.memory_space<semaphore_mem>>)
    }
    %scan3A_79 = arith.constant 49 : i32
    %dma_wait3A_80 = arith.constant 0 : i32
    %dma_wait3A_81 = arith.constant 0 : i32
    %dma_wait3A_82 = tpu.memref_slice %arg10[%dma_wait3A_80, %dma_wait3A_81] : memref<256x128xf32, #tpu.memory_space<vmem>> -> memref<128x128xf32, #tpu.memory_space<vmem>>
    %dma_wait3A_83 = arith.constant 0 : i32
    %dma_wait3A_84 = tpu.memref_slice %arg8[%dma_wait3A_83] : memref<256xi32, #tpu.memory_space<vmem>> -> memref<128xi32, #tpu.memory_space<vmem>>
    %dma_wait3A_85 = arith.constant 0 : i32
    %dma_wait3A_86 = arith.constant 0 : i32
    %dma_wait3A_87 = tpu.memref_slice %arg11[%dma_wait3A_85, %dma_wait3A_86] : memref<2048x128xf32, #tpu.memory_space<vmem_shared>> -> memref<2048x128xf32, #tpu.memory_space<vmem_shared>>
    tpu.wait_indirect_dma semaphore(%arg15 : memref<!tpu.dma_semaphore, #tpu.memory_space<semaphore_mem>>) src(%dma_wait3A_87 : memref<2048x128xf32, #tpu.memory_space<vmem_shared>>) dst(%dma_wait3A_82 : memref<128x128xf32, #tpu.memory_space<vmem>>)
    %dma_wait3A_88 = arith.constant 128 : i32
    %dma_wait3A_89 = arith.constant 0 : i32
    %dma_wait3A_90 = tpu.memref_slice %arg10[%dma_wait3A_88, %dma_wait3A_89] : memref<256x128xf32, #tpu.memory_space<vmem>> -> memref<128x128xf32, #tpu.memory_space<vmem>>
    %dma_wait3A_91 = arith.constant 128 : i32
    %dma_wait3A_92 = tpu.memref_slice %arg8[%dma_wait3A_91] : memref<256xi32, #tpu.memory_space<vmem>> -> memref<128xi32, #tpu.memory_space<vmem>>
    %dma_wait3A_93 = arith.constant 0 : i32
    %dma_wait3A_94 = arith.constant 0 : i32
    %dma_wait3A_95 = tpu.memref_slice %arg11[%dma_wait3A_93, %dma_wait3A_94] : memref<2048x128xf32, #tpu.memory_space<vmem_shared>> -> memref<2048x128xf32, #tpu.memory_space<vmem_shared>>
    tpu.wait_indirect_dma semaphore(%arg15 : memref<!tpu.dma_semaphore, #tpu.memory_space<semaphore_mem>>) src(%dma_wait3A_95 : memref<2048x128xf32, #tpu.memory_space<vmem_shared>>) dst(%dma_wait3A_90 : memref<128x128xf32, #tpu.memory_space<vmem>>)
    %scan3A_96 = arith.constant 0 : i32
    %scan3A_97 = arith.constant 0 : i32
    %scan3A_98 = arith.constant 16 : i32
    %scan3A_99 = arith.addi %scan3A_97, %scan3A_98 : i32
    %scan3A_100 = arith.constant 1 : i32
    scf.for %scan3A_116 = %scan3A_97 to %scan3A_99 step %scan3A_100  : i32 {
      %mul3A_117 = arith.constant 16 : i32
      %mul3A_118 = arith.muli %scan3A_116, %mul3A_117 : i32
      %add3A_119 = arith.constant 25344 : i32
      %add3A_120 = arith.addi %add3A_119, %mul3A_118 : i32
      %get3A = arith.index_cast %add3A_120 : i32 to index
      %get3A_121 = tpu.vector_load %arg6[%get3A] {strides = array<i32>} : memref<25600xf32, #tpu.memory_space<vmem>>, vector<16xf32>,
      %mul3A_122 = arith.constant 2.048000e+03 : f32
      %mul3A_123 = vector.broadcast %mul3A_122 : f32 to vector<16xf32>
      %mul3A_124 = arith.mulf %get3A_121, %mul3A_123 : vector<16xf32>
      %mul3A_125 = arith.constant 16 : i32
      %mul3A_126 = arith.muli %scan3A_116, %mul3A_125 : i32
      %get3A_127 = arith.index_cast %mul3A_126 : i32 to index
      %get3A_128 = tpu.vector_load %arg8[%get3A_127] {strides = array<i32>} : memref<256xi32, #tpu.memory_space<vmem>>, vector<16xi32>,
      %convert_element_type3A_129 = arith.sitofp %get3A_128 : vector<16xi32> to vector<16xf32>
      %sub3A = arith.subf %mul3A_124, %convert_element_type3A_129 : vector<16xf32>
      %mul3A_130 = arith.constant 0.00153398083 : f32
      %mul3A_131 = vector.broadcast %mul3A_130 : f32 to vector<16xf32>
      %mul3A_132 = arith.mulf %sub3A, %mul3A_131 : vector<16xf32>
      %add3A_133 = arith.addi %get3A_128, %get3A_128 : vector<16xi32>
      %gather3A = tpu.vector_load_idx %arg13[%add3A_133] : memref<4096xf32, #tpu.memory_space<vmem>>[vector<16xi32>], vector<16xf32>,
      %add3A_134 = arith.constant 1 : i32
      %add3A_135 = vector.broadcast %add3A_134 : i32 to vector<16xi32>
      %add3A_136 = arith.addi %add3A_133, %add3A_135 : vector<16xi32>
      %gather3A_137 = tpu.vector_load_idx %arg13[%add3A_136] : memref<4096xf32, #tpu.memory_space<vmem>>[vector<16xi32>], vector<16xf32>,
      %mul3A_138 = arith.mulf %mul3A_132, %mul3A_132 : vector<16xf32>
      %mul3A_139 = arith.constant 5.000000e-01 : f32
      %mul3A_140 = vector.broadcast %mul3A_139 : f32 to vector<16xf32>
      %mul3A_141 = arith.mulf %mul3A_140, %mul3A_138 : vector<16xf32>
      %sub3A_142 = arith.constant 1.000000e+00 : f32
      %sub3A_143 = vector.broadcast %sub3A_142 : f32 to vector<16xf32>
      %sub3A_144 = arith.subf %sub3A_143, %mul3A_141 : vector<16xf32>
      %mul3A_145 = arith.mulf %gather3A, %sub3A_144 : vector<16xf32>
      %mul3A_146 = arith.mulf %gather3A_137, %mul3A_132 : vector<16xf32>
      %add3A_147 = arith.addf %mul3A_145, %mul3A_146 : vector<16xf32>
      %mul3A_148 = arith.mulf %gather3A_137, %sub3A_144 : vector<16xf32>
      %mul3A_149 = arith.mulf %gather3A, %mul3A_132 : vector<16xf32>
      %sub3A_150 = arith.subf %mul3A_148, %mul3A_149 : vector<16xf32>
      %swap3A = arith.constant 0 : index
      %swap3A_151 = tpu.vector_load %arg12[%swap3A] {strides = array<i32>} : memref<544xf32, #tpu.memory_space<vmem>>, vector<16xf32>,
      tpu.vector_store %arg12[%swap3A], %add3A_147 {strides = array<i32>} : memref<544xf32, #tpu.memory_space<vmem>>, vector<16xf32>,
      %swap3A_152 = arith.constant 187 : index
      %swap3A_153 = tpu.vector_load %arg12[%swap3A_152] {strides = array<i32>} : memref<544xf32, #tpu.memory_space<vmem>>, vector<16xf32>,
      tpu.vector_store %arg12[%swap3A_152], %sub3A_150 {strides = array<i32>} : memref<544xf32, #tpu.memory_space<vmem>>, vector<16xf32>,
      %mul3A_154 = arith.mulf %add3A_147, %sub3A_150 : vector<16xf32>
      %mul3A_155 = arith.mulf %add3A_147, %add3A_147 : vector<16xf32>
      %add3A_156 = arith.addf %mul3A_154, %mul3A_154 : vector<16xf32>
      %add3A_157 = arith.addf %mul3A_155, %mul3A_155 : vector<16xf32>
      %sub3A_158 = arith.constant 1.000000e+00 : f32
      %sub3A_159 = vector.broadcast %sub3A_158 : f32 to vector<16xf32>
      %sub3A_160 = arith.subf %sub3A_159, %add3A_157 : vector<16xf32>
      %swap3A_161 = arith.constant 17 : index
      %swap3A_162 = tpu.vector_load %arg12[%swap3A_161] {strides = array<i32>} : memref<544xf32, #tpu.memory_space<vmem>>, vector<16xf32>,
      tpu.vector_store %arg12[%swap3A_161], %add3A_156 {strides = array<i32>} : memref<544xf32, #tpu.memory_space<vmem>>, vector<16xf32>,
      %swap3A_163 = arith.constant 204 : index
      %swap3A_164 = tpu.vector_load %arg12[%swap3A_163] {strides = array<i32>} : memref<544xf32, #tpu.memory_space<vmem>>, vector<16xf32>,
      tpu.vector_store %arg12[%swap3A_163], %sub3A_160 {strides = array<i32>} : memref<544xf32, #tpu.memory_space<vmem>>, vector<16xf32>,
      %mul3A_165 = arith.mulf %add3A_156, %sub3A_160 : vector<16xf32>
      %mul3A_166 = arith.mulf %add3A_156, %add3A_156 : vector<16xf32>
      %add3A_167 = arith.addf %mul3A_165, %mul3A_165 : vector<16xf32>
      %add3A_168 = arith.addf %mul3A_166, %mul3A_166 : vector<16xf32>
      %sub3A_169 = arith.constant 1.000000e+00 : f32
      %sub3A_170 = vector.broadcast %sub3A_169 : f32 to vector<16xf32>
      %sub3A_171 = arith.subf %sub3A_170, %add3A_168 : vector<16xf32>
      %swap3A_172 = arith.constant 34 : index
      %swap3A_173 = tpu.vector_load %arg12[%swap3A_172] {strides = array<i32>} : memref<544xf32, #tpu.memory_space<vmem>>, vector<16xf32>,
      tpu.vector_store %arg12[%swap3A_172], %add3A_167 {strides = array<i32>} : memref<544xf32, #tpu.memory_space<vmem>>, vector<16xf32>,
      %swap3A_174 = arith.constant 221 : index
      %swap3A_175 = tpu.vector_load %arg12[%swap3A_174] {strides = array<i32>} : memref<544xf32, #tpu.memory_space<vmem>>, vector<16xf32>,
      tpu.vector_store %arg12[%swap3A_174], %sub3A_171 {strides = array<i32>} : memref<544xf32, #tpu.memory_space<vmem>>, vector<16xf32>,
      %mul3A_176 = arith.mulf %add3A_167, %sub3A_171 : vector<16xf32>
      %mul3A_177 = arith.mulf %add3A_167, %add3A_167 : vector<16xf32>
      %add3A_178 = arith.addf %mul3A_176, %mul3A_176 : vector<16xf32>
      %add3A_179 = arith.addf %mul3A_177, %mul3A_177 : vector<16xf32>
      %sub3A_180 = arith.constant 1.000000e+00 : f32
      %sub3A_181 = vector.broadcast %sub3A_180 : f32 to vector<16xf32>
      %sub3A_182 = arith.subf %sub3A_181, %add3A_179 : vector<16xf32>
      %swap3A_183 = arith.constant 51 : index
      %swap3A_184 = tpu.vector_load %arg12[%swap3A_183] {strides = array<i32>} : memref<544xf32, #tpu.memory_space<vmem>>, vector<16xf32>,
      tpu.vector_store %arg12[%swap3A_183], %add3A_178 {strides = array<i32>} : memref<544xf32, #tpu.memory_space<vmem>>, vector<16xf32>,
      %swap3A_185 = arith.constant 238 : index
      %swap3A_186 = tpu.vector_load %arg12[%swap3A_185] {strides = array<i32>} : memref<544xf32, #tpu.memory_space<vmem>>, vector<16xf32>,
      tpu.vector_store %arg12[%swap3A_185], %sub3A_182 {strides = array<i32>} : memref<544xf32, #tpu.memory_space<vmem>>, vector<16xf32>,
      %mul3A_187 = arith.mulf %add3A_178, %sub3A_182 : vector<16xf32>
      %mul3A_188 = arith.mulf %add3A_178, %add3A_178 : vector<16xf32>
      %add3A_189 = arith.addf %mul3A_187, %mul3A_187 : vector<16xf32>
      %add3A_190 = arith.addf %mul3A_188, %mul3A_188 : vector<16xf32>
      %sub3A_191 = arith.constant 1.000000e+00 : f32
      %sub3A_192 = vector.broadcast %sub3A_191 : f32 to vector<16xf32>
      %sub3A_193 = arith.subf %sub3A_192, %add3A_190 : vector<16xf32>
      %swap3A_194 = arith.constant 68 : index
      %swap3A_195 = tpu.vector_load %arg12[%swap3A_194] {strides = array<i32>} : memref<544xf32, #tpu.memory_space<vmem>>, vector<16xf32>,
      tpu.vector_store %arg12[%swap3A_194], %add3A_189 {strides = array<i32>} : memref<544xf32, #tpu.memory_space<vmem>>, vector<16xf32>,
      %swap3A_196 = arith.constant 255 : index
      %swap3A_197 = tpu.vector_load %arg12[%swap3A_196] {strides = array<i32>} : memref<544xf32, #tpu.memory_space<vmem>>, vector<16xf32>,
      tpu.vector_store %arg12[%swap3A_196], %sub3A_193 {strides = array<i32>} : memref<544xf32, #tpu.memory_space<vmem>>, vector<16xf32>,
      %mul3A_198 = arith.mulf %add3A_189, %sub3A_193 : vector<16xf32>
      %mul3A_199 = arith.mulf %add3A_189, %add3A_189 : vector<16xf32>
      %add3A_200 = arith.addf %mul3A_198, %mul3A_198 : vector<16xf32>
      %add3A_201 = arith.addf %mul3A_199, %mul3A_199 : vector<16xf32>
      %sub3A_202 = arith.constant 1.000000e+00 : f32
      %sub3A_203 = vector.broadcast %sub3A_202 : f32 to vector<16xf32>
      %sub3A_204 = arith.subf %sub3A_203, %add3A_201 : vector<16xf32>
      %swap3A_205 = arith.constant 85 : index
      %swap3A_206 = tpu.vector_load %arg12[%swap3A_205] {strides = array<i32>} : memref<544xf32, #tpu.memory_space<vmem>>, vector<16xf32>,
      tpu.vector_store %arg12[%swap3A_205], %add3A_200 {strides = array<i32>} : memref<544xf32, #tpu.memory_space<vmem>>, vector<16xf32>,
      %swap3A_207 = arith.constant 272 : index
      %swap3A_208 = tpu.vector_load %arg12[%swap3A_207] {strides = array<i32>} : memref<544xf32, #tpu.memory_space<vmem>>, vector<16xf32>,
      tpu.vector_store %arg12[%swap3A_207], %sub3A_204 {strides = array<i32>} : memref<544xf32, #tpu.memory_space<vmem>>, vector<16xf32>,
      %mul3A_209 = arith.mulf %add3A_200, %sub3A_204 : vector<16xf32>
      %mul3A_210 = arith.mulf %add3A_200, %add3A_200 : vector<16xf32>
      %add3A_211 = arith.addf %mul3A_209, %mul3A_209 : vector<16xf32>
      %add3A_212 = arith.addf %mul3A_210, %mul3A_210 : vector<16xf32>
      %sub3A_213 = arith.constant 1.000000e+00 : f32
      %sub3A_214 = vector.broadcast %sub3A_213 : f32 to vector<16xf32>
      %sub3A_215 = arith.subf %sub3A_214, %add3A_212 : vector<16xf32>
      %swap3A_216 = arith.constant 102 : index
      %swap3A_217 = tpu.vector_load %arg12[%swap3A_216] {strides = array<i32>} : memref<544xf32, #tpu.memory_space<vmem>>, vector<16xf32>,
      tpu.vector_store %arg12[%swap3A_216], %add3A_211 {strides = array<i32>} : memref<544xf32, #tpu.memory_space<vmem>>, vector<16xf32>,
      %swap3A_218 = arith.constant 289 : index
      %swap3A_219 = tpu.vector_load %arg12[%swap3A_218] {strides = array<i32>} : memref<544xf32, #tpu.memory_space<vmem>>, vector<16xf32>,
      tpu.vector_store %arg12[%swap3A_218], %sub3A_215 {strides = array<i32>} : memref<544xf32, #tpu.memory_space<vmem>>, vector<16xf32>,
      %mul3A_220 = arith.mulf %add3A_211, %sub3A_215 : vector<16xf32>
      %mul3A_221 = arith.mulf %add3A_211, %add3A_211 : vector<16xf32>
      %add3A_222 = arith.addf %mul3A_220, %mul3A_220 : vector<16xf32>
      %add3A_223 = arith.addf %mul3A_221, %mul3A_221 : vector<16xf32>
      %sub3A_224 = arith.constant 1.000000e+00 : f32
      %sub3A_225 = vector.broadcast %sub3A_224 : f32 to vector<16xf32>
      %sub3A_226 = arith.subf %sub3A_225, %add3A_223 : vector<16xf32>
      %swap3A_227 = arith.constant 119 : index
      %swap3A_228 = tpu.vector_load %arg12[%swap3A_227] {strides = array<i32>} : memref<544xf32, #tpu.memory_space<vmem>>, vector<16xf32>,
      tpu.vector_store %arg12[%swap3A_227], %add3A_222 {strides = array<i32>} : memref<544xf32, #tpu.memory_space<vmem>>, vector<16xf32>,
      %swap3A_229 = arith.constant 306 : index
      %swap3A_230 = tpu.vector_load %arg12[%swap3A_229] {strides = array<i32>} : memref<544xf32, #tpu.memory_space<vmem>>, vector<16xf32>,
      tpu.vector_store %arg12[%swap3A_229], %sub3A_226 {strides = array<i32>} : memref<544xf32, #tpu.memory_space<vmem>>, vector<16xf32>,
      %mul3A_231 = arith.mulf %add3A_222, %sub3A_226 : vector<16xf32>
      %mul3A_232 = arith.mulf %add3A_222, %add3A_222 : vector<16xf32>
      %add3A_233 = arith.addf %mul3A_231, %mul3A_231 : vector<16xf32>
      %add3A_234 = arith.addf %mul3A_232, %mul3A_232 : vector<16xf32>
      %sub3A_235 = arith.constant 1.000000e+00 : f32
      %sub3A_236 = vector.broadcast %sub3A_235 : f32 to vector<16xf32>
      %sub3A_237 = arith.subf %sub3A_236, %add3A_234 : vector<16xf32>
      %swap3A_238 = arith.constant 136 : index
      %swap3A_239 = tpu.vector_load %arg12[%swap3A_238] {strides = array<i32>} : memref<544xf32, #tpu.memory_space<vmem>>, vector<16xf32>,
      tpu.vector_store %arg12[%swap3A_238], %add3A_233 {strides = array<i32>} : memref<544xf32, #tpu.memory_space<vmem>>, vector<16xf32>,
      %swap3A_240 = arith.constant 323 : index
      %swap3A_241 = tpu.vector_load %arg12[%swap3A_240] {strides = array<i32>} : memref<544xf32, #tpu.memory_space<vmem>>, vector<16xf32>,
      tpu.vector_store %arg12[%swap3A_240], %sub3A_237 {strides = array<i32>} : memref<544xf32, #tpu.memory_space<vmem>>, vector<16xf32>,
      %mul3A_242 = arith.mulf %add3A_233, %sub3A_237 : vector<16xf32>
      %mul3A_243 = arith.mulf %add3A_233, %add3A_233 : vector<16xf32>
      %add3A_244 = arith.addf %mul3A_242, %mul3A_242 : vector<16xf32>
      %add3A_245 = arith.addf %mul3A_243, %mul3A_243 : vector<16xf32>
      %sub3A_246 = arith.constant 1.000000e+00 : f32
      %sub3A_247 = vector.broadcast %sub3A_246 : f32 to vector<16xf32>
      %sub3A_248 = arith.subf %sub3A_247, %add3A_245 : vector<16xf32>
      %swap3A_249 = arith.constant 153 : index
      %swap3A_250 = tpu.vector_load %arg12[%swap3A_249] {strides = array<i32>} : memref<544xf32, #tpu.memory_space<vmem>>, vector<16xf32>,
      tpu.vector_store %arg12[%swap3A_249], %add3A_244 {strides = array<i32>} : memref<544xf32, #tpu.memory_space<vmem>>, vector<16xf32>,
      %swap3A_251 = arith.constant 340 : index
      %swap3A_252 = tpu.vector_load %arg12[%swap3A_251] {strides = array<i32>} : memref<544xf32, #tpu.memory_space<vmem>>, vector<16xf32>,
      tpu.vector_store %arg12[%swap3A_251], %sub3A_248 {strides = array<i32>} : memref<544xf32, #tpu.memory_space<vmem>>, vector<16xf32>,
      %mul3A_253 = arith.mulf %add3A_244, %sub3A_248 : vector<16xf32>
      %mul3A_254 = arith.mulf %add3A_244, %add3A_244 : vector<16xf32>
      %add3A_255 = arith.addf %mul3A_253, %mul3A_253 : vector<16xf32>
      %add3A_256 = arith.addf %mul3A_254, %mul3A_254 : vector<16xf32>
      %sub3A_257 = arith.constant 1.000000e+00 : f32
      %sub3A_258 = vector.broadcast %sub3A_257 : f32 to vector<16xf32>
      %sub3A_259 = arith.subf %sub3A_258, %add3A_256 : vector<16xf32>
      %swap3A_260 = arith.constant 170 : index
      %swap3A_261 = tpu.vector_load %arg12[%swap3A_260] {strides = array<i32>} : memref<544xf32, #tpu.memory_space<vmem>>, vector<16xf32>,
      tpu.vector_store %arg12[%swap3A_260], %add3A_255 {strides = array<i32>} : memref<544xf32, #tpu.memory_space<vmem>>, vector<16xf32>,
      %swap3A_262 = arith.constant 357 : index
      %swap3A_263 = tpu.vector_load %arg12[%swap3A_262] {strides = array<i32>} : memref<544xf32, #tpu.memory_space<vmem>>, vector<16xf32>,
      tpu.vector_store %arg12[%swap3A_262], %sub3A_259 {strides = array<i32>} : memref<544xf32, #tpu.memory_space<vmem>>, vector<16xf32>,
      %mul3A_264 = arith.mulf %add3A_255, %sub3A_259 : vector<16xf32>
      %mul3A_265 = arith.mulf %add3A_255, %add3A_255 : vector<16xf32>
      %add3A_266 = arith.addf %mul3A_264, %mul3A_264 : vector<16xf32>
      %add3A_267 = arith.addf %mul3A_265, %mul3A_265 : vector<16xf32>
      %sub3A_268 = arith.constant 1.000000e+00 : f32
      %sub3A_269 = vector.broadcast %sub3A_268 : f32 to vector<16xf32>
      %sub3A_270 = arith.subf %sub3A_269, %add3A_267 : vector<16xf32>
      %iota3A = tpu.iota {dimensions = array<i32: 0>} : vector<16xi32>
      %mul3A_271 = arith.constant 17 : i32
      %mul3A_272 = vector.broadcast %mul3A_271 : i32 to vector<16xi32>
      %mul3A_273 = arith.muli %iota3A, %mul3A_272 : vector<16xi32>
      %add3A_274 = arith.constant 0 : i32
      %add3A_275 = vector.broadcast %add3A_274 : i32 to vector<16xi32>
      %add3A_276 = arith.addi %mul3A_273, %add3A_275 : vector<16xi32>
      %gather3A_277 = tpu.vector_load_idx %arg12[%add3A_276] : memref<544xf32, #tpu.memory_space<vmem>>[vector<16xi32>], vector<16xf32>,
      %add3A_278 = arith.constant 272 : i32
      %add3A_279 = vector.broadcast %add3A_278 : i32 to vector<16xi32>
      %add3A_280 = arith.addi %mul3A_273, %add3A_279 : vector<16xi32>
      %gather3A_281 = tpu.vector_load_idx %arg12[%add3A_280] : memref<544xf32, #tpu.memory_space<vmem>>[vector<16xi32>], vector<16xf32>,
      %mul3A_282 = arith.constant 16 : i32
      %mul3A_283 = arith.muli %scan3A_116, %mul3A_282 : i32
      %add3A_284 = arith.constant 0 : i32
      %add3A_285 = arith.addi %mul3A_283, %add3A_284 : i32
      %swap3A_286 = arith.index_cast %add3A_285 : i32 to index
      %swap3A_287 = arith.constant 64 : index
      %swap3A_288 = tpu.vector_load %arg10[%swap3A_286, %swap3A_287] {strides = array<i32>} : memref<256x128xf32, #tpu.memory_space<vmem>>, vector<16xf32>,
      tpu.vector_store %arg10[%swap3A_286, %swap3A_287], %gather3A_277 {strides = array<i32>} : memref<256x128xf32, #tpu.memory_space<vmem>>, vector<16xf32>,
      %swap3A_289 = arith.index_cast %add3A_285 : i32 to index
      %swap3A_290 = arith.constant 80 : index
      %swap3A_291 = tpu.vector_load %arg10[%swap3A_289, %swap3A_290] {strides = array<i32>} : memref<256x128xf32, #tpu.memory_space<vmem>>, vector<16xf32>,
      tpu.vector_store %arg10[%swap3A_289, %swap3A_290], %gather3A_281 {strides = array<i32>} : memref<256x128xf32, #tpu.memory_space<vmem>>, vector<16xf32>,
      %add3A_292 = arith.constant 1 : i32
      %add3A_293 = vector.broadcast %add3A_292 : i32 to vector<16xi32>
      %add3A_294 = arith.addi %mul3A_273, %add3A_293 : vector<16xi32>
      %gather3A_295 = tpu.vector_load_idx %arg12[%add3A_294] : memref<544xf32, #tpu.memory_space<vmem>>[vector<16xi32>], vector<16xf32>,
      %add3A_296 = arith.constant 273 : i32
      %add3A_297 = vector.broadcast %add3A_296 : i32 to vector<16xi32>
      %add3A_298 = arith.addi %mul3A_273, %add3A_297 : vector<16xi32>
      %gather3A_299 = tpu.vector_load_idx %arg12[%add3A_298] : memref<544xf32, #tpu.memory_space<vmem>>[vector<16xi32>], vector<16xf32>,
      %mul3A_300 = arith.constant 16 : i32
      %mul3A_301 = arith.muli %scan3A_116, %mul3A_300 : i32
      %add3A_302 = arith.constant 1 : i32
      %add3A_303 = arith.addi %mul3A_301, %add3A_302 : i32
      %swap3A_304 = arith.index_cast %add3A_303 : i32 to index
      %swap3A_305 = arith.constant 64 : index
      %swap3A_306 = tpu.vector_load %arg10[%swap3A_304, %swap3A_305] {strides = array<i32>} : memref<256x128xf32, #tpu.memory_space<vmem>>, vector<16xf32>,
      tpu.vector_store %arg10[%swap3A_304, %swap3A_305], %gather3A_295 {strides = array<i32>} : memref<256x128xf32, #tpu.memory_space<vmem>>, vector<16xf32>,
      %swap3A_307 = arith.index_cast %add3A_303 : i32 to index
      %swap3A_308 = arith.constant 80 : index
      %swap3A_309 = tpu.vector_load %arg10[%swap3A_307, %swap3A_308] {strides = array<i32>} : memref<256x128xf32, #tpu.memory_space<vmem>>, vector<16xf32>,
      tpu.vector_store %arg10[%swap3A_307, %swap3A_308], %gather3A_299 {strides = array<i32>} : memref<256x128xf32, #tpu.memory_space<vmem>>, vector<16xf32>,
      %add3A_310 = arith.constant 2 : i32
      %add3A_311 = vector.broadcast %add3A_310 : i32 to vector<16xi32>
      %add3A_312 = arith.addi %mul3A_273, %add3A_311 : vector<16xi32>
      %gather3A_313 = tpu.vector_load_idx %arg12[%add3A_312] : memref<544xf32, #tpu.memory_space<vmem>>[vector<16xi32>], vector<16xf32>,
      %add3A_314 = arith.constant 274 : i32
      %add3A_315 = vector.broadcast %add3A_314 : i32 to vector<16xi32>
      %add3A_316 = arith.addi %mul3A_273, %add3A_315 : vector<16xi32>
      %gather3A_317 = tpu.vector_load_idx %arg12[%add3A_316] : memref<544xf32, #tpu.memory_space<vmem>>[vector<16xi32>], vector<16xf32>,
      %mul3A_318 = arith.constant 16 : i32
      %mul3A_319 = arith.muli %scan3A_116, %mul3A_318 : i32
      %add3A_320 = arith.constant 2 : i32
      %add3A_321 = arith.addi %mul3A_319, %add3A_320 : i32
      %swap3A_322 = arith.index_cast %add3A_321 : i32 to index
      %swap3A_323 = arith.constant 64 : index
      %swap3A_324 = tpu.vector_load %arg10[%swap3A_322, %swap3A_323] {strides = array<i32>} : memref<256x128xf32, #tpu.memory_space<vmem>>, vector<16xf32>,
      tpu.vector_store %arg10[%swap3A_322, %swap3A_323], %gather3A_313 {strides = array<i32>} : memref<256x128xf32, #tpu.memory_space<vmem>>, vector<16xf32>,
      %swap3A_325 = arith.index_cast %add3A_321 : i32 to index
      %swap3A_326 = arith.constant 80 : index
      %swap3A_327 = tpu.vector_load %arg10[%swap3A_325, %swap3A_326] {strides = array<i32>} : memref<256x128xf32, #tpu.memory_space<vmem>>, vector<16xf32>,
      tpu.vector_store %arg10[%swap3A_325, %swap3A_326], %gather3A_317 {strides = array<i32>} : memref<256x128xf32, #tpu.memory_space<vmem>>, vector<16xf32>,
      %add3A_328 = arith.constant 3 : i32
      %add3A_329 = vector.broadcast %add3A_328 : i32 to vector<16xi32>
      %add3A_330 = arith.addi %mul3A_273, %add3A_329 : vector<16xi32>
      %gather3A_331 = tpu.vector_load_idx %arg12[%add3A_330] : memref<544xf32, #tpu.memory_space<vmem>>[vector<16xi32>], vector<16xf32>,
      %add3A_332 = arith.constant 275 : i32
      %add3A_333 = vector.broadcast %add3A_332 : i32 to vector<16xi32>
      %add3A_334 = arith.addi %mul3A_273, %add3A_333 : vector<16xi32>
      %gather3A_335 = tpu.vector_load_idx %arg12[%add3A_334] : memref<544xf32, #tpu.memory_space<vmem>>[vector<16xi32>], vector<16xf32>,
      %mul3A_336 = arith.constant 16 : i32
      %mul3A_337 = arith.muli %scan3A_116, %mul3A_336 : i32
      %add3A_338 = arith.constant 3 : i32
      %add3A_339 = arith.addi %mul3A_337, %add3A_338 : i32
      %swap3A_340 = arith.index_cast %add3A_339 : i32 to index
      %swap3A_341 = arith.constant 64 : index
      %swap3A_342 = tpu.vector_load %arg10[%swap3A_340, %swap3A_341] {strides = array<i32>} : memref<256x128xf32, #tpu.memory_space<vmem>>, vector<16xf32>,
      tpu.vector_store %arg10[%swap3A_340, %swap3A_341], %gather3A_331 {strides = array<i32>} : memref<256x128xf32, #tpu.memory_space<vmem>>, vector<16xf32>,
      %swap3A_343 = arith.index_cast %add3A_339 : i32 to index
      %swap3A_344 = arith.constant 80 : index
      %swap3A_345 = tpu.vector_load %arg10[%swap3A_343, %swap3A_344] {strides = array<i32>} : memref<256x128xf32, #tpu.memory_space<vmem>>, vector<16xf32>,
      tpu.vector_store %arg10[%swap3A_343, %swap3A_344], %gather3A_335 {strides = array<i32>} : memref<256x128xf32, #tpu.memory_space<vmem>>, vector<16xf32>,
      %add3A_346 = arith.constant 4 : i32
      %add3A_347 = vector.broadcast %add3A_346 : i32 to vector<16xi32>
      %add3A_348 = arith.addi %mul3A_273, %add3A_347 : vector<16xi32>
      %gather3A_349 = tpu.vector_load_idx %arg12[%add3A_348] : memref<544xf32, #tpu.memory_space<vmem>>[vector<16xi32>], vector<16xf32>,
      %add3A_350 = arith.constant 276 : i32
      %add3A_351 = vector.broadcast %add3A_350 : i32 to vector<16xi32>
      %add3A_352 = arith.addi %mul3A_273, %add3A_351 : vector<16xi32>
      %gather3A_353 = tpu.vector_load_idx %arg12[%add3A_352] : memref<544xf32, #tpu.memory_space<vmem>>[vector<16xi32>], vector<16xf32>,
      %mul3A_354 = arith.constant 16 : i32
      %mul3A_355 = arith.muli %scan3A_116, %mul3A_354 : i32
      %add3A_356 = arith.constant 4 : i32
      %add3A_357 = arith.addi %mul3A_355, %add3A_356 : i32
      %swap3A_358 = arith.index_cast %add3A_357 : i32 to index
      %swap3A_359 = arith.constant 64 : index
      %swap3A_360 = tpu.vector_load %arg10[%swap3A_358, %swap3A_359] {strides = array<i32>} : memref<256x128xf32, #tpu.memory_space<vmem>>, vector<16xf32>,
      tpu.vector_store %arg10[%swap3A_358, %swap3A_359], %gather3A_349 {strides = array<i32>} : memref<256x128xf32, #tpu.memory_space<vmem>>, vector<16xf32>,
      %swap3A_361 = arith.index_cast %add3A_357 : i32 to index
      %swap3A_362 = arith.constant 80 : index
      %swap3A_363 = tpu.vector_load %arg10[%swap3A_361, %swap3A_362] {strides = array<i32>} : memref<256x128xf32, #tpu.memory_space<vmem>>, vector<16xf32>,
      tpu.vector_store %arg10[%swap3A_361, %swap3A_362], %gather3A_353 {strides = array<i32>} : memref<256x128xf32, #tpu.memory_space<vmem>>, vector<16xf32>,
      %add3A_364 = arith.constant 5 : i32
      %add3A_365 = vector.broadcast %add3A_364 : i32 to vector<16xi32>
      %add3A_366 = arith.addi %mul3A_273, %add3A_365 : vector<16xi32>
      %gather3A_367 = tpu.vector_load_idx %arg12[%add3A_366] : memref<544xf32, #tpu.memory_space<vmem>>[vector<16xi32>], vector<16xf32>,
      %add3A_368 = arith.constant 277 : i32
      %add3A_369 = vector.broadcast %add3A_368 : i32 to vector<16xi32>
      %add3A_370 = arith.addi %mul3A_273, %add3A_369 : vector<16xi32>
      %gather3A_371 = tpu.vector_load_idx %arg12[%add3A_370] : memref<544xf32, #tpu.memory_space<vmem>>[vector<16xi32>], vector<16xf32>,
      %mul3A_372 = arith.constant 16 : i32
      %mul3A_373 = arith.muli %scan3A_116, %mul3A_372 : i32
      %add3A_374 = arith.constant 5 : i32
      %add3A_375 = arith.addi %mul3A_373, %add3A_374 : i32
      %swap3A_376 = arith.index_cast %add3A_375 : i32 to index
      %swap3A_377 = arith.constant 64 : index
      %swap3A_378 = tpu.vector_load %arg10[%swap3A_376, %swap3A_377] {strides = array<i32>} : memref<256x128xf32, #tpu.memory_space<vmem>>, vector<16xf32>,
      tpu.vector_store %arg10[%swap3A_376, %swap3A_377], %gather3A_367 {strides = array<i32>} : memref<256x128xf32, #tpu.memory_space<vmem>>, vector<16xf32>,
      %swap3A_379 = arith.index_cast %add3A_375 : i32 to index
      %swap3A_380 = arith.constant 80 : index
      %swap3A_381 = tpu.vector_load %arg10[%swap3A_379, %swap3A_380] {strides = array<i32>} : memref<256x128xf32, #tpu.memory_space<vmem>>, vector<16xf32>,
      tpu.vector_store %arg10[%swap3A_379, %swap3A_380], %gather3A_371 {strides = array<i32>} : memref<256x128xf32, #tpu.memory_space<vmem>>, vector<16xf32>,
      %add3A_382 = arith.constant 6 : i32
      %add3A_383 = vector.broadcast %add3A_382 : i32 to vector<16xi32>
      %add3A_384 = arith.addi %mul3A_273, %add3A_383 : vector<16xi32>
      %gather3A_385 = tpu.vector_load_idx %arg12[%add3A_384] : memref<544xf32, #tpu.memory_space<vmem>>[vector<16xi32>], vector<16xf32>,
      %add3A_386 = arith.constant 278 : i32
      %add3A_387 = vector.broadcast %add3A_386 : i32 to vector<16xi32>
      %add3A_388 = arith.addi %mul3A_273, %add3A_387 : vector<16xi32>
      %gather3A_389 = tpu.vector_load_idx %arg12[%add3A_388] : memref<544xf32, #tpu.memory_space<vmem>>[vector<16xi32>], vector<16xf32>,
      %mul3A_390 = arith.constant 16 : i32
      %mul3A_391 = arith.muli %scan3A_116, %mul3A_390 : i32
      %add3A_392 = arith.constant 6 : i32
      %add3A_393 = arith.addi %mul3A_391, %add3A_392 : i32
      %swap3A_394 = arith.index_cast %add3A_393 : i32 to index
      %swap3A_395 = arith.constant 64 : index
      %swap3A_396 = tpu.vector_load %arg10[%swap3A_394, %swap3A_395] {strides = array<i32>} : memref<256x128xf32, #tpu.memory_space<vmem>>, vector<16xf32>,
      tpu.vector_store %arg10[%swap3A_394, %swap3A_395], %gather3A_385 {strides = array<i32>} : memref<256x128xf32, #tpu.memory_space<vmem>>, vector<16xf32>,
      %swap3A_397 = arith.index_cast %add3A_393 : i32 to index
      %swap3A_398 = arith.constant 80 : index
      %swap3A_399 = tpu.vector_load %arg10[%swap3A_397, %swap3A_398] {strides = array<i32>} : memref<256x128xf32, #tpu.memory_space<vmem>>, vector<16xf32>,
      tpu.vector_store %arg10[%swap3A_397, %swap3A_398], %gather3A_389 {strides = array<i32>} : memref<256x128xf32, #tpu.memory_space<vmem>>, vector<16xf32>,
      %add3A_400 = arith.constant 7 : i32
      %add3A_401 = vector.broadcast %add3A_400 : i32 to vector<16xi32>
      %add3A_402 = arith.addi %mul3A_273, %add3A_401 : vector<16xi32>
      %gather3A_403 = tpu.vector_load_idx %arg12[%add3A_402] : memref<544xf32, #tpu.memory_space<vmem>>[vector<16xi32>], vector<16xf32>,
      %add3A_404 = arith.constant 279 : i32
      %add3A_405 = vector.broadcast %add3A_404 : i32 to vector<16xi32>
      %add3A_406 = arith.addi %mul3A_273, %add3A_405 : vector<16xi32>
      %gather3A_407 = tpu.vector_load_idx %arg12[%add3A_406] : memref<544xf32, #tpu.memory_space<vmem>>[vector<16xi32>], vector<16xf32>,
      %mul3A_408 = arith.constant 16 : i32
      %mul3A_409 = arith.muli %scan3A_116, %mul3A_408 : i32
      %add3A_410 = arith.constant 7 : i32
      %add3A_411 = arith.addi %mul3A_409, %add3A_410 : i32
      %swap3A_412 = arith.index_cast %add3A_411 : i32 to index
      %swap3A_413 = arith.constant 64 : index
      %swap3A_414 = tpu.vector_load %arg10[%swap3A_412, %swap3A_413] {strides = array<i32>} : memref<256x128xf32, #tpu.memory_space<vmem>>, vector<16xf32>,
      tpu.vector_store %arg10[%swap3A_412, %swap3A_413], %gather3A_403 {strides = array<i32>} : memref<256x128xf32, #tpu.memory_space<vmem>>, vector<16xf32>,
      %swap3A_415 = arith.index_cast %add3A_411 : i32 to index
      %swap3A_416 = arith.constant 80 : index
      %swap3A_417 = tpu.vector_load %arg10[%swap3A_415, %swap3A_416] {strides = array<i32>} : memref<256x128xf32, #tpu.memory_space<vmem>>, vector<16xf32>,
      tpu.vector_store %arg10[%swap3A_415, %swap3A_416], %gather3A_407 {strides = array<i32>} : memref<256x128xf32, #tpu.memory_space<vmem>>, vector<16xf32>,
      %add3A_418 = arith.constant 8 : i32
      %add3A_419 = vector.broadcast %add3A_418 : i32 to vector<16xi32>
      %add3A_420 = arith.addi %mul3A_273, %add3A_419 : vector<16xi32>
      %gather3A_421 = tpu.vector_load_idx %arg12[%add3A_420] : memref<544xf32, #tpu.memory_space<vmem>>[vector<16xi32>], vector<16xf32>,
      %add3A_422 = arith.constant 280 : i32
      %add3A_423 = vector.broadcast %add3A_422 : i32 to vector<16xi32>
      %add3A_424 = arith.addi %mul3A_273, %add3A_423 : vector<16xi32>
      %gather3A_425 = tpu.vector_load_idx %arg12[%add3A_424] : memref<544xf32, #tpu.memory_space<vmem>>[vector<16xi32>], vector<16xf32>,
      %mul3A_426 = arith.constant 16 : i32
      %mul3A_427 = arith.muli %scan3A_116, %mul3A_426 : i32
      %add3A_428 = arith.constant 8 : i32
      %add3A_429 = arith.addi %mul3A_427, %add3A_428 : i32
      %swap3A_430 = arith.index_cast %add3A_429 : i32 to index
      %swap3A_431 = arith.constant 64 : index
      %swap3A_432 = tpu.vector_load %arg10[%swap3A_430, %swap3A_431] {strides = array<i32>} : memref<256x128xf32, #tpu.memory_space<vmem>>, vector<16xf32>,
      tpu.vector_store %arg10[%swap3A_430, %swap3A_431], %gather3A_421 {strides = array<i32>} : memref<256x128xf32, #tpu.memory_space<vmem>>, vector<16xf32>,
      %swap3A_433 = arith.index_cast %add3A_429 : i32 to index
      %swap3A_434 = arith.constant 80 : index
      %swap3A_435 = tpu.vector_load %arg10[%swap3A_433, %swap3A_434] {strides = array<i32>} : memref<256x128xf32, #tpu.memory_space<vmem>>, vector<16xf32>,
      tpu.vector_store %arg10[%swap3A_433, %swap3A_434], %gather3A_425 {strides = array<i32>} : memref<256x128xf32, #tpu.memory_space<vmem>>, vector<16xf32>,
      %add3A_436 = arith.constant 9 : i32
      %add3A_437 = vector.broadcast %add3A_436 : i32 to vector<16xi32>
      %add3A_438 = arith.addi %mul3A_273, %add3A_437 : vector<16xi32>
      %gather3A_439 = tpu.vector_load_idx %arg12[%add3A_438] : memref<544xf32, #tpu.memory_space<vmem>>[vector<16xi32>], vector<16xf32>,
      %add3A_440 = arith.constant 281 : i32
      %add3A_441 = vector.broadcast %add3A_440 : i32 to vector<16xi32>
      %add3A_442 = arith.addi %mul3A_273, %add3A_441 : vector<16xi32>
      %gather3A_443 = tpu.vector_load_idx %arg12[%add3A_442] : memref<544xf32, #tpu.memory_space<vmem>>[vector<16xi32>], vector<16xf32>,
      %mul3A_444 = arith.constant 16 : i32
      %mul3A_445 = arith.muli %scan3A_116, %mul3A_444 : i32
      %add3A_446 = arith.constant 9 : i32
      %add3A_447 = arith.addi %mul3A_445, %add3A_446 : i32
      %swap3A_448 = arith.index_cast %add3A_447 : i32 to index
      %swap3A_449 = arith.constant 64 : index
      %swap3A_450 = tpu.vector_load %arg10[%swap3A_448, %swap3A_449] {strides = array<i32>} : memref<256x128xf32, #tpu.memory_space<vmem>>, vector<16xf32>,
      tpu.vector_store %arg10[%swap3A_448, %swap3A_449], %gather3A_439 {strides = array<i32>} : memref<256x128xf32, #tpu.memory_space<vmem>>, vector<16xf32>,
      %swap3A_451 = arith.index_cast %add3A_447 : i32 to index
      %swap3A_452 = arith.constant 80 : index
      %swap3A_453 = tpu.vector_load %arg10[%swap3A_451, %swap3A_452] {strides = array<i32>} : memref<256x128xf32, #tpu.memory_space<vmem>>, vector<16xf32>,
      tpu.vector_store %arg10[%swap3A_451, %swap3A_452], %gather3A_443 {strides = array<i32>} : memref<256x128xf32, #tpu.memory_space<vmem>>, vector<16xf32>,
      %add3A_454 = arith.constant 10 : i32
      %add3A_455 = vector.broadcast %add3A_454 : i32 to vector<16xi32>
      %add3A_456 = arith.addi %mul3A_273, %add3A_455 : vector<16xi32>
      %gather3A_457 = tpu.vector_load_idx %arg12[%add3A_456] : memref<544xf32, #tpu.memory_space<vmem>>[vector<16xi32>], vector<16xf32>,
      %add3A_458 = arith.constant 282 : i32
      %add3A_459 = vector.broadcast %add3A_458 : i32 to vector<16xi32>
      %add3A_460 = arith.addi %mul3A_273, %add3A_459 : vector<16xi32>
      %gather3A_461 = tpu.vector_load_idx %arg12[%add3A_460] : memref<544xf32, #tpu.memory_space<vmem>>[vector<16xi32>], vector<16xf32>,
      %mul3A_462 = arith.constant 16 : i32
      %mul3A_463 = arith.muli %scan3A_116, %mul3A_462 : i32
      %add3A_464 = arith.constant 10 : i32
      %add3A_465 = arith.addi %mul3A_463, %add3A_464 : i32
      %swap3A_466 = arith.index_cast %add3A_465 : i32 to index
      %swap3A_467 = arith.constant 64 : index
      %swap3A_468 = tpu.vector_load %arg10[%swap3A_466, %swap3A_467] {strides = array<i32>} : memref<256x128xf32, #tpu.memory_space<vmem>>, vector<16xf32>,
      tpu.vector_store %arg10[%swap3A_466, %swap3A_467], %gather3A_457 {strides = array<i32>} : memref<256x128xf32, #tpu.memory_space<vmem>>, vector<16xf32>,
      %swap3A_469 = arith.index_cast %add3A_465 : i32 to index
      %swap3A_470 = arith.constant 80 : index
      %swap3A_471 = tpu.vector_load %arg10[%swap3A_469, %swap3A_470] {strides = array<i32>} : memref<256x128xf32, #tpu.memory_space<vmem>>, vector<16xf32>,
      tpu.vector_store %arg10[%swap3A_469, %swap3A_470], %gather3A_461 {strides = array<i32>} : memref<256x128xf32, #tpu.memory_space<vmem>>, vector<16xf32>,
      %add3A_472 = arith.constant 11 : i32
      %add3A_473 = vector.broadcast %add3A_472 : i32 to vector<16xi32>
      %add3A_474 = arith.addi %mul3A_273, %add3A_473 : vector<16xi32>
      %gather3A_475 = tpu.vector_load_idx %arg12[%add3A_474] : memref<544xf32, #tpu.memory_space<vmem>>[vector<16xi32>], vector<16xf32>,
      %add3A_476 = arith.constant 283 : i32
      %add3A_477 = vector.broadcast %add3A_476 : i32 to vector<16xi32>
      %add3A_478 = arith.addi %mul3A_273, %add3A_477 : vector<16xi32>
      %gather3A_479 = tpu.vector_load_idx %arg12[%add3A_478] : memref<544xf32, #tpu.memory_space<vmem>>[vector<16xi32>], vector<16xf32>,
      %mul3A_480 = arith.constant 16 : i32
      %mul3A_481 = arith.muli %scan3A_116, %mul3A_480 : i32
      %add3A_482 = arith.constant 11 : i32
      %add3A_483 = arith.addi %mul3A_481, %add3A_482 : i32
      %swap3A_484 = arith.index_cast %add3A_483 : i32 to index
      %swap3A_485 = arith.constant 64 : index
      %swap3A_486 = tpu.vector_load %arg10[%swap3A_484, %swap3A_485] {strides = array<i32>} : memref<256x128xf32, #tpu.memory_space<vmem>>, vector<16xf32>,
      tpu.vector_store %arg10[%swap3A_484, %swap3A_485], %gather3A_475 {strides = array<i32>} : memref<256x128xf32, #tpu.memory_space<vmem>>, vector<16xf32>,
      %swap3A_487 = arith.index_cast %add3A_483 : i32 to index
      %swap3A_488 = arith.constant 80 : index
      %swap3A_489 = tpu.vector_load %arg10[%swap3A_487, %swap3A_488] {strides = array<i32>} : memref<256x128xf32, #tpu.memory_space<vmem>>, vector<16xf32>,
      tpu.vector_store %arg10[%swap3A_487, %swap3A_488], %gather3A_479 {strides = array<i32>} : memref<256x128xf32, #tpu.memory_space<vmem>>, vector<16xf32>,
      %add3A_490 = arith.constant 12 : i32
      %add3A_491 = vector.broadcast %add3A_490 : i32 to vector<16xi32>
      %add3A_492 = arith.addi %mul3A_273, %add3A_491 : vector<16xi32>
      %gather3A_493 = tpu.vector_load_idx %arg12[%add3A_492] : memref<544xf32, #tpu.memory_space<vmem>>[vector<16xi32>], vector<16xf32>,
      %add3A_494 = arith.constant 284 : i32
      %add3A_495 = vector.broadcast %add3A_494 : i32 to vector<16xi32>
      %add3A_496 = arith.addi %mul3A_273, %add3A_495 : vector<16xi32>
      %gather3A_497 = tpu.vector_load_idx %arg12[%add3A_496] : memref<544xf32, #tpu.memory_space<vmem>>[vector<16xi32>], vector<16xf32>,
      %mul3A_498 = arith.constant 16 : i32
      %mul3A_499 = arith.muli %scan3A_116, %mul3A_498 : i32
      %add3A_500 = arith.constant 12 : i32
      %add3A_501 = arith.addi %mul3A_499, %add3A_500 : i32
      %swap3A_502 = arith.index_cast %add3A_501 : i32 to index
      %swap3A_503 = arith.constant 64 : index
      %swap3A_504 = tpu.vector_load %arg10[%swap3A_502, %swap3A_503] {strides = array<i32>} : memref<256x128xf32, #tpu.memory_space<vmem>>, vector<16xf32>,
      tpu.vector_store %arg10[%swap3A_502, %swap3A_503], %gather3A_493 {strides = array<i32>} : memref<256x128xf32, #tpu.memory_space<vmem>>, vector<16xf32>,
      %swap3A_505 = arith.index_cast %add3A_501 : i32 to index
      %swap3A_506 = arith.constant 80 : index
      %swap3A_507 = tpu.vector_load %arg10[%swap3A_505, %swap3A_506] {strides = array<i32>} : memref<256x128xf32, #tpu.memory_space<vmem>>, vector<16xf32>,
      tpu.vector_store %arg10[%swap3A_505, %swap3A_506], %gather3A_497 {strides = array<i32>} : memref<256x128xf32, #tpu.memory_space<vmem>>, vector<16xf32>,
      %add3A_508 = arith.constant 13 : i32
      %add3A_509 = vector.broadcast %add3A_508 : i32 to vector<16xi32>
      %add3A_510 = arith.addi %mul3A_273, %add3A_509 : vector<16xi32>
      %gather3A_511 = tpu.vector_load_idx %arg12[%add3A_510] : memref<544xf32, #tpu.memory_space<vmem>>[vector<16xi32>], vector<16xf32>,
      %add3A_512 = arith.constant 285 : i32
      %add3A_513 = vector.broadcast %add3A_512 : i32 to vector<16xi32>
      %add3A_514 = arith.addi %mul3A_273, %add3A_513 : vector<16xi32>
      %gather3A_515 = tpu.vector_load_idx %arg12[%add3A_514] : memref<544xf32, #tpu.memory_space<vmem>>[vector<16xi32>], vector<16xf32>,
      %mul3A_516 = arith.constant 16 : i32
      %mul3A_517 = arith.muli %scan3A_116, %mul3A_516 : i32
      %add3A_518 = arith.constant 13 : i32
      %add3A_519 = arith.addi %mul3A_517, %add3A_518 : i32
      %swap3A_520 = arith.index_cast %add3A_519 : i32 to index
      %swap3A_521 = arith.constant 64 : index
      %swap3A_522 = tpu.vector_load %arg10[%swap3A_520, %swap3A_521] {strides = array<i32>} : memref<256x128xf32, #tpu.memory_space<vmem>>, vector<16xf32>,
      tpu.vector_store %arg10[%swap3A_520, %swap3A_521], %gather3A_511 {strides = array<i32>} : memref<256x128xf32, #tpu.memory_space<vmem>>, vector<16xf32>,
      %swap3A_523 = arith.index_cast %add3A_519 : i32 to index
      %swap3A_524 = arith.constant 80 : index
      %swap3A_525 = tpu.vector_load %arg10[%swap3A_523, %swap3A_524] {strides = array<i32>} : memref<256x128xf32, #tpu.memory_space<vmem>>, vector<16xf32>,
      tpu.vector_store %arg10[%swap3A_523, %swap3A_524], %gather3A_515 {strides = array<i32>} : memref<256x128xf32, #tpu.memory_space<vmem>>, vector<16xf32>,
      %add3A_526 = arith.constant 14 : i32
      %add3A_527 = vector.broadcast %add3A_526 : i32 to vector<16xi32>
      %add3A_528 = arith.addi %mul3A_273, %add3A_527 : vector<16xi32>
      %gather3A_529 = tpu.vector_load_idx %arg12[%add3A_528] : memref<544xf32, #tpu.memory_space<vmem>>[vector<16xi32>], vector<16xf32>,
      %add3A_530 = arith.constant 286 : i32
      %add3A_531 = vector.broadcast %add3A_530 : i32 to vector<16xi32>
      %add3A_532 = arith.addi %mul3A_273, %add3A_531 : vector<16xi32>
      %gather3A_533 = tpu.vector_load_idx %arg12[%add3A_532] : memref<544xf32, #tpu.memory_space<vmem>>[vector<16xi32>], vector<16xf32>,
      %mul3A_534 = arith.constant 16 : i32
      %mul3A_535 = arith.muli %scan3A_116, %mul3A_534 : i32
      %add3A_536 = arith.constant 14 : i32
      %add3A_537 = arith.addi %mul3A_535, %add3A_536 : i32
      %swap3A_538 = arith.index_cast %add3A_537 : i32 to index
      %swap3A_539 = arith.constant 64 : index
      %swap3A_540 = tpu.vector_load %arg10[%swap3A_538, %swap3A_539] {strides = array<i32>} : memref<256x128xf32, #tpu.memory_space<vmem>>, vector<16xf32>,
      tpu.vector_store %arg10[%swap3A_538, %swap3A_539], %gather3A_529 {strides = array<i32>} : memref<256x128xf32, #tpu.memory_space<vmem>>, vector<16xf32>,
      %swap3A_541 = arith.index_cast %add3A_537 : i32 to index
      %swap3A_542 = arith.constant 80 : index
      %swap3A_543 = tpu.vector_load %arg10[%swap3A_541, %swap3A_542] {strides = array<i32>} : memref<256x128xf32, #tpu.memory_space<vmem>>, vector<16xf32>,
      tpu.vector_store %arg10[%swap3A_541, %swap3A_542], %gather3A_533 {strides = array<i32>} : memref<256x128xf32, #tpu.memory_space<vmem>>, vector<16xf32>,
      %add3A_544 = arith.constant 15 : i32
      %add3A_545 = vector.broadcast %add3A_544 : i32 to vector<16xi32>
      %add3A_546 = arith.addi %mul3A_273, %add3A_545 : vector<16xi32>
      %gather3A_547 = tpu.vector_load_idx %arg12[%add3A_546] : memref<544xf32, #tpu.memory_space<vmem>>[vector<16xi32>], vector<16xf32>,
      %add3A_548 = arith.constant 287 : i32
      %add3A_549 = vector.broadcast %add3A_548 : i32 to vector<16xi32>
      %add3A_550 = arith.addi %mul3A_273, %add3A_549 : vector<16xi32>
      %gather3A_551 = tpu.vector_load_idx %arg12[%add3A_550] : memref<544xf32, #tpu.memory_space<vmem>>[vector<16xi32>], vector<16xf32>,
      %mul3A_552 = arith.constant 16 : i32
      %mul3A_553 = arith.muli %scan3A_116, %mul3A_552 : i32
      %add3A_554 = arith.constant 15 : i32
      %add3A_555 = arith.addi %mul3A_553, %add3A_554 : i32
      %swap3A_556 = arith.index_cast %add3A_555 : i32 to index
      %swap3A_557 = arith.constant 64 : index
      %swap3A_558 = tpu.vector_load %arg10[%swap3A_556, %swap3A_557] {strides = array<i32>} : memref<256x128xf32, #tpu.memory_space<vmem>>, vector<16xf32>,
      tpu.vector_store %arg10[%swap3A_556, %swap3A_557], %gather3A_547 {strides = array<i32>} : memref<256x128xf32, #tpu.memory_space<vmem>>, vector<16xf32>,
      %swap3A_559 = arith.index_cast %add3A_555 : i32 to index
      %swap3A_560 = arith.constant 80 : index
      %swap3A_561 = tpu.vector_load %arg10[%swap3A_559, %swap3A_560] {strides = array<i32>} : memref<256x128xf32, #tpu.memory_space<vmem>>, vector<16xf32>,
      tpu.vector_store %arg10[%swap3A_559, %swap3A_560], %gather3A_551 {strides = array<i32>} : memref<256x128xf32, #tpu.memory_space<vmem>>, vector<16xf32>,
    }
    %scan3A_101 = arith.constant 16 : i32
    %add3A_102 = arith.constant 25344 : i32
    %add3A_103 = arith.addi %mul3A_2, %add3A_102 : i32
    %dma_start3A_104 = arith.constant 0 : i32
    %dma_start3A_105 = tpu.memref_slice %arg5[%add3A_103, %dma_start3A_104] : memref<819200x128xf32, #tpu.memory_space<hbm>> -> memref<256x128xf32, #tpu.memory_space<hbm>>
    %dma_start3A_106 = arith.constant 0 : i32
    %dma_start3A_107 = tpu.memref_slice %arg5[%add3A_103, %dma_start3A_106] : memref<819200x128xf32, #tpu.memory_space<hbm>> -> memref<256x128xf32, #tpu.memory_space<hbm>>
    tpu.enqueue_dma source(%arg10 : memref<256x128xf32, #tpu.memory_space<vmem>>) target(%dma_start3A_107 : memref<256x128xf32, #tpu.memory_space<hbm>>) target_semaphore(%arg17 : memref<!tpu.dma_semaphore, #tpu.memory_space<semaphore_mem>>)
    %dma_wait3A_108 = arith.constant 0 : i32
    %dma_wait3A_109 = tpu.memref_slice %arg5[%mul3A_2, %dma_wait3A_108] : memref<819200x128xf32, #tpu.memory_space<hbm>> -> memref<256x128xf32, #tpu.memory_space<hbm>>
    %dma_wait3A_110 = arith.constant 0 : i32
    %dma_wait3A_111 = tpu.memref_slice %arg5[%mul3A_2, %dma_wait3A_110] : memref<819200x128xf32, #tpu.memory_space<hbm>> -> memref<256x128xf32, #tpu.memory_space<hbm>>
    tpu.wait_dma2 semaphore(%arg16 : memref<!tpu.dma_semaphore, #tpu.memory_space<semaphore_mem>>) src(%arg9 : memref<256x128xf32, #tpu.memory_space<vmem>>) dst(%dma_wait3A_111 : memref<256x128xf32, #tpu.memory_space<hbm>>)
    %dma_wait3A_112 = arith.constant 0 : i32
    %dma_wait3A_113 = tpu.memref_slice %arg5[%mul3A_2, %dma_wait3A_112] : memref<819200x128xf32, #tpu.memory_space<hbm>> -> memref<256x128xf32, #tpu.memory_space<hbm>>
    %dma_wait3A_114 = arith.constant 0 : i32
    %dma_wait3A_115 = tpu.memref_slice %arg5[%mul3A_2, %dma_wait3A_114] : memref<819200x128xf32, #tpu.memory_space<hbm>> -> memref<256x128xf32, #tpu.memory_space<hbm>>
    tpu.wait_dma2 semaphore(%arg17 : memref<!tpu.dma_semaphore, #tpu.memory_space<semaphore_mem>>) src(%arg10 : memref<256x128xf32, #tpu.memory_space<vmem>>) dst(%dma_wait3A_115 : memref<256x128xf32, #tpu.memory_space<hbm>>)
    return
  }
}

</mosaic_0001>

<sc_bundles>
// kernel: kernel.3.cloned.1.call-start
scs
__scs_entry_jumppad:
0x0: {  	(pc) =	sbr.rel $0x88, $3  }
0x1: {  	(tag) =	ssettag $0x0;
	lr =	simm.s32 $0x1  }
0x2: {  	[smem:$0x3F9F] =	sst lr;
	_ =	strace $0xD0000000  }
0x3: {  	_ = 	snop  }
0x4: {  	_ = 	snop  }
0x5: {  	_ = 	snop  }
0x6: {  	_ = 	snop  }
0x7: {  	_ = 	snop  }
__scs_overlays_trampoline_lowered:
0x8: {  	[smem:$0x3FAE] =	sst s0  }
0x9: {  	[smem:$0x3FAF] =	sst s1  }
0xa: {  	[smem:$0x3FB0] =	sst s2  }
0xb: {  	[smem:$0x3FB1] =	sst s3  }
0xc: {  	[smem:$0x3FB2] =	sst s4  }
0xd: {  	[smem:$0x3FB3] =	sst s5  }
0xe: {  	[smem:$0x3FB4] =	sst s6  }
0xf: {  	[smem:$0x3FB5] =	sst s7  }
0x10: {  	[smem:$0x3FB6] =	sst s8  }
0x11: {  	[smem:$0x3FB7] =	sst s9;
	s0 =	simm.s32 @!p0 $0x0  }
0x12: {  	s1 =	sld [smem:$0x3F9D];
	s0 =	simm.s32 @p0 $0x1  }
0x13: {  	[smem:$0x3FB8] =	sst s0;
	s0 =	simm.s32 @!p1 $0x0  }
0x14: {  	s2 =	sld [smem:$0x3F9C];
	s0 =	simm.s32 @p1 $0x1  }
0x15: {  	[smem:$0x3FB9] =	sst s0;
	s0 =	simm.s32 @!p2 $0x0  }
0x16: {  	s3 =	sld [smem:$0x3FDB];
	s0 =	simm.s32 @p2 $0x1  }
0x17: {  	s4 =	simm.s32 $0x1BF5;
	[smem:$0x3FBB] =	sst s0  }
0x18: {  	s0 =	sld [smem:$0x3F9E];
	_ =	swait.ge [sflag:s4], $0x0  }
0x19: {  	s7 =	sld [smem:$0x3F9F]  }
0x1a: {  	s8 =	sadd.s32 $0xFFFFE003, lr  }
0x1b: {  	s9 =	sadd.s32 $0xFFFFFEF7, lr;
	s5 =	simm.s32 $0xFFFFFFFF;
	p2 =	slt.u32 s8, $0xFFFFF086  }
0x1c: {  	p1 =	slt.u32 s9, $0xF7A;
	s5 =	simm.s32 @!p2 $0x0  }
0x1d: {  	s5 =	simm.s32 @p1 $0x1;
	p0 =	seq.s32 s7, s2  }
0x1e: {  	s7 =	smul.u32 @!p0 $0xF7A, s2;
	p2 =	seq.s32 @!p0 s5, $0x0  }
0x1f: {  	s9 =	smul.u32 $0xF7A, s1;
	s8 =	simm.s32 @!p0 $0x1BF5;
	p2 =	por !p2, p0  }
0x20: {  	[sflag:s8] =	ssyncset.s32 @!p0 $0xFFFFF086;
	s6 =	sadd.s32 @!p0 s3, s7;
	s7 =	simm.s32 @!p0 $0x108  }
0x21: {  	s3 =	sadd.s32 s3, s9;
	s6 =	sadd.s32 @!p0 $0x88, s6;
	s7 =	simm.s32 @p2 $0x1082  }
0x22: {  	[simem:s7], [sflag:s8] =	dma.local @!p0 [hbm:s6], $0xF7A  }
0x23: {  	s9 =	sor.u32 $0xD0000000, s2;
	s6 =	simm.s32 $0x108;
	_ =	swait.ge @!p0 [sflag:s8], $0x0  }
0x24: {  	s3 =	sadd.s32 $0x88, s3;
	s6 =	simm.s32 @!p1 $0x1082;
	[sflag:s4] =	ssyncset.s32 $0xFFFFF086  }
0x25: {  	[simem:s6], [sflag:s4] =	dma.local [hbm:s3], $0xF7A  }
0x26: {  	[smem:$0x3F9F] =	sst s1;
	(tag) =	ssettag s2;
	_ =	strace s9  }
0x27: {  	s1 =	sld [smem:$0x3FAF]  }
0x28: {  	s2 =	sld [smem:$0x3FB0]  }
0x29: {  	s4 =	sld [smem:$0x3FB2]  }
0x2a: {  	p0 =	seq.s32 s5, $0x0;
	s5 =	sld [smem:$0x3FB3]  }
0x2b: {  	s6 =	sld [smem:$0x3FB4]  }
0x2c: {  	s7 =	sld [smem:$0x3FB5]  }
0x2d: {  	s3 =	simm.s32 $0x108;
	s8 =	sld [smem:$0x3FB6]  }
0x2e: {  	s3 =	simm.s32 @!p0 $0x1082;
	s9 =	sld [smem:$0x3FB7]  }
0x2f: {  	lr =	sadd.s32 s0, s3;
	s0 =	sld [smem:$0x3FAE]  }
0x30: {  	s3 =	sld [smem:$0x3FB1]  }
0x31: {  	[smem:$0x3FBA] =	sst s10  }
0x32: {  	s10 =	sld [smem:$0x3FB8];
	_ =	sdelay $0x3  }
0x33: {  	p0 =	seq.s32 s10, $0x1;
	s10 =	sld [smem:$0x3FBA];
	_ =	sdelay $0x3  }
0x34: {  	[smem:$0x3FBA] =	sst s10  }
0x35: {  	s10 =	sld [smem:$0x3FB9];
	_ =	sdelay $0x3  }
0x36: {  	p1 =	seq.s32 s10, $0x1;
	s10 =	sld [smem:$0x3FBA];
	_ =	sdelay $0x3  }
0x37: {  	[smem:$0x3FBA] =	sst s10  }
0x38: {  	s10 =	sld [smem:$0x3FBB]  }
0x39: {  	_ = 	snop;
	(pc) =	sbr.ind lr, $3  }
0x3a: {  	_ = 	snop  }
0x3b: {  	_ = 	snop  }
0x3c: {  	p2 =	seq.s32 s10, $0x1;
	s10 =	sld [smem:$0x3FBA]  }
0x3d: {  	_ =	shalt  }
0x3e: {  	_ =	shalt  }
0x3f: {  	_ =	shalt  }
0x40: {  	_ =	shalt  }
0x41: {  	_ =	shalt  }
0x42: {  	_ =	shalt  }
0x43: {  	_ =	shalt  }
0x44: {  	_ =	shalt  }
0x45: {  	_ =	shalt  }
0x46: {  	_ =	shalt  }
0x47: {  	_ =	shalt  }
0x48: {  	_ =	shalt  }
0x49: {  	_ =	shalt  }
0x4a: {  	_ =	shalt  }
0x4b: {  	_ =	shalt  }
0x4c: {  	_ =	shalt  }
0x4d: {  	_ =	shalt  }
0x4e: {  	_ =	shalt  }
0x4f: {  	_ =	shalt  }
0x50: {  	_ =	shalt  }
0x51: {  	_ =	shalt  }
0x52: {  	_ =	shalt  }
0x53: {  	_ =	shalt  }
0x54: {  	_ =	shalt  }
0x55: {  	_ =	shalt  }
0x56: {  	_ =	shalt  }
0x57: {  	_ =	shalt  }
0x58: {  	_ =	shalt  }
0x59: {  	_ =	shalt  }
0x5a: {  	_ =	shalt  }
0x5b: {  	_ =	shalt  }
0x5c: {  	_ =	shalt  }
0x5d: {  	_ =	shalt  }
0x5e: {  	_ =	shalt  }
0x5f: {  	_ =	shalt  }
0x60: {  	_ =	shalt  }
0x61: {  	_ =	shalt  }
0x62: {  	_ =	shalt  }
0x63: {  	_ =	shalt  }
0x64: {  	_ =	shalt  }
0x65: {  	_ =	shalt  }
0x66: {  	_ =	shalt  }
0x67: {  	_ =	shalt  }
0x68: {  	_ =	shalt  }
0x69: {  	_ =	shalt  }
0x6a: {  	_ =	shalt  }
0x6b: {  	_ =	shalt  }
0x6c: {  	_ =	shalt  }
0x6d: {  	_ =	shalt  }
0x6e: {  	_ =	shalt  }
0x6f: {  	_ =	shalt  }
0x70: {  	_ =	shalt  }
0x71: {  	_ =	shalt  }
0x72: {  	_ =	shalt  }
0x73: {  	_ =	shalt  }
0x74: {  	_ =	shalt  }
0x75: {  	_ =	shalt  }
0x76: {  	_ =	shalt  }
0x77: {  	_ =	shalt  }
0x78: {  	_ =	shalt  }
0x79: {  	_ =	shalt  }
0x7a: {  	_ =	shalt  }
0x7b: {  	_ =	shalt  }
0x7c: {  	_ =	shalt  }
0x7d: {  	_ =	shalt  }
0x7e: {  	_ =	shalt  }
0x7f: {  	_ =	shalt  }
0x80: {  	_ =	shalt  }
0x81: {  	_ =	shalt  }
0x82: {  	_ =	shalt  }
0x83: {  	_ =	shalt  }
0x84: {  	_ =	shalt  }
0x85: {  	_ =	shalt  }
0x86: {  	_ =	shalt  }
0x87: {  	_ =	shalt  }
.Lfunc_end0:
.L_simem_size_0:
called_computation.1_lowered:
.L_overlay_start_0:
0x88: {  	s2 =	sld [smem:$0x3FD9]  }
0x89: {  	s3 =	sld [smem:$0x3FFE];
	_ =	sdelay $0x1  }
0x8a: {  	s1 =	srdreg.scid  }
0x8b: {  	s0 =	sand.u32 $0x1, s1  }
0x8c: {  	s17 =	sshll.u32 s0, $0xA;
	s2 =	sadd.s32 s3, s2  }
0x8d: {  	s2 =	sadd.s32 s2, s17  }
0x8e: {  	[smem:$0x3FC6] =	sst s2  }
0x8f: {  	_ = 	snop  }
0x90: {  	s2 =	sld [smem:$0x3FD0];
	(tm) =	ssettm $0x1  }
0x91: {  	s18 =	sld [smem:$0x3FFB];
	_ =	sdelay $0x3  }
0x92: {  	_ =	strace s18  }
0x93: {  	s3 =	sld [smem:$0x3FFC];
	_ =	sdelay $0x3  }
0x94: {  	_ =	strace s3  }
0x95: {  	s3 =	sld [smem:$0x3FFD];
	_ =	sdelay $0x3  }
0x96: {  	_ =	strace s3  }
0x97: {  	_ =	strace $0x8FFFFFFF  }
0x98: {  	s19 =	sld [smem:$0x3FDB];
	_ =	sdelay $0x1  }
0x99: {  	s4 =	simm.s32 $_scs_section_size  }
0x9a: {  	s5 =	simm.s32 $_size__tile_overlayer_lowered;
	s6 =	simm.s32 $_tile_overlayer_lowered  }
0x9b: {  	s22 =	simm.s32 $0x1BFF;
	s21 =	sshll.u32 s6, $0x1;
	s3 =	sadd.s32 s4, s19  }
0x9c: {  	s7 =	simm.s32 $0x0;
	s20 =	sshll.u32 s5, $0x1;
	s5 =	sadd.s32 s21, s3  }
0x9d: {  	[timem:s7], [sflag:s22] =	dma.local [hbm:s5], s20  }
0x9e: {  	_ =	swait.ge [sflag:s22], s20  }
0x9f: {  	s4 =	ssub.s32 $0x0, s20;
	[sflag:s22] =	ssyncset.done $0x0  }
0xa0: {  	[sflag:s22] =	ssyncadd.s32 s4;
	_ =	sdelay $0x1  }
0xa1: {  	s23 =	simm.s32 $0x1B8B  }
0xa2: {  	_ =	swait.ge [sflag:s23], $0x1  }
0xa3: {  	[sflag:s23] =	ssyncset.done $0x0  }
0xa4: {  	s25 =	simm.s32 $0x1B8E;
	s24 =	sld [smem:$0x3FFE];
	[sflag:s23] =	ssyncadd.s32 $0xFFFFFFFF  }
0xa5: {  	s26 =	simm.s32 $execute0_lowered;
	[smem:$0x3FD2] =	sst s25  }
0xa6: {  	s5 =	sshll.u32 s26, $0x1;
	_ =	strace $0x80000046;
	[dreg:$0x1] =	wrdreg $0xFFFFFFFF  }
0xa7: {  	s28 =	simm.s32 $_size_execute0_lowered;
	s3 =	sadd.s32 s3, s5;
	[dreg:$0x0] =	wrdreg $0x0  }
0xa8: {  	s5 =	sshll.u32 s28, $0x1;
	[dreg:$0x2] =	wrdreg s3  }
0xa9: {  	[dreg:$0x3] =	wrdreg s5  }
0xaa: {  	[dreg:$0x4] =	wrdreg $0xC0  }
0xab: {  	_ =	task [dreg:s7], $0x5FFFF  }
0xac: {  	[dreg:$0x1] =	wrdreg $0xFFFFFFFF  }
0xad: {  	[dreg:$0x0] =	wrdreg $0x60  }
0xae: {  	[dreg:$0x2] =	wrdreg s2  }
0xaf: {  	[dreg:$0x3] =	wrdreg s24  }
0xb0: {  	[dreg:$0x4] =	wrdreg $0x166000  }
0xb1: {  	[dreg:$0x5] =	wrdreg $0x9  }
0xb2: {  	_ =	task.clear_ibuf [dreg:s7], $0x6FFFF;
	_ =	strace $0x90000046  }
0xb3: {  	s29 =	simm.s32 $0x9;
	_ =	strace $0x80000048  }
0xb4: {  	_ =	swait.ge [sflag:s29], $0x1  }
0xb5: {  	[sflag:s29] =	ssyncadd.s32 $0xFFFFFFFF  }
0xb6: {  	_ =	strace $0x90000048  }
0xb7: {  	_ =	sfence  }
0xb8: {  	s30 =	sld [smem:$0x0];
	_ =	sdelay $0x2  }
0xb9: {  	s31 =	sshll.u32 s1, $0xD;
	s1 =	sshrl.u32 s1, $0x2  }
0xba: {  	s3 =	sand.u32 $0x4000, s31;
	s1 =	sadd.s32 s1, s30  }
0xbb: {  	s0 =	sor.u32 s3, s0;
	s1 =	sshll.u32 s1, $0x11  }
0xbc: {  	s0 =	sor.u32 s1, s0  }
0xbd: {  	s0 =	sadd.s32 $0x8F2B, s0  }
0xbe: {  	[sflag:s0] =	ssyncadd.remote.s32 $0x1  }
0xbf: {  	_ =	sfence.sel $0xFFFF  }
0xc0: {  	[dreg:$0x0] =	wrdreg $0xFFFFFFFF;
	(pc) =	sbr.abs _section_cstart, $3  }
0xc1: {  	[dreg:$0x1] =	wrdreg $0xFFFFFFFF  }
0xc2: {  	_ =	task.clear_ibuf [dreg:s7], $0x2FFFF;
	_ =	strace $0x9FFFFFFF  }
0xc3: {  	(tm) =	ssettm $0x7FFFFFFF  }
tec
execute0_lowered:
.L_overlay_start_1:
0x0: {  	(tag) =	ssettag $0x1  }
0x1: {  	s0 =	rddreg [dreg:$0x0]  }
0x2: {  	s3 =	rddreg [dreg:$0x1]  }
0x3: {  	s1 =	rddreg [dreg:$0x2];
	s4 =	srdreg.scid  }
0x4: {  	s5 =	stileid.u32;
	s2 =	simm.s32 $0x0;
	s13 =	simm.s32 $0x1A880  }
0x5: {  	s14 =	simm.s32 $0x80;
	s15 =	simm.s32 $0x6400;
	s16 =	simm.s32 $0x6600  }
0x6: {  	v0 =	vlaneseq.u32;
	s17 =	simm.s32 $0x6480;
	s18 =	simm.s32 $0xA600;
	s19 =	simm.s32 $0x6500  }
0x7: {  	s20 =	simm.s32 $0xE600;
	s21 =	simm.s32 $0x6580;
	s28 =	simm.s32 $0x4;
	v0 =	vmul.u32 $0x11, v0  }
0x8: {  	s30 =	simm.s32 $0x0;
	s4 =	sand.u32 $0x1, s4;
	s6 =	sshll.u32 s5, $0x1  }
0x9: {  	v1 =	vimm.s32 $0x0;
	[smem:$0x7FF] =	sst s2;
	s8 =	sadd.s32 $0xE00, s3;
	s9 =	sadd.s32 $0xC00, s3;
	v2 =	vadd.s32 $0x110, v0  }
0xa: {  	p0 =	sne.s32 s5, $0x0;
	s6 =	sor.u32 s4, s6;
	_ =	strace $0x80000047;
	v3 =	vadd.s32 $0x1, v0;
	v4 =	vadd.s32 $0x111, v0;
	v5 =	vadd.s32 $0x2, v0  }
0xb: {  	[dreg:$0x4] =	wrdreg s8;
	s22 =	ssub.s32 $0x2, s4;
	s7 =	smul.u32 $0xC80, s6;
	v6 =	vadd.s32 $0x112, v0;
	v7 =	vadd.s32 $0x3, v0;
	v8 =	vadd.s32 $0x113, v0  }
0xc: {  	[dreg:$0x5] =	wrdreg s9;
	s4 =	smul.u32 $0x320000, s6;
	s23 =	sshrl.u32 s22, $0x1;
	v9 =	vadd.s32 $0x4, v0;
	v10 =	vadd.s32 $0x114, v0;
	v11 =	vadd.s32 $0x5, v0  }
0xd: {  	s10 =	smul.u32 $0x64000, s6;
	s6 =	sadd.s32 $0x8E00, s3;
	v12 =	vadd.s32 $0x115, v0;
	v13 =	vadd.s32 $0x6, v0;
	v14 =	vadd.s32 $0x116, v0;
	s3 =	simm.s32 $0x0  }
0xe: {  	v15 =	vadd.s32 $0x7, v0;
	v16 =	vadd.s32 $0x117, v0;
	v17 =	vadd.s32 $0x8, v0;
	s24 =	ssub.s32 s22, s23;
	s22 =	simm.s32 $0x12600;
	s0 =	sadd.s32 s0, s7  }
0xf: {  	v18 =	vadd.s32 $0x118, v0;
	v19 =	vadd.s32 $0x9, v0;
	v20 =	vadd.s32 $0x119, v0;
	s25 =	sshrl.u32 s4, $0x3;
	s26 =	sadd.s32 s6, s10;
	[dreg:$0x6] =	wrdreg s0  }
0x10: {  	v21 =	vadd.s32 $0xA, v0;
	v22 =	vadd.s32 $0x11A, v0;
	v23 =	vadd.s32 $0xB, v0;
	s31 =	smax.u32 s24, $0x1;
	[dreg:$0x7] =	wrdreg s26;
	s29 =	sadd.s32 s6, s25  }
0x11: {  	v24 =	vadd.s32 $0x11B, v0;
	v25 =	vadd.s32 $0xC, v0;
	v26 =	vadd.s32 $0x11C, v0;
	s23 =	simm.s32 $0x1;
	[dreg:$0x9] =	wrdreg s31;
	s0 =	sadd.s32 $0x63000, s29  }
0x12: {  	v27 =	vadd.s32 $0xD, v0;
	v28 =	vadd.s32 $0x11D, v0;
	v29 =	vadd.s32 $0xE, v0;
	s24 =	simm.s32 $0x1A600;
	[dreg:$0x8] =	wrdreg s0;
	s0 =	sshrl.u32 @!p0 s1, $0x3  }
0x13: {  	v30 =	vadd.s32 $0x11E, v0;
	v31 =	vadd.s32 $0xF, v0;
	v32 =	vadd.s32 $0x11F, v0;
	s25 =	simm.s32 $0x3;
	s26 =	simm.s32 $0x2;
	[dreg:$0xa] =	wrdreg s0  }
.LBB2_1:
0x14: {  	[dreg:$0xb] =	wrdreg s3  }
0x15: {  	s3 =	rddreg [dreg:$0x4]  }
0x16: {  	s0 =	simm.s32 @!p0 $0x1C05;
	s5 =	rddreg [dreg:$0xa]  }
0x17: {  	[spmem:s5], [sflag:s0] =	dma.local @!p0 [hbm:s3], $0x8000  }
0x18: {  	s0 =	simm.s32 @!p0 $0x5  }
0x19: {  	_ =	swait.ge @!p0 [sflag:s0], $0x8000  }
0x1a: {  	[sflag:s0] =	ssyncset.done @!p0 $0x0  }
0x1b: {  	[sflag:s0] =	ssyncadd.s32 @!p0 $0xFFFF8000  }
0x1c: {  	[bflag:$0x0] =	sbarrier.arrive $0xFFFF  }
0x1d: {  	s29 =	simm.s32 $0x5;
	s12 =	rddreg [dreg:$0x6]  }
0x1e: {  	[tilespmem:s2], [sflag:$0x5] =	stream.linear.gather [hbm4b:s12+s2], $0x6400, $0x38;
	[tilespmem:$0x1B880] =	vst v63  }
0x1f: {  	_ =	swait.ge [sflag:s29], $0x6400  }
0x20: {  	[sflag:s29] =	ssyncset.done $0x0  }
0x21: {  	s31 =	rddreg [dreg:$0x5];
	[sflag:s29] =	ssyncadd.s32 $0xFFFF9C00  }
0x22: {  	[tilespmem:s13], [sflag:$0x5] =	stream.linear.gather [hbm4b:s31+s2], $0x1000, $0x38;
	[tilespmem:$0x1B880] =	vst v63  }
0x23: {  	_ =	swait.ge [sflag:s29], $0x1000  }
0x24: {  	[sflag:s29] =	ssyncset.done $0x0  }
0x25: {  	s3 =	simm.s32 $0x0;
	[sflag:s29] =	ssyncadd.s32 $0xFFFFF000  }
0x26: {  	v33 =	vld [tilespmem:s3+$0x0];
	_ =	sdelay $0x4  }
0x27: {  	v33 =	vmul.f32 $2.048000000e+03, v33  }
0x28: {  	s0 =	simm.s32 $0x10  }
0x29: {  	v34 =	vld [tilespmem:s0+$0x0];
	v33 =	vadd.f32 $5.000000000e-01, v33;
	_ =	sdelay $0x1  }
0x2a: {  	v35 =	vtrunc.f32 v33  }
0x2b: {  	v37 =	vcvt.f32.s32 v35;
	_ =	sdelay $0x1  }
0x2c: {  	s5 =	simm.s32 $0x20;
	v34 =	vmul.f32 $2.048000000e+03, v34;
	v36 =	vand.u32 $0x1, v37  }
0x2d: {  	vm1 =	veq.s32 v36, $0x1;
	v36 =	vld [tilespmem:s5+$0x0]  }
0x2e: {  	v34 =	vadd.f32 $5.000000000e-01, v34;
	vm0 =	veq.f32 v33, v35  }
0x2f: {  	vm0 =	vmand vm0, vm1  }
0x30: {  	v35 =	vtrunc.f32 v34;
	v38 =	vsel vm0, $0xFFFFFFFF, v1  }
0x31: {  	s7 =	simm.s32 $0xC0;
	v33 =	vcvt.f32.s32 v35;
	v37 =	vadd.s32 v37, v38  }
.LBB2_2:
0x32: {  	s8 =	sshra.s32 s7, $0x2;
	p1 =	sne.s32 s7, $0x3C0;
	s7 =	sadd.s32 $0x40, s7;
	v38 =	vmul.f32 $2.048000000e+03, v36;
	[tilespmem:s3+$0x6400] =	vst v37  }
.Ltmp0:
0x33: {  	s3 =	smov.u32 s0;
	s0 =	smov.u32 s5;
	v36 =	vld [tilespmem:s8+$0x0];
	v37 =	vand.u32 $0x1, v33;
	(pc) =	sbr.rel @p1 .LBB2_2-.Ltmp0, $4  }
0x34: {  	vm0 =	veq.f32 v34, v35;
	s5 =	smov.u32 s8;
	v34 =	vadd.f32 $5.000000000e-01, v38;
	vm1 =	veq.s32 v37, $0x1  }
0x35: {  	vm0 =	vmand vm0, vm1  }
0x36: {  	v35 =	vtrunc.f32 v34;
	v37 =	vsel vm0, $0xFFFFFFFF, v1  }
0x37: {  	v37 =	vadd.s32 v33, v37;
	v33 =	vcvt.f32.s32 v35  }
0x38: {  	v36 =	vmul.f32 $2.048000000e+03, v36;
	_ =	sdelay $0x1  }
0x39: {  	v36 =	vadd.f32 $5.000000000e-01, v36;
	_ =	sdelay $0x1  }
0x3a: {  	v38 =	vtrunc.f32 v36  }
0x3b: {  	v39 =	vcvt.f32.s32 v38  }
0x3c: {  	v40 =	vand.u32 $0x1, v33  }
0x3d: {  	vm0 =	veq.f32 v34, v35;
	vm1 =	veq.s32 v40, $0x1;
	v55 =	vand.u32 $0x1, v39  }
0x3e: {  	vm0 =	vmand vm0, vm1;
	vm2 =	veq.f32 v36, v38;
	vm13 =	veq.s32 v55, $0x1  }
0x3f: {  	v56 =	vsel vm0, $0xFFFFFFFF, v1;
	vm1 =	vmand vm2, vm13  }
0x40: {  	[tilespmem:s3+$0x6400] =	vst v37;
	v57 =	vadd.s32 v33, v56;
	v58 =	vsel vm1, $0xFFFFFFFF, v1  }
0x41: {  	[tilespmem:s0+$0x6400] =	vst v57;
	v59 =	vadd.s32 v39, v58  }
0x42: {  	s29 =	simm.s32 $0x0;
	[tilespmem:s5+$0x6400] =	vst v59  }
0x43: {  	[tilespmem:s16], [sflag:$0x1] =	stream.indirect.gather [spmem:s1], $0x80, s15, s14, $0xb8;
	[tilespmem:$0x1B880] =	vst v63  }
0x44: {  	s0 =	sand.u32 $0xF0, s29  }
0x45: {  	[tilespmem:s18], [sflag:$0x1] =	stream.indirect.gather [spmem:s1], $0x80, s17, s14, $0xb8;
	[tilespmem:$0x1B880] =	vst v63  }
0x46: {  	v33 =	vld [tilespmem:s0+$0x100];
	_ =	sdelay $0x4  }
0x47: {  	v33 =	vmul.f32 $2.048000000e+03, v33;
	_ =	sdelay $0x1  }
0x48: {  	v33 =	vadd.f32 $5.000000000e-01, v33;
	_ =	sdelay $0x1  }
0x49: {  	v60 =	vtrunc.f32 v33  }
0x4a: {  	v61 =	vcvt.f32.s32 v60;
	_ =	sdelay $0x1  }
0x4b: {  	v62 =	vand.u32 $0x1, v61  }
0x4c: {  	vm14 =	veq.f32 v33, v60;
	vm15 =	veq.s32 v62, $0x1  }
0x4d: {  	vm0 =	vmand vm14, vm15  }
0x4e: {  	v63 =	vsel vm0, $0xFFFFFFFF, v1  }
0x4f: {  	s31 =	simm.s32 $0x10;
	s0 =	simm.s32 $0x6500;
	v33 =	vadd.s32 v61, v63  }
0x50: {  	s3 =	simm.s32 $0x20;
	s5 =	sand.u32 $0xF0, s31;
	[tilespmem:s0+$0x0] =	vst v33  }
.LBB2_4:
0x51: {  	p1 =	sne.s32 s3, $0xF0;
	v33 =	vld [tilespmem:s5+$0x100];
	_ =	sdelay $0x4  }
0x52: {  	v33 =	vmul.f32 $2.048000000e+03, v33;
	_ =	sdelay $0x1  }
0x53: {  	v33 =	vadd.f32 $5.000000000e-01, v33;
	_ =	sdelay $0x1  }
0x54: {  	v34 =	vtrunc.f32 v33  }
0x55: {  	v35 =	vcvt.f32.s32 v34;
	_ =	sdelay $0x1  }
0x56: {  	v36 =	vand.u32 $0x1, v35  }
.Ltmp1:
0x57: {  	vm0 =	veq.f32 v33, v34;
	vm1 =	veq.s32 v36, $0x1;
	(pc) =	sbr.rel @p1 .LBB2_4-.Ltmp1, $4  }
0x58: {  	vm0 =	vmand vm0, vm1  }
0x59: {  	v33 =	vsel vm0, $0xFFFFFFFF, v1  }
0x5a: {  	s0 =	sadd.s32 $0x10, s0;
	v33 =	vadd.s32 v35, v33  }
0x5b: {  	s5 =	sand.u32 $0xF0, s3;
	s3 =	sadd.s32 $0x10, s3;
	[tilespmem:s0+$0x0] =	vst v33  }
0x5c: {  	v33 =	vld [tilespmem:s5+$0x100];
	_ =	sdelay $0x4  }
0x5d: {  	v33 =	vmul.f32 $2.048000000e+03, v33;
	_ =	sdelay $0x1  }
0x5e: {  	v33 =	vadd.f32 $5.000000000e-01, v33;
	_ =	sdelay $0x1  }
0x5f: {  	v34 =	vtrunc.f32 v33  }
0x60: {  	v35 =	vcvt.f32.s32 v34;
	_ =	sdelay $0x1  }
0x61: {  	v36 =	vand.u32 $0x1, v35  }
0x62: {  	vm0 =	veq.f32 v33, v34;
	vm1 =	veq.s32 v36, $0x1  }
0x63: {  	vm0 =	vmand vm0, vm1  }
0x64: {  	v56 =	vsel vm0, $0xFFFFFFFF, v1  }
0x65: {  	s0 =	sadd.s32 $0x10, s0;
	v33 =	vadd.s32 v35, v56  }
0x66: {  	[tilespmem:s0+$0x0] =	vst v33  }
0x67: {  	[tilespmem:s20], [sflag:$0x2] =	stream.indirect.gather [spmem:s1], $0x80, s19, s14, $0xb8;
	[tilespmem:$0x1B880] =	vst v63  }
0x68: {  	_ = 	snop  }
0x69: {  	[tilespmem:s22], [sflag:$0x2] =	stream.indirect.gather [spmem:s1], $0x80, s21, s14, $0xb8;
	[tilespmem:$0x1B880] =	vst v63  }
0x6a: {  	_ =	swait.ge [sflag:s23], $0x4000  }
0x6b: {  	[sflag:s23] =	ssyncset.done $0x0  }
0x6c: {  	[sflag:s23] =	ssyncadd.s32 $0xFFFFC000  }
0x6d: {  	_ =	swait.ge [sflag:s23], $0x4000  }
0x6e: {  	[sflag:s23] =	ssyncset.done $0x0  }
0x6f: {  	s31 =	simm.s32 $0x0;
	[sflag:s23] =	ssyncadd.s32 $0xFFFFC000  }
0x70: {  	v57 =	vld [tilespmem:s31+$0x0]  }
0x71: {  	v58 =	vld [tilespmem:s31+$0x6400];
	_ =	sdelay $0x4  }
0x72: {  	v33 =	vmul.f32 $2.048000000e+03, v57;
	v59 =	vcvt.s32.f32 v58  }
0x73: {  	v34 =	vshll.u32 v58, $0x1  }
0x74: {  	v60 =	vor.u32 $0x1, v34;
	v33 =	vsub.f32 v33, v59;
	_ =	sdelay $0x1  }
0x75: {  	v33 =	vmul.f32 $1.533980830e-03, v33;
	_ =	sdelay $0x1  }
0x76: {  	v34 =	vld.idx.msk [tilespmem:v34+s13+$0x0], $0xffff;
	v61 =	vmul.f32 v33, v33  }
0x77: {  	v36 =	vld.idx.msk [tilespmem:v60+s13+$0x0], $0xffff  }
0x78: {  	v35 =	vmul.f32 $-5.000000000e-01, v61;
	_ =	sdelay $0x1  }
0x79: {  	v35 =	vadd.f32 $1.000000000e+00, v35;
	_ =	sdelay $0x1  }
0x7a: {  	v38 =	vmul.f32 v33, v36;
	v37 =	vmul.f32 v35, v34  }
0x7b: {  	v33 =	vmul.f32 v33, v34;
	v62 =	vmul.f32 v35, v36  }
0x7c: {  	v63 =	vadd.f32 v37, v38  }
0x7d: {  	v33 =	vsub.f32 v62, v33  }
0x7e: {  	v47 =	vmul.f32 v63, v63  }
0x7f: {  	v48 =	vmul.f32 v33, v63  }
0x80: {  	v34 =	vadd.f32 v47, v47  }
0x81: {  	v36 =	vadd.f32 v48, v48  }
0x82: {  	v34 =	vsub.f32 $1.000000000e+00, v34  }
0x83: {  	v49 =	vmul.f32 v36, v36  }
0x84: {  	v50 =	vmul.f32 v34, v36  }
0x85: {  	v37 =	vadd.f32 v49, v49  }
0x86: {  	v38 =	vadd.f32 v50, v50  }
0x87: {  	v37 =	vsub.f32 $1.000000000e+00, v37  }
0x88: {  	v39 =	vmul.f32 v38, v38  }
0x89: {  	v40 =	vmul.f32 v37, v38  }
0x8a: {  	v39 =	vadd.f32 v39, v39  }
0x8b: {  	v40 =	vadd.f32 v40, v40  }
0x8c: {  	v39 =	vsub.f32 $1.000000000e+00, v39  }
0x8d: {  	v41 =	vmul.f32 v40, v40  }
0x8e: {  	v42 =	vmul.f32 v39, v40  }
0x8f: {  	v41 =	vadd.f32 v41, v41  }
0x90: {  	v42 =	vadd.f32 v42, v42  }
0x91: {  	v41 =	vsub.f32 $1.000000000e+00, v41  }
0x92: {  	v43 =	vmul.f32 v42, v42  }
0x93: {  	v44 =	vmul.f32 v41, v42  }
0x94: {  	v43 =	vadd.f32 v43, v43  }
0x95: {  	v44 =	vadd.f32 v44, v44  }
0x96: {  	v43 =	vsub.f32 $1.000000000e+00, v43  }
0x97: {  	v45 =	vmul.f32 v44, v44  }
0x98: {  	v46 =	vmul.f32 v43, v44  }
0x99: {  	v45 =	vadd.f32 v45, v45  }
0x9a: {  	v46 =	vadd.f32 v46, v46  }
0x9b: {  	v45 =	vsub.f32 $1.000000000e+00, v45  }
0x9c: {  	[tilespmem:$0x1A600] =	vst v63;
	v51 =	vmul.f32 v46, v46  }
0x9d: {  	[tilespmem:$0x1A6BB] =	vst v33;
	v52 =	vmul.f32 v45, v46  }
0x9e: {  	[tilespmem:$0x1A611] =	vst v36;
	v35 =	vadd.f32 v51, v51  }
0x9f: {  	[tilespmem:$0x1A6CC] =	vst v34;
	v33 =	vadd.f32 v52, v52  }
0xa0: {  	[tilespmem:$0x1A622] =	vst v38;
	v53 =	vsub.f32 $1.000000000e+00, v35  }
0xa1: {  	[tilespmem:$0x1A6DD] =	vst v37;
	v54 =	vmul.f32 v33, v33  }
0xa2: {  	[tilespmem:$0x1A633] =	vst v40;
	v55 =	vmul.f32 v53, v33  }
0xa3: {  	[tilespmem:$0x1A6EE] =	vst v39;
	v35 =	vadd.f32 v54, v54  }
0xa4: {  	[tilespmem:$0x1A644] =	vst v42;
	v36 =	vadd.f32 v55, v55  }
0xa5: {  	[tilespmem:$0x1A6FF] =	vst v41;
	v35 =	vsub.f32 $1.000000000e+00, v35  }
0xa6: {  	[tilespmem:$0x1A655] =	vst v44;
	v56 =	vmul.f32 v36, v36  }
0xa7: {  	[tilespmem:$0x1A710] =	vst v43;
	v57 =	vmul.f32 v35, v36  }
0xa8: {  	[tilespmem:$0x1A666] =	vst v46;
	v37 =	vadd.f32 v56, v56  }
0xa9: {  	[tilespmem:$0x1A721] =	vst v45;
	v38 =	vadd.f32 v57, v57  }
0xaa: {  	[tilespmem:$0x1A677] =	vst v33;
	v58 =	vsub.f32 $1.000000000e+00, v37  }
0xab: {  	[tilespmem:$0x1A732] =	vst v53;
	v59 =	vmul.f32 v38, v38  }
0xac: {  	[tilespmem:$0x1A688] =	vst v36;
	v60 =	vmul.f32 v58, v38  }
0xad: {  	[tilespmem:$0x1A743] =	vst v35;
	v34 =	vadd.f32 v59, v59  }
0xae: {  	[tilespmem:$0x1A699] =	vst v38;
	v61 =	vadd.f32 v60, v60  }
0xaf: {  	[tilespmem:$0x1A754] =	vst v58;
	v62 =	vsub.f32 $1.000000000e+00, v34  }
0xb0: {  	[tilespmem:$0x1A6AA] =	vst v61  }
0xb1: {  	[tilespmem:$0x1A765] =	vst v62  }
0xb2: {  	v33 =	vld.idx.msk [tilespmem:v0+s24+$0x0], $0xffff  }
0xb3: {  	v63 =	vld.idx.msk [tilespmem:v2+s24+$0x0], $0xffff;
	_ =	sdelay $0x2  }
0xb4: {  	s0 =	simm.s32 $0x6A40  }
0xb5: {  	[tilespmem:s0+$0xFFFFFC00] =	vst v33  }
0xb6: {  	[tilespmem:s0+$0xFFFFFC10] =	vst v63  }
0xb7: {  	v33 =	vld.idx.msk [tilespmem:v3+s24+$0x0], $0xffff  }
0xb8: {  	v34 =	vld.idx.msk [tilespmem:v4+s24+$0x0], $0xffff;
	_ =	sdelay $0x3  }
0xb9: {  	[tilespmem:s0+$0xFFFFFC80] =	vst v33  }
0xba: {  	[tilespmem:s0+$0xFFFFFC90] =	vst v34  }
0xbb: {  	v33 =	vld.idx.msk [tilespmem:v5+s24+$0x0], $0xffff  }
0xbc: {  	v34 =	vld.idx.msk [tilespmem:v6+s24+$0x0], $0xffff;
	_ =	sdelay $0x3  }
0xbd: {  	[tilespmem:s0+$0xFFFFFD00] =	vst v33  }
0xbe: {  	[tilespmem:s0+$0xFFFFFD10] =	vst v34  }
0xbf: {  	v33 =	vld.idx.msk [tilespmem:v7+s24+$0x0], $0xffff  }
0xc0: {  	v34 =	vld.idx.msk [tilespmem:v8+s24+$0x0], $0xffff;
	_ =	sdelay $0x3  }
0xc1: {  	[tilespmem:s0+$0xFFFFFD80] =	vst v33  }
0xc2: {  	[tilespmem:s0+$0xFFFFFD90] =	vst v34  }
0xc3: {  	v33 =	vld.idx.msk [tilespmem:v9+s24+$0x0], $0xffff  }
0xc4: {  	v34 =	vld.idx.msk [tilespmem:v10+s24+$0x0], $0xffff;
	_ =	sdelay $0x3  }
0xc5: {  	[tilespmem:s0+$0xFFFFFE00] =	vst v33  }
0xc6: {  	[tilespmem:s0+$0xFFFFFE10] =	vst v34  }
0xc7: {  	v33 =	vld.idx.msk [tilespmem:v11+s24+$0x0], $0xffff  }
0xc8: {  	v34 =	vld.idx.msk [tilespmem:v12+s24+$0x0], $0xffff;
	_ =	sdelay $0x3  }
0xc9: {  	[tilespmem:s0+$0xFFFFFE80] =	vst v33  }
0xca: {  	[tilespmem:s0+$0xFFFFFE90] =	vst v34  }
0xcb: {  	v33 =	vld.idx.msk [tilespmem:v13+s24+$0x0], $0xffff  }
0xcc: {  	v34 =	vld.idx.msk [tilespmem:v14+s24+$0x0], $0xffff;
	_ =	sdelay $0x3  }
0xcd: {  	[tilespmem:s0+$0xFFFFFF00] =	vst v33  }
0xce: {  	[tilespmem:s0+$0xFFFFFF10] =	vst v34  }
0xcf: {  	v33 =	vld.idx.msk [tilespmem:v15+s24+$0x0], $0xffff  }
0xd0: {  	v34 =	vld.idx.msk [tilespmem:v16+s24+$0x0], $0xffff;
	_ =	sdelay $0x3  }
0xd1: {  	[tilespmem:s0+$0xFFFFFF80] =	vst v33  }
0xd2: {  	[tilespmem:s0+$0xFFFFFF90] =	vst v34  }
0xd3: {  	v33 =	vld.idx.msk [tilespmem:v17+s24+$0x0], $0xffff  }
0xd4: {  	v34 =	vld.idx.msk [tilespmem:v18+s24+$0x0], $0xffff;
	_ =	sdelay $0x3  }
0xd5: {  	[tilespmem:s0+$0x0] =	vst v33  }
0xd6: {  	[tilespmem:s0+$0x10] =	vst v34  }
0xd7: {  	v33 =	vld.idx.msk [tilespmem:v19+s24+$0x0], $0xffff  }
0xd8: {  	v34 =	vld.idx.msk [tilespmem:v20+s24+$0x0], $0xffff;
	_ =	sdelay $0x3  }
0xd9: {  	[tilespmem:s0+$0x80] =	vst v33  }
0xda: {  	[tilespmem:s0+$0x90] =	vst v34  }
0xdb: {  	v33 =	vld.idx.msk [tilespmem:v21+s24+$0x0], $0xffff  }
0xdc: {  	v34 =	vld.idx.msk [tilespmem:v22+s24+$0x0], $0xffff;
	_ =	sdelay $0x3  }
0xdd: {  	[tilespmem:s0+$0x100] =	vst v33  }
0xde: {  	[tilespmem:s0+$0x110] =	vst v34  }
0xdf: {  	v33 =	vld.idx.msk [tilespmem:v23+s24+$0x0], $0xffff  }
0xe0: {  	v34 =	vld.idx.msk [tilespmem:v24+s24+$0x0], $0xffff;
	_ =	sdelay $0x3  }
0xe1: {  	[tilespmem:s0+$0x180] =	vst v33  }
0xe2: {  	[tilespmem:s0+$0x190] =	vst v34  }
0xe3: {  	v33 =	vld.idx.msk [tilespmem:v25+s24+$0x0], $0xffff  }
0xe4: {  	v34 =	vld.idx.msk [tilespmem:v26+s24+$0x0], $0xffff;
	_ =	sdelay $0x3  }
0xe5: {  	[tilespmem:s0+$0x200] =	vst v33  }
0xe6: {  	[tilespmem:s0+$0x210] =	vst v34  }
0xe7: {  	v33 =	vld.idx.msk [tilespmem:v27+s24+$0x0], $0xffff  }
0xe8: {  	s5 =	simm.s32 $0x40;
	s3 =	simm.s32 $0x6A40;
	v34 =	vld.idx.msk [tilespmem:v28+s24+$0x0], $0xffff  }
.LBB2_6:
0xe9: {  	_ = 	snop  }
0xea: {  	p1 =	sne.s32 s5, $0x3C0  }
0xeb: {  	s0 =	sadd.s32 $0x800, s0;
	s7 =	smov.u32 s5;
	s5 =	sadd.s32 $0x40, s5  }
0xec: {  	[tilespmem:s3+$0x280] =	vst v33  }
0xed: {  	[tilespmem:s3+$0x290] =	vst v34  }
0xee: {  	v33 =	vld.idx.msk [tilespmem:v29+s24+$0x0], $0xffff  }
0xef: {  	v34 =	vld.idx.msk [tilespmem:v30+s24+$0x0], $0xffff;
	_ =	sdelay $0x4  }
0xf0: {  	[tilespmem:s3+$0x300] =	vst v33  }
0xf1: {  	[tilespmem:s3+$0x310] =	vst v34  }
0xf2: {  	v33 =	vld.idx.msk [tilespmem:v31+s24+$0x0], $0xffff  }
0xf3: {  	v34 =	vld.idx.msk [tilespmem:v32+s24+$0x0], $0xffff;
	_ =	sdelay $0x4  }
0xf4: {  	[tilespmem:s3+$0x380] =	vst v33  }
0xf5: {  	s7 =	sshra.s32 s7, $0x2;
	[tilespmem:s3+$0x390] =	vst v34;
	s3 =	smov.u32 s0  }
0xf6: {  	v33 =	vld [tilespmem:s7+$0x0]  }
0xf7: {  	v34 =	vld [tilespmem:s7+$0x6400];
	_ =	sdelay $0x3  }
0xf8: {  	v33 =	vmul.f32 $2.048000000e+03, v33  }
0xf9: {  	v35 =	vcvt.s32.f32 v34;
	v34 =	vshll.u32 v34, $0x1  }
0xfa: {  	v36 =	vor.u32 $0x1, v34  }
0xfb: {  	v33 =	vsub.f32 v33, v35;
	_ =	sdelay $0x1  }
0xfc: {  	v33 =	vmul.f32 $1.533980830e-03, v33  }
0xfd: {  	v34 =	vld.idx.msk [tilespmem:v34+s13+$0x0], $0xffff  }
0xfe: {  	v35 =	vld.idx.msk [tilespmem:v36+s13+$0x0], $0xffff;
	v36 =	vmul.f32 v33, v33;
	_ =	sdelay $0x1  }
0xff: {  	v36 =	vmul.f32 $-5.000000000e-01, v36;
	_ =	sdelay $0x1  }
0x100: {  	v36 =	vadd.f32 $1.000000000e+00, v36  }
0x101: {  	v37 =	vmul.f32 v33, v34  }
0x102: {  	v33 =	vmul.f32 v33, v35;
	v34 =	vmul.f32 v36, v34  }
0x103: {  	v35 =	vmul.f32 v36, v35  }
0x104: {  	v33 =	vadd.f32 v34, v33  }
0x105: {  	v34 =	vsub.f32 v35, v37  }
0x106: {  	v35 =	vmul.f32 v33, v33  }
0x107: {  	v36 =	vmul.f32 v34, v33  }
0x108: {  	v35 =	vadd.f32 v35, v35  }
0x109: {  	v36 =	vadd.f32 v36, v36  }
0x10a: {  	v35 =	vsub.f32 $1.000000000e+00, v35  }
0x10b: {  	v37 =	vmul.f32 v36, v36  }
0x10c: {  	v38 =	vmul.f32 v35, v36  }
0x10d: {  	v37 =	vadd.f32 v37, v37  }
0x10e: {  	v38 =	vadd.f32 v38, v38  }
0x10f: {  	v37 =	vsub.f32 $1.000000000e+00, v37  }
0x110: {  	v39 =	vmul.f32 v38, v38  }
0x111: {  	v40 =	vmul.f32 v37, v38  }
0x112: {  	v39 =	vadd.f32 v39, v39  }
0x113: {  	v40 =	vadd.f32 v40, v40  }
0x114: {  	v39 =	vsub.f32 $1.000000000e+00, v39  }
0x115: {  	v41 =	vmul.f32 v40, v40  }
0x116: {  	v42 =	vmul.f32 v39, v40  }
0x117: {  	v41 =	vadd.f32 v41, v41  }
0x118: {  	v42 =	vadd.f32 v42, v42  }
0x119: {  	v41 =	vsub.f32 $1.000000000e+00, v41  }
0x11a: {  	v43 =	vmul.f32 v42, v42  }
0x11b: {  	v44 =	vmul.f32 v41, v42  }
0x11c: {  	v43 =	vadd.f32 v43, v43  }
0x11d: {  	v44 =	vadd.f32 v44, v44  }
0x11e: {  	v43 =	vsub.f32 $1.000000000e+00, v43  }
0x11f: {  	v45 =	vmul.f32 v44, v44  }
0x120: {  	v46 =	vmul.f32 v43, v44  }
0x121: {  	v45 =	vadd.f32 v45, v45  }
0x122: {  	v46 =	vadd.f32 v46, v46  }
0x123: {  	v45 =	vsub.f32 $1.000000000e+00, v45  }
0x124: {  	[tilespmem:$0x1A600] =	vst v33;
	v33 =	vmul.f32 v46, v46  }
0x125: {  	[tilespmem:$0x1A6BB] =	vst v34;
	v34 =	vmul.f32 v45, v46  }
0x126: {  	[tilespmem:$0x1A611] =	vst v36;
	v33 =	vadd.f32 v33, v33  }
0x127: {  	[tilespmem:$0x1A6CC] =	vst v35;
	v34 =	vadd.f32 v34, v34  }
0x128: {  	[tilespmem:$0x1A622] =	vst v38;
	v33 =	vsub.f32 $1.000000000e+00, v33  }
0x129: {  	[tilespmem:$0x1A6DD] =	vst v37;
	v35 =	vmul.f32 v34, v34  }
0x12a: {  	[tilespmem:$0x1A633] =	vst v40;
	v36 =	vmul.f32 v33, v34  }
0x12b: {  	[tilespmem:$0x1A6EE] =	vst v39;
	v35 =	vadd.f32 v35, v35  }
0x12c: {  	[tilespmem:$0x1A644] =	vst v42;
	v36 =	vadd.f32 v36, v36  }
0x12d: {  	[tilespmem:$0x1A6FF] =	vst v41;
	v35 =	vsub.f32 $1.000000000e+00, v35  }
0x12e: {  	[tilespmem:$0x1A655] =	vst v44;
	v37 =	vmul.f32 v36, v36  }
0x12f: {  	[tilespmem:$0x1A710] =	vst v43;
	v38 =	vmul.f32 v35, v36  }
0x130: {  	[tilespmem:$0x1A666] =	vst v46;
	v37 =	vadd.f32 v37, v37  }
0x131: {  	[tilespmem:$0x1A721] =	vst v45;
	v38 =	vadd.f32 v38, v38  }
0x132: {  	[tilespmem:$0x1A677] =	vst v34;
	v34 =	vsub.f32 $1.000000000e+00, v37  }
0x133: {  	[tilespmem:$0x1A732] =	vst v33;
	v33 =	vmul.f32 v38, v38  }
0x134: {  	[tilespmem:$0x1A688] =	vst v36;
	v36 =	vmul.f32 v34, v38  }
0x135: {  	[tilespmem:$0x1A743] =	vst v35;
	v33 =	vadd.f32 v33, v33  }
0x136: {  	[tilespmem:$0x1A699] =	vst v38;
	v35 =	vadd.f32 v36, v36  }
0x137: {  	[tilespmem:$0x1A754] =	vst v34;
	v33 =	vsub.f32 $1.000000000e+00, v33  }
0x138: {  	[tilespmem:$0x1A6AA] =	vst v35  }
0x139: {  	[tilespmem:$0x1A765] =	vst v33  }
0x13a: {  	v33 =	vld.idx.msk [tilespmem:v0+s24+$0x0], $0xffff  }
0x13b: {  	v34 =	vld.idx.msk [tilespmem:v2+s24+$0x0], $0xffff;
	_ =	sdelay $0x4  }
0x13c: {  	[tilespmem:s0+$0xFFFFFC00] =	vst v33  }
0x13d: {  	[tilespmem:s0+$0xFFFFFC10] =	vst v34  }
0x13e: {  	v33 =	vld.idx.msk [tilespmem:v3+s24+$0x0], $0xffff  }
0x13f: {  	v34 =	vld.idx.msk [tilespmem:v4+s24+$0x0], $0xffff;
	_ =	sdelay $0x4  }
0x140: {  	[tilespmem:s0+$0xFFFFFC80] =	vst v33  }
0x141: {  	[tilespmem:s0+$0xFFFFFC90] =	vst v34  }
0x142: {  	v33 =	vld.idx.msk [tilespmem:v5+s24+$0x0], $0xffff  }
0x143: {  	v34 =	vld.idx.msk [tilespmem:v6+s24+$0x0], $0xffff;
	_ =	sdelay $0x4  }
0x144: {  	[tilespmem:s0+$0xFFFFFD00] =	vst v33  }
0x145: {  	[tilespmem:s0+$0xFFFFFD10] =	vst v34  }
0x146: {  	v33 =	vld.idx.msk [tilespmem:v7+s24+$0x0], $0xffff  }
0x147: {  	v34 =	vld.idx.msk [tilespmem:v8+s24+$0x0], $0xffff;
	_ =	sdelay $0x4  }
0x148: {  	[tilespmem:s0+$0xFFFFFD80] =	vst v33  }
0x149: {  	[tilespmem:s0+$0xFFFFFD90] =	vst v34  }
0x14a: {  	v33 =	vld.idx.msk [tilespmem:v9+s24+$0x0], $0xffff  }
0x14b: {  	v34 =	vld.idx.msk [tilespmem:v10+s24+$0x0], $0xffff;
	_ =	sdelay $0x4  }
0x14c: {  	[tilespmem:s0+$0xFFFFFE00] =	vst v33  }
0x14d: {  	[tilespmem:s0+$0xFFFFFE10] =	vst v34  }
0x14e: {  	v33 =	vld.idx.msk [tilespmem:v11+s24+$0x0], $0xffff  }
0x14f: {  	v34 =	vld.idx.msk [tilespmem:v12+s24+$0x0], $0xffff;
	_ =	sdelay $0x4  }
0x150: {  	[tilespmem:s0+$0xFFFFFE80] =	vst v33  }
0x151: {  	[tilespmem:s0+$0xFFFFFE90] =	vst v34  }
0x152: {  	v33 =	vld.idx.msk [tilespmem:v13+s24+$0x0], $0xffff  }
0x153: {  	v34 =	vld.idx.msk [tilespmem:v14+s24+$0x0], $0xffff;
	_ =	sdelay $0x4  }
0x154: {  	[tilespmem:s0+$0xFFFFFF00] =	vst v33  }
0x155: {  	[tilespmem:s0+$0xFFFFFF10] =	vst v34  }
0x156: {  	v33 =	vld.idx.msk [tilespmem:v15+s24+$0x0], $0xffff  }
0x157: {  	v34 =	vld.idx.msk [tilespmem:v16+s24+$0x0], $0xffff;
	_ =	sdelay $0x4  }
0x158: {  	[tilespmem:s0+$0xFFFFFF80] =	vst v33  }
0x159: {  	[tilespmem:s0+$0xFFFFFF90] =	vst v34  }
0x15a: {  	v33 =	vld.idx.msk [tilespmem:v17+s24+$0x0], $0xffff  }
0x15b: {  	v34 =	vld.idx.msk [tilespmem:v18+s24+$0x0], $0xffff;
	_ =	sdelay $0x4  }
0x15c: {  	[tilespmem:s0+$0x0] =	vst v33  }
0x15d: {  	[tilespmem:s0+$0x10] =	vst v34  }
0x15e: {  	v33 =	vld.idx.msk [tilespmem:v19+s24+$0x0], $0xffff  }
0x15f: {  	v34 =	vld.idx.msk [tilespmem:v20+s24+$0x0], $0xffff;
	_ =	sdelay $0x4  }
0x160: {  	[tilespmem:s0+$0x80] =	vst v33  }
0x161: {  	[tilespmem:s0+$0x90] =	vst v34  }
0x162: {  	v33 =	vld.idx.msk [tilespmem:v21+s24+$0x0], $0xffff  }
0x163: {  	v34 =	vld.idx.msk [tilespmem:v22+s24+$0x0], $0xffff;
	_ =	sdelay $0x4  }
0x164: {  	[tilespmem:s0+$0x100] =	vst v33  }
0x165: {  	[tilespmem:s0+$0x110] =	vst v34  }
0x166: {  	v33 =	vld.idx.msk [tilespmem:v23+s24+$0x0], $0xffff  }
0x167: {  	v34 =	vld.idx.msk [tilespmem:v24+s24+$0x0], $0xffff;
	_ =	sdelay $0x4  }
0x168: {  	[tilespmem:s0+$0x180] =	vst v33  }
0x169: {  	[tilespmem:s0+$0x190] =	vst v34  }
0x16a: {  	v33 =	vld.idx.msk [tilespmem:v25+s24+$0x0], $0xffff  }
0x16b: {  	v34 =	vld.idx.msk [tilespmem:v26+s24+$0x0], $0xffff;
	_ =	sdelay $0x3  }
.Ltmp2:
0x16c: {  	(pc) =	sbr.rel @p1 .LBB2_6-.Ltmp2, $4  }
0x16d: {  	[tilespmem:s0+$0x200] =	vst v33  }
0x16e: {  	[tilespmem:s0+$0x210] =	vst v34  }
0x16f: {  	v33 =	vld.idx.msk [tilespmem:v27+s24+$0x0], $0xffff  }
0x170: {  	v34 =	vld.idx.msk [tilespmem:v28+s24+$0x0], $0xffff  }
0x171: {  	_ =	sdelay $0x2  }
0x172: {  	[tilespmem:s3+$0x280] =	vst v33  }
0x173: {  	[tilespmem:s3+$0x290] =	vst v34  }
0x174: {  	v33 =	vld.idx.msk [tilespmem:v29+s24+$0x0], $0xffff  }
0x175: {  	v34 =	vld.idx.msk [tilespmem:v30+s24+$0x0], $0xffff;
	_ =	sdelay $0x3  }
0x176: {  	[tilespmem:s3+$0x300] =	vst v33  }
0x177: {  	[tilespmem:s3+$0x310] =	vst v34  }
0x178: {  	v33 =	vld.idx.msk [tilespmem:v31+s24+$0x0], $0xffff  }
0x179: {  	v34 =	vld.idx.msk [tilespmem:v32+s24+$0x0], $0xffff;
	_ =	sdelay $0x3  }
0x17a: {  	[tilespmem:s3+$0x380] =	vst v33  }
0x17b: {  	s0 =	rddreg [dreg:$0x7];
	s31 =	simm.s32 $0x0;
	[tilespmem:s3+$0x390] =	vst v34  }
0x17c: {  	[hbm4b:s0+s30] =	stream.linear.scatter [tilespmem:s16], [sflag:$0x3], $0x8000, $0x38;
	[tilespmem:$0x1B880] =	vst v63  }
.LBB2_8:
0x17d: {  	s5 =	sshll.u32 s31, $0x1  }
0x17e: {  	s0 =	sadd.s32 $0x2, s5  }
0x17f: {  	s3 =	sshll.u32 s0, $0x8  }
0x180: {  	_ =	swait.ge [sflag:s25], $0x8000;
	s7 =	sand.u32 $0x80, s30;
	s3 =	sand.u32 $0x3FFFFE00, s3  }
0x181: {  	s8 =	sand.u32 $0x70, s30;
	[sflag:s25] =	ssyncset.done $0x0;
	s7 =	sadd.s32 s7, s3  }
0x182: {  	[sflag:s25] =	ssyncadd.s32 $0xFFFF8000;
	s7 =	sadd.s32 s8, s7  }
0x183: {  	v33 =	vld [tilespmem:s7+$0x0];
	_ =	sdelay $0x4  }
0x184: {  	v33 =	vmul.f32 $2.048000000e+03, v33;
	_ =	sdelay $0x1  }
0x185: {  	v34 =	vadd.f32 $5.000000000e-01, v33;
	_ =	sdelay $0x1  }
0x186: {  	v35 =	vtrunc.f32 v34  }
0x187: {  	v33 =	vcvt.f32.s32 v35;
	_ =	sdelay $0x1  }
0x188: {  	v36 =	vand.u32 $0x1, v33  }
0x189: {  	vm0 =	veq.f32 v34, v35;
	vm1 =	veq.s32 v36, $0x1  }
0x18a: {  	s9 =	simm.s32 $0x10;
	vm0 =	vmand vm0, vm1  }
0x18b: {  	s10 =	sand.u32 $0x80, s9;
	s8 =	simm.s32 $0x20;
	s7 =	simm.s32 $0x6400;
	v34 =	vsel vm0, $0xFFFFFFFF, v1  }
.LBB2_9:
0x18c: {  	p1 =	sne.s32 s8, $0xF0;
	s9 =	sand.u32 $0x70, s9;
	s10 =	sadd.s32 s10, s3;
	v33 =	vadd.s32 v33, v34  }
0x18d: {  	s10 =	sadd.s32 s9, s10;
	[tilespmem:s7+$0x0] =	vst v33;
	s9 =	smov.u32 s8  }
0x18e: {  	v33 =	vld [tilespmem:s10+$0x0];
	_ =	sdelay $0x4  }
0x18f: {  	v33 =	vmul.f32 $2.048000000e+03, v33;
	_ =	sdelay $0x1  }
0x190: {  	v34 =	vadd.f32 $5.000000000e-01, v33;
	_ =	sdelay $0x1  }
0x191: {  	v35 =	vtrunc.f32 v34  }
0x192: {  	v33 =	vcvt.f32.s32 v35  }
.Ltmp3:
0x193: {  	(pc) =	sbr.rel @p1 .LBB2_9-.Ltmp3, $4  }
0x194: {  	v36 =	vand.u32 $0x1, v33  }
0x195: {  	vm0 =	veq.f32 v34, v35;
	vm1 =	veq.s32 v36, $0x1  }
0x196: {  	vm0 =	vmand vm0, vm1  }
0x197: {  	s8 =	sadd.s32 $0x10, s8;
	s7 =	sadd.s32 $0x10, s7;
	s10 =	sand.u32 $0x80, s9;
	v34 =	vsel vm0, $0xFFFFFFFF, v1  }
0x198: {  	s8 =	sand.u32 $0x70, s9;
	s29 =	sadd.s32 s10, s3;
	v33 =	vadd.s32 v33, v34  }
0x199: {  	s8 =	sadd.s32 s8, s29;
	[tilespmem:s7+$0x0] =	vst v33  }
0x19a: {  	v33 =	vld [tilespmem:s8+$0x0];
	_ =	sdelay $0x4  }
0x19b: {  	v33 =	vmul.f32 $2.048000000e+03, v33;
	_ =	sdelay $0x1  }
0x19c: {  	v33 =	vadd.f32 $5.000000000e-01, v33;
	_ =	sdelay $0x1  }
0x19d: {  	v41 =	vtrunc.f32 v33  }
0x19e: {  	v35 =	vcvt.f32.s32 v41;
	_ =	sdelay $0x1  }
0x19f: {  	v36 =	vand.u32 $0x1, v35  }
0x1a0: {  	vm0 =	veq.f32 v33, v41;
	vm1 =	veq.s32 v36, $0x1  }
0x1a1: {  	vm0 =	vmand vm0, vm1  }
0x1a2: {  	v42 =	vsel vm0, $0xFFFFFFFF, v1  }
0x1a3: {  	s10 =	sadd.s32 $0x10, s7;
	v33 =	vadd.s32 v35, v42  }
0x1a4: {  	[tilespmem:s10+$0x0] =	vst v33  }
0x1a5: {  	[tilespmem:s16], [sflag:$0x1] =	stream.indirect.gather [spmem:s1], $0x80, s15, s14, $0xb8;
	[tilespmem:$0x1B880] =	vst v63  }
0x1a6: {  	_ = 	snop  }
0x1a7: {  	[tilespmem:s18], [sflag:$0x1] =	stream.indirect.gather [spmem:s1], $0x80, s17, s14, $0xb8;
	[tilespmem:$0x1B880] =	vst v63  }
0x1a8: {  	_ =	swait.ge [sflag:s26], $0x4000  }
0x1a9: {  	[sflag:s26] =	ssyncset.done $0x0  }
0x1aa: {  	s5 =	sor.u32 $0x1, s5;
	s12 =	simm.s32 $0x0;
	[sflag:s26] =	ssyncadd.s32 $0xFFFFC000  }
0x1ab: {  	s11 =	sshll.u32 s5, $0x8;
	s29 =	sand.u32 $0x80, s12;
	_ =	swait.ge [sflag:s26], $0x4000  }
0x1ac: {  	s9 =	sand.u32 $0x70, s12;
	s7 =	sand.u32 $0x3FFFFF00, s11;
	[sflag:s26] =	ssyncset.done $0x0  }
0x1ad: {  	s8 =	simm.s32 $0x6500;
	s10 =	sadd.s32 s29, s7;
	[sflag:s26] =	ssyncadd.s32 $0xFFFFC000  }
0x1ae: {  	s9 =	sadd.s32 s9, s10;
	v43 =	vld [tilespmem:s8+$0x0]  }
0x1af: {  	v44 =	vld [tilespmem:s9+$0x0];
	_ =	sdelay $0x4  }
0x1b0: {  	v34 =	vmul.f32 $2.048000000e+03, v44;
	v45 =	vcvt.s32.f32 v43  }
0x1b1: {  	v33 =	vshll.u32 v43, $0x1  }
0x1b2: {  	v46 =	vor.u32 $0x1, v33;
	v34 =	vsub.f32 v34, v45;
	_ =	sdelay $0x1  }
0x1b3: {  	v34 =	vmul.f32 $1.533980830e-03, v34;
	_ =	sdelay $0x1  }
0x1b4: {  	v33 =	vld.idx.msk [tilespmem:v33+s13+$0x0], $0xffff;
	v47 =	vmul.f32 v34, v34  }
0x1b5: {  	v36 =	vld.idx.msk [tilespmem:v46+s13+$0x0], $0xffff  }
0x1b6: {  	v35 =	vmul.f32 $-5.000000000e-01, v47;
	_ =	sdelay $0x1  }
0x1b7: {  	v35 =	vadd.f32 $1.000000000e+00, v35;
	_ =	sdelay $0x1  }
0x1b8: {  	v38 =	vmul.f32 v34, v36;
	v37 =	vmul.f32 v35, v33  }
0x1b9: {  	v33 =	vmul.f32 v34, v33;
	v48 =	vmul.f32 v35, v36  }
0x1ba: {  	v49 =	vadd.f32 v37, v38  }
0x1bb: {  	v33 =	vsub.f32 v48, v33  }
0x1bc: {  	v50 =	vmul.f32 v49, v49  }
0x1bd: {  	v51 =	vmul.f32 v33, v49  }
0x1be: {  	v34 =	vadd.f32 v50, v50  }
0x1bf: {  	v36 =	vadd.f32 v51, v51  }
0x1c0: {  	v34 =	vsub.f32 $1.000000000e+00, v34  }
0x1c1: {  	v52 =	vmul.f32 v36, v36  }
0x1c2: {  	v53 =	vmul.f32 v34, v36  }
0x1c3: {  	v37 =	vadd.f32 v52, v52  }
0x1c4: {  	v38 =	vadd.f32 v53, v53  }
0x1c5: {  	v37 =	vsub.f32 $1.000000000e+00, v37  }
0x1c6: {  	v39 =	vmul.f32 v38, v38  }
0x1c7: {  	v40 =	vmul.f32 v37, v38  }
0x1c8: {  	v39 =	vadd.f32 v39, v39  }
0x1c9: {  	v40 =	vadd.f32 v40, v40  }
0x1ca: {  	v39 =	vsub.f32 $1.000000000e+00, v39  }
0x1cb: {  	v41 =	vmul.f32 v40, v40  }
0x1cc: {  	v42 =	vmul.f32 v39, v40  }
0x1cd: {  	v41 =	vadd.f32 v41, v41  }
0x1ce: {  	v42 =	vadd.f32 v42, v42  }
0x1cf: {  	v41 =	vsub.f32 $1.000000000e+00, v41  }
0x1d0: {  	v43 =	vmul.f32 v42, v42  }
0x1d1: {  	v44 =	vmul.f32 v41, v42  }
0x1d2: {  	v43 =	vadd.f32 v43, v43  }
0x1d3: {  	v44 =	vadd.f32 v44, v44  }
0x1d4: {  	v43 =	vsub.f32 $1.000000000e+00, v43  }
0x1d5: {  	v45 =	vmul.f32 v44, v44  }
0x1d6: {  	v46 =	vmul.f32 v43, v44  }
0x1d7: {  	v45 =	vadd.f32 v45, v45  }
0x1d8: {  	v46 =	vadd.f32 v46, v46  }
0x1d9: {  	v45 =	vsub.f32 $1.000000000e+00, v45  }
0x1da: {  	[tilespmem:$0x1A6BB] =	vst v33;
	v54 =	vmul.f32 v46, v46  }
0x1db: {  	[tilespmem:$0x1A600] =	vst v49;
	v47 =	vmul.f32 v45, v46  }
0x1dc: {  	[tilespmem:$0x1A611] =	vst v36;
	v33 =	vadd.f32 v54, v54  }
0x1dd: {  	[tilespmem:$0x1A6CC] =	vst v34;
	v55 =	vadd.f32 v47, v47  }
0x1de: {  	[tilespmem:$0x1A6DD] =	vst v37;
	v33 =	vsub.f32 $1.000000000e+00, v33  }
0x1df: {  	[tilespmem:$0x1A622] =	vst v38;
	v56 =	vmul.f32 v55, v55  }
0x1e0: {  	[tilespmem:$0x1A633] =	vst v40;
	v57 =	vmul.f32 v33, v55  }
0x1e1: {  	[tilespmem:$0x1A6EE] =	vst v39;
	v34 =	vadd.f32 v56, v56  }
0x1e2: {  	[tilespmem:$0x1A6FF] =	vst v41;
	v36 =	vadd.f32 v57, v57  }
0x1e3: {  	[tilespmem:$0x1A644] =	vst v42;
	v34 =	vsub.f32 $1.000000000e+00, v34  }
0x1e4: {  	[tilespmem:$0x1A655] =	vst v44;
	v58 =	vmul.f32 v36, v36  }
0x1e5: {  	[tilespmem:$0x1A710] =	vst v43;
	v59 =	vmul.f32 v34, v36  }
0x1e6: {  	[tilespmem:$0x1A721] =	vst v45;
	v37 =	vadd.f32 v58, v58  }
0x1e7: {  	[tilespmem:$0x1A666] =	vst v46;
	v38 =	vadd.f32 v59, v59  }
0x1e8: {  	[tilespmem:$0x1A677] =	vst v55;
	v60 =	vsub.f32 $1.000000000e+00, v37  }
0x1e9: {  	[tilespmem:$0x1A732] =	vst v33;
	v61 =	vmul.f32 v38, v38  }
0x1ea: {  	[tilespmem:$0x1A743] =	vst v34;
	v62 =	vmul.f32 v60, v38  }
0x1eb: {  	[tilespmem:$0x1A688] =	vst v36;
	v63 =	vadd.f32 v61, v61  }
0x1ec: {  	[tilespmem:$0x1A699] =	vst v38;
	v33 =	vadd.f32 v62, v62  }
0x1ed: {  	[tilespmem:$0x1A754] =	vst v60;
	v34 =	vsub.f32 $1.000000000e+00, v63  }
0x1ee: {  	[tilespmem:$0x1A6AA] =	vst v33  }
0x1ef: {  	[tilespmem:$0x1A765] =	vst v34  }
0x1f0: {  	v33 =	vld.idx.msk [tilespmem:v0+s24+$0x0], $0xffff  }
0x1f1: {  	v34 =	vld.idx.msk [tilespmem:v2+s24+$0x0], $0xffff;
	_ =	sdelay $0x2  }
0x1f2: {  	s9 =	simm.s32 $0xEA40  }
0x1f3: {  	[tilespmem:s9+$0xFFFFFC00] =	vst v33  }
0x1f4: {  	[tilespmem:s9+$0xFFFFFC10] =	vst v34  }
0x1f5: {  	v33 =	vld.idx.msk [tilespmem:v3+s24+$0x0], $0xffff  }
0x1f6: {  	v34 =	vld.idx.msk [tilespmem:v4+s24+$0x0], $0xffff;
	_ =	sdelay $0x3  }
0x1f7: {  	[tilespmem:s9+$0xFFFFFC80] =	vst v33  }
0x1f8: {  	[tilespmem:s9+$0xFFFFFC90] =	vst v34  }
0x1f9: {  	v33 =	vld.idx.msk [tilespmem:v5+s24+$0x0], $0xffff  }
0x1fa: {  	v34 =	vld.idx.msk [tilespmem:v6+s24+$0x0], $0xffff;
	_ =	sdelay $0x3  }
0x1fb: {  	[tilespmem:s9+$0xFFFFFD00] =	vst v33  }
0x1fc: {  	[tilespmem:s9+$0xFFFFFD10] =	vst v34  }
0x1fd: {  	v33 =	vld.idx.msk [tilespmem:v7+s24+$0x0], $0xffff  }
0x1fe: {  	v34 =	vld.idx.msk [tilespmem:v8+s24+$0x0], $0xffff;
	_ =	sdelay $0x3  }
0x1ff: {  	[tilespmem:s9+$0xFFFFFD80] =	vst v33  }
0x200: {  	[tilespmem:s9+$0xFFFFFD90] =	vst v34  }
0x201: {  	v33 =	vld.idx.msk [tilespmem:v9+s24+$0x0], $0xffff  }
0x202: {  	v34 =	vld.idx.msk [tilespmem:v10+s24+$0x0], $0xffff;
	_ =	sdelay $0x3  }
0x203: {  	[tilespmem:s9+$0xFFFFFE00] =	vst v33  }
0x204: {  	[tilespmem:s9+$0xFFFFFE10] =	vst v34  }
0x205: {  	v33 =	vld.idx.msk [tilespmem:v11+s24+$0x0], $0xffff  }
0x206: {  	v34 =	vld.idx.msk [tilespmem:v12+s24+$0x0], $0xffff;
	_ =	sdelay $0x3  }
0x207: {  	[tilespmem:s9+$0xFFFFFE80] =	vst v33  }
0x208: {  	[tilespmem:s9+$0xFFFFFE90] =	vst v34  }
0x209: {  	v33 =	vld.idx.msk [tilespmem:v14+s24+$0x0], $0xffff  }
0x20a: {  	v34 =	vld.idx.msk [tilespmem:v13+s24+$0x0], $0xffff;
	_ =	sdelay $0x3  }
0x20b: {  	[tilespmem:s9+$0xFFFFFF10] =	vst v33  }
0x20c: {  	[tilespmem:s9+$0xFFFFFF00] =	vst v34  }
0x20d: {  	v33 =	vld.idx.msk [tilespmem:v15+s24+$0x0], $0xffff  }
0x20e: {  	v34 =	vld.idx.msk [tilespmem:v16+s24+$0x0], $0xffff;
	_ =	sdelay $0x3  }
0x20f: {  	[tilespmem:s9+$0xFFFFFF80] =	vst v33  }
0x210: {  	[tilespmem:s9+$0xFFFFFF90] =	vst v34  }
0x211: {  	v33 =	vld.idx.msk [tilespmem:v17+s24+$0x0], $0xffff  }
0x212: {  	v34 =	vld.idx.msk [tilespmem:v18+s24+$0x0], $0xffff;
	_ =	sdelay $0x3  }
0x213: {  	[tilespmem:s9+$0x0] =	vst v33  }
0x214: {  	[tilespmem:s9+$0x10] =	vst v34  }
0x215: {  	v33 =	vld.idx.msk [tilespmem:v19+s24+$0x0], $0xffff  }
0x216: {  	v34 =	vld.idx.msk [tilespmem:v20+s24+$0x0], $0xffff;
	_ =	sdelay $0x3  }
0x217: {  	[tilespmem:s9+$0x80] =	vst v33  }
0x218: {  	[tilespmem:s9+$0x90] =	vst v34  }
0x219: {  	v33 =	vld.idx.msk [tilespmem:v21+s24+$0x0], $0xffff  }
0x21a: {  	v34 =	vld.idx.msk [tilespmem:v22+s24+$0x0], $0xffff;
	_ =	sdelay $0x3  }
0x21b: {  	[tilespmem:s9+$0x100] =	vst v33  }
0x21c: {  	[tilespmem:s9+$0x110] =	vst v34  }
0x21d: {  	v33 =	vld.idx.msk [tilespmem:v24+s24+$0x0], $0xffff  }
0x21e: {  	v34 =	vld.idx.msk [tilespmem:v23+s24+$0x0], $0xffff;
	_ =	sdelay $0x3  }
0x21f: {  	[tilespmem:s9+$0x190] =	vst v33  }
0x220: {  	[tilespmem:s9+$0x180] =	vst v34  }
0x221: {  	v33 =	vld.idx.msk [tilespmem:v25+s24+$0x0], $0xffff  }
0x222: {  	v34 =	vld.idx.msk [tilespmem:v26+s24+$0x0], $0xffff;
	_ =	sdelay $0x3  }
0x223: {  	[tilespmem:s9+$0x200] =	vst v33  }
0x224: {  	[tilespmem:s9+$0x210] =	vst v34  }
0x225: {  	v34 =	vld.idx.msk [tilespmem:v27+s24+$0x0], $0xffff  }
0x226: {  	s11 =	simm.s32 $0x10;
	s10 =	simm.s32 $0xEA40;
	v33 =	vld.idx.msk [tilespmem:v28+s24+$0x0], $0xffff  }
.LBB2_11:
0x227: {  	_ =	sdelay $0x1  }
0x228: {  	p1 =	sne.s32 s11, $0xF0;
	s8 =	sadd.s32 $0x10, s8;
	s9 =	sadd.s32 $0x800, s9  }
0x229: {  	s12 =	smov.u32 s11;
	s11 =	sadd.s32 $0x10, s11;
	[tilespmem:s10+$0x280] =	vst v34  }
0x22a: {  	[tilespmem:s10+$0x290] =	vst v33  }
0x22b: {  	v33 =	vld.idx.msk [tilespmem:v29+s24+$0x0], $0xffff  }
0x22c: {  	v34 =	vld.idx.msk [tilespmem:v30+s24+$0x0], $0xffff;
	_ =	sdelay $0x4  }
0x22d: {  	[tilespmem:s10+$0x300] =	vst v33  }
0x22e: {  	[tilespmem:s10+$0x310] =	vst v34  }
0x22f: {  	v33 =	vld.idx.msk [tilespmem:v31+s24+$0x0], $0xffff  }
0x230: {  	v34 =	vld.idx.msk [tilespmem:v32+s24+$0x0], $0xffff;
	_ =	sdelay $0x4  }
0x231: {  	s29 =	sand.u32 $0x80, s12;
	[tilespmem:s10+$0x380] =	vst v33  }
0x232: {  	s12 =	sand.u32 $0x70, s12;
	s29 =	sadd.s32 s29, s7;
	[tilespmem:s10+$0x390] =	vst v34;
	s10 =	smov.u32 s9  }
0x233: {  	s12 =	sadd.s32 s12, s29;
	v33 =	vld [tilespmem:s8+$0x0]  }
0x234: {  	v34 =	vld [tilespmem:s12+$0x0];
	_ =	sdelay $0x3  }
0x235: {  	v35 =	vshll.u32 v33, $0x1  }
0x236: {  	v33 =	vcvt.s32.f32 v33;
	v34 =	vmul.f32 $2.048000000e+03, v34;
	v36 =	vor.u32 $0x1, v35;
	_ =	sdelay $0x1  }
0x237: {  	v33 =	vsub.f32 v34, v33;
	_ =	sdelay $0x1  }
0x238: {  	v33 =	vmul.f32 $1.533980830e-03, v33  }
0x239: {  	v34 =	vld.idx.msk [tilespmem:v35+s13+$0x0], $0xffff  }
0x23a: {  	v35 =	vld.idx.msk [tilespmem:v36+s13+$0x0], $0xffff;
	v36 =	vmul.f32 v33, v33;
	_ =	sdelay $0x1  }
0x23b: {  	v36 =	vmul.f32 $-5.000000000e-01, v36;
	_ =	sdelay $0x1  }
0x23c: {  	v36 =	vadd.f32 $1.000000000e+00, v36  }
0x23d: {  	v37 =	vmul.f32 v33, v34  }
0x23e: {  	v34 =	vmul.f32 v36, v34;
	v36 =	vmul.f32 v36, v35  }
0x23f: {  	v33 =	vmul.f32 v33, v35  }
0x240: {  	v35 =	vsub.f32 v36, v37  }
0x241: {  	v33 =	vadd.f32 v34, v33;
	_ =	sdelay $0x1  }
0x242: {  	v34 =	vmul.f32 v35, v33;
	v36 =	vmul.f32 v33, v33;
	_ =	sdelay $0x1  }
0x243: {  	v34 =	vadd.f32 v34, v34;
	v36 =	vadd.f32 v36, v36;
	_ =	sdelay $0x1  }
0x244: {  	v36 =	vsub.f32 $1.000000000e+00, v36;
	v37 =	vmul.f32 v34, v34;
	_ =	sdelay $0x1  }
0x245: {  	v38 =	vmul.f32 v36, v34;
	v37 =	vadd.f32 v37, v37;
	_ =	sdelay $0x1  }
0x246: {  	v38 =	vadd.f32 v38, v38;
	v37 =	vsub.f32 $1.000000000e+00, v37;
	_ =	sdelay $0x1  }
0x247: {  	v39 =	vmul.f32 v37, v38;
	v40 =	vmul.f32 v38, v38;
	_ =	sdelay $0x1  }
0x248: {  	v39 =	vadd.f32 v39, v39;
	v40 =	vadd.f32 v40, v40;
	_ =	sdelay $0x1  }
0x249: {  	v40 =	vsub.f32 $1.000000000e+00, v40;
	v41 =	vmul.f32 v39, v39;
	_ =	sdelay $0x1  }
0x24a: {  	v42 =	vmul.f32 v40, v39;
	v41 =	vadd.f32 v41, v41;
	_ =	sdelay $0x1  }
0x24b: {  	v42 =	vadd.f32 v42, v42;
	v41 =	vsub.f32 $1.000000000e+00, v41;
	_ =	sdelay $0x1  }
0x24c: {  	v43 =	vmul.f32 v41, v42;
	v44 =	vmul.f32 v42, v42;
	_ =	sdelay $0x1  }
0x24d: {  	v43 =	vadd.f32 v43, v43;
	v44 =	vadd.f32 v44, v44;
	_ =	sdelay $0x1  }
0x24e: {  	v44 =	vsub.f32 $1.000000000e+00, v44;
	v45 =	vmul.f32 v43, v43;
	_ =	sdelay $0x1  }
0x24f: {  	v46 =	vmul.f32 v44, v43;
	v45 =	vadd.f32 v45, v45;
	_ =	sdelay $0x1  }
0x250: {  	v46 =	vadd.f32 v46, v46;
	v45 =	vsub.f32 $1.000000000e+00, v45;
	_ =	sdelay $0x1  }
0x251: {  	v47 =	vmul.f32 v46, v46;
	[tilespmem:$0x1A6BB] =	vst v35;
	v35 =	vmul.f32 v45, v46  }
0x252: {  	[tilespmem:$0x1A600] =	vst v33  }
0x253: {  	[tilespmem:$0x1A611] =	vst v34;
	v33 =	vadd.f32 v35, v35;
	v34 =	vadd.f32 v47, v47  }
0x254: {  	[tilespmem:$0x1A6CC] =	vst v36  }
0x255: {  	[tilespmem:$0x1A6DD] =	vst v37;
	v34 =	vsub.f32 $1.000000000e+00, v34;
	v35 =	vmul.f32 v33, v33  }
0x256: {  	[tilespmem:$0x1A622] =	vst v38  }
0x257: {  	[tilespmem:$0x1A633] =	vst v39;
	v36 =	vmul.f32 v34, v33;
	v35 =	vadd.f32 v35, v35  }
0x258: {  	[tilespmem:$0x1A6EE] =	vst v40  }
0x259: {  	[tilespmem:$0x1A6FF] =	vst v41;
	v36 =	vadd.f32 v36, v36;
	v35 =	vsub.f32 $1.000000000e+00, v35  }
0x25a: {  	[tilespmem:$0x1A644] =	vst v42  }
0x25b: {  	[tilespmem:$0x1A655] =	vst v43;
	v37 =	vmul.f32 v35, v36;
	v38 =	vmul.f32 v36, v36  }
0x25c: {  	[tilespmem:$0x1A710] =	vst v44  }
0x25d: {  	[tilespmem:$0x1A721] =	vst v45;
	v37 =	vadd.f32 v37, v37;
	v38 =	vadd.f32 v38, v38  }
0x25e: {  	[tilespmem:$0x1A666] =	vst v46  }
0x25f: {  	[tilespmem:$0x1A677] =	vst v33;
	v33 =	vsub.f32 $1.000000000e+00, v38;
	v38 =	vmul.f32 v37, v37  }
0x260: {  	[tilespmem:$0x1A732] =	vst v34  }
0x261: {  	[tilespmem:$0x1A743] =	vst v35;
	v34 =	vmul.f32 v33, v37;
	v35 =	vadd.f32 v38, v38  }
0x262: {  	[tilespmem:$0x1A688] =	vst v36  }
0x263: {  	[tilespmem:$0x1A699] =	vst v37;
	v34 =	vadd.f32 v34, v34;
	v35 =	vsub.f32 $1.000000000e+00, v35  }
0x264: {  	[tilespmem:$0x1A754] =	vst v33  }
0x265: {  	[tilespmem:$0x1A6AA] =	vst v34  }
0x266: {  	[tilespmem:$0x1A765] =	vst v35  }
0x267: {  	v33 =	vld.idx.msk [tilespmem:v0+s24+$0x0], $0xffff  }
0x268: {  	v34 =	vld.idx.msk [tilespmem:v2+s24+$0x0], $0xffff;
	_ =	sdelay $0x4  }
0x269: {  	[tilespmem:s9+$0xFFFFFC00] =	vst v33  }
0x26a: {  	[tilespmem:s9+$0xFFFFFC10] =	vst v34  }
0x26b: {  	v33 =	vld.idx.msk [tilespmem:v3+s24+$0x0], $0xffff  }
0x26c: {  	v34 =	vld.idx.msk [tilespmem:v4+s24+$0x0], $0xffff;
	_ =	sdelay $0x4  }
0x26d: {  	[tilespmem:s9+$0xFFFFFC80] =	vst v33  }
0x26e: {  	[tilespmem:s9+$0xFFFFFC90] =	vst v34  }
0x26f: {  	v33 =	vld.idx.msk [tilespmem:v5+s24+$0x0], $0xffff  }
0x270: {  	v34 =	vld.idx.msk [tilespmem:v6+s24+$0x0], $0xffff;
	_ =	sdelay $0x4  }
0x271: {  	[tilespmem:s9+$0xFFFFFD00] =	vst v33  }
0x272: {  	[tilespmem:s9+$0xFFFFFD10] =	vst v34  }
0x273: {  	v33 =	vld.idx.msk [tilespmem:v7+s24+$0x0], $0xffff  }
0x274: {  	v34 =	vld.idx.msk [tilespmem:v8+s24+$0x0], $0xffff;
	_ =	sdelay $0x4  }
0x275: {  	[tilespmem:s9+$0xFFFFFD80] =	vst v33  }
0x276: {  	[tilespmem:s9+$0xFFFFFD90] =	vst v34  }
0x277: {  	v33 =	vld.idx.msk [tilespmem:v9+s24+$0x0], $0xffff  }
0x278: {  	v34 =	vld.idx.msk [tilespmem:v10+s24+$0x0], $0xffff;
	_ =	sdelay $0x4  }
0x279: {  	[tilespmem:s9+$0xFFFFFE00] =	vst v33  }
0x27a: {  	[tilespmem:s9+$0xFFFFFE10] =	vst v34  }
0x27b: {  	v33 =	vld.idx.msk [tilespmem:v11+s24+$0x0], $0xffff  }
0x27c: {  	v34 =	vld.idx.msk [tilespmem:v12+s24+$0x0], $0xffff;
	_ =	sdelay $0x4  }
0x27d: {  	[tilespmem:s9+$0xFFFFFE80] =	vst v33  }
0x27e: {  	[tilespmem:s9+$0xFFFFFE90] =	vst v34  }
0x27f: {  	v33 =	vld.idx.msk [tilespmem:v14+s24+$0x0], $0xffff  }
0x280: {  	v34 =	vld.idx.msk [tilespmem:v13+s24+$0x0], $0xffff;
	_ =	sdelay $0x4  }
0x281: {  	[tilespmem:s9+$0xFFFFFF10] =	vst v33  }
0x282: {  	[tilespmem:s9+$0xFFFFFF00] =	vst v34  }
0x283: {  	v33 =	vld.idx.msk [tilespmem:v15+s24+$0x0], $0xffff  }
0x284: {  	v34 =	vld.idx.msk [tilespmem:v16+s24+$0x0], $0xffff;
	_ =	sdelay $0x4  }
0x285: {  	[tilespmem:s9+$0xFFFFFF80] =	vst v33  }
0x286: {  	[tilespmem:s9+$0xFFFFFF90] =	vst v34  }
0x287: {  	v33 =	vld.idx.msk [tilespmem:v17+s24+$0x0], $0xffff  }
0x288: {  	v34 =	vld.idx.msk [tilespmem:v18+s24+$0x0], $0xffff;
	_ =	sdelay $0x4  }
0x289: {  	[tilespmem:s9+$0x0] =	vst v33  }
0x28a: {  	[tilespmem:s9+$0x10] =	vst v34  }
0x28b: {  	v33 =	vld.idx.msk [tilespmem:v19+s24+$0x0], $0xffff  }
0x28c: {  	v34 =	vld.idx.msk [tilespmem:v20+s24+$0x0], $0xffff;
	_ =	sdelay $0x4  }
0x28d: {  	[tilespmem:s9+$0x80] =	vst v33  }
0x28e: {  	[tilespmem:s9+$0x90] =	vst v34  }
0x28f: {  	v33 =	vld.idx.msk [tilespmem:v21+s24+$0x0], $0xffff  }
0x290: {  	v34 =	vld.idx.msk [tilespmem:v22+s24+$0x0], $0xffff;
	_ =	sdelay $0x4  }
0x291: {  	[tilespmem:s9+$0x100] =	vst v33  }
0x292: {  	[tilespmem:s9+$0x110] =	vst v34  }
0x293: {  	v33 =	vld.idx.msk [tilespmem:v24+s24+$0x0], $0xffff  }
0x294: {  	v34 =	vld.idx.msk [tilespmem:v23+s24+$0x0], $0xffff;
	_ =	sdelay $0x4  }
0x295: {  	[tilespmem:s9+$0x190] =	vst v33  }
0x296: {  	[tilespmem:s9+$0x180] =	vst v34  }
0x297: {  	v33 =	vld.idx.msk [tilespmem:v25+s24+$0x0], $0xffff  }
0x298: {  	v34 =	vld.idx.msk [tilespmem:v26+s24+$0x0], $0xffff;
	_ =	sdelay $0x3  }
.Ltmp4:
0x299: {  	(pc) =	sbr.rel @p1 .LBB2_11-.Ltmp4, $4  }
0x29a: {  	[tilespmem:s9+$0x200] =	vst v33  }
0x29b: {  	[tilespmem:s9+$0x210] =	vst v34  }
0x29c: {  	v34 =	vld.idx.msk [tilespmem:v27+s24+$0x0], $0xffff  }
0x29d: {  	v33 =	vld.idx.msk [tilespmem:v28+s24+$0x0], $0xffff  }
0x29e: {  	_ =	sdelay $0x2  }
0x29f: {  	[tilespmem:s10+$0x280] =	vst v34  }
0x2a0: {  	[tilespmem:s10+$0x290] =	vst v33  }
0x2a1: {  	v33 =	vld.idx.msk [tilespmem:v29+s24+$0x0], $0xffff  }
0x2a2: {  	v34 =	vld.idx.msk [tilespmem:v30+s24+$0x0], $0xffff;
	_ =	sdelay $0x3  }
0x2a3: {  	[tilespmem:s10+$0x300] =	vst v33  }
0x2a4: {  	[tilespmem:s10+$0x310] =	vst v34  }
0x2a5: {  	v33 =	vld.idx.msk [tilespmem:v31+s24+$0x0], $0xffff  }
0x2a6: {  	v34 =	vld.idx.msk [tilespmem:v32+s24+$0x0], $0xffff;
	_ =	sdelay $0x1  }
0x2a7: {  	s5 =	sshll.u32 s5, $0xF  }
0x2a8: {  	s5 =	sadd.s32 s4, s5  }
0x2a9: {  	s5 =	sshrl.u32 s5, $0x3;
	[tilespmem:s10+$0x380] =	vst v33  }
0x2aa: {  	s7 =	simm.s32 $0x0;
	s29 =	sshll.u32 s31, $0x9;
	s5 =	sadd.s32 s6, s5;
	[tilespmem:s10+$0x390] =	vst v34  }
0x2ab: {  	[hbm4b:s5+s7] =	stream.linear.scatter [tilespmem:s20], [sflag:$0x4], $0x8000, $0x38;
	[tilespmem:$0x1B880] =	vst v63  }
0x2ac: {  	s5 =	sand.u32 $0x3FFFFE00, s29  }
0x2ad: {  	s8 =	sand.u32 $0x80, s7;
	_ =	swait.ge [sflag:s28], $0x8000;
	s5 =	sadd.s32 $0x300, s5  }
0x2ae: {  	s7 =	sand.u32 $0x70, s7;
	[sflag:s28] =	ssyncset.done $0x0;
	s8 =	sadd.s32 s8, s5  }
0x2af: {  	[sflag:s28] =	ssyncadd.s32 $0xFFFF8000;
	s7 =	sadd.s32 s7, s8  }
0x2b0: {  	v62 =	vld [tilespmem:s7+$0x0];
	_ =	sdelay $0x4  }
0x2b1: {  	v33 =	vmul.f32 $2.048000000e+03, v62;
	_ =	sdelay $0x1  }
0x2b2: {  	v63 =	vadd.f32 $5.000000000e-01, v33;
	_ =	sdelay $0x1  }
0x2b3: {  	v35 =	vtrunc.f32 v63  }
0x2b4: {  	v33 =	vcvt.f32.s32 v35;
	_ =	sdelay $0x1  }
0x2b5: {  	v36 =	vand.u32 $0x1, v33  }
0x2b6: {  	vm0 =	veq.f32 v63, v35;
	vm1 =	veq.s32 v36, $0x1  }
0x2b7: {  	s9 =	simm.s32 $0x10;
	vm0 =	vmand vm0, vm1  }
0x2b8: {  	s10 =	sand.u32 $0x80, s9;
	s8 =	simm.s32 $0x20;
	s7 =	simm.s32 $0x6500;
	v34 =	vsel vm0, $0xFFFFFFFF, v1  }
.LBB2_13:
0x2b9: {  	p1 =	sne.s32 s8, $0xF0;
	s9 =	sand.u32 $0x70, s9;
	s10 =	sadd.s32 s10, s5;
	v33 =	vadd.s32 v33, v34  }
0x2ba: {  	s10 =	sadd.s32 s9, s10;
	[tilespmem:s7+$0x0] =	vst v33;
	s9 =	smov.u32 s8  }
0x2bb: {  	v33 =	vld [tilespmem:s10+$0x0];
	_ =	sdelay $0x4  }
0x2bc: {  	v33 =	vmul.f32 $2.048000000e+03, v33;
	_ =	sdelay $0x1  }
0x2bd: {  	v34 =	vadd.f32 $5.000000000e-01, v33;
	_ =	sdelay $0x1  }
0x2be: {  	v35 =	vtrunc.f32 v34  }
0x2bf: {  	v33 =	vcvt.f32.s32 v35  }
.Ltmp5:
0x2c0: {  	(pc) =	sbr.rel @p1 .LBB2_13-.Ltmp5, $4  }
0x2c1: {  	v36 =	vand.u32 $0x1, v33  }
0x2c2: {  	vm0 =	veq.f32 v34, v35;
	vm1 =	veq.s32 v36, $0x1  }
0x2c3: {  	vm0 =	vmand vm0, vm1  }
0x2c4: {  	s8 =	sadd.s32 $0x10, s8;
	s7 =	sadd.s32 $0x10, s7;
	s10 =	sand.u32 $0x80, s9;
	v34 =	vsel vm0, $0xFFFFFFFF, v1  }
0x2c5: {  	s8 =	sand.u32 $0x70, s9;
	s5 =	sadd.s32 s10, s5;
	v33 =	vadd.s32 v33, v34  }
0x2c6: {  	s5 =	sadd.s32 s8, s5;
	[tilespmem:s7+$0x0] =	vst v33  }
0x2c7: {  	v33 =	vld [tilespmem:s5+$0x0];
	_ =	sdelay $0x4  }
0x2c8: {  	v33 =	vmul.f32 $2.048000000e+03, v33;
	_ =	sdelay $0x1  }
0x2c9: {  	v33 =	vadd.f32 $5.000000000e-01, v33;
	_ =	sdelay $0x1  }
0x2ca: {  	v41 =	vtrunc.f32 v33  }
0x2cb: {  	v35 =	vcvt.f32.s32 v41;
	_ =	sdelay $0x1  }
0x2cc: {  	v36 =	vand.u32 $0x1, v35  }
0x2cd: {  	vm0 =	veq.f32 v33, v41;
	vm1 =	veq.s32 v36, $0x1  }
0x2ce: {  	vm0 =	vmand vm0, vm1  }
0x2cf: {  	v42 =	vsel vm0, $0xFFFFFFFF, v1  }
0x2d0: {  	s11 =	sadd.s32 $0x10, s7;
	v33 =	vadd.s32 v35, v42  }
0x2d1: {  	[tilespmem:s11+$0x0] =	vst v33  }
0x2d2: {  	[tilespmem:s20], [sflag:$0x2] =	stream.indirect.gather [spmem:s1], $0x80, s19, s14, $0xb8;
	[tilespmem:$0x1B880] =	vst v63  }
0x2d3: {  	_ = 	snop  }
0x2d4: {  	[tilespmem:s22], [sflag:$0x2] =	stream.indirect.gather [spmem:s1], $0x80, s21, s14, $0xb8;
	[tilespmem:$0x1B880] =	vst v63  }
0x2d5: {  	_ =	swait.ge [sflag:s23], $0x4000  }
0x2d6: {  	[sflag:s23] =	ssyncset.done $0x0  }
0x2d7: {  	[sflag:s23] =	ssyncadd.s32 $0xFFFFC000  }
0x2d8: {  	s12 =	simm.s32 $0x0;
	_ =	swait.ge [sflag:s23], $0x4000  }
0x2d9: {  	s29 =	sand.u32 $0x80, s12;
	s7 =	sand.u32 $0x70, s12;
	[sflag:s23] =	ssyncset.done $0x0  }
0x2da: {  	s5 =	simm.s32 $0x6400;
	s8 =	sadd.s32 s29, s3;
	[sflag:s23] =	ssyncadd.s32 $0xFFFFC000  }
0x2db: {  	s7 =	sadd.s32 s7, s8;
	v43 =	vld [tilespmem:s5+$0x0]  }
0x2dc: {  	v44 =	vld [tilespmem:s7+$0x0];
	_ =	sdelay $0x4  }
0x2dd: {  	v34 =	vmul.f32 $2.048000000e+03, v44;
	v45 =	vcvt.s32.f32 v43  }
0x2de: {  	v33 =	vshll.u32 v43, $0x1  }
0x2df: {  	v46 =	vor.u32 $0x1, v33;
	v34 =	vsub.f32 v34, v45;
	_ =	sdelay $0x1  }
0x2e0: {  	v34 =	vmul.f32 $1.533980830e-03, v34;
	_ =	sdelay $0x1  }
0x2e1: {  	v33 =	vld.idx.msk [tilespmem:v33+s13+$0x0], $0xffff;
	v47 =	vmul.f32 v34, v34  }
0x2e2: {  	v36 =	vld.idx.msk [tilespmem:v46+s13+$0x0], $0xffff  }
0x2e3: {  	v35 =	vmul.f32 $-5.000000000e-01, v47;
	_ =	sdelay $0x1  }
0x2e4: {  	v35 =	vadd.f32 $1.000000000e+00, v35;
	_ =	sdelay $0x1  }
0x2e5: {  	v38 =	vmul.f32 v34, v36;
	v37 =	vmul.f32 v35, v33  }
0x2e6: {  	v33 =	vmul.f32 v34, v33;
	v48 =	vmul.f32 v35, v36  }
0x2e7: {  	v49 =	vadd.f32 v37, v38  }
0x2e8: {  	v33 =	vsub.f32 v48, v33  }
0x2e9: {  	v50 =	vmul.f32 v49, v49  }
0x2ea: {  	v51 =	vmul.f32 v33, v49  }
0x2eb: {  	v34 =	vadd.f32 v50, v50  }
0x2ec: {  	v36 =	vadd.f32 v51, v51  }
0x2ed: {  	v34 =	vsub.f32 $1.000000000e+00, v34  }
0x2ee: {  	v52 =	vmul.f32 v36, v36  }
0x2ef: {  	v53 =	vmul.f32 v34, v36  }
0x2f0: {  	v37 =	vadd.f32 v52, v52  }
0x2f1: {  	v38 =	vadd.f32 v53, v53  }
0x2f2: {  	v37 =	vsub.f32 $1.000000000e+00, v37  }
0x2f3: {  	v39 =	vmul.f32 v38, v38  }
0x2f4: {  	v40 =	vmul.f32 v37, v38  }
0x2f5: {  	v39 =	vadd.f32 v39, v39  }
0x2f6: {  	v40 =	vadd.f32 v40, v40  }
0x2f7: {  	v39 =	vsub.f32 $1.000000000e+00, v39  }
0x2f8: {  	v41 =	vmul.f32 v40, v40  }
0x2f9: {  	v42 =	vmul.f32 v39, v40  }
0x2fa: {  	v41 =	vadd.f32 v41, v41  }
0x2fb: {  	v42 =	vadd.f32 v42, v42  }
0x2fc: {  	v41 =	vsub.f32 $1.000000000e+00, v41  }
0x2fd: {  	v43 =	vmul.f32 v42, v42  }
0x2fe: {  	v44 =	vmul.f32 v41, v42  }
0x2ff: {  	v43 =	vadd.f32 v43, v43  }
0x300: {  	v44 =	vadd.f32 v44, v44  }
0x301: {  	v43 =	vsub.f32 $1.000000000e+00, v43  }
0x302: {  	v45 =	vmul.f32 v44, v44  }
0x303: {  	v46 =	vmul.f32 v43, v44  }
0x304: {  	v45 =	vadd.f32 v45, v45  }
0x305: {  	v46 =	vadd.f32 v46, v46  }
0x306: {  	v45 =	vsub.f32 $1.000000000e+00, v45  }
0x307: {  	[tilespmem:$0x1A6BB] =	vst v33;
	v54 =	vmul.f32 v46, v46  }
0x308: {  	[tilespmem:$0x1A600] =	vst v49;
	v47 =	vmul.f32 v45, v46  }
0x309: {  	[tilespmem:$0x1A611] =	vst v36;
	v33 =	vadd.f32 v54, v54  }
0x30a: {  	[tilespmem:$0x1A6CC] =	vst v34;
	v55 =	vadd.f32 v47, v47  }
0x30b: {  	[tilespmem:$0x1A6DD] =	vst v37;
	v33 =	vsub.f32 $1.000000000e+00, v33  }
0x30c: {  	[tilespmem:$0x1A622] =	vst v38;
	v56 =	vmul.f32 v55, v55  }
0x30d: {  	[tilespmem:$0x1A633] =	vst v40;
	v57 =	vmul.f32 v33, v55  }
0x30e: {  	[tilespmem:$0x1A6EE] =	vst v39;
	v34 =	vadd.f32 v56, v56  }
0x30f: {  	[tilespmem:$0x1A6FF] =	vst v41;
	v36 =	vadd.f32 v57, v57  }
0x310: {  	[tilespmem:$0x1A644] =	vst v42;
	v34 =	vsub.f32 $1.000000000e+00, v34  }
0x311: {  	[tilespmem:$0x1A655] =	vst v44;
	v58 =	vmul.f32 v36, v36  }
0x312: {  	[tilespmem:$0x1A710] =	vst v43;
	v59 =	vmul.f32 v34, v36  }
0x313: {  	[tilespmem:$0x1A721] =	vst v45;
	v37 =	vadd.f32 v58, v58  }
0x314: {  	[tilespmem:$0x1A666] =	vst v46;
	v38 =	vadd.f32 v59, v59  }
0x315: {  	[tilespmem:$0x1A677] =	vst v55;
	v60 =	vsub.f32 $1.000000000e+00, v37  }
0x316: {  	[tilespmem:$0x1A732] =	vst v33;
	v61 =	vmul.f32 v38, v38  }
0x317: {  	[tilespmem:$0x1A743] =	vst v34;
	v62 =	vmul.f32 v60, v38  }
0x318: {  	[tilespmem:$0x1A688] =	vst v36;
	v63 =	vadd.f32 v61, v61  }
0x319: {  	[tilespmem:$0x1A699] =	vst v38;
	v33 =	vadd.f32 v62, v62  }
0x31a: {  	[tilespmem:$0x1A754] =	vst v60;
	v34 =	vsub.f32 $1.000000000e+00, v63  }
0x31b: {  	[tilespmem:$0x1A6AA] =	vst v33  }
0x31c: {  	[tilespmem:$0x1A765] =	vst v34  }
0x31d: {  	v33 =	vld.idx.msk [tilespmem:v0+s24+$0x0], $0xffff  }
0x31e: {  	v34 =	vld.idx.msk [tilespmem:v2+s24+$0x0], $0xffff;
	_ =	sdelay $0x2  }
0x31f: {  	s7 =	simm.s32 $0x6A40  }
0x320: {  	[tilespmem:s7+$0xFFFFFC00] =	vst v33  }
0x321: {  	[tilespmem:s7+$0xFFFFFC10] =	vst v34  }
0x322: {  	v33 =	vld.idx.msk [tilespmem:v3+s24+$0x0], $0xffff  }
0x323: {  	v34 =	vld.idx.msk [tilespmem:v4+s24+$0x0], $0xffff;
	_ =	sdelay $0x3  }
0x324: {  	[tilespmem:s7+$0xFFFFFC80] =	vst v33  }
0x325: {  	[tilespmem:s7+$0xFFFFFC90] =	vst v34  }
0x326: {  	v33 =	vld.idx.msk [tilespmem:v5+s24+$0x0], $0xffff  }
0x327: {  	v34 =	vld.idx.msk [tilespmem:v6+s24+$0x0], $0xffff;
	_ =	sdelay $0x3  }
0x328: {  	[tilespmem:s7+$0xFFFFFD00] =	vst v33  }
0x329: {  	[tilespmem:s7+$0xFFFFFD10] =	vst v34  }
0x32a: {  	v33 =	vld.idx.msk [tilespmem:v7+s24+$0x0], $0xffff  }
0x32b: {  	v34 =	vld.idx.msk [tilespmem:v8+s24+$0x0], $0xffff;
	_ =	sdelay $0x3  }
0x32c: {  	[tilespmem:s7+$0xFFFFFD80] =	vst v33  }
0x32d: {  	[tilespmem:s7+$0xFFFFFD90] =	vst v34  }
0x32e: {  	v33 =	vld.idx.msk [tilespmem:v9+s24+$0x0], $0xffff  }
0x32f: {  	v34 =	vld.idx.msk [tilespmem:v10+s24+$0x0], $0xffff;
	_ =	sdelay $0x3  }
0x330: {  	[tilespmem:s7+$0xFFFFFE00] =	vst v33  }
0x331: {  	[tilespmem:s7+$0xFFFFFE10] =	vst v34  }
0x332: {  	v33 =	vld.idx.msk [tilespmem:v11+s24+$0x0], $0xffff  }
0x333: {  	v34 =	vld.idx.msk [tilespmem:v12+s24+$0x0], $0xffff;
	_ =	sdelay $0x3  }
0x334: {  	[tilespmem:s7+$0xFFFFFE80] =	vst v33  }
0x335: {  	[tilespmem:s7+$0xFFFFFE90] =	vst v34  }
0x336: {  	v33 =	vld.idx.msk [tilespmem:v14+s24+$0x0], $0xffff  }
0x337: {  	v34 =	vld.idx.msk [tilespmem:v13+s24+$0x0], $0xffff;
	_ =	sdelay $0x3  }
0x338: {  	[tilespmem:s7+$0xFFFFFF10] =	vst v33  }
0x339: {  	[tilespmem:s7+$0xFFFFFF00] =	vst v34  }
0x33a: {  	v33 =	vld.idx.msk [tilespmem:v15+s24+$0x0], $0xffff  }
0x33b: {  	v34 =	vld.idx.msk [tilespmem:v16+s24+$0x0], $0xffff;
	_ =	sdelay $0x3  }
0x33c: {  	[tilespmem:s7+$0xFFFFFF80] =	vst v33  }
0x33d: {  	[tilespmem:s7+$0xFFFFFF90] =	vst v34  }
0x33e: {  	v33 =	vld.idx.msk [tilespmem:v17+s24+$0x0], $0xffff  }
0x33f: {  	v34 =	vld.idx.msk [tilespmem:v18+s24+$0x0], $0xffff;
	_ =	sdelay $0x3  }
0x340: {  	[tilespmem:s7+$0x0] =	vst v33  }
0x341: {  	[tilespmem:s7+$0x10] =	vst v34  }
0x342: {  	v33 =	vld.idx.msk [tilespmem:v19+s24+$0x0], $0xffff  }
0x343: {  	v34 =	vld.idx.msk [tilespmem:v20+s24+$0x0], $0xffff;
	_ =	sdelay $0x3  }
0x344: {  	[tilespmem:s7+$0x80] =	vst v33  }
0x345: {  	[tilespmem:s7+$0x90] =	vst v34  }
0x346: {  	v33 =	vld.idx.msk [tilespmem:v21+s24+$0x0], $0xffff  }
0x347: {  	v34 =	vld.idx.msk [tilespmem:v22+s24+$0x0], $0xffff;
	_ =	sdelay $0x3  }
0x348: {  	[tilespmem:s7+$0x100] =	vst v33  }
0x349: {  	[tilespmem:s7+$0x110] =	vst v34  }
0x34a: {  	v33 =	vld.idx.msk [tilespmem:v24+s24+$0x0], $0xffff  }
0x34b: {  	v34 =	vld.idx.msk [tilespmem:v23+s24+$0x0], $0xffff;
	_ =	sdelay $0x3  }
0x34c: {  	[tilespmem:s7+$0x190] =	vst v33  }
0x34d: {  	[tilespmem:s7+$0x180] =	vst v34  }
0x34e: {  	v33 =	vld.idx.msk [tilespmem:v25+s24+$0x0], $0xffff  }
0x34f: {  	v34 =	vld.idx.msk [tilespmem:v26+s24+$0x0], $0xffff;
	_ =	sdelay $0x3  }
0x350: {  	[tilespmem:s7+$0x200] =	vst v33  }
0x351: {  	[tilespmem:s7+$0x210] =	vst v34  }
0x352: {  	v34 =	vld.idx.msk [tilespmem:v27+s24+$0x0], $0xffff  }
0x353: {  	s9 =	simm.s32 $0x10;
	s8 =	simm.s32 $0x6A40;
	v33 =	vld.idx.msk [tilespmem:v28+s24+$0x0], $0xffff  }
.LBB2_15:
0x354: {  	_ =	sdelay $0x1  }
0x355: {  	p1 =	sne.s32 s9, $0xF0;
	s5 =	sadd.s32 $0x10, s5;
	s7 =	sadd.s32 $0x800, s7  }
0x356: {  	s10 =	smov.u32 s9;
	s9 =	sadd.s32 $0x10, s9;
	[tilespmem:s8+$0x280] =	vst v34  }
0x357: {  	[tilespmem:s8+$0x290] =	vst v33  }
0x358: {  	v33 =	vld.idx.msk [tilespmem:v29+s24+$0x0], $0xffff  }
0x359: {  	v34 =	vld.idx.msk [tilespmem:v30+s24+$0x0], $0xffff;
	_ =	sdelay $0x4  }
0x35a: {  	[tilespmem:s8+$0x300] =	vst v33  }
0x35b: {  	[tilespmem:s8+$0x310] =	vst v34  }
0x35c: {  	v33 =	vld.idx.msk [tilespmem:v31+s24+$0x0], $0xffff  }
0x35d: {  	v34 =	vld.idx.msk [tilespmem:v32+s24+$0x0], $0xffff;
	_ =	sdelay $0x4  }
0x35e: {  	s11 =	sand.u32 $0x80, s10;
	[tilespmem:s8+$0x380] =	vst v33  }
0x35f: {  	s10 =	sand.u32 $0x70, s10;
	s11 =	sadd.s32 s11, s3;
	[tilespmem:s8+$0x390] =	vst v34;
	s8 =	smov.u32 s7  }
0x360: {  	s10 =	sadd.s32 s10, s11;
	v33 =	vld [tilespmem:s5+$0x0]  }
0x361: {  	v34 =	vld [tilespmem:s10+$0x0];
	_ =	sdelay $0x3  }
0x362: {  	v35 =	vshll.u32 v33, $0x1  }
0x363: {  	v33 =	vcvt.s32.f32 v33;
	v34 =	vmul.f32 $2.048000000e+03, v34;
	v36 =	vor.u32 $0x1, v35;
	_ =	sdelay $0x1  }
0x364: {  	v33 =	vsub.f32 v34, v33;
	_ =	sdelay $0x1  }
0x365: {  	v33 =	vmul.f32 $1.533980830e-03, v33  }
0x366: {  	v34 =	vld.idx.msk [tilespmem:v35+s13+$0x0], $0xffff  }
0x367: {  	v35 =	vld.idx.msk [tilespmem:v36+s13+$0x0], $0xffff;
	v36 =	vmul.f32 v33, v33;
	_ =	sdelay $0x1  }
0x368: {  	v36 =	vmul.f32 $-5.000000000e-01, v36;
	_ =	sdelay $0x1  }
0x369: {  	v36 =	vadd.f32 $1.000000000e+00, v36  }
0x36a: {  	v37 =	vmul.f32 v33, v34  }
0x36b: {  	v34 =	vmul.f32 v36, v34;
	v36 =	vmul.f32 v36, v35  }
0x36c: {  	v33 =	vmul.f32 v33, v35  }
0x36d: {  	v35 =	vsub.f32 v36, v37  }
0x36e: {  	v33 =	vadd.f32 v34, v33;
	_ =	sdelay $0x1  }
0x36f: {  	v34 =	vmul.f32 v35, v33;
	v36 =	vmul.f32 v33, v33;
	_ =	sdelay $0x1  }
0x370: {  	v34 =	vadd.f32 v34, v34;
	v36 =	vadd.f32 v36, v36;
	_ =	sdelay $0x1  }
0x371: {  	v36 =	vsub.f32 $1.000000000e+00, v36;
	v37 =	vmul.f32 v34, v34;
	_ =	sdelay $0x1  }
0x372: {  	v38 =	vmul.f32 v36, v34;
	v37 =	vadd.f32 v37, v37;
	_ =	sdelay $0x1  }
0x373: {  	v38 =	vadd.f32 v38, v38;
	v37 =	vsub.f32 $1.000000000e+00, v37;
	_ =	sdelay $0x1  }
0x374: {  	v39 =	vmul.f32 v37, v38;
	v40 =	vmul.f32 v38, v38;
	_ =	sdelay $0x1  }
0x375: {  	v39 =	vadd.f32 v39, v39;
	v40 =	vadd.f32 v40, v40;
	_ =	sdelay $0x1  }
0x376: {  	v40 =	vsub.f32 $1.000000000e+00, v40;
	v41 =	vmul.f32 v39, v39;
	_ =	sdelay $0x1  }
0x377: {  	v42 =	vmul.f32 v40, v39;
	v41 =	vadd.f32 v41, v41;
	_ =	sdelay $0x1  }
0x378: {  	v42 =	vadd.f32 v42, v42;
	v41 =	vsub.f32 $1.000000000e+00, v41;
	_ =	sdelay $0x1  }
0x379: {  	v43 =	vmul.f32 v41, v42;
	v44 =	vmul.f32 v42, v42;
	_ =	sdelay $0x1  }
0x37a: {  	v43 =	vadd.f32 v43, v43;
	v44 =	vadd.f32 v44, v44;
	_ =	sdelay $0x1  }
0x37b: {  	v44 =	vsub.f32 $1.000000000e+00, v44;
	v45 =	vmul.f32 v43, v43;
	_ =	sdelay $0x1  }
0x37c: {  	v46 =	vmul.f32 v44, v43;
	v45 =	vadd.f32 v45, v45;
	_ =	sdelay $0x1  }
0x37d: {  	v46 =	vadd.f32 v46, v46;
	v45 =	vsub.f32 $1.000000000e+00, v45;
	_ =	sdelay $0x1  }
0x37e: {  	v47 =	vmul.f32 v46, v46;
	[tilespmem:$0x1A6BB] =	vst v35;
	v35 =	vmul.f32 v45, v46  }
0x37f: {  	[tilespmem:$0x1A600] =	vst v33  }
0x380: {  	[tilespmem:$0x1A611] =	vst v34;
	v33 =	vadd.f32 v35, v35;
	v34 =	vadd.f32 v47, v47  }
0x381: {  	[tilespmem:$0x1A6CC] =	vst v36  }
0x382: {  	[tilespmem:$0x1A6DD] =	vst v37;
	v34 =	vsub.f32 $1.000000000e+00, v34;
	v35 =	vmul.f32 v33, v33  }
0x383: {  	[tilespmem:$0x1A622] =	vst v38  }
0x384: {  	[tilespmem:$0x1A633] =	vst v39;
	v36 =	vmul.f32 v34, v33;
	v35 =	vadd.f32 v35, v35  }
0x385: {  	[tilespmem:$0x1A6EE] =	vst v40  }
0x386: {  	[tilespmem:$0x1A6FF] =	vst v41;
	v36 =	vadd.f32 v36, v36;
	v35 =	vsub.f32 $1.000000000e+00, v35  }
0x387: {  	[tilespmem:$0x1A644] =	vst v42  }
0x388: {  	[tilespmem:$0x1A655] =	vst v43;
	v37 =	vmul.f32 v35, v36;
	v38 =	vmul.f32 v36, v36  }
0x389: {  	[tilespmem:$0x1A710] =	vst v44  }
0x38a: {  	[tilespmem:$0x1A721] =	vst v45;
	v37 =	vadd.f32 v37, v37;
	v38 =	vadd.f32 v38, v38  }
0x38b: {  	[tilespmem:$0x1A666] =	vst v46  }
0x38c: {  	[tilespmem:$0x1A677] =	vst v33;
	v33 =	vsub.f32 $1.000000000e+00, v38;
	v38 =	vmul.f32 v37, v37  }
0x38d: {  	[tilespmem:$0x1A732] =	vst v34  }
0x38e: {  	[tilespmem:$0x1A743] =	vst v35;
	v34 =	vmul.f32 v33, v37;
	v35 =	vadd.f32 v38, v38  }
0x38f: {  	[tilespmem:$0x1A688] =	vst v36  }
0x390: {  	[tilespmem:$0x1A699] =	vst v37;
	v34 =	vadd.f32 v34, v34;
	v35 =	vsub.f32 $1.000000000e+00, v35  }
0x391: {  	[tilespmem:$0x1A754] =	vst v33  }
0x392: {  	[tilespmem:$0x1A6AA] =	vst v34  }
0x393: {  	[tilespmem:$0x1A765] =	vst v35  }
0x394: {  	v33 =	vld.idx.msk [tilespmem:v0+s24+$0x0], $0xffff  }
0x395: {  	v34 =	vld.idx.msk [tilespmem:v2+s24+$0x0], $0xffff;
	_ =	sdelay $0x4  }
0x396: {  	[tilespmem:s7+$0xFFFFFC00] =	vst v33  }
0x397: {  	[tilespmem:s7+$0xFFFFFC10] =	vst v34  }
0x398: {  	v33 =	vld.idx.msk [tilespmem:v3+s24+$0x0], $0xffff  }
0x399: {  	v34 =	vld.idx.msk [tilespmem:v4+s24+$0x0], $0xffff;
	_ =	sdelay $0x4  }
0x39a: {  	[tilespmem:s7+$0xFFFFFC80] =	vst v33  }
0x39b: {  	[tilespmem:s7+$0xFFFFFC90] =	vst v34  }
0x39c: {  	v33 =	vld.idx.msk [tilespmem:v5+s24+$0x0], $0xffff  }
0x39d: {  	v34 =	vld.idx.msk [tilespmem:v6+s24+$0x0], $0xffff;
	_ =	sdelay $0x4  }
0x39e: {  	[tilespmem:s7+$0xFFFFFD00] =	vst v33  }
0x39f: {  	[tilespmem:s7+$0xFFFFFD10] =	vst v34  }
0x3a0: {  	v33 =	vld.idx.msk [tilespmem:v7+s24+$0x0], $0xffff  }
0x3a1: {  	v34 =	vld.idx.msk [tilespmem:v8+s24+$0x0], $0xffff;
	_ =	sdelay $0x4  }
0x3a2: {  	[tilespmem:s7+$0xFFFFFD80] =	vst v33  }
0x3a3: {  	[tilespmem:s7+$0xFFFFFD90] =	vst v34  }
0x3a4: {  	v33 =	vld.idx.msk [tilespmem:v9+s24+$0x0], $0xffff  }
0x3a5: {  	v34 =	vld.idx.msk [tilespmem:v10+s24+$0x0], $0xffff;
	_ =	sdelay $0x4  }
0x3a6: {  	[tilespmem:s7+$0xFFFFFE00] =	vst v33  }
0x3a7: {  	[tilespmem:s7+$0xFFFFFE10] =	vst v34  }
0x3a8: {  	v33 =	vld.idx.msk [tilespmem:v11+s24+$0x0], $0xffff  }
0x3a9: {  	v34 =	vld.idx.msk [tilespmem:v12+s24+$0x0], $0xffff;
	_ =	sdelay $0x4  }
0x3aa: {  	[tilespmem:s7+$0xFFFFFE80] =	vst v33  }
0x3ab: {  	[tilespmem:s7+$0xFFFFFE90] =	vst v34  }
0x3ac: {  	v33 =	vld.idx.msk [tilespmem:v14+s24+$0x0], $0xffff  }
0x3ad: {  	v34 =	vld.idx.msk [tilespmem:v13+s24+$0x0], $0xffff;
	_ =	sdelay $0x4  }
0x3ae: {  	[tilespmem:s7+$0xFFFFFF10] =	vst v33  }
0x3af: {  	[tilespmem:s7+$0xFFFFFF00] =	vst v34  }
0x3b0: {  	v33 =	vld.idx.msk [tilespmem:v15+s24+$0x0], $0xffff  }
0x3b1: {  	v34 =	vld.idx.msk [tilespmem:v16+s24+$0x0], $0xffff;
	_ =	sdelay $0x4  }
0x3b2: {  	[tilespmem:s7+$0xFFFFFF80] =	vst v33  }
0x3b3: {  	[tilespmem:s7+$0xFFFFFF90] =	vst v34  }
0x3b4: {  	v33 =	vld.idx.msk [tilespmem:v17+s24+$0x0], $0xffff  }
0x3b5: {  	v34 =	vld.idx.msk [tilespmem:v18+s24+$0x0], $0xffff;
	_ =	sdelay $0x4  }
0x3b6: {  	[tilespmem:s7+$0x0] =	vst v33  }
0x3b7: {  	[tilespmem:s7+$0x10] =	vst v34  }
0x3b8: {  	v33 =	vld.idx.msk [tilespmem:v19+s24+$0x0], $0xffff  }
0x3b9: {  	v34 =	vld.idx.msk [tilespmem:v20+s24+$0x0], $0xffff;
	_ =	sdelay $0x4  }
0x3ba: {  	[tilespmem:s7+$0x80] =	vst v33  }
0x3bb: {  	[tilespmem:s7+$0x90] =	vst v34  }
0x3bc: {  	v33 =	vld.idx.msk [tilespmem:v21+s24+$0x0], $0xffff  }
0x3bd: {  	v34 =	vld.idx.msk [tilespmem:v22+s24+$0x0], $0xffff;
	_ =	sdelay $0x4  }
0x3be: {  	[tilespmem:s7+$0x100] =	vst v33  }
0x3bf: {  	[tilespmem:s7+$0x110] =	vst v34  }
0x3c0: {  	v33 =	vld.idx.msk [tilespmem:v24+s24+$0x0], $0xffff  }
0x3c1: {  	v34 =	vld.idx.msk [tilespmem:v23+s24+$0x0], $0xffff;
	_ =	sdelay $0x4  }
0x3c2: {  	[tilespmem:s7+$0x190] =	vst v33  }
0x3c3: {  	[tilespmem:s7+$0x180] =	vst v34  }
0x3c4: {  	v33 =	vld.idx.msk [tilespmem:v25+s24+$0x0], $0xffff  }
0x3c5: {  	v34 =	vld.idx.msk [tilespmem:v26+s24+$0x0], $0xffff;
	_ =	sdelay $0x3  }
.Ltmp6:
0x3c6: {  	(pc) =	sbr.rel @p1 .LBB2_15-.Ltmp6, $4  }
0x3c7: {  	[tilespmem:s7+$0x200] =	vst v33  }
0x3c8: {  	[tilespmem:s7+$0x210] =	vst v34  }
0x3c9: {  	v34 =	vld.idx.msk [tilespmem:v27+s24+$0x0], $0xffff  }
0x3ca: {  	v33 =	vld.idx.msk [tilespmem:v28+s24+$0x0], $0xffff  }
0x3cb: {  	_ =	sdelay $0x2  }
0x3cc: {  	[tilespmem:s8+$0x280] =	vst v34  }
0x3cd: {  	[tilespmem:s8+$0x290] =	vst v33  }
0x3ce: {  	v33 =	vld.idx.msk [tilespmem:v29+s24+$0x0], $0xffff  }
0x3cf: {  	v34 =	vld.idx.msk [tilespmem:v30+s24+$0x0], $0xffff;
	_ =	sdelay $0x3  }
0x3d0: {  	[tilespmem:s8+$0x300] =	vst v33  }
0x3d1: {  	[tilespmem:s8+$0x310] =	vst v34  }
0x3d2: {  	v33 =	vld.idx.msk [tilespmem:v31+s24+$0x0], $0xffff  }
0x3d3: {  	s31 =	sadd.s32 $0x1, s31;
	v34 =	vld.idx.msk [tilespmem:v32+s24+$0x0], $0xffff  }
0x3d4: {  	p1 =	sne.s32 s31, $0x31  }
.Ltmp7:
0x3d5: {  	s0 =	sshll.u32 s0, $0xF;
	(pc) =	sbr.rel @p1 .LBB2_8-.Ltmp7, $4  }
0x3d6: {  	s0 =	sadd.s32 s4, s0  }
0x3d7: {  	s0 =	sshrl.u32 s0, $0x3;
	[tilespmem:s8+$0x380] =	vst v33  }
0x3d8: {  	s0 =	sadd.s32 s6, s0;
	[tilespmem:s8+$0x390] =	vst v34  }
0x3d9: {  	[hbm4b:s0+s2] =	stream.linear.scatter [tilespmem:s16], [sflag:$0x3], $0x8000, $0x38;
	[tilespmem:$0x1B880] =	vst v63  }
0x3da: {  	_ =	swait.ge [sflag:s26], $0x4000  }
0x3db: {  	[sflag:s26] =	ssyncset.done $0x0  }
0x3dc: {  	[sflag:s26] =	ssyncadd.s32 $0xFFFFC000  }
0x3dd: {  	_ =	swait.ge [sflag:s26], $0x4000  }
0x3de: {  	[sflag:s26] =	ssyncset.done $0x0  }
0x3df: {  	s3 =	simm.s32 $0x0;
	s0 =	simm.s32 $0x6500;
	[sflag:s26] =	ssyncadd.s32 $0xFFFFC000  }
0x3e0: {  	s3 =	sand.u32 $0xF0, s3;
	v33 =	vld [tilespmem:s0+$0x0]  }
0x3e1: {  	v34 =	vld [tilespmem:s3+$0x6300];
	_ =	sdelay $0x4  }
0x3e2: {  	v34 =	vmul.f32 $2.048000000e+03, v34;
	v35 =	vcvt.s32.f32 v33  }
0x3e3: {  	v33 =	vshll.u32 v33, $0x1  }
0x3e4: {  	v36 =	vor.u32 $0x1, v33;
	v34 =	vsub.f32 v34, v35;
	_ =	sdelay $0x1  }
0x3e5: {  	v34 =	vmul.f32 $1.533980830e-03, v34;
	_ =	sdelay $0x1  }
0x3e6: {  	v33 =	vld.idx.msk [tilespmem:v33+s13+$0x0], $0xffff;
	v47 =	vmul.f32 v34, v34  }
0x3e7: {  	v36 =	vld.idx.msk [tilespmem:v36+s13+$0x0], $0xffff  }
0x3e8: {  	v35 =	vmul.f32 $-5.000000000e-01, v47;
	_ =	sdelay $0x1  }
0x3e9: {  	v35 =	vadd.f32 $1.000000000e+00, v35;
	_ =	sdelay $0x1  }
0x3ea: {  	v38 =	vmul.f32 v34, v36;
	v37 =	vmul.f32 v35, v33  }
0x3eb: {  	v33 =	vmul.f32 v34, v33;
	v48 =	vmul.f32 v35, v36  }
0x3ec: {  	v49 =	vadd.f32 v37, v38  }
0x3ed: {  	v33 =	vsub.f32 v48, v33  }
0x3ee: {  	v50 =	vmul.f32 v49, v49  }
0x3ef: {  	v51 =	vmul.f32 v33, v49  }
0x3f0: {  	v34 =	vadd.f32 v50, v50  }
0x3f1: {  	v36 =	vadd.f32 v51, v51  }
0x3f2: {  	v34 =	vsub.f32 $1.000000000e+00, v34  }
0x3f3: {  	v52 =	vmul.f32 v36, v36  }
0x3f4: {  	v53 =	vmul.f32 v34, v36  }
0x3f5: {  	v37 =	vadd.f32 v52, v52  }
0x3f6: {  	v38 =	vadd.f32 v53, v53  }
0x3f7: {  	v37 =	vsub.f32 $1.000000000e+00, v37  }
0x3f8: {  	v39 =	vmul.f32 v38, v38  }
0x3f9: {  	v40 =	vmul.f32 v37, v38  }
0x3fa: {  	v39 =	vadd.f32 v39, v39  }
0x3fb: {  	v40 =	vadd.f32 v40, v40  }
0x3fc: {  	v39 =	vsub.f32 $1.000000000e+00, v39  }
0x3fd: {  	v41 =	vmul.f32 v40, v40  }
0x3fe: {  	v42 =	vmul.f32 v39, v40  }
0x3ff: {  	v41 =	vadd.f32 v41, v41  }
0x400: {  	v42 =	vadd.f32 v42, v42  }
0x401: {  	v41 =	vsub.f32 $1.000000000e+00, v41  }
0x402: {  	v43 =	vmul.f32 v42, v42  }
0x403: {  	v44 =	vmul.f32 v41, v42  }
0x404: {  	v43 =	vadd.f32 v43, v43  }
0x405: {  	v44 =	vadd.f32 v44, v44  }
0x406: {  	v43 =	vsub.f32 $1.000000000e+00, v43  }
0x407: {  	v45 =	vmul.f32 v44, v44  }
0x408: {  	v46 =	vmul.f32 v43, v44  }
0x409: {  	v45 =	vadd.f32 v45, v45  }
0x40a: {  	v46 =	vadd.f32 v46, v46  }
0x40b: {  	v45 =	vsub.f32 $1.000000000e+00, v45  }
0x40c: {  	[tilespmem:$0x1A6BB] =	vst v33;
	v54 =	vmul.f32 v46, v46  }
0x40d: {  	[tilespmem:$0x1A600] =	vst v49;
	v47 =	vmul.f32 v45, v46  }
0x40e: {  	[tilespmem:$0x1A611] =	vst v36;
	v33 =	vadd.f32 v54, v54  }
0x40f: {  	[tilespmem:$0x1A6CC] =	vst v34;
	v55 =	vadd.f32 v47, v47  }
0x410: {  	[tilespmem:$0x1A6DD] =	vst v37;
	v33 =	vsub.f32 $1.000000000e+00, v33  }
0x411: {  	[tilespmem:$0x1A622] =	vst v38;
	v56 =	vmul.f32 v55, v55  }
0x412: {  	[tilespmem:$0x1A633] =	vst v40;
	v57 =	vmul.f32 v33, v55  }
0x413: {  	[tilespmem:$0x1A6EE] =	vst v39;
	v34 =	vadd.f32 v56, v56  }
0x414: {  	[tilespmem:$0x1A6FF] =	vst v41;
	v36 =	vadd.f32 v57, v57  }
0x415: {  	[tilespmem:$0x1A644] =	vst v42;
	v34 =	vsub.f32 $1.000000000e+00, v34  }
0x416: {  	[tilespmem:$0x1A655] =	vst v44;
	v58 =	vmul.f32 v36, v36  }
0x417: {  	[tilespmem:$0x1A710] =	vst v43;
	v59 =	vmul.f32 v34, v36  }
0x418: {  	[tilespmem:$0x1A721] =	vst v45;
	v37 =	vadd.f32 v58, v58  }
0x419: {  	[tilespmem:$0x1A666] =	vst v46;
	v38 =	vadd.f32 v59, v59  }
0x41a: {  	[tilespmem:$0x1A677] =	vst v55;
	v60 =	vsub.f32 $1.000000000e+00, v37  }
0x41b: {  	[tilespmem:$0x1A732] =	vst v33;
	v61 =	vmul.f32 v38, v38  }
0x41c: {  	[tilespmem:$0x1A743] =	vst v34;
	v62 =	vmul.f32 v60, v38  }
0x41d: {  	[tilespmem:$0x1A688] =	vst v36;
	v63 =	vadd.f32 v61, v61  }
0x41e: {  	[tilespmem:$0x1A699] =	vst v38;
	v33 =	vadd.f32 v62, v62  }
0x41f: {  	[tilespmem:$0x1A754] =	vst v60;
	v34 =	vsub.f32 $1.000000000e+00, v63  }
0x420: {  	[tilespmem:$0x1A6AA] =	vst v33  }
0x421: {  	[tilespmem:$0x1A765] =	vst v34  }
0x422: {  	v33 =	vld.idx.msk [tilespmem:v0+s24+$0x0], $0xffff  }
0x423: {  	v34 =	vld.idx.msk [tilespmem:v2+s24+$0x0], $0xffff;
	_ =	sdelay $0x2  }
0x424: {  	s3 =	simm.s32 $0xEA40  }
0x425: {  	[tilespmem:s3+$0xFFFFFC00] =	vst v33  }
0x426: {  	[tilespmem:s3+$0xFFFFFC10] =	vst v34  }
0x427: {  	v33 =	vld.idx.msk [tilespmem:v3+s24+$0x0], $0xffff  }
0x428: {  	v34 =	vld.idx.msk [tilespmem:v4+s24+$0x0], $0xffff;
	_ =	sdelay $0x3  }
0x429: {  	[tilespmem:s3+$0xFFFFFC80] =	vst v33  }
0x42a: {  	[tilespmem:s3+$0xFFFFFC90] =	vst v34  }
0x42b: {  	v33 =	vld.idx.msk [tilespmem:v5+s24+$0x0], $0xffff  }
0x42c: {  	v34 =	vld.idx.msk [tilespmem:v6+s24+$0x0], $0xffff;
	_ =	sdelay $0x3  }
0x42d: {  	[tilespmem:s3+$0xFFFFFD00] =	vst v33  }
0x42e: {  	[tilespmem:s3+$0xFFFFFD10] =	vst v34  }
0x42f: {  	v33 =	vld.idx.msk [tilespmem:v7+s24+$0x0], $0xffff  }
0x430: {  	v34 =	vld.idx.msk [tilespmem:v8+s24+$0x0], $0xffff;
	_ =	sdelay $0x3  }
0x431: {  	[tilespmem:s3+$0xFFFFFD80] =	vst v33  }
0x432: {  	[tilespmem:s3+$0xFFFFFD90] =	vst v34  }
0x433: {  	v33 =	vld.idx.msk [tilespmem:v9+s24+$0x0], $0xffff  }
0x434: {  	v34 =	vld.idx.msk [tilespmem:v10+s24+$0x0], $0xffff;
	_ =	sdelay $0x3  }
0x435: {  	[tilespmem:s3+$0xFFFFFE00] =	vst v33  }
0x436: {  	[tilespmem:s3+$0xFFFFFE10] =	vst v34  }
0x437: {  	v33 =	vld.idx.msk [tilespmem:v11+s24+$0x0], $0xffff  }
0x438: {  	v34 =	vld.idx.msk [tilespmem:v12+s24+$0x0], $0xffff;
	_ =	sdelay $0x3  }
0x439: {  	[tilespmem:s3+$0xFFFFFE80] =	vst v33  }
0x43a: {  	[tilespmem:s3+$0xFFFFFE90] =	vst v34  }
0x43b: {  	v33 =	vld.idx.msk [tilespmem:v13+s24+$0x0], $0xffff  }
0x43c: {  	v34 =	vld.idx.msk [tilespmem:v14+s24+$0x0], $0xffff;
	_ =	sdelay $0x3  }
0x43d: {  	[tilespmem:s3+$0xFFFFFF00] =	vst v33  }
0x43e: {  	[tilespmem:s3+$0xFFFFFF10] =	vst v34  }
0x43f: {  	v33 =	vld.idx.msk [tilespmem:v15+s24+$0x0], $0xffff  }
0x440: {  	v34 =	vld.idx.msk [tilespmem:v16+s24+$0x0], $0xffff;
	_ =	sdelay $0x3  }
0x441: {  	[tilespmem:s3+$0xFFFFFF80] =	vst v33  }
0x442: {  	[tilespmem:s3+$0xFFFFFF90] =	vst v34  }
0x443: {  	v33 =	vld.idx.msk [tilespmem:v18+s24+$0x0], $0xffff  }
0x444: {  	v34 =	vld.idx.msk [tilespmem:v17+s24+$0x0], $0xffff;
	_ =	sdelay $0x3  }
0x445: {  	[tilespmem:s3+$0x10] =	vst v33  }
0x446: {  	[tilespmem:s3+$0x0] =	vst v34  }
0x447: {  	v33 =	vld.idx.msk [tilespmem:v19+s24+$0x0], $0xffff  }
0x448: {  	v34 =	vld.idx.msk [tilespmem:v20+s24+$0x0], $0xffff;
	_ =	sdelay $0x3  }
0x449: {  	[tilespmem:s3+$0x80] =	vst v33  }
0x44a: {  	[tilespmem:s3+$0x90] =	vst v34  }
0x44b: {  	v33 =	vld.idx.msk [tilespmem:v21+s24+$0x0], $0xffff  }
0x44c: {  	v34 =	vld.idx.msk [tilespmem:v22+s24+$0x0], $0xffff;
	_ =	sdelay $0x3  }
0x44d: {  	[tilespmem:s3+$0x100] =	vst v33  }
0x44e: {  	[tilespmem:s3+$0x110] =	vst v34  }
0x44f: {  	v33 =	vld.idx.msk [tilespmem:v23+s24+$0x0], $0xffff  }
0x450: {  	v34 =	vld.idx.msk [tilespmem:v24+s24+$0x0], $0xffff;
	_ =	sdelay $0x3  }
0x451: {  	[tilespmem:s3+$0x180] =	vst v33  }
0x452: {  	[tilespmem:s3+$0x190] =	vst v34  }
0x453: {  	v33 =	vld.idx.msk [tilespmem:v25+s24+$0x0], $0xffff  }
0x454: {  	v34 =	vld.idx.msk [tilespmem:v26+s24+$0x0], $0xffff;
	_ =	sdelay $0x3  }
0x455: {  	[tilespmem:s3+$0x200] =	vst v33  }
0x456: {  	[tilespmem:s3+$0x210] =	vst v34  }
0x457: {  	v34 =	vld.idx.msk [tilespmem:v27+s24+$0x0], $0xffff  }
0x458: {  	s7 =	simm.s32 $0x10;
	s5 =	simm.s32 $0xEA40;
	v33 =	vld.idx.msk [tilespmem:v28+s24+$0x0], $0xffff  }
.LBB2_18:
0x459: {  	_ =	sdelay $0x1  }
0x45a: {  	p1 =	sne.s32 s7, $0xF0;
	s0 =	sadd.s32 $0x10, s0;
	s3 =	sadd.s32 $0x800, s3  }
0x45b: {  	s8 =	smov.u32 s7;
	s7 =	sadd.s32 $0x10, s7;
	[tilespmem:s5+$0x280] =	vst v34  }
0x45c: {  	[tilespmem:s5+$0x290] =	vst v33  }
0x45d: {  	v33 =	vld.idx.msk [tilespmem:v30+s24+$0x0], $0xffff  }
0x45e: {  	v34 =	vld.idx.msk [tilespmem:v29+s24+$0x0], $0xffff;
	_ =	sdelay $0x4  }
0x45f: {  	[tilespmem:s5+$0x310] =	vst v33  }
0x460: {  	[tilespmem:s5+$0x300] =	vst v34  }
0x461: {  	v33 =	vld.idx.msk [tilespmem:v31+s24+$0x0], $0xffff  }
0x462: {  	v34 =	vld.idx.msk [tilespmem:v32+s24+$0x0], $0xffff;
	_ =	sdelay $0x4  }
0x463: {  	[tilespmem:s5+$0x380] =	vst v33  }
0x464: {  	[tilespmem:s5+$0x390] =	vst v34;
	s5 =	smov.u32 s3  }
0x465: {  	s8 =	sand.u32 $0xF0, s8;
	v33 =	vld [tilespmem:s0+$0x0]  }
0x466: {  	v34 =	vld [tilespmem:s8+$0x6300];
	_ =	sdelay $0x3  }
0x467: {  	v35 =	vshll.u32 v33, $0x1  }
0x468: {  	v33 =	vcvt.s32.f32 v33;
	v34 =	vmul.f32 $2.048000000e+03, v34;
	v36 =	vor.u32 $0x1, v35;
	_ =	sdelay $0x1  }
0x469: {  	v33 =	vsub.f32 v34, v33;
	_ =	sdelay $0x1  }
0x46a: {  	v33 =	vmul.f32 $1.533980830e-03, v33  }
0x46b: {  	v34 =	vld.idx.msk [tilespmem:v35+s13+$0x0], $0xffff  }
0x46c: {  	v35 =	vld.idx.msk [tilespmem:v36+s13+$0x0], $0xffff;
	v36 =	vmul.f32 v33, v33;
	_ =	sdelay $0x1  }
0x46d: {  	v36 =	vmul.f32 $-5.000000000e-01, v36;
	_ =	sdelay $0x1  }
0x46e: {  	v36 =	vadd.f32 $1.000000000e+00, v36  }
0x46f: {  	v37 =	vmul.f32 v33, v34  }
0x470: {  	v34 =	vmul.f32 v36, v34;
	v36 =	vmul.f32 v36, v35  }
0x471: {  	v33 =	vmul.f32 v33, v35  }
0x472: {  	v35 =	vsub.f32 v36, v37  }
0x473: {  	v33 =	vadd.f32 v34, v33;
	_ =	sdelay $0x1  }
0x474: {  	v34 =	vmul.f32 v35, v33;
	v36 =	vmul.f32 v33, v33;
	_ =	sdelay $0x1  }
0x475: {  	v34 =	vadd.f32 v34, v34;
	v36 =	vadd.f32 v36, v36;
	_ =	sdelay $0x1  }
0x476: {  	v36 =	vsub.f32 $1.000000000e+00, v36;
	v37 =	vmul.f32 v34, v34;
	_ =	sdelay $0x1  }
0x477: {  	v38 =	vmul.f32 v36, v34;
	v37 =	vadd.f32 v37, v37;
	_ =	sdelay $0x1  }
0x478: {  	v38 =	vadd.f32 v38, v38;
	v37 =	vsub.f32 $1.000000000e+00, v37;
	_ =	sdelay $0x1  }
0x479: {  	v39 =	vmul.f32 v37, v38;
	v40 =	vmul.f32 v38, v38;
	_ =	sdelay $0x1  }
0x47a: {  	v39 =	vadd.f32 v39, v39;
	v40 =	vadd.f32 v40, v40;
	_ =	sdelay $0x1  }
0x47b: {  	v40 =	vsub.f32 $1.000000000e+00, v40;
	v41 =	vmul.f32 v39, v39;
	_ =	sdelay $0x1  }
0x47c: {  	v42 =	vmul.f32 v40, v39;
	v41 =	vadd.f32 v41, v41;
	_ =	sdelay $0x1  }
0x47d: {  	v42 =	vadd.f32 v42, v42;
	v41 =	vsub.f32 $1.000000000e+00, v41;
	_ =	sdelay $0x1  }
0x47e: {  	v43 =	vmul.f32 v41, v42;
	v44 =	vmul.f32 v42, v42;
	_ =	sdelay $0x1  }
0x47f: {  	v43 =	vadd.f32 v43, v43;
	v44 =	vadd.f32 v44, v44;
	_ =	sdelay $0x1  }
0x480: {  	v44 =	vsub.f32 $1.000000000e+00, v44;
	v45 =	vmul.f32 v43, v43;
	_ =	sdelay $0x1  }
0x481: {  	v46 =	vmul.f32 v44, v43;
	v45 =	vadd.f32 v45, v45;
	_ =	sdelay $0x1  }
0x482: {  	v46 =	vadd.f32 v46, v46;
	v45 =	vsub.f32 $1.000000000e+00, v45;
	_ =	sdelay $0x1  }
0x483: {  	v47 =	vmul.f32 v46, v46;
	[tilespmem:$0x1A6BB] =	vst v35;
	v35 =	vmul.f32 v45, v46  }
0x484: {  	[tilespmem:$0x1A600] =	vst v33  }
0x485: {  	[tilespmem:$0x1A611] =	vst v34;
	v33 =	vadd.f32 v35, v35;
	v34 =	vadd.f32 v47, v47  }
0x486: {  	[tilespmem:$0x1A6CC] =	vst v36  }
0x487: {  	[tilespmem:$0x1A6DD] =	vst v37;
	v34 =	vsub.f32 $1.000000000e+00, v34;
	v35 =	vmul.f32 v33, v33  }
0x488: {  	[tilespmem:$0x1A622] =	vst v38  }
0x489: {  	[tilespmem:$0x1A633] =	vst v39;
	v36 =	vmul.f32 v34, v33;
	v35 =	vadd.f32 v35, v35  }
0x48a: {  	[tilespmem:$0x1A6EE] =	vst v40  }
0x48b: {  	[tilespmem:$0x1A6FF] =	vst v41;
	v36 =	vadd.f32 v36, v36;
	v35 =	vsub.f32 $1.000000000e+00, v35  }
0x48c: {  	[tilespmem:$0x1A644] =	vst v42  }
0x48d: {  	[tilespmem:$0x1A655] =	vst v43;
	v37 =	vmul.f32 v35, v36;
	v38 =	vmul.f32 v36, v36  }
0x48e: {  	[tilespmem:$0x1A710] =	vst v44  }
0x48f: {  	[tilespmem:$0x1A721] =	vst v45;
	v37 =	vadd.f32 v37, v37;
	v38 =	vadd.f32 v38, v38  }
0x490: {  	[tilespmem:$0x1A666] =	vst v46  }
0x491: {  	[tilespmem:$0x1A677] =	vst v33;
	v33 =	vsub.f32 $1.000000000e+00, v38;
	v38 =	vmul.f32 v37, v37  }
0x492: {  	[tilespmem:$0x1A732] =	vst v34  }
0x493: {  	[tilespmem:$0x1A743] =	vst v35;
	v34 =	vmul.f32 v33, v37;
	v35 =	vadd.f32 v38, v38  }
0x494: {  	[tilespmem:$0x1A688] =	vst v36  }
0x495: {  	[tilespmem:$0x1A699] =	vst v37;
	v34 =	vadd.f32 v34, v34;
	v35 =	vsub.f32 $1.000000000e+00, v35  }
0x496: {  	[tilespmem:$0x1A754] =	vst v33  }
0x497: {  	[tilespmem:$0x1A6AA] =	vst v34  }
0x498: {  	[tilespmem:$0x1A765] =	vst v35  }
0x499: {  	v33 =	vld.idx.msk [tilespmem:v0+s24+$0x0], $0xffff  }
0x49a: {  	v34 =	vld.idx.msk [tilespmem:v2+s24+$0x0], $0xffff;
	_ =	sdelay $0x4  }
0x49b: {  	[tilespmem:s3+$0xFFFFFC00] =	vst v33  }
0x49c: {  	[tilespmem:s3+$0xFFFFFC10] =	vst v34  }
0x49d: {  	v33 =	vld.idx.msk [tilespmem:v3+s24+$0x0], $0xffff  }
0x49e: {  	v34 =	vld.idx.msk [tilespmem:v4+s24+$0x0], $0xffff;
	_ =	sdelay $0x4  }
0x49f: {  	[tilespmem:s3+$0xFFFFFC80] =	vst v33  }
0x4a0: {  	[tilespmem:s3+$0xFFFFFC90] =	vst v34  }
0x4a1: {  	v33 =	vld.idx.msk [tilespmem:v5+s24+$0x0], $0xffff  }
0x4a2: {  	v34 =	vld.idx.msk [tilespmem:v6+s24+$0x0], $0xffff;
	_ =	sdelay $0x4  }
0x4a3: {  	[tilespmem:s3+$0xFFFFFD00] =	vst v33  }
0x4a4: {  	[tilespmem:s3+$0xFFFFFD10] =	vst v34  }
0x4a5: {  	v33 =	vld.idx.msk [tilespmem:v7+s24+$0x0], $0xffff  }
0x4a6: {  	v34 =	vld.idx.msk [tilespmem:v8+s24+$0x0], $0xffff;
	_ =	sdelay $0x4  }
0x4a7: {  	[tilespmem:s3+$0xFFFFFD80] =	vst v33  }
0x4a8: {  	[tilespmem:s3+$0xFFFFFD90] =	vst v34  }
0x4a9: {  	v33 =	vld.idx.msk [tilespmem:v9+s24+$0x0], $0xffff  }
0x4aa: {  	v34 =	vld.idx.msk [tilespmem:v10+s24+$0x0], $0xffff;
	_ =	sdelay $0x4  }
0x4ab: {  	[tilespmem:s3+$0xFFFFFE00] =	vst v33  }
0x4ac: {  	[tilespmem:s3+$0xFFFFFE10] =	vst v34  }
0x4ad: {  	v33 =	vld.idx.msk [tilespmem:v11+s24+$0x0], $0xffff  }
0x4ae: {  	v34 =	vld.idx.msk [tilespmem:v12+s24+$0x0], $0xffff;
	_ =	sdelay $0x4  }
0x4af: {  	[tilespmem:s3+$0xFFFFFE80] =	vst v33  }
0x4b0: {  	[tilespmem:s3+$0xFFFFFE90] =	vst v34  }
0x4b1: {  	v33 =	vld.idx.msk [tilespmem:v13+s24+$0x0], $0xffff  }
0x4b2: {  	v34 =	vld.idx.msk [tilespmem:v14+s24+$0x0], $0xffff;
	_ =	sdelay $0x4  }
0x4b3: {  	[tilespmem:s3+$0xFFFFFF00] =	vst v33  }
0x4b4: {  	[tilespmem:s3+$0xFFFFFF10] =	vst v34  }
0x4b5: {  	v33 =	vld.idx.msk [tilespmem:v15+s24+$0x0], $0xffff  }
0x4b6: {  	v34 =	vld.idx.msk [tilespmem:v16+s24+$0x0], $0xffff;
	_ =	sdelay $0x4  }
0x4b7: {  	[tilespmem:s3+$0xFFFFFF80] =	vst v33  }
0x4b8: {  	[tilespmem:s3+$0xFFFFFF90] =	vst v34  }
0x4b9: {  	v33 =	vld.idx.msk [tilespmem:v18+s24+$0x0], $0xffff  }
0x4ba: {  	v34 =	vld.idx.msk [tilespmem:v17+s24+$0x0], $0xffff;
	_ =	sdelay $0x4  }
0x4bb: {  	[tilespmem:s3+$0x10] =	vst v33  }
0x4bc: {  	[tilespmem:s3+$0x0] =	vst v34  }
0x4bd: {  	v33 =	vld.idx.msk [tilespmem:v19+s24+$0x0], $0xffff  }
0x4be: {  	v34 =	vld.idx.msk [tilespmem:v20+s24+$0x0], $0xffff;
	_ =	sdelay $0x4  }
0x4bf: {  	[tilespmem:s3+$0x80] =	vst v33  }
0x4c0: {  	[tilespmem:s3+$0x90] =	vst v34  }
0x4c1: {  	v33 =	vld.idx.msk [tilespmem:v21+s24+$0x0], $0xffff  }
0x4c2: {  	v34 =	vld.idx.msk [tilespmem:v22+s24+$0x0], $0xffff;
	_ =	sdelay $0x4  }
0x4c3: {  	[tilespmem:s3+$0x100] =	vst v33  }
0x4c4: {  	[tilespmem:s3+$0x110] =	vst v34  }
0x4c5: {  	v33 =	vld.idx.msk [tilespmem:v23+s24+$0x0], $0xffff  }
0x4c6: {  	v34 =	vld.idx.msk [tilespmem:v24+s24+$0x0], $0xffff;
	_ =	sdelay $0x4  }
0x4c7: {  	[tilespmem:s3+$0x180] =	vst v33  }
0x4c8: {  	[tilespmem:s3+$0x190] =	vst v34  }
0x4c9: {  	v33 =	vld.idx.msk [tilespmem:v25+s24+$0x0], $0xffff  }
0x4ca: {  	v34 =	vld.idx.msk [tilespmem:v26+s24+$0x0], $0xffff;
	_ =	sdelay $0x3  }
.Ltmp8:
0x4cb: {  	(pc) =	sbr.rel @p1 .LBB2_18-.Ltmp8, $4  }
0x4cc: {  	[tilespmem:s3+$0x200] =	vst v33  }
0x4cd: {  	[tilespmem:s3+$0x210] =	vst v34  }
0x4ce: {  	v34 =	vld.idx.msk [tilespmem:v27+s24+$0x0], $0xffff  }
0x4cf: {  	v33 =	vld.idx.msk [tilespmem:v28+s24+$0x0], $0xffff  }
0x4d0: {  	_ =	sdelay $0x2  }
0x4d1: {  	[tilespmem:s5+$0x280] =	vst v34  }
0x4d2: {  	[tilespmem:s5+$0x290] =	vst v33  }
0x4d3: {  	v33 =	vld.idx.msk [tilespmem:v30+s24+$0x0], $0xffff  }
0x4d4: {  	v34 =	vld.idx.msk [tilespmem:v29+s24+$0x0], $0xffff;
	_ =	sdelay $0x3  }
0x4d5: {  	[tilespmem:s5+$0x310] =	vst v33  }
0x4d6: {  	[tilespmem:s5+$0x300] =	vst v34  }
0x4d7: {  	v33 =	vld.idx.msk [tilespmem:v31+s24+$0x0], $0xffff  }
0x4d8: {  	v34 =	vld.idx.msk [tilespmem:v32+s24+$0x0], $0xffff;
	_ =	sdelay $0x3  }
0x4d9: {  	[tilespmem:s5+$0x380] =	vst v33  }
0x4da: {  	s0 =	rddreg [dreg:$0x8];
	[tilespmem:s5+$0x390] =	vst v34  }
0x4db: {  	[hbm4b:s0+s2] =	stream.linear.scatter [tilespmem:s20], [sflag:$0x4], $0x8000, $0x38;
	[tilespmem:$0x1B880] =	vst v63  }
0x4dc: {  	_ =	swait.ge [sflag:s25], $0x8000  }
0x4dd: {  	[sflag:s25] =	ssyncset.done $0x0  }
0x4de: {  	[sflag:s25] =	ssyncadd.s32 $0xFFFF8000  }
0x4df: {  	_ =	swait.ge [sflag:s28], $0x8000  }
0x4e0: {  	s3 =	rddreg [dreg:$0xb]  }
0x4e1: {  	s31 =	rddreg [dreg:$0x9];
	s3 =	sadd.s32 $0x1, s3  }
0x4e2: {  	p1 =	sne.s32 s3, s31  }
.Ltmp9:
0x4e3: {  	_ = 	snop;
	(pc) =	sbr.rel @p1 .LBB2_1-.Ltmp9, $3  }
0x4e4: {  	_ =	sdelay $0x1  }
0x4e5: {  	[sflag:s28] =	ssyncset.done $0x0  }
0x4e6: {  	[sflag:s28] =	ssyncadd.s32 $0xFFFF8000  }
0x4e7: {  	_ =	sfence.sel $0x180000  }
0x4e8: {  	[bflag:$0x0] =	sbarrier.arrive $0xFFFF  }
0x4e9: {  	_ =	strace $0x90000047  }
0x4ea: {  	[bflag:$0x2] =	sbarrier.arrive $0xFFFF  }
0x4eb: {  	s0 =	rddreg [dreg:$0x3]  }
0x4ec: {  	s0 =	sadd.s32 @!p0 $0x100000, s0  }
0x4ed: {  	[sflag:s0] =	ssyncadd.tile.s32 @!p0 $0x1;
	_ =	shalt  }
.Lfunc_end2:
_tile_overlayer_lowered:
.L_overlay_start_2:
0x4ee: {  	(tag) =	ssettag $0x2  }
0x4ef: {  	s0 =	rddreg [dreg:$0x0];
	s2 =	stileid.u32  }
0x4f0: {  	s1 =	rddreg [dreg:$0x1];
	p0 =	sne.s32 s2, $0x0  }
0x4f1: {  	s3 =	rddreg [dreg:$0x2];
	[bflag:$0x3] =	sbarrier.arrive $0xFFFF;
	s2 =	simm.s32 @!p0 $0x1C05  }
0x4f2: {  	[timem:s3], [sflag:s2] =	dma.local @!p0 [hbm:s0], s1  }
0x4f3: {  	s0 =	simm.s32 @!p0 $0x5  }
0x4f4: {  	_ =	swait.ge @!p0 [sflag:s0], s1  }
0x4f5: {  	s1 =	ssub.s32 @!p0 $0x0, s1;
	[sflag:s0] =	ssyncset.done @!p0 $0x0  }
0x4f6: {  	[sflag:s0] =	ssyncadd.s32 @!p0 s1  }
0x4f7: {  	[bflag:$0x3] =	sbarrier.arrive $0xFFFF  }
0x4f8: {  	_ =	shalt  }

// kernel: sparse-core-data-format-call.cloned.1.call-start
scs
called_computation_lowered:
.L_overlay_start_0:
0x0: {  	s2 =	sld [smem:$0x3FD9]  }
0x1: {  	s3 =	sld [smem:$0x3FFE];
	_ =	sdelay $0x1  }
0x2: {  	s1 =	srdreg.scid  }
0x3: {  	s0 =	sand.u32 $0x1, s1  }
0x4: {  	s18 =	sshll.u32 s0, $0xA;
	s2 =	sadd.s32 s3, s2  }
0x5: {  	s2 =	sadd.s32 s2, s18  }
0x6: {  	[smem:$0x3FC6] =	sst s2  }
0x7: {  	_ = 	snop  }
0x8: {  	s2 =	sld [smem:$0x3FD0];
	(tm) =	ssettm $0x1  }
0x9: {  	s19 =	sld [smem:$0x3FFB];
	_ =	sdelay $0x3  }
0xa: {  	_ =	strace s19  }
0xb: {  	s3 =	sld [smem:$0x3FFC];
	_ =	sdelay $0x3  }
0xc: {  	_ =	strace s3  }
0xd: {  	s3 =	sld [smem:$0x3FFD];
	_ =	sdelay $0x3  }
0xe: {  	_ =	strace s3  }
0xf: {  	_ =	strace $0x8FFFFFFF  }
0x10: {  	s20 =	sld [smem:$0x3FDB];
	_ =	sdelay $0x1  }
0x11: {  	s4 =	simm.s32 $_scs_section_size  }
0x12: {  	s5 =	simm.s32 $_size__tile_overlayer_lowered;
	s6 =	simm.s32 $_tile_overlayer_lowered  }
0x13: {  	s23 =	simm.s32 $0x1BFF;
	s22 =	sshll.u32 s6, $0x1;
	s3 =	sadd.s32 s4, s20  }
0x14: {  	s7 =	simm.s32 $0x0;
	s21 =	sshll.u32 s5, $0x1;
	s5 =	sadd.s32 s22, s3  }
0x15: {  	[timem:s7], [sflag:s23] =	dma.local [hbm:s5], s21  }
0x16: {  	_ =	swait.ge [sflag:s23], s21  }
0x17: {  	s4 =	ssub.s32 $0x0, s21;
	[sflag:s23] =	ssyncset.done $0x0  }
0x18: {  	[sflag:s23] =	ssyncadd.s32 s4;
	_ =	sdelay $0x1  }
0x19: {  	s24 =	simm.s32 $0x1B8B  }
0x1a: {  	_ =	swait.ge [sflag:s24], $0x1  }
0x1b: {  	[sflag:s24] =	ssyncset.done $0x0  }
0x1c: {  	s26 =	simm.s32 $0x1B8E;
	s25 =	sld [smem:$0x3FFE];
	[sflag:s24] =	ssyncadd.s32 $0xFFFFFFFF  }
0x1d: {  	s27 =	simm.s32 $execute0_lowered;
	[smem:$0x3FD2] =	sst s26  }
0x1e: {  	s5 =	sshll.u32 s27, $0x1;
	_ =	strace $0x80000049;
	[dreg:$0x1] =	wrdreg $0xFFFFFFFF  }
0x1f: {  	s28 =	simm.s32 $_size_execute0_lowered;
	s3 =	sadd.s32 s3, s5;
	[dreg:$0x0] =	wrdreg $0x0  }
0x20: {  	s5 =	sshll.u32 s28, $0x1;
	[dreg:$0x2] =	wrdreg s3  }
0x21: {  	[dreg:$0x3] =	wrdreg s5  }
0x22: {  	[dreg:$0x4] =	wrdreg $0xC0  }
0x23: {  	_ =	task [dreg:s7], $0x5FFFF  }
0x24: {  	[dreg:$0x1] =	wrdreg $0xFFFFFFFF  }
0x25: {  	[dreg:$0x0] =	wrdreg $0x60  }
0x26: {  	[dreg:$0x2] =	wrdreg s25  }
0x27: {  	[dreg:$0x3] =	wrdreg s2  }
0x28: {  	[dreg:$0x4] =	wrdreg $0x9  }
0x29: {  	_ =	task.clear_ibuf [dreg:s7], $0x5FFFF;
	_ =	strace $0x90000049  }
0x2a: {  	s29 =	simm.s32 $0x9;
	_ =	strace $0x8000004B  }
0x2b: {  	_ =	swait.ge [sflag:s29], $0x1  }
0x2c: {  	[sflag:s29] =	ssyncadd.s32 $0xFFFFFFFF  }
0x2d: {  	_ =	strace $0x9000004B  }
0x2e: {  	_ =	sfence  }
0x2f: {  	s30 =	sld [smem:$0x0];
	_ =	sdelay $0x2  }
0x30: {  	s31 =	sshll.u32 s1, $0xD;
	s1 =	sshrl.u32 s1, $0x2  }
0x31: {  	s3 =	sand.u32 $0x4000, s31;
	s1 =	sadd.s32 s1, s30  }
0x32: {  	s0 =	sor.u32 s3, s0;
	s1 =	sshll.u32 s1, $0x11  }
0x33: {  	s0 =	sor.u32 s1, s0  }
0x34: {  	s0 =	sadd.s32 $0x8F2B, s0  }
0x35: {  	[sflag:s0] =	ssyncadd.remote.s32 $0x1  }
0x36: {  	_ =	sfence.sel $0xFFFF  }
0x37: {  	[dreg:$0x0] =	wrdreg $0xFFFFFFFF;
	(pc) =	sbr.abs _section_cstart, $3  }
0x38: {  	[dreg:$0x1] =	wrdreg $0xFFFFFFFF  }
0x39: {  	_ =	task.clear_ibuf [dreg:s7], $0x2FFFF;
	_ =	strace $0x9FFFFFFF  }
0x3a: {  	(tm) =	ssettm $0x7FFFFFFF  }
0x3b: {  	_ =	shalt  }
tec
execute0_lowered:
.L_overlay_start_1:
0x0: {  	(tag) =	ssettag $0x1  }
0x1: {  	s0 =	srdreg.scid  }
0x2: {  	s1 =	sshll.u32 s0, $0x4  }
0x3: {  	s6 =	rddreg [dreg:$0x0];
	s0 =	stileid.u32;
	s1 =	sand.u32 $0x10, s1  }
0x4: {  	s3 =	rddreg [dreg:$0x1];
	s1 =	sor.u32 s0, s1  }
0x5: {  	s5 =	simm.s32 $0x1;
	s31 =	simm.s32 $0x2;
	s2 =	sshll.u32 s1, $0x7  }
0x6: {  	s15 =	simm.s32 $0x0;
	s8 =	simm.s32 $0xC8000;
	s4 =	ssub.s32 $0x1000, s2  }
0x7: {  	s14 =	simm.s32 $0x0;
	s9 =	simm.s32 $0x0;
	s30 =	sand.u32 $0xF80, s4  }
0x8: {  	s10 =	simm.s32 $0x0;
	s11 =	simm.s32 $0x0;
	p0 =	sne.s32 s30, $0x0  }
.Ltmp0:
0x9: {  	s7 =	sshrl.u32 s4, $0xC;
	s5 =	simm.s32 @!p0 $0x0;
	(pc) =	sbr.rel .LBB1_1-.Ltmp0, $4  }
0xa: {  	s13 =	simm.s32 $0x0;
	s1 =	rddreg [dreg:$0x2];
	s5 =	sadd.s32 s5, s7  }
0xb: {  	_ =	strace $0x8000004A;
	s4 =	simm.s32 $0x1;
	s5 =	smul.u32 $0xC8, s5  }
0xc: {  	s6 =	sadd.s32 $0x8E00, s6;
	s12 =	smov.u32 s2;
	[sflag:s4] =	ssyncpa.u1 $0x0  }
0xd: {  	[sflag:s31] =	ssyncpa.u1 $0x0;
	p0 =	por $0x0, $0x0;
	s7 =	sor.u32 $0x1, s5  }
.LBB1_4:
0xe: {  	s20 =	sshra.s32 s20, $0x2;
	s27 =	sshll.u32 s9, $0xC  }
0xf: {  	s21 =	sand.u32 $0x78, s10;
	s22 =	sshll.u32 s10, $0x3;
	s24 =	sshll.u32 s9, $0x7  }
0x10: {  	p1 =	sgt.s32 s9, $0xC7;
	s30 =	sshra.s32 s9, $0x1F;
	s25 =	sshra.s32 s10, $0x1F  }
0x11: {  	s19 =	sadd.s32 s20, s19;
	s20 =	sand.u32 $0xFFFF8000, s27;
	s23 =	sand.u32 $0xFFFFFC00, s22  }
0x12: {  	v5 =	vld [tilespmem:s17+$0xFFFFFFD0];
	[tilespmem:s18+$0x2040 ss:$0x81] =	vst.msk $0xffff, v4;
	s22 =	sand.u32 $0xC00, s22;
	s28 =	sand.u32 $0x380, s24;
	s31 =	sand.u32 s30, s9  }
0x13: {  	v58 =	vld [tilespmem:s17+$0xFFFFFFE0];
	[tilespmem:s18+$0x2850 ss:$0x81] =	vst.msk $0xffff, v3;
	s24 =	smov.u32 s10;
	s25 =	sand.u32 s25, s10;
	s20 =	sadd.s32 s23, s20  }
0x14: {  	v59 =	vld [tilespmem:s17+$0xFFFFFFF0];
	[tilespmem:s18+$0x3060 ss:$0x81] =	vst.msk $0xffff, v2;
	s21 =	sor.u32 s21, s22;
	s22 =	smov.u32 s9;
	s20 =	sshrl.u32 s20, $0xC  }
0x15: {  	v60 =	vld [tilespmem:s17+$0x0];
	[tilespmem:s18+$0x0 ss:$0x81] =	vst.msk $0xffff, v1;
	s22 =	simm.s32 @!p1 $0xC7;
	p1 =	sgt.s32 s10, $0xF80;
	s29 =	smulhi.u32 $0x147AE15, s20  }
0x16: {  	v61 =	vld [tilespmem:s17+$0x10];
	[tilespmem:s19+$0x3870 ss:$0x81] =	vst.msk $0xffff, v0;
	s21 =	sor.u32 s28, s21;
	s18 =	ssub.s32 s22, s31;
	s24 =	simm.s32 @!p1 $0xF80  }
0x17: {  	v62 =	vld [tilespmem:s17+$0x20];
	[tilespmem:s19+$0x810 ss:$0x81] =	vst.msk $0xffff, v5;
	s22 =	ssub.s32 s24, s25;
	s26 =	ssub.s32 $0xC8, s18;
	s23 =	smul.u32 $0xC8, s29  }
0x18: {  	v63 =	vld [tilespmem:s17+$0xFFFFFFC0];
	[tilespmem:s19+$0x1020 ss:$0x81] =	vst.msk $0xffff, v58;
	s27 =	sadd.s32 $0xFFFFFF39, s18;
	s18 =	smul.u32 $0x56, s26;
	s28 =	sadd.s32 $0xFFFFF080, s22  }
0x19: {  	[tilespmem:s19+$0x1830 ss:$0x81] =	vst.msk $0xffff, v59;
	p1 =	sgt.s32 s27, $0x0;
	s17 =	ssub.s32 $0x1000, s22;
	p2 =	sgt.s32 s28, $0x7F  }
0x1a: {  	s30 =	sand.u32 $0x7, s10;
	[tilespmem:s19+$0x2040 ss:$0x81] =	vst.msk $0xffff, v60;
	s18 =	simm.s32 @p1 $0x0;
	s17 =	simm.s32 @p2 $0x0  }
0x1b: {  	[tilespmem:s19+$0x2850 ss:$0x81] =	vst.msk $0xffff, v61;
	s29 =	sshrl.u32 s21, $0x3;
	s20 =	ssub.s32 s20, s23;
	s17 =	smul.u32 s17, s18  }
0x1c: {  	[tilespmem:s19+$0x3060 ss:$0x81] =	vst.msk $0xffff, v62;
	s21 =	sshll.u32 s30, $0x12;
	s20 =	sshll.u32 s20, $0x9;
	s18 =	sadd.s32 s3, s29  }
0x1d: {  	[tilespmem:s19+$0x0 ss:$0x81] =	vst.msk $0xffff, v63;
	s31 =	sor.u32 $0x80, s21;
	s18 =	sadd.s32 s20, s18;
	s17 =	sand.u32 $0x3FFFFFFE, s17  }
0x1e: {  	[hbm4b:s18+s31] =	stream.strided.scatter [tilespmem:s16], [sflag:$0x2], s17, s8, s31, $0x20;
	[tilespmem:$0x10100] =	vst v63  }
.LBB1_5:
0x1f: {  	p1 =	slt.u32 s13, $0x2  }
0x20: {  	s17 =	smov.u32 s15;
	p2 =	sgt.s32 @!p1 s15, $0xC7;
	s16 =	sshra.s32 @!p1 s15, $0x1F  }
0x21: {  	p3 =	sgt.s32 @!p1 s14, $0xF80;
	s18 =	sshra.s32 @!p1 s14, $0x1F;
	p2 =	por !p2, p1  }
0x22: {  	s15 =	sand.u32 @!p1 s16, s15;
	p3 =	por !p3, p1;
	s16 =	smov.u32 s14  }
0x23: {  	s14 =	sand.u32 @!p1 s18, s14;
	s17 =	simm.s32 @p2 $0xC7;
	s16 =	simm.s32 @p3 $0xF80  }
0x24: {  	s18 =	smov.u32 s12;
	s15 =	ssub.s32 @!p1 s17, s15;
	s14 =	ssub.s32 @!p1 s16, s14  }
0x25: {  	s16 =	sadd.s32 @!p1 $0xFFFFFF39, s15;
	s15 =	ssub.s32 @!p1 $0xC8, s15;
	s17 =	sadd.s32 @!p1 $0xFFFFF080, s14  }
0x26: {  	p2 =	sgt.s32 @!p1 s16, $0x0;
	s15 =	smul.u32 @!p1 $0x56, s15;
	p3 =	sgt.s32 @!p1 s17, $0x7F  }
0x27: {  	s14 =	ssub.s32 @!p1 $0x1000, s14;
	p2 =	por !p2, p1;
	p3 =	por !p3, p1  }
0x28: {  	s16 =	sadd.s32 $0x1, s11;
	s15 =	simm.s32 @!p2 $0x0;
	s14 =	simm.s32 @!p3 $0x0  }
0x29: {  	p2 =	sgt.s32 s16, $0xC7;
	s14 =	smul.u32 @!p1 s14, s15;
	s15 =	sadd.s32 $0x1000, s12  }
0x2a: {  	s18 =	smov.u32 @p2 s15  }
0x2b: {  	s16 =	simm.s32 @p2 $0x0;
	p2 =	sgt.s32 s18, $0xFFF  }
0x2c: {  	s18 =	smov.u32 @p2 s2;
	p2 =	sne.s32 s13, s7  }
.Ltmp1:
0x2d: {  	p0 =	por !p0, !p0;
	s17 =	simm.s32 @!p1 $0x2;
	(pc) =	sbr.rel @!p2 .LBB1_6-.Ltmp1, $4  }
0x2e: {  	s15 =	smov.u32 s9;
	s9 =	smov.u32 s11;
	s14 =	sand.u32 @!p1 $0x3FFFFFFE, s14  }
0x2f: {  	s11 =	smov.u32 s16;
	_ =	swait.ge @!p1 [sflag:s17], s14;
	s19 =	ssub.s32 @!p1 $0x0, s14  }
0x30: {  	s14 =	smov.u32 s10;
	s13 =	sadd.s32 $0x1, s13;
	[sflag:s17] =	ssyncset.done @!p1 $0x0  }
0x31: {  	s10 =	smov.u32 s12;
	s12 =	smov.u32 s18;
	[sflag:s17] =	ssyncadd.s32 @!p1 s19  }
.LBB1_1:
0x32: {  	p1 =	sge.u32 s13, s5  }
0x33: {  	s16 =	sand.u32 @!p1 $0x1FFFFFF, s11  }
0x34: {  	s17 =	smulhi.u32 @!p1 $0x147AE15, s16;
	_ =	sdelay $0x1  }
0x35: {  	s17 =	smul.u32 @!p1 $0xC8, s17  }
0x36: {  	s18 =	sxor.u32 @!p1 $0xFFFFFFFF, s13;
	s19 =	smul.u32 @!p1 $0xC80, s12  }
0x37: {  	s31 =	sadd.s32 $0xFFFFFFFF, s13;
	s18 =	sshll.u32 @!p1 s18, $0xE;
	s16 =	ssub.s32 @!p1 s16, s17  }
0x38: {  	s17 =	sand.u32 @!p1 $0x4000, s18;
	s18 =	sadd.s32 @!p1 s6, s19;
	s16 =	sshll.u32 @!p1 s16, $0x4  }
0x39: {  	s19 =	simm.s32 @!p1 $0x6400;
	s16 =	sadd.s32 @!p1 s16, s18;
	s18 =	simm.s32 @!p1 $0x80  }
0x3a: {  	[tilespmem:s17], [sflag:$0x1] =	stream.strided.gather @!p1 [hbm4b:s16+s18], $0x4000, s19, s18, $0x38;
	[tilespmem:$0x10100] =	vst v63  }
0x3b: {  	p1 =	sge.u32 s31, s5  }
.Ltmp2:
0x3c: {  	_ = 	snop;
	(pc) =	sbr.rel @p1 .LBB1_5-.Ltmp2, $1  }
0x3d: {  	_ =	sdelay $0x3  }
0x3e: {  	s16 =	simm.s32 $0x1  }
0x3f: {  	_ =	swait.ge [sflag:s4], $0x4000;
	s16 =	simm.s32 @!p0 $0x0  }
0x40: {  	[sflag:s4] =	ssyncset.done $0x0;
	s17 =	sshll.u32 s16, $0xE  }
0x41: {  	[sflag:s4] =	ssyncadd.s32 $0xFFFFC000;
	s17 =	sor.u32 $0x40, s17  }
0x42: {  	s16 =	smul.u32 $0x10200, s16;
	v0 =	vld [tilespmem:s17+$0x30]  }
0x43: {  	v1 =	vld [tilespmem:s17+$0xFFFFFFD0]  }
0x44: {  	s16 =	sshrl.u32 s16, $0x2;
	v5 =	vld [tilespmem:s17+$0xFFFFFFE0]  }
0x45: {  	v6 =	vld [tilespmem:s17+$0xFFFFFFF0];
	s19 =	sor.u32 $0x8000, s16  }
0x46: {  	s31 =	sand.u32 $0x1, s13;
	v4 =	vld [tilespmem:s17+$0x0];
	s18 =	sadd.s32 $0x0, s19  }
0x47: {  	v3 =	vld [tilespmem:s17+$0x10];
	s16 =	smul.u32 $0x10200, s31;
	[tilespmem:s18+$0x3870 ss:$0x81] =	vst.msk $0xffff, v0  }
0x48: {  	v2 =	vld [tilespmem:s17+$0x20];
	[tilespmem:s18+$0x810 ss:$0x81] =	vst.msk $0xffff, v1  }
0x49: {  	s16 =	sshrl.u32 s16, $0x2;
	v1 =	vld [tilespmem:s17+$0xFFFFFFC0];
	[tilespmem:s18+$0x1020 ss:$0x81] =	vst.msk $0xffff, v5;
	s17 =	sadd.s32 $0x80, s17  }
0x4a: {  	s20 =	simm.s32 $0x4;
	s21 =	simm.s32 $0x8;
	s16 =	sor.u32 $0x8000, s16;
	[tilespmem:s18+$0x1830 ss:$0x81] =	vst.msk $0xffff, v6;
	v0 =	vld [tilespmem:s17+$0x30]  }
.LBB1_3:
0x4b: {  	p1 =	sne.s32 s21, $0x1FC;
	v5 =	vld [tilespmem:s17+$0xFFFFFFD0];
	[tilespmem:s18+$0x2040 ss:$0x81] =	vst.msk $0xffff, v4  }
0x4c: {  	v6 =	vld [tilespmem:s17+$0xFFFFFFE0];
	[tilespmem:s18+$0x2850 ss:$0x81] =	vst.msk $0xffff, v3  }
0x4d: {  	s22 =	sshra.s32 s20, $0x2;
	s20 =	smov.u32 s21;
	v7 =	vld [tilespmem:s17+$0xFFFFFFF0];
	[tilespmem:s18+$0x3060 ss:$0x81] =	vst.msk $0xffff, v2  }
.Ltmp3:
0x4e: {  	v4 =	vld [tilespmem:s17+$0x0];
	[tilespmem:s18+$0x0 ss:$0x81] =	vst.msk $0xffff, v1;
	s18 =	sadd.s32 s22, s19;
	(pc) =	sbr.rel @p1 .LBB1_3-.Ltmp3, $4  }
0x4f: {  	v3 =	vld [tilespmem:s17+$0x10];
	[tilespmem:s18+$0x3870 ss:$0x81] =	vst.msk $0xffff, v0  }
0x50: {  	[tilespmem:s18+$0x810 ss:$0x81] =	vst.msk $0xffff, v5;
	v2 =	vld [tilespmem:s17+$0x20]  }
0x51: {  	v1 =	vld [tilespmem:s17+$0xFFFFFFC0];
	[tilespmem:s18+$0x1020 ss:$0x81] =	vst.msk $0xffff, v6;
	s17 =	sadd.s32 $0x80, s17  }
0x52: {  	s21 =	sadd.s32 $0x4, s21;
	v0 =	vld [tilespmem:s17+$0x30];
	[tilespmem:s18+$0x1830 ss:$0x81] =	vst.msk $0xffff, v7  }
.Ltmp4:
0x53: {  	_ = 	snop;
	(pc) =	sbr.rel .LBB1_4-.Ltmp4, $1  }
0x54: {  	_ =	sdelay $0x3  }
.LBB1_6:
0x55: {  	_ =	sfence.sel $0x180000  }
0x56: {  	s2 =	simm.s32 $0x1;
	[bflag:$0x0] =	sbarrier.arrive $0xFFFF  }
0x57: {  	s31 =	simm.s32 $0x2;
	[sflag:s2] =	ssyncpa.u1 $0x1  }
0x58: {  	[sflag:s31] =	ssyncpa.u1 $0x1  }
0x59: {  	p0 =	sne.s32 s0, $0x0;
	_ =	strace $0x9000004A  }
0x5a: {  	s0 =	sadd.s32 @!p0 $0x100000, s1;
	[bflag:$0x2] =	sbarrier.arrive $0xFFFF  }
0x5b: {  	[sflag:s0] =	ssyncadd.tile.s32 @!p0 $0x1;
	_ =	shalt  }
.Lfunc_end1:
_tile_overlayer_lowered:
.L_overlay_start_2:
0x5c: {  	(tag) =	ssettag $0x2  }
0x5d: {  	s0 =	rddreg [dreg:$0x0];
	s2 =	stileid.u32  }
0x5e: {  	s1 =	rddreg [dreg:$0x1];
	p0 =	sne.s32 s2, $0x0  }
0x5f: {  	s3 =	rddreg [dreg:$0x2];
	[bflag:$0x3] =	sbarrier.arrive $0xFFFF;
	s2 =	simm.s32 @!p0 $0x1C01  }
0x60: {  	[timem:s3], [sflag:s2] =	dma.local @!p0 [hbm:s0], s1  }
0x61: {  	s0 =	simm.s32 @!p0 $0x1  }
0x62: {  	_ =	swait.ge @!p0 [sflag:s0], s1  }
0x63: {  	s1 =	ssub.s32 @!p0 $0x0, s1;
	[sflag:s0] =	ssyncset.done @!p0 $0x0  }
0x64: {  	[sflag:s0] =	ssyncadd.s32 @!p0 s1  }
0x65: {  	[bflag:$0x3] =	sbarrier.arrive $0xFFFF  }
0x66: {  	_ =	shalt  }

</sc_bundles>
